<compile_context>
chip_gen: v7x
topology: tpu7x:2x2x1
jax: 0.10.2.dev20260603
libtpu: 0.0.44.dev20260713+nightly
codegen_flags: <defaults>
</compile_context>

<pallas_src>
import functools

import jax
import jax.numpy as jnp
from jax import lax
from jax.experimental import pallas as pl
from jax.experimental.pallas import tpu as pltpu
from jax.experimental.pallas import tpu_sc as plsc

NUM_BUCKETS = 100000
MULT = 1000003
EMBED_DIM = 128
MODEL_DIM = 2048
BATCH = 4
SEQ = 4096
TOKENS = BATCH * SEQ

NC, NS, L = 2, 16, 16
NW = NC * NS

CHUNKS = ((0, 5120), (5120, 11264))

BM = 1024


def _gather_rows(tpw):
    for g in range(128, 0, -16):
        if tpw % g == 0:
            return g
    raise ValueError(tpw)


def _sc_hash_gather_chunk(ids, emb, start, ct):
    tpw = ct // NW
    gch = _gather_rows(tpw)
    ng = tpw // gch
    mesh = plsc.VectorSubcoreMesh(
        core_axis_name="c", subcore_axis_name="s", num_cores=NC, num_subcores=NS
    )

    @functools.partial(
        pl.kernel,
        out_type=jax.ShapeDtypeStruct((ct, EMBED_DIM), jnp.float32),
        mesh=mesh,
        scratch_types=[
            pltpu.VMEM((8 + tpw,), jnp.int32),
            [pltpu.VMEM((gch,), jnp.int32) for _ in range(ng)],
            pltpu.VMEM((tpw, EMBED_DIM), jnp.float32),
            [pltpu.SemaphoreType.DMA for _ in range(ng)],
            pltpu.SemaphoreType.DMA,
        ],
        name=f"hash_gather_t{start}",
    )
    def hash_gather(ids_hbm, emb_hbm, out_hbm, win_v, idx_vs, rows_v, gsems, wsem):
        wid = lax.axis_index("s") * NC + lax.axis_index("c")
        base = start + wid * tpw
        d1 = pltpu.async_copy(
            ids_hbm.at[pl.ds(base, tpw)], win_v.at[pl.ds(8, tpw)], gsems[0]
        )
        head = pl.multiple_of(jnp.maximum(base - 8, 0), 8)
        d2 = pltpu.async_copy(
            ids_hbm.at[pl.ds(head, 8)], win_v.at[pl.ds(0, 8)], wsem
        )
        d1.wait()
        d2.wait()
        gcopies = []
        for g in range(ng):
            for jj in range(gch // L):
                j = g * (gch // L) + jj
                cur = win_v[pl.ds(8 + j * L, L)]
                prv = win_v[pl.ds(7 + j * L, L)]
                pos = base + j * L + lax.iota(jnp.int32, L)
                prv = jnp.where(lax.rem(pos, SEQ) == 0, 0, prv)
                h = prv * MULT + cur
                r = lax.rem(h, NUM_BUCKETS)
                r = jnp.where(r < 0, r + NUM_BUCKETS, r)
                idx_vs[g][pl.ds(jj * L, L)] = r
            gcopies.append(
                pltpu.async_copy(
                    emb_hbm.at[idx_vs[g]], rows_v.at[pl.ds(g * gch, gch)], gsems[g]
                )
            )
        wcopies = []
        for g in range(ng):
            gcopies[g].wait()
            wcopies.append(
                pltpu.async_copy(
                    rows_v.at[pl.ds(g * gch, gch)],
                    out_hbm.at[pl.ds(wid * tpw + g * gch, gch)],
                    wsem,
                )
            )
        for w in wcopies:
            w.wait()

    return hash_gather(ids, emb)


def _tc_matmul_chunk(x_c, w, out_prev, start, ct):

    def body(x_ref, w_ref, *rest):
        o_ref = rest[-1]
        o_ref[...] = lax.dot_general(
            x_ref[...], w_ref[...],
            (((1,), (1,)), ((), ())),
            preferred_element_type=jnp.float32,
        )

    in_specs = [
        pl.BlockSpec((BM, EMBED_DIM), lambda i: (i, 0)),
        pl.BlockSpec((MODEL_DIM, EMBED_DIM), lambda i: (0, 0)),
    ]
    args = [x_c, w]
    kwargs = {}
    if out_prev is not None:
        in_specs.append(pl.BlockSpec(memory_space=pl.ANY))
        args.append(out_prev)
        kwargs = dict(input_output_aliases={2: 0})
    row0 = start // BM
    return pl.pallas_call(
        body,
        grid=(ct // BM,),
        in_specs=in_specs,
        out_specs=pl.BlockSpec((BM, MODEL_DIM), lambda i: (row0 + i, 0)),
        out_shape=jax.ShapeDtypeStruct((TOKENS, MODEL_DIM), jnp.float32),
        **kwargs,
    )(*args)


def kernel(input_ids, emb, W):
    ids = input_ids.astype(jnp.int32).reshape(-1)
    xs = [_sc_hash_gather_chunk(ids, emb, s, n) for s, n in CHUNKS]
    out = None
    for x_c, (s, n) in zip(xs, CHUNKS):
        out = _tc_matmul_chunk(x_c, W, out, s, n)
    return out.reshape(BATCH, SEQ, MODEL_DIM)

# --- scband reference (transcript-rebuilt; emitter-appended) ---
"""Pipeline reference for scband-bigram-hash-5171140625091 (READ-ONLY COPY).

The authoritative reference and input builder live on the scoring server;
editing this copy changes nothing except your own understanding.
"""

import jax, jax.numpy as jnp
import numpy as np

NUM_BUCKETS = 100000
EMBED_DIM = 128
MODEL_DIM = 2048
BATCH = 4
SEQ = 4096

def setup_inputs(seed: int = 0) -> dict:
    key = jax.random.key(seed)
    k1, k2, k3 = jax.random.split(key, 3)
    input_ids = jax.random.randint(k1, (BATCH, SEQ), 0, 50000)
    emb = jax.random.normal(k2, (NUM_BUCKETS, EMBED_DIM), dtype=jnp.float32) * 0.02
    # torch nn.Linear weight shape: [out_features, in_features]
    W = jax.random.normal(k3, (MODEL_DIM, EMBED_DIM), dtype=jnp.float32) * (1.0 / np.sqrt(EMBED_DIM))
    return {"input_ids": input_ids, "emb": emb, "W": W}

def reference(input_ids, emb, W):
    ids = input_ids.astype(jnp.int64)
    prev = jnp.zeros_like(ids)
    prev = prev.at[:, 1:].set(ids[:, :-1])
    bigram_ids = jnp.mod(prev * 1000003 + ids, NUM_BUCKETS)
    x = jnp.take(emb, bigram_ids, axis=0)  # [B, S, embed_dim] gather
    out = x @ W.T  # projection embed_dim -> model_dim
    return out

if __name__ == "__main__":
    import jax
    _d = setup_inputs()
    print(jax.jit(kernel)(*tuple(_d.values())))

</pallas_src>

<mosaic_0001>
#map = affine_map<(d0, d1) -> (0)>
#map1 = affine_map<(d0, d1) -> (0, 0)>
module attributes {stable_mosaic.version = 14 : i64} {
  func.func @hash_gather_t5120(%arg0: i32, %arg1: i32, %arg2: memref<16384xi32, #tpu.memory_space<hbm>>, %arg3: memref<100000x128xf32, #tpu.memory_space<hbm>>, %arg4: memref<11264x128xf32, #tpu.memory_space<hbm>>, %arg5: memref<360xi32, #tpu.memory_space<vmem>>, %arg6: memref<32xi32, #tpu.memory_space<vmem>>, %arg7: memref<32xi32, #tpu.memory_space<vmem>>, %arg8: memref<32xi32, #tpu.memory_space<vmem>>, %arg9: memref<32xi32, #tpu.memory_space<vmem>>, %arg10: memref<32xi32, #tpu.memory_space<vmem>>, %arg11: memref<32xi32, #tpu.memory_space<vmem>>, %arg12: memref<32xi32, #tpu.memory_space<vmem>>, %arg13: memref<32xi32, #tpu.memory_space<vmem>>, %arg14: memref<32xi32, #tpu.memory_space<vmem>>, %arg15: memref<32xi32, #tpu.memory_space<vmem>>, %arg16: memref<32xi32, #tpu.memory_space<vmem>>, %arg17: memref<352x128xf32, #tpu.memory_space<vmem>>, %arg18: memref<!tpu.dma_semaphore, #tpu.memory_space<semaphore_mem>>, %arg19: memref<!tpu.dma_semaphore, #tpu.memory_space<semaphore_mem>>, %arg20: memref<!tpu.dma_semaphore, #tpu.memory_space<semaphore_mem>>, %arg21: memref<!tpu.dma_semaphore, #tpu.memory_space<semaphore_mem>>, %arg22: memref<!tpu.dma_semaphore, #tpu.memory_space<semaphore_mem>>, %arg23: memref<!tpu.dma_semaphore, #tpu.memory_space<semaphore_mem>>, %arg24: memref<!tpu.dma_semaphore, #tpu.memory_space<semaphore_mem>>, %arg25: memref<!tpu.dma_semaphore, #tpu.memory_space<semaphore_mem>>, %arg26: memref<!tpu.dma_semaphore, #tpu.memory_space<semaphore_mem>>, %arg27: memref<!tpu.dma_semaphore, #tpu.memory_space<semaphore_mem>>, %arg28: memref<!tpu.dma_semaphore, #tpu.memory_space<semaphore_mem>>, %arg29: memref<!tpu.dma_semaphore, #tpu.memory_space<semaphore_mem>>) attributes {dimension_semantics = [#tpu.dimension_semantics<core_parallel>, #tpu.dimension_semantics<subcore_parallel>], iteration_bounds = array<i64: 2, 16>, scalar_prefetch = 0 : i64, scratch_operands = 25 : i64, tpu.core_type = #tpu.core_type<sc_vector_subcore>, window_params = [{transform_indices = #map}, {transform_indices = #map1}, {transform_indices = #map1}]} {
    %mul3A = arith.constant 2 : i32
    %mul3A_0 = arith.muli %arg1, %mul3A : i32
    %add3A = arith.addi %mul3A_0, %arg0 : i32
    %mul3A_1 = arith.constant 352 : i32
    %mul3A_2 = arith.muli %add3A, %mul3A_1 : i32
    %add3A_3 = arith.constant 5120 : i32
    %add3A_4 = arith.addi %add3A_3, %mul3A_2 : i32
    %dma_start3A = arith.constant 8 : i32
    %dma_start3A_5 = tpu.memref_slice %arg5[%dma_start3A] : memref<360xi32, #tpu.memory_space<vmem>> -> memref<352xi32, #tpu.memory_space<vmem>>
    %dma_start3A_6 = tpu.memref_slice %arg2[%add3A_4] : memref<16384xi32, #tpu.memory_space<hbm>> -> memref<352xi32, #tpu.memory_space<hbm>>
    %dma_start3A_7 = arith.constant 8 : i32
    %dma_start3A_8 = tpu.memref_slice %arg5[%dma_start3A_7] : memref<360xi32, #tpu.memory_space<vmem>> -> memref<352xi32, #tpu.memory_space<vmem>>
    %dma_start3A_9 = tpu.memref_slice %arg2[%add3A_4] : memref<16384xi32, #tpu.memory_space<hbm>> -> memref<352xi32, #tpu.memory_space<hbm>>
    tpu.enqueue_dma source(%dma_start3A_9 : memref<352xi32, #tpu.memory_space<hbm>>) target(%dma_start3A_8 : memref<352xi32, #tpu.memory_space<vmem>>) target_semaphore(%arg18 : memref<!tpu.dma_semaphore, #tpu.memory_space<semaphore_mem>>)
    %sub3A = arith.constant 8 : i32
    %sub3A_10 = arith.subi %add3A_4, %sub3A : i32
    %max3A = arith.constant 0 : i32
    %max3A_11 = arith.maxsi %sub3A_10, %max3A : i32
    %multiple_of3A = tpu.assume_multiple %max3A_11, 8 : i32
    %dma_start3A_12 = arith.constant 0 : i32
    %dma_start3A_13 = tpu.memref_slice %arg5[%dma_start3A_12] : memref<360xi32, #tpu.memory_space<vmem>> -> memref<8xi32, #tpu.memory_space<vmem>>
    %dma_start3A_14 = tpu.memref_slice %arg2[%multiple_of3A] : memref<16384xi32, #tpu.memory_space<hbm>> -> memref<8xi32, #tpu.memory_space<hbm>>
    %dma_start3A_15 = arith.constant 0 : i32
    %dma_start3A_16 = tpu.memref_slice %arg5[%dma_start3A_15] : memref<360xi32, #tpu.memory_space<vmem>> -> memref<8xi32, #tpu.memory_space<vmem>>
    %dma_start3A_17 = tpu.memref_slice %arg2[%multiple_of3A] : memref<16384xi32, #tpu.memory_space<hbm>> -> memref<8xi32, #tpu.memory_space<hbm>>
    tpu.enqueue_dma source(%dma_start3A_17 : memref<8xi32, #tpu.memory_space<hbm>>) target(%dma_start3A_16 : memref<8xi32, #tpu.memory_space<vmem>>) target_semaphore(%arg29 : memref<!tpu.dma_semaphore, #tpu.memory_space<semaphore_mem>>)
    %dma_wait3A = arith.constant 8 : i32
    %dma_wait3A_18 = tpu.memref_slice %arg5[%dma_wait3A] : memref<360xi32, #tpu.memory_space<vmem>> -> memref<352xi32, #tpu.memory_space<vmem>>
    %dma_wait3A_19 = tpu.memref_slice %arg2[%add3A_4] : memref<16384xi32, #tpu.memory_space<hbm>> -> memref<352xi32, #tpu.memory_space<hbm>>
    %dma_wait3A_20 = arith.constant 8 : i32
    %dma_wait3A_21 = tpu.memref_slice %arg5[%dma_wait3A_20] : memref<360xi32, #tpu.memory_space<vmem>> -> memref<352xi32, #tpu.memory_space<vmem>>
    %dma_wait3A_22 = tpu.memref_slice %arg2[%add3A_4] : memref<16384xi32, #tpu.memory_space<hbm>> -> memref<352xi32, #tpu.memory_space<hbm>>
    tpu.wait_dma2 semaphore(%arg18 : memref<!tpu.dma_semaphore, #tpu.memory_space<semaphore_mem>>) src(%dma_wait3A_22 : memref<352xi32, #tpu.memory_space<hbm>>) dst(%dma_wait3A_21 : memref<352xi32, #tpu.memory_space<vmem>>)
    %dma_wait3A_23 = arith.constant 0 : i32
    %dma_wait3A_24 = tpu.memref_slice %arg5[%dma_wait3A_23] : memref<360xi32, #tpu.memory_space<vmem>> -> memref<8xi32, #tpu.memory_space<vmem>>
    %dma_wait3A_25 = tpu.memref_slice %arg2[%multiple_of3A] : memref<16384xi32, #tpu.memory_space<hbm>> -> memref<8xi32, #tpu.memory_space<hbm>>
    %dma_wait3A_26 = arith.constant 0 : i32
    %dma_wait3A_27 = tpu.memref_slice %arg5[%dma_wait3A_26] : memref<360xi32, #tpu.memory_space<vmem>> -> memref<8xi32, #tpu.memory_space<vmem>>
    %dma_wait3A_28 = tpu.memref_slice %arg2[%multiple_of3A] : memref<16384xi32, #tpu.memory_space<hbm>> -> memref<8xi32, #tpu.memory_space<hbm>>
    tpu.wait_dma2 semaphore(%arg29 : memref<!tpu.dma_semaphore, #tpu.memory_space<semaphore_mem>>) src(%dma_wait3A_28 : memref<8xi32, #tpu.memory_space<hbm>>) dst(%dma_wait3A_27 : memref<8xi32, #tpu.memory_space<vmem>>)
    %get3A = arith.constant 8 : index
    %get3A_29 = tpu.vector_load %arg5[%get3A] {strides = array<i32>} : memref<360xi32, #tpu.memory_space<vmem>>, vector<16xi32>,
    %get3A_30 = vector.shape_cast %get3A_29 : vector<16xi32> to vector<16xi32>
    %get3A_31 = arith.constant 7 : index
    %get3A_32 = tpu.vector_load %arg5[%get3A_31] {strides = array<i32>} : memref<360xi32, #tpu.memory_space<vmem>>, vector<16xi32>,
    %get3A_33 = vector.shape_cast %get3A_32 : vector<16xi32> to vector<16xi32>
    %add3A_34 = arith.constant 0 : i32
    %add3A_35 = arith.addi %add3A_4, %add3A_34 : i32
    %iota3A = tpu.iota {dimensions = array<i32: 0>} : vector<16xi32>
    %add3A_36 = vector.broadcast %add3A_35 : i32 to vector<16xi32>
    %add3A_37 = arith.addi %add3A_36, %iota3A : vector<16xi32>
    %rem3A = arith.constant 4096 : i32
    %rem3A_38 = vector.broadcast %rem3A : i32 to vector<16xi32>
    %rem3A_39 = arith.remsi %add3A_37, %rem3A_38 : vector<16xi32>
    %eq3A = arith.constant 0 : i32
    %eq3A_40 = vector.broadcast %eq3A : i32 to vector<16xi32>
    %eq3A_41 = arith.cmpi eq, %rem3A_39, %eq3A_40 : vector<16xi32>
    %jit3A = arith.constant 0 : i32
    %broadcast_in_dim3A = vector.broadcast %jit3A : i32 to vector<16xi32>
    %select_n3A = arith.select %eq3A_41, %broadcast_in_dim3A, %get3A_33 : vector<16xi1>, vector<16xi32>
    %mul3A_42 = arith.constant 1000003 : i32
    %mul3A_43 = vector.broadcast %mul3A_42 : i32 to vector<16xi32>
    %mul3A_44 = arith.muli %select_n3A, %mul3A_43 : vector<16xi32>
    %add3A_45 = arith.addi %mul3A_44, %get3A_30 : vector<16xi32>
    %rem3A_46 = arith.constant 100000 : i32
    %rem3A_47 = vector.broadcast %rem3A_46 : i32 to vector<16xi32>
    %rem3A_48 = arith.remsi %add3A_45, %rem3A_47 : vector<16xi32>
    %lt3A = arith.constant 0 : i32
    %lt3A_49 = vector.broadcast %lt3A : i32 to vector<16xi32>
    %lt3A_50 = arith.cmpi slt, %rem3A_48, %lt3A_49 : vector<16xi32>
    %add3A_51 = arith.constant 100000 : i32
    %add3A_52 = vector.broadcast %add3A_51 : i32 to vector<16xi32>
    %add3A_53 = arith.addi %rem3A_48, %add3A_52 : vector<16xi32>
    %select_n3A_54 = arith.select %lt3A_50, %add3A_53, %rem3A_48 : vector<16xi1>, vector<16xi32>
    %swap3A = arith.constant 0 : index
    %swap3A_55 = tpu.vector_load %arg6[%swap3A] {strides = array<i32>} : memref<32xi32, #tpu.memory_space<vmem>>, vector<16xi32>,
    %swap3A_56 = vector.shape_cast %swap3A_55 : vector<16xi32> to vector<16xi32>
    %swap3A_57 = vector.shape_cast %select_n3A_54 : vector<16xi32> to vector<16xi32>
    tpu.vector_store %arg6[%swap3A], %swap3A_57 {strides = array<i32>} : memref<32xi32, #tpu.memory_space<vmem>>, vector<16xi32>,
    %get3A_58 = arith.constant 24 : index
    %get3A_59 = tpu.vector_load %arg5[%get3A_58] {strides = array<i32>} : memref<360xi32, #tpu.memory_space<vmem>>, vector<16xi32>,
    %get3A_60 = vector.shape_cast %get3A_59 : vector<16xi32> to vector<16xi32>
    %get3A_61 = arith.constant 23 : index
    %get3A_62 = tpu.vector_load %arg5[%get3A_61] {strides = array<i32>} : memref<360xi32, #tpu.memory_space<vmem>>, vector<16xi32>,
    %get3A_63 = vector.shape_cast %get3A_62 : vector<16xi32> to vector<16xi32>
    %add3A_64 = arith.constant 16 : i32
    %add3A_65 = arith.addi %add3A_4, %add3A_64 : i32
    %iota3A_66 = tpu.iota {dimensions = array<i32: 0>} : vector<16xi32>
    %add3A_67 = vector.broadcast %add3A_65 : i32 to vector<16xi32>
    %add3A_68 = arith.addi %add3A_67, %iota3A_66 : vector<16xi32>
    %rem3A_69 = arith.constant 4096 : i32
    %rem3A_70 = vector.broadcast %rem3A_69 : i32 to vector<16xi32>
    %rem3A_71 = arith.remsi %add3A_68, %rem3A_70 : vector<16xi32>
    %eq3A_72 = arith.constant 0 : i32
    %eq3A_73 = vector.broadcast %eq3A_72 : i32 to vector<16xi32>
    %eq3A_74 = arith.cmpi eq, %rem3A_71, %eq3A_73 : vector<16xi32>
    %jit3A_75 = arith.constant 0 : i32
    %broadcast_in_dim3A_76 = vector.broadcast %jit3A_75 : i32 to vector<16xi32>
    %select_n3A_77 = arith.select %eq3A_74, %broadcast_in_dim3A_76, %get3A_63 : vector<16xi1>, vector<16xi32>
    %mul3A_78 = arith.constant 1000003 : i32
    %mul3A_79 = vector.broadcast %mul3A_78 : i32 to vector<16xi32>
    %mul3A_80 = arith.muli %select_n3A_77, %mul3A_79 : vector<16xi32>
    %add3A_81 = arith.addi %mul3A_80, %get3A_60 : vector<16xi32>
    %rem3A_82 = arith.constant 100000 : i32
    %rem3A_83 = vector.broadcast %rem3A_82 : i32 to vector<16xi32>
    %rem3A_84 = arith.remsi %add3A_81, %rem3A_83 : vector<16xi32>
    %lt3A_85 = arith.constant 0 : i32
    %lt3A_86 = vector.broadcast %lt3A_85 : i32 to vector<16xi32>
    %lt3A_87 = arith.cmpi slt, %rem3A_84, %lt3A_86 : vector<16xi32>
    %add3A_88 = arith.constant 100000 : i32
    %add3A_89 = vector.broadcast %add3A_88 : i32 to vector<16xi32>
    %add3A_90 = arith.addi %rem3A_84, %add3A_89 : vector<16xi32>
    %select_n3A_91 = arith.select %lt3A_87, %add3A_90, %rem3A_84 : vector<16xi1>, vector<16xi32>
    %swap3A_92 = arith.constant 16 : index
    %swap3A_93 = tpu.vector_load %arg6[%swap3A_92] {strides = array<i32>} : memref<32xi32, #tpu.memory_space<vmem>>, vector<16xi32>,
    %swap3A_94 = vector.shape_cast %swap3A_93 : vector<16xi32> to vector<16xi32>
    %swap3A_95 = vector.shape_cast %select_n3A_91 : vector<16xi32> to vector<16xi32>
    tpu.vector_store %arg6[%swap3A_92], %swap3A_95 {strides = array<i32>} : memref<32xi32, #tpu.memory_space<vmem>>, vector<16xi32>,
    %dma_start3A_96 = arith.constant 0 : i32
    %dma_start3A_97 = arith.constant 0 : i32
    %dma_start3A_98 = tpu.memref_slice %arg17[%dma_start3A_96, %dma_start3A_97] : memref<352x128xf32, #tpu.memory_space<vmem>> -> memref<32x128xf32, #tpu.memory_space<vmem>>
    %dma_start3A_99 = arith.constant 0 : i32
    %dma_start3A_100 = arith.constant 0 : i32
    %dma_start3A_101 = tpu.memref_slice %arg3[%dma_start3A_99, %dma_start3A_100] : memref<100000x128xf32, #tpu.memory_space<hbm>> -> memref<100000x128xf32, #tpu.memory_space<hbm>>
    tpu.enqueue_indirect_dma source(%dma_start3A_101 : memref<100000x128xf32, #tpu.memory_space<hbm>>) target(%dma_start3A_98 : memref<32x128xf32, #tpu.memory_space<vmem>>) offsets(%arg6 : memref<32xi32, #tpu.memory_space<vmem>>) semaphore(%arg18 : memref<!tpu.dma_semaphore, #tpu.memory_space<semaphore_mem>>)
    %get3A_102 = arith.constant 40 : index
    %get3A_103 = tpu.vector_load %arg5[%get3A_102] {strides = array<i32>} : memref<360xi32, #tpu.memory_space<vmem>>, vector<16xi32>,
    %get3A_104 = vector.shape_cast %get3A_103 : vector<16xi32> to vector<16xi32>
    %get3A_105 = arith.constant 39 : index
    %get3A_106 = tpu.vector_load %arg5[%get3A_105] {strides = array<i32>} : memref<360xi32, #tpu.memory_space<vmem>>, vector<16xi32>,
    %get3A_107 = vector.shape_cast %get3A_106 : vector<16xi32> to vector<16xi32>
    %add3A_108 = arith.constant 32 : i32
    %add3A_109 = arith.addi %add3A_4, %add3A_108 : i32
    %iota3A_110 = tpu.iota {dimensions = array<i32: 0>} : vector<16xi32>
    %add3A_111 = vector.broadcast %add3A_109 : i32 to vector<16xi32>
    %add3A_112 = arith.addi %add3A_111, %iota3A_110 : vector<16xi32>
    %rem3A_113 = arith.constant 4096 : i32
    %rem3A_114 = vector.broadcast %rem3A_113 : i32 to vector<16xi32>
    %rem3A_115 = arith.remsi %add3A_112, %rem3A_114 : vector<16xi32>
    %eq3A_116 = arith.constant 0 : i32
    %eq3A_117 = vector.broadcast %eq3A_116 : i32 to vector<16xi32>
    %eq3A_118 = arith.cmpi eq, %rem3A_115, %eq3A_117 : vector<16xi32>
    %jit3A_119 = arith.constant 0 : i32
    %broadcast_in_dim3A_120 = vector.broadcast %jit3A_119 : i32 to vector<16xi32>
    %select_n3A_121 = arith.select %eq3A_118, %broadcast_in_dim3A_120, %get3A_107 : vector<16xi1>, vector<16xi32>
    %mul3A_122 = arith.constant 1000003 : i32
    %mul3A_123 = vector.broadcast %mul3A_122 : i32 to vector<16xi32>
    %mul3A_124 = arith.muli %select_n3A_121, %mul3A_123 : vector<16xi32>
    %add3A_125 = arith.addi %mul3A_124, %get3A_104 : vector<16xi32>
    %rem3A_126 = arith.constant 100000 : i32
    %rem3A_127 = vector.broadcast %rem3A_126 : i32 to vector<16xi32>
    %rem3A_128 = arith.remsi %add3A_125, %rem3A_127 : vector<16xi32>
    %lt3A_129 = arith.constant 0 : i32
    %lt3A_130 = vector.broadcast %lt3A_129 : i32 to vector<16xi32>
    %lt3A_131 = arith.cmpi slt, %rem3A_128, %lt3A_130 : vector<16xi32>
    %add3A_132 = arith.constant 100000 : i32
    %add3A_133 = vector.broadcast %add3A_132 : i32 to vector<16xi32>
    %add3A_134 = arith.addi %rem3A_128, %add3A_133 : vector<16xi32>
    %select_n3A_135 = arith.select %lt3A_131, %add3A_134, %rem3A_128 : vector<16xi1>, vector<16xi32>
    %swap3A_136 = arith.constant 0 : index
    %swap3A_137 = tpu.vector_load %arg7[%swap3A_136] {strides = array<i32>} : memref<32xi32, #tpu.memory_space<vmem>>, vector<16xi32>,
    %swap3A_138 = vector.shape_cast %swap3A_137 : vector<16xi32> to vector<16xi32>
    %swap3A_139 = vector.shape_cast %select_n3A_135 : vector<16xi32> to vector<16xi32>
    tpu.vector_store %arg7[%swap3A_136], %swap3A_139 {strides = array<i32>} : memref<32xi32, #tpu.memory_space<vmem>>, vector<16xi32>,
    %get3A_140 = arith.constant 56 : index
    %get3A_141 = tpu.vector_load %arg5[%get3A_140] {strides = array<i32>} : memref<360xi32, #tpu.memory_space<vmem>>, vector<16xi32>,
    %get3A_142 = vector.shape_cast %get3A_141 : vector<16xi32> to vector<16xi32>
    %get3A_143 = arith.constant 55 : index
    %get3A_144 = tpu.vector_load %arg5[%get3A_143] {strides = array<i32>} : memref<360xi32, #tpu.memory_space<vmem>>, vector<16xi32>,
    %get3A_145 = vector.shape_cast %get3A_144 : vector<16xi32> to vector<16xi32>
    %add3A_146 = arith.constant 48 : i32
    %add3A_147 = arith.addi %add3A_4, %add3A_146 : i32
    %iota3A_148 = tpu.iota {dimensions = array<i32: 0>} : vector<16xi32>
    %add3A_149 = vector.broadcast %add3A_147 : i32 to vector<16xi32>
    %add3A_150 = arith.addi %add3A_149, %iota3A_148 : vector<16xi32>
    %rem3A_151 = arith.constant 4096 : i32
    %rem3A_152 = vector.broadcast %rem3A_151 : i32 to vector<16xi32>
    %rem3A_153 = arith.remsi %add3A_150, %rem3A_152 : vector<16xi32>
    %eq3A_154 = arith.constant 0 : i32
    %eq3A_155 = vector.broadcast %eq3A_154 : i32 to vector<16xi32>
    %eq3A_156 = arith.cmpi eq, %rem3A_153, %eq3A_155 : vector<16xi32>
    %jit3A_157 = arith.constant 0 : i32
    %broadcast_in_dim3A_158 = vector.broadcast %jit3A_157 : i32 to vector<16xi32>
    %select_n3A_159 = arith.select %eq3A_156, %broadcast_in_dim3A_158, %get3A_145 : vector<16xi1>, vector<16xi32>
    %mul3A_160 = arith.constant 1000003 : i32
    %mul3A_161 = vector.broadcast %mul3A_160 : i32 to vector<16xi32>
    %mul3A_162 = arith.muli %select_n3A_159, %mul3A_161 : vector<16xi32>
    %add3A_163 = arith.addi %mul3A_162, %get3A_142 : vector<16xi32>
    %rem3A_164 = arith.constant 100000 : i32
    %rem3A_165 = vector.broadcast %rem3A_164 : i32 to vector<16xi32>
    %rem3A_166 = arith.remsi %add3A_163, %rem3A_165 : vector<16xi32>
    %lt3A_167 = arith.constant 0 : i32
    %lt3A_168 = vector.broadcast %lt3A_167 : i32 to vector<16xi32>
    %lt3A_169 = arith.cmpi slt, %rem3A_166, %lt3A_168 : vector<16xi32>
    %add3A_170 = arith.constant 100000 : i32
    %add3A_171 = vector.broadcast %add3A_170 : i32 to vector<16xi32>
    %add3A_172 = arith.addi %rem3A_166, %add3A_171 : vector<16xi32>
    %select_n3A_173 = arith.select %lt3A_169, %add3A_172, %rem3A_166 : vector<16xi1>, vector<16xi32>
    %swap3A_174 = arith.constant 16 : index
    %swap3A_175 = tpu.vector_load %arg7[%swap3A_174] {strides = array<i32>} : memref<32xi32, #tpu.memory_space<vmem>>, vector<16xi32>,
    %swap3A_176 = vector.shape_cast %swap3A_175 : vector<16xi32> to vector<16xi32>
    %swap3A_177 = vector.shape_cast %select_n3A_173 : vector<16xi32> to vector<16xi32>
    tpu.vector_store %arg7[%swap3A_174], %swap3A_177 {strides = array<i32>} : memref<32xi32, #tpu.memory_space<vmem>>, vector<16xi32>,
    %dma_start3A_178 = arith.constant 32 : i32
    %dma_start3A_179 = arith.constant 0 : i32
    %dma_start3A_180 = tpu.memref_slice %arg17[%dma_start3A_178, %dma_start3A_179] : memref<352x128xf32, #tpu.memory_space<vmem>> -> memref<32x128xf32, #tpu.memory_space<vmem>>
    %dma_start3A_181 = arith.constant 0 : i32
    %dma_start3A_182 = arith.constant 0 : i32
    %dma_start3A_183 = tpu.memref_slice %arg3[%dma_start3A_181, %dma_start3A_182] : memref<100000x128xf32, #tpu.memory_space<hbm>> -> memref<100000x128xf32, #tpu.memory_space<hbm>>
    tpu.enqueue_indirect_dma source(%dma_start3A_183 : memref<100000x128xf32, #tpu.memory_space<hbm>>) target(%dma_start3A_180 : memref<32x128xf32, #tpu.memory_space<vmem>>) offsets(%arg7 : memref<32xi32, #tpu.memory_space<vmem>>) semaphore(%arg19 : memref<!tpu.dma_semaphore, #tpu.memory_space<semaphore_mem>>)
    %get3A_184 = arith.constant 72 : index
    %get3A_185 = tpu.vector_load %arg5[%get3A_184] {strides = array<i32>} : memref<360xi32, #tpu.memory_space<vmem>>, vector<16xi32>,
    %get3A_186 = vector.shape_cast %get3A_185 : vector<16xi32> to vector<16xi32>
    %get3A_187 = arith.constant 71 : index
    %get3A_188 = tpu.vector_load %arg5[%get3A_187] {strides = array<i32>} : memref<360xi32, #tpu.memory_space<vmem>>, vector<16xi32>,
    %get3A_189 = vector.shape_cast %get3A_188 : vector<16xi32> to vector<16xi32>
    %add3A_190 = arith.constant 64 : i32
    %add3A_191 = arith.addi %add3A_4, %add3A_190 : i32
    %iota3A_192 = tpu.iota {dimensions = array<i32: 0>} : vector<16xi32>
    %add3A_193 = vector.broadcast %add3A_191 : i32 to vector<16xi32>
    %add3A_194 = arith.addi %add3A_193, %iota3A_192 : vector<16xi32>
    %rem3A_195 = arith.constant 4096 : i32
    %rem3A_196 = vector.broadcast %rem3A_195 : i32 to vector<16xi32>
    %rem3A_197 = arith.remsi %add3A_194, %rem3A_196 : vector<16xi32>
    %eq3A_198 = arith.constant 0 : i32
    %eq3A_199 = vector.broadcast %eq3A_198 : i32 to vector<16xi32>
    %eq3A_200 = arith.cmpi eq, %rem3A_197, %eq3A_199 : vector<16xi32>
    %jit3A_201 = arith.constant 0 : i32
    %broadcast_in_dim3A_202 = vector.broadcast %jit3A_201 : i32 to vector<16xi32>
    %select_n3A_203 = arith.select %eq3A_200, %broadcast_in_dim3A_202, %get3A_189 : vector<16xi1>, vector<16xi32>
    %mul3A_204 = arith.constant 1000003 : i32
    %mul3A_205 = vector.broadcast %mul3A_204 : i32 to vector<16xi32>
    %mul3A_206 = arith.muli %select_n3A_203, %mul3A_205 : vector<16xi32>
    %add3A_207 = arith.addi %mul3A_206, %get3A_186 : vector<16xi32>
    %rem3A_208 = arith.constant 100000 : i32
    %rem3A_209 = vector.broadcast %rem3A_208 : i32 to vector<16xi32>
    %rem3A_210 = arith.remsi %add3A_207, %rem3A_209 : vector<16xi32>
    %lt3A_211 = arith.constant 0 : i32
    %lt3A_212 = vector.broadcast %lt3A_211 : i32 to vector<16xi32>
    %lt3A_213 = arith.cmpi slt, %rem3A_210, %lt3A_212 : vector<16xi32>
    %add3A_214 = arith.constant 100000 : i32
    %add3A_215 = vector.broadcast %add3A_214 : i32 to vector<16xi32>
    %add3A_216 = arith.addi %rem3A_210, %add3A_215 : vector<16xi32>
    %select_n3A_217 = arith.select %lt3A_213, %add3A_216, %rem3A_210 : vector<16xi1>, vector<16xi32>
    %swap3A_218 = arith.constant 0 : index
    %swap3A_219 = tpu.vector_load %arg8[%swap3A_218] {strides = array<i32>} : memref<32xi32, #tpu.memory_space<vmem>>, vector<16xi32>,
    %swap3A_220 = vector.shape_cast %swap3A_219 : vector<16xi32> to vector<16xi32>
    %swap3A_221 = vector.shape_cast %select_n3A_217 : vector<16xi32> to vector<16xi32>
    tpu.vector_store %arg8[%swap3A_218], %swap3A_221 {strides = array<i32>} : memref<32xi32, #tpu.memory_space<vmem>>, vector<16xi32>,
    %get3A_222 = arith.constant 88 : index
    %get3A_223 = tpu.vector_load %arg5[%get3A_222] {strides = array<i32>} : memref<360xi32, #tpu.memory_space<vmem>>, vector<16xi32>,
    %get3A_224 = vector.shape_cast %get3A_223 : vector<16xi32> to vector<16xi32>
    %get3A_225 = arith.constant 87 : index
    %get3A_226 = tpu.vector_load %arg5[%get3A_225] {strides = array<i32>} : memref<360xi32, #tpu.memory_space<vmem>>, vector<16xi32>,
    %get3A_227 = vector.shape_cast %get3A_226 : vector<16xi32> to vector<16xi32>
    %add3A_228 = arith.constant 80 : i32
    %add3A_229 = arith.addi %add3A_4, %add3A_228 : i32
    %iota3A_230 = tpu.iota {dimensions = array<i32: 0>} : vector<16xi32>
    %add3A_231 = vector.broadcast %add3A_229 : i32 to vector<16xi32>
    %add3A_232 = arith.addi %add3A_231, %iota3A_230 : vector<16xi32>
    %rem3A_233 = arith.constant 4096 : i32
    %rem3A_234 = vector.broadcast %rem3A_233 : i32 to vector<16xi32>
    %rem3A_235 = arith.remsi %add3A_232, %rem3A_234 : vector<16xi32>
    %eq3A_236 = arith.constant 0 : i32
    %eq3A_237 = vector.broadcast %eq3A_236 : i32 to vector<16xi32>
    %eq3A_238 = arith.cmpi eq, %rem3A_235, %eq3A_237 : vector<16xi32>
    %jit3A_239 = arith.constant 0 : i32
    %broadcast_in_dim3A_240 = vector.broadcast %jit3A_239 : i32 to vector<16xi32>
    %select_n3A_241 = arith.select %eq3A_238, %broadcast_in_dim3A_240, %get3A_227 : vector<16xi1>, vector<16xi32>
    %mul3A_242 = arith.constant 1000003 : i32
    %mul3A_243 = vector.broadcast %mul3A_242 : i32 to vector<16xi32>
    %mul3A_244 = arith.muli %select_n3A_241, %mul3A_243 : vector<16xi32>
    %add3A_245 = arith.addi %mul3A_244, %get3A_224 : vector<16xi32>
    %rem3A_246 = arith.constant 100000 : i32
    %rem3A_247 = vector.broadcast %rem3A_246 : i32 to vector<16xi32>
    %rem3A_248 = arith.remsi %add3A_245, %rem3A_247 : vector<16xi32>
    %lt3A_249 = arith.constant 0 : i32
    %lt3A_250 = vector.broadcast %lt3A_249 : i32 to vector<16xi32>
    %lt3A_251 = arith.cmpi slt, %rem3A_248, %lt3A_250 : vector<16xi32>
    %add3A_252 = arith.constant 100000 : i32
    %add3A_253 = vector.broadcast %add3A_252 : i32 to vector<16xi32>
    %add3A_254 = arith.addi %rem3A_248, %add3A_253 : vector<16xi32>
    %select_n3A_255 = arith.select %lt3A_251, %add3A_254, %rem3A_248 : vector<16xi1>, vector<16xi32>
    %swap3A_256 = arith.constant 16 : index
    %swap3A_257 = tpu.vector_load %arg8[%swap3A_256] {strides = array<i32>} : memref<32xi32, #tpu.memory_space<vmem>>, vector<16xi32>,
    %swap3A_258 = vector.shape_cast %swap3A_257 : vector<16xi32> to vector<16xi32>
    %swap3A_259 = vector.shape_cast %select_n3A_255 : vector<16xi32> to vector<16xi32>
    tpu.vector_store %arg8[%swap3A_256], %swap3A_259 {strides = array<i32>} : memref<32xi32, #tpu.memory_space<vmem>>, vector<16xi32>,
    %dma_start3A_260 = arith.constant 64 : i32
    %dma_start3A_261 = arith.constant 0 : i32
    %dma_start3A_262 = tpu.memref_slice %arg17[%dma_start3A_260, %dma_start3A_261] : memref<352x128xf32, #tpu.memory_space<vmem>> -> memref<32x128xf32, #tpu.memory_space<vmem>>
    %dma_start3A_263 = arith.constant 0 : i32
    %dma_start3A_264 = arith.constant 0 : i32
    %dma_start3A_265 = tpu.memref_slice %arg3[%dma_start3A_263, %dma_start3A_264] : memref<100000x128xf32, #tpu.memory_space<hbm>> -> memref<100000x128xf32, #tpu.memory_space<hbm>>
    tpu.enqueue_indirect_dma source(%dma_start3A_265 : memref<100000x128xf32, #tpu.memory_space<hbm>>) target(%dma_start3A_262 : memref<32x128xf32, #tpu.memory_space<vmem>>) offsets(%arg8 : memref<32xi32, #tpu.memory_space<vmem>>) semaphore(%arg20 : memref<!tpu.dma_semaphore, #tpu.memory_space<semaphore_mem>>)
    %get3A_266 = arith.constant 104 : index
    %get3A_267 = tpu.vector_load %arg5[%get3A_266] {strides = array<i32>} : memref<360xi32, #tpu.memory_space<vmem>>, vector<16xi32>,
    %get3A_268 = vector.shape_cast %get3A_267 : vector<16xi32> to vector<16xi32>
    %get3A_269 = arith.constant 103 : index
    %get3A_270 = tpu.vector_load %arg5[%get3A_269] {strides = array<i32>} : memref<360xi32, #tpu.memory_space<vmem>>, vector<16xi32>,
    %get3A_271 = vector.shape_cast %get3A_270 : vector<16xi32> to vector<16xi32>
    %add3A_272 = arith.constant 96 : i32
    %add3A_273 = arith.addi %add3A_4, %add3A_272 : i32
    %iota3A_274 = tpu.iota {dimensions = array<i32: 0>} : vector<16xi32>
    %add3A_275 = vector.broadcast %add3A_273 : i32 to vector<16xi32>
    %add3A_276 = arith.addi %add3A_275, %iota3A_274 : vector<16xi32>
    %rem3A_277 = arith.constant 4096 : i32
    %rem3A_278 = vector.broadcast %rem3A_277 : i32 to vector<16xi32>
    %rem3A_279 = arith.remsi %add3A_276, %rem3A_278 : vector<16xi32>
    %eq3A_280 = arith.constant 0 : i32
    %eq3A_281 = vector.broadcast %eq3A_280 : i32 to vector<16xi32>
    %eq3A_282 = arith.cmpi eq, %rem3A_279, %eq3A_281 : vector<16xi32>
    %jit3A_283 = arith.constant 0 : i32
    %broadcast_in_dim3A_284 = vector.broadcast %jit3A_283 : i32 to vector<16xi32>
    %select_n3A_285 = arith.select %eq3A_282, %broadcast_in_dim3A_284, %get3A_271 : vector<16xi1>, vector<16xi32>
    %mul3A_286 = arith.constant 1000003 : i32
    %mul3A_287 = vector.broadcast %mul3A_286 : i32 to vector<16xi32>
    %mul3A_288 = arith.muli %select_n3A_285, %mul3A_287 : vector<16xi32>
    %add3A_289 = arith.addi %mul3A_288, %get3A_268 : vector<16xi32>
    %rem3A_290 = arith.constant 100000 : i32
    %rem3A_291 = vector.broadcast %rem3A_290 : i32 to vector<16xi32>
    %rem3A_292 = arith.remsi %add3A_289, %rem3A_291 : vector<16xi32>
    %lt3A_293 = arith.constant 0 : i32
    %lt3A_294 = vector.broadcast %lt3A_293 : i32 to vector<16xi32>
    %lt3A_295 = arith.cmpi slt, %rem3A_292, %lt3A_294 : vector<16xi32>
    %add3A_296 = arith.constant 100000 : i32
    %add3A_297 = vector.broadcast %add3A_296 : i32 to vector<16xi32>
    %add3A_298 = arith.addi %rem3A_292, %add3A_297 : vector<16xi32>
    %select_n3A_299 = arith.select %lt3A_295, %add3A_298, %rem3A_292 : vector<16xi1>, vector<16xi32>
    %swap3A_300 = arith.constant 0 : index
    %swap3A_301 = tpu.vector_load %arg9[%swap3A_300] {strides = array<i32>} : memref<32xi32, #tpu.memory_space<vmem>>, vector<16xi32>,
    %swap3A_302 = vector.shape_cast %swap3A_301 : vector<16xi32> to vector<16xi32>
    %swap3A_303 = vector.shape_cast %select_n3A_299 : vector<16xi32> to vector<16xi32>
    tpu.vector_store %arg9[%swap3A_300], %swap3A_303 {strides = array<i32>} : memref<32xi32, #tpu.memory_space<vmem>>, vector<16xi32>,
    %get3A_304 = arith.constant 120 : index
    %get3A_305 = tpu.vector_load %arg5[%get3A_304] {strides = array<i32>} : memref<360xi32, #tpu.memory_space<vmem>>, vector<16xi32>,
    %get3A_306 = vector.shape_cast %get3A_305 : vector<16xi32> to vector<16xi32>
    %get3A_307 = arith.constant 119 : index
    %get3A_308 = tpu.vector_load %arg5[%get3A_307] {strides = array<i32>} : memref<360xi32, #tpu.memory_space<vmem>>, vector<16xi32>,
    %get3A_309 = vector.shape_cast %get3A_308 : vector<16xi32> to vector<16xi32>
    %add3A_310 = arith.constant 112 : i32
    %add3A_311 = arith.addi %add3A_4, %add3A_310 : i32
    %iota3A_312 = tpu.iota {dimensions = array<i32: 0>} : vector<16xi32>
    %add3A_313 = vector.broadcast %add3A_311 : i32 to vector<16xi32>
    %add3A_314 = arith.addi %add3A_313, %iota3A_312 : vector<16xi32>
    %rem3A_315 = arith.constant 4096 : i32
    %rem3A_316 = vector.broadcast %rem3A_315 : i32 to vector<16xi32>
    %rem3A_317 = arith.remsi %add3A_314, %rem3A_316 : vector<16xi32>
    %eq3A_318 = arith.constant 0 : i32
    %eq3A_319 = vector.broadcast %eq3A_318 : i32 to vector<16xi32>
    %eq3A_320 = arith.cmpi eq, %rem3A_317, %eq3A_319 : vector<16xi32>
    %jit3A_321 = arith.constant 0 : i32
    %broadcast_in_dim3A_322 = vector.broadcast %jit3A_321 : i32 to vector<16xi32>
    %select_n3A_323 = arith.select %eq3A_320, %broadcast_in_dim3A_322, %get3A_309 : vector<16xi1>, vector<16xi32>
    %mul3A_324 = arith.constant 1000003 : i32
    %mul3A_325 = vector.broadcast %mul3A_324 : i32 to vector<16xi32>
    %mul3A_326 = arith.muli %select_n3A_323, %mul3A_325 : vector<16xi32>
    %add3A_327 = arith.addi %mul3A_326, %get3A_306 : vector<16xi32>
    %rem3A_328 = arith.constant 100000 : i32
    %rem3A_329 = vector.broadcast %rem3A_328 : i32 to vector<16xi32>
    %rem3A_330 = arith.remsi %add3A_327, %rem3A_329 : vector<16xi32>
    %lt3A_331 = arith.constant 0 : i32
    %lt3A_332 = vector.broadcast %lt3A_331 : i32 to vector<16xi32>
    %lt3A_333 = arith.cmpi slt, %rem3A_330, %lt3A_332 : vector<16xi32>
    %add3A_334 = arith.constant 100000 : i32
    %add3A_335 = vector.broadcast %add3A_334 : i32 to vector<16xi32>
    %add3A_336 = arith.addi %rem3A_330, %add3A_335 : vector<16xi32>
    %select_n3A_337 = arith.select %lt3A_333, %add3A_336, %rem3A_330 : vector<16xi1>, vector<16xi32>
    %swap3A_338 = arith.constant 16 : index
    %swap3A_339 = tpu.vector_load %arg9[%swap3A_338] {strides = array<i32>} : memref<32xi32, #tpu.memory_space<vmem>>, vector<16xi32>,
    %swap3A_340 = vector.shape_cast %swap3A_339 : vector<16xi32> to vector<16xi32>
    %swap3A_341 = vector.shape_cast %select_n3A_337 : vector<16xi32> to vector<16xi32>
    tpu.vector_store %arg9[%swap3A_338], %swap3A_341 {strides = array<i32>} : memref<32xi32, #tpu.memory_space<vmem>>, vector<16xi32>,
    %dma_start3A_342 = arith.constant 96 : i32
    %dma_start3A_343 = arith.constant 0 : i32
    %dma_start3A_344 = tpu.memref_slice %arg17[%dma_start3A_342, %dma_start3A_343] : memref<352x128xf32, #tpu.memory_space<vmem>> -> memref<32x128xf32, #tpu.memory_space<vmem>>
    %dma_start3A_345 = arith.constant 0 : i32
    %dma_start3A_346 = arith.constant 0 : i32
    %dma_start3A_347 = tpu.memref_slice %arg3[%dma_start3A_345, %dma_start3A_346] : memref<100000x128xf32, #tpu.memory_space<hbm>> -> memref<100000x128xf32, #tpu.memory_space<hbm>>
    tpu.enqueue_indirect_dma source(%dma_start3A_347 : memref<100000x128xf32, #tpu.memory_space<hbm>>) target(%dma_start3A_344 : memref<32x128xf32, #tpu.memory_space<vmem>>) offsets(%arg9 : memref<32xi32, #tpu.memory_space<vmem>>) semaphore(%arg21 : memref<!tpu.dma_semaphore, #tpu.memory_space<semaphore_mem>>)
    %get3A_348 = arith.constant 136 : index
    %get3A_349 = tpu.vector_load %arg5[%get3A_348] {strides = array<i32>} : memref<360xi32, #tpu.memory_space<vmem>>, vector<16xi32>,
    %get3A_350 = vector.shape_cast %get3A_349 : vector<16xi32> to vector<16xi32>
    %get3A_351 = arith.constant 135 : index
    %get3A_352 = tpu.vector_load %arg5[%get3A_351] {strides = array<i32>} : memref<360xi32, #tpu.memory_space<vmem>>, vector<16xi32>,
    %get3A_353 = vector.shape_cast %get3A_352 : vector<16xi32> to vector<16xi32>
    %add3A_354 = arith.constant 128 : i32
    %add3A_355 = arith.addi %add3A_4, %add3A_354 : i32
    %iota3A_356 = tpu.iota {dimensions = array<i32: 0>} : vector<16xi32>
    %add3A_357 = vector.broadcast %add3A_355 : i32 to vector<16xi32>
    %add3A_358 = arith.addi %add3A_357, %iota3A_356 : vector<16xi32>
    %rem3A_359 = arith.constant 4096 : i32
    %rem3A_360 = vector.broadcast %rem3A_359 : i32 to vector<16xi32>
    %rem3A_361 = arith.remsi %add3A_358, %rem3A_360 : vector<16xi32>
    %eq3A_362 = arith.constant 0 : i32
    %eq3A_363 = vector.broadcast %eq3A_362 : i32 to vector<16xi32>
    %eq3A_364 = arith.cmpi eq, %rem3A_361, %eq3A_363 : vector<16xi32>
    %jit3A_365 = arith.constant 0 : i32
    %broadcast_in_dim3A_366 = vector.broadcast %jit3A_365 : i32 to vector<16xi32>
    %select_n3A_367 = arith.select %eq3A_364, %broadcast_in_dim3A_366, %get3A_353 : vector<16xi1>, vector<16xi32>
    %mul3A_368 = arith.constant 1000003 : i32
    %mul3A_369 = vector.broadcast %mul3A_368 : i32 to vector<16xi32>
    %mul3A_370 = arith.muli %select_n3A_367, %mul3A_369 : vector<16xi32>
    %add3A_371 = arith.addi %mul3A_370, %get3A_350 : vector<16xi32>
    %rem3A_372 = arith.constant 100000 : i32
    %rem3A_373 = vector.broadcast %rem3A_372 : i32 to vector<16xi32>
    %rem3A_374 = arith.remsi %add3A_371, %rem3A_373 : vector<16xi32>
    %lt3A_375 = arith.constant 0 : i32
    %lt3A_376 = vector.broadcast %lt3A_375 : i32 to vector<16xi32>
    %lt3A_377 = arith.cmpi slt, %rem3A_374, %lt3A_376 : vector<16xi32>
    %add3A_378 = arith.constant 100000 : i32
    %add3A_379 = vector.broadcast %add3A_378 : i32 to vector<16xi32>
    %add3A_380 = arith.addi %rem3A_374, %add3A_379 : vector<16xi32>
    %select_n3A_381 = arith.select %lt3A_377, %add3A_380, %rem3A_374 : vector<16xi1>, vector<16xi32>
    %swap3A_382 = arith.constant 0 : index
    %swap3A_383 = tpu.vector_load %arg10[%swap3A_382] {strides = array<i32>} : memref<32xi32, #tpu.memory_space<vmem>>, vector<16xi32>,
    %swap3A_384 = vector.shape_cast %swap3A_383 : vector<16xi32> to vector<16xi32>
    %swap3A_385 = vector.shape_cast %select_n3A_381 : vector<16xi32> to vector<16xi32>
    tpu.vector_store %arg10[%swap3A_382], %swap3A_385 {strides = array<i32>} : memref<32xi32, #tpu.memory_space<vmem>>, vector<16xi32>,
    %get3A_386 = arith.constant 152 : index
    %get3A_387 = tpu.vector_load %arg5[%get3A_386] {strides = array<i32>} : memref<360xi32, #tpu.memory_space<vmem>>, vector<16xi32>,
    %get3A_388 = vector.shape_cast %get3A_387 : vector<16xi32> to vector<16xi32>
    %get3A_389 = arith.constant 151 : index
    %get3A_390 = tpu.vector_load %arg5[%get3A_389] {strides = array<i32>} : memref<360xi32, #tpu.memory_space<vmem>>, vector<16xi32>,
    %get3A_391 = vector.shape_cast %get3A_390 : vector<16xi32> to vector<16xi32>
    %add3A_392 = arith.constant 144 : i32
    %add3A_393 = arith.addi %add3A_4, %add3A_392 : i32
    %iota3A_394 = tpu.iota {dimensions = array<i32: 0>} : vector<16xi32>
    %add3A_395 = vector.broadcast %add3A_393 : i32 to vector<16xi32>
    %add3A_396 = arith.addi %add3A_395, %iota3A_394 : vector<16xi32>
    %rem3A_397 = arith.constant 4096 : i32
    %rem3A_398 = vector.broadcast %rem3A_397 : i32 to vector<16xi32>
    %rem3A_399 = arith.remsi %add3A_396, %rem3A_398 : vector<16xi32>
    %eq3A_400 = arith.constant 0 : i32
    %eq3A_401 = vector.broadcast %eq3A_400 : i32 to vector<16xi32>
    %eq3A_402 = arith.cmpi eq, %rem3A_399, %eq3A_401 : vector<16xi32>
    %jit3A_403 = arith.constant 0 : i32
    %broadcast_in_dim3A_404 = vector.broadcast %jit3A_403 : i32 to vector<16xi32>
    %select_n3A_405 = arith.select %eq3A_402, %broadcast_in_dim3A_404, %get3A_391 : vector<16xi1>, vector<16xi32>
    %mul3A_406 = arith.constant 1000003 : i32
    %mul3A_407 = vector.broadcast %mul3A_406 : i32 to vector<16xi32>
    %mul3A_408 = arith.muli %select_n3A_405, %mul3A_407 : vector<16xi32>
    %add3A_409 = arith.addi %mul3A_408, %get3A_388 : vector<16xi32>
    %rem3A_410 = arith.constant 100000 : i32
    %rem3A_411 = vector.broadcast %rem3A_410 : i32 to vector<16xi32>
    %rem3A_412 = arith.remsi %add3A_409, %rem3A_411 : vector<16xi32>
    %lt3A_413 = arith.constant 0 : i32
    %lt3A_414 = vector.broadcast %lt3A_413 : i32 to vector<16xi32>
    %lt3A_415 = arith.cmpi slt, %rem3A_412, %lt3A_414 : vector<16xi32>
    %add3A_416 = arith.constant 100000 : i32
    %add3A_417 = vector.broadcast %add3A_416 : i32 to vector<16xi32>
    %add3A_418 = arith.addi %rem3A_412, %add3A_417 : vector<16xi32>
    %select_n3A_419 = arith.select %lt3A_415, %add3A_418, %rem3A_412 : vector<16xi1>, vector<16xi32>
    %swap3A_420 = arith.constant 16 : index
    %swap3A_421 = tpu.vector_load %arg10[%swap3A_420] {strides = array<i32>} : memref<32xi32, #tpu.memory_space<vmem>>, vector<16xi32>,
    %swap3A_422 = vector.shape_cast %swap3A_421 : vector<16xi32> to vector<16xi32>
    %swap3A_423 = vector.shape_cast %select_n3A_419 : vector<16xi32> to vector<16xi32>
    tpu.vector_store %arg10[%swap3A_420], %swap3A_423 {strides = array<i32>} : memref<32xi32, #tpu.memory_space<vmem>>, vector<16xi32>,
    %dma_start3A_424 = arith.constant 128 : i32
    %dma_start3A_425 = arith.constant 0 : i32
    %dma_start3A_426 = tpu.memref_slice %arg17[%dma_start3A_424, %dma_start3A_425] : memref<352x128xf32, #tpu.memory_space<vmem>> -> memref<32x128xf32, #tpu.memory_space<vmem>>
    %dma_start3A_427 = arith.constant 0 : i32
    %dma_start3A_428 = arith.constant 0 : i32
    %dma_start3A_429 = tpu.memref_slice %arg3[%dma_start3A_427, %dma_start3A_428] : memref<100000x128xf32, #tpu.memory_space<hbm>> -> memref<100000x128xf32, #tpu.memory_space<hbm>>
    tpu.enqueue_indirect_dma source(%dma_start3A_429 : memref<100000x128xf32, #tpu.memory_space<hbm>>) target(%dma_start3A_426 : memref<32x128xf32, #tpu.memory_space<vmem>>) offsets(%arg10 : memref<32xi32, #tpu.memory_space<vmem>>) semaphore(%arg22 : memref<!tpu.dma_semaphore, #tpu.memory_space<semaphore_mem>>)
    %get3A_430 = arith.constant 168 : index
    %get3A_431 = tpu.vector_load %arg5[%get3A_430] {strides = array<i32>} : memref<360xi32, #tpu.memory_space<vmem>>, vector<16xi32>,
    %get3A_432 = vector.shape_cast %get3A_431 : vector<16xi32> to vector<16xi32>
    %get3A_433 = arith.constant 167 : index
    %get3A_434 = tpu.vector_load %arg5[%get3A_433] {strides = array<i32>} : memref<360xi32, #tpu.memory_space<vmem>>, vector<16xi32>,
    %get3A_435 = vector.shape_cast %get3A_434 : vector<16xi32> to vector<16xi32>
    %add3A_436 = arith.constant 160 : i32
    %add3A_437 = arith.addi %add3A_4, %add3A_436 : i32
    %iota3A_438 = tpu.iota {dimensions = array<i32: 0>} : vector<16xi32>
    %add3A_439 = vector.broadcast %add3A_437 : i32 to vector<16xi32>
    %add3A_440 = arith.addi %add3A_439, %iota3A_438 : vector<16xi32>
    %rem3A_441 = arith.constant 4096 : i32
    %rem3A_442 = vector.broadcast %rem3A_441 : i32 to vector<16xi32>
    %rem3A_443 = arith.remsi %add3A_440, %rem3A_442 : vector<16xi32>
    %eq3A_444 = arith.constant 0 : i32
    %eq3A_445 = vector.broadcast %eq3A_444 : i32 to vector<16xi32>
    %eq3A_446 = arith.cmpi eq, %rem3A_443, %eq3A_445 : vector<16xi32>
    %jit3A_447 = arith.constant 0 : i32
    %broadcast_in_dim3A_448 = vector.broadcast %jit3A_447 : i32 to vector<16xi32>
    %select_n3A_449 = arith.select %eq3A_446, %broadcast_in_dim3A_448, %get3A_435 : vector<16xi1>, vector<16xi32>
    %mul3A_450 = arith.constant 1000003 : i32
    %mul3A_451 = vector.broadcast %mul3A_450 : i32 to vector<16xi32>
    %mul3A_452 = arith.muli %select_n3A_449, %mul3A_451 : vector<16xi32>
    %add3A_453 = arith.addi %mul3A_452, %get3A_432 : vector<16xi32>
    %rem3A_454 = arith.constant 100000 : i32
    %rem3A_455 = vector.broadcast %rem3A_454 : i32 to vector<16xi32>
    %rem3A_456 = arith.remsi %add3A_453, %rem3A_455 : vector<16xi32>
    %lt3A_457 = arith.constant 0 : i32
    %lt3A_458 = vector.broadcast %lt3A_457 : i32 to vector<16xi32>
    %lt3A_459 = arith.cmpi slt, %rem3A_456, %lt3A_458 : vector<16xi32>
    %add3A_460 = arith.constant 100000 : i32
    %add3A_461 = vector.broadcast %add3A_460 : i32 to vector<16xi32>
    %add3A_462 = arith.addi %rem3A_456, %add3A_461 : vector<16xi32>
    %select_n3A_463 = arith.select %lt3A_459, %add3A_462, %rem3A_456 : vector<16xi1>, vector<16xi32>
    %swap3A_464 = arith.constant 0 : index
    %swap3A_465 = tpu.vector_load %arg11[%swap3A_464] {strides = array<i32>} : memref<32xi32, #tpu.memory_space<vmem>>, vector<16xi32>,
    %swap3A_466 = vector.shape_cast %swap3A_465 : vector<16xi32> to vector<16xi32>
    %swap3A_467 = vector.shape_cast %select_n3A_463 : vector<16xi32> to vector<16xi32>
    tpu.vector_store %arg11[%swap3A_464], %swap3A_467 {strides = array<i32>} : memref<32xi32, #tpu.memory_space<vmem>>, vector<16xi32>,
    %get3A_468 = arith.constant 184 : index
    %get3A_469 = tpu.vector_load %arg5[%get3A_468] {strides = array<i32>} : memref<360xi32, #tpu.memory_space<vmem>>, vector<16xi32>,
    %get3A_470 = vector.shape_cast %get3A_469 : vector<16xi32> to vector<16xi32>
    %get3A_471 = arith.constant 183 : index
    %get3A_472 = tpu.vector_load %arg5[%get3A_471] {strides = array<i32>} : memref<360xi32, #tpu.memory_space<vmem>>, vector<16xi32>,
    %get3A_473 = vector.shape_cast %get3A_472 : vector<16xi32> to vector<16xi32>
    %add3A_474 = arith.constant 176 : i32
    %add3A_475 = arith.addi %add3A_4, %add3A_474 : i32
    %iota3A_476 = tpu.iota {dimensions = array<i32: 0>} : vector<16xi32>
    %add3A_477 = vector.broadcast %add3A_475 : i32 to vector<16xi32>
    %add3A_478 = arith.addi %add3A_477, %iota3A_476 : vector<16xi32>
    %rem3A_479 = arith.constant 4096 : i32
    %rem3A_480 = vector.broadcast %rem3A_479 : i32 to vector<16xi32>
    %rem3A_481 = arith.remsi %add3A_478, %rem3A_480 : vector<16xi32>
    %eq3A_482 = arith.constant 0 : i32
    %eq3A_483 = vector.broadcast %eq3A_482 : i32 to vector<16xi32>
    %eq3A_484 = arith.cmpi eq, %rem3A_481, %eq3A_483 : vector<16xi32>
    %jit3A_485 = arith.constant 0 : i32
    %broadcast_in_dim3A_486 = vector.broadcast %jit3A_485 : i32 to vector<16xi32>
    %select_n3A_487 = arith.select %eq3A_484, %broadcast_in_dim3A_486, %get3A_473 : vector<16xi1>, vector<16xi32>
    %mul3A_488 = arith.constant 1000003 : i32
    %mul3A_489 = vector.broadcast %mul3A_488 : i32 to vector<16xi32>
    %mul3A_490 = arith.muli %select_n3A_487, %mul3A_489 : vector<16xi32>
    %add3A_491 = arith.addi %mul3A_490, %get3A_470 : vector<16xi32>
    %rem3A_492 = arith.constant 100000 : i32
    %rem3A_493 = vector.broadcast %rem3A_492 : i32 to vector<16xi32>
    %rem3A_494 = arith.remsi %add3A_491, %rem3A_493 : vector<16xi32>
    %lt3A_495 = arith.constant 0 : i32
    %lt3A_496 = vector.broadcast %lt3A_495 : i32 to vector<16xi32>
    %lt3A_497 = arith.cmpi slt, %rem3A_494, %lt3A_496 : vector<16xi32>
    %add3A_498 = arith.constant 100000 : i32
    %add3A_499 = vector.broadcast %add3A_498 : i32 to vector<16xi32>
    %add3A_500 = arith.addi %rem3A_494, %add3A_499 : vector<16xi32>
    %select_n3A_501 = arith.select %lt3A_497, %add3A_500, %rem3A_494 : vector<16xi1>, vector<16xi32>
    %swap3A_502 = arith.constant 16 : index
    %swap3A_503 = tpu.vector_load %arg11[%swap3A_502] {strides = array<i32>} : memref<32xi32, #tpu.memory_space<vmem>>, vector<16xi32>,
    %swap3A_504 = vector.shape_cast %swap3A_503 : vector<16xi32> to vector<16xi32>
    %swap3A_505 = vector.shape_cast %select_n3A_501 : vector<16xi32> to vector<16xi32>
    tpu.vector_store %arg11[%swap3A_502], %swap3A_505 {strides = array<i32>} : memref<32xi32, #tpu.memory_space<vmem>>, vector<16xi32>,
    %dma_start3A_506 = arith.constant 160 : i32
    %dma_start3A_507 = arith.constant 0 : i32
    %dma_start3A_508 = tpu.memref_slice %arg17[%dma_start3A_506, %dma_start3A_507] : memref<352x128xf32, #tpu.memory_space<vmem>> -> memref<32x128xf32, #tpu.memory_space<vmem>>
    %dma_start3A_509 = arith.constant 0 : i32
    %dma_start3A_510 = arith.constant 0 : i32
    %dma_start3A_511 = tpu.memref_slice %arg3[%dma_start3A_509, %dma_start3A_510] : memref<100000x128xf32, #tpu.memory_space<hbm>> -> memref<100000x128xf32, #tpu.memory_space<hbm>>
    tpu.enqueue_indirect_dma source(%dma_start3A_511 : memref<100000x128xf32, #tpu.memory_space<hbm>>) target(%dma_start3A_508 : memref<32x128xf32, #tpu.memory_space<vmem>>) offsets(%arg11 : memref<32xi32, #tpu.memory_space<vmem>>) semaphore(%arg23 : memref<!tpu.dma_semaphore, #tpu.memory_space<semaphore_mem>>)
    %get3A_512 = arith.constant 200 : index
    %get3A_513 = tpu.vector_load %arg5[%get3A_512] {strides = array<i32>} : memref<360xi32, #tpu.memory_space<vmem>>, vector<16xi32>,
    %get3A_514 = vector.shape_cast %get3A_513 : vector<16xi32> to vector<16xi32>
    %get3A_515 = arith.constant 199 : index
    %get3A_516 = tpu.vector_load %arg5[%get3A_515] {strides = array<i32>} : memref<360xi32, #tpu.memory_space<vmem>>, vector<16xi32>,
    %get3A_517 = vector.shape_cast %get3A_516 : vector<16xi32> to vector<16xi32>
    %add3A_518 = arith.constant 192 : i32
    %add3A_519 = arith.addi %add3A_4, %add3A_518 : i32
    %iota3A_520 = tpu.iota {dimensions = array<i32: 0>} : vector<16xi32>
    %add3A_521 = vector.broadcast %add3A_519 : i32 to vector<16xi32>
    %add3A_522 = arith.addi %add3A_521, %iota3A_520 : vector<16xi32>
    %rem3A_523 = arith.constant 4096 : i32
    %rem3A_524 = vector.broadcast %rem3A_523 : i32 to vector<16xi32>
    %rem3A_525 = arith.remsi %add3A_522, %rem3A_524 : vector<16xi32>
    %eq3A_526 = arith.constant 0 : i32
    %eq3A_527 = vector.broadcast %eq3A_526 : i32 to vector<16xi32>
    %eq3A_528 = arith.cmpi eq, %rem3A_525, %eq3A_527 : vector<16xi32>
    %jit3A_529 = arith.constant 0 : i32
    %broadcast_in_dim3A_530 = vector.broadcast %jit3A_529 : i32 to vector<16xi32>
    %select_n3A_531 = arith.select %eq3A_528, %broadcast_in_dim3A_530, %get3A_517 : vector<16xi1>, vector<16xi32>
    %mul3A_532 = arith.constant 1000003 : i32
    %mul3A_533 = vector.broadcast %mul3A_532 : i32 to vector<16xi32>
    %mul3A_534 = arith.muli %select_n3A_531, %mul3A_533 : vector<16xi32>
    %add3A_535 = arith.addi %mul3A_534, %get3A_514 : vector<16xi32>
    %rem3A_536 = arith.constant 100000 : i32
    %rem3A_537 = vector.broadcast %rem3A_536 : i32 to vector<16xi32>
    %rem3A_538 = arith.remsi %add3A_535, %rem3A_537 : vector<16xi32>
    %lt3A_539 = arith.constant 0 : i32
    %lt3A_540 = vector.broadcast %lt3A_539 : i32 to vector<16xi32>
    %lt3A_541 = arith.cmpi slt, %rem3A_538, %lt3A_540 : vector<16xi32>
    %add3A_542 = arith.constant 100000 : i32
    %add3A_543 = vector.broadcast %add3A_542 : i32 to vector<16xi32>
    %add3A_544 = arith.addi %rem3A_538, %add3A_543 : vector<16xi32>
    %select_n3A_545 = arith.select %lt3A_541, %add3A_544, %rem3A_538 : vector<16xi1>, vector<16xi32>
    %swap3A_546 = arith.constant 0 : index
    %swap3A_547 = tpu.vector_load %arg12[%swap3A_546] {strides = array<i32>} : memref<32xi32, #tpu.memory_space<vmem>>, vector<16xi32>,
    %swap3A_548 = vector.shape_cast %swap3A_547 : vector<16xi32> to vector<16xi32>
    %swap3A_549 = vector.shape_cast %select_n3A_545 : vector<16xi32> to vector<16xi32>
    tpu.vector_store %arg12[%swap3A_546], %swap3A_549 {strides = array<i32>} : memref<32xi32, #tpu.memory_space<vmem>>, vector<16xi32>,
    %get3A_550 = arith.constant 216 : index
    %get3A_551 = tpu.vector_load %arg5[%get3A_550] {strides = array<i32>} : memref<360xi32, #tpu.memory_space<vmem>>, vector<16xi32>,
    %get3A_552 = vector.shape_cast %get3A_551 : vector<16xi32> to vector<16xi32>
    %get3A_553 = arith.constant 215 : index
    %get3A_554 = tpu.vector_load %arg5[%get3A_553] {strides = array<i32>} : memref<360xi32, #tpu.memory_space<vmem>>, vector<16xi32>,
    %get3A_555 = vector.shape_cast %get3A_554 : vector<16xi32> to vector<16xi32>
    %add3A_556 = arith.constant 208 : i32
    %add3A_557 = arith.addi %add3A_4, %add3A_556 : i32
    %iota3A_558 = tpu.iota {dimensions = array<i32: 0>} : vector<16xi32>
    %add3A_559 = vector.broadcast %add3A_557 : i32 to vector<16xi32>
    %add3A_560 = arith.addi %add3A_559, %iota3A_558 : vector<16xi32>
    %rem3A_561 = arith.constant 4096 : i32
    %rem3A_562 = vector.broadcast %rem3A_561 : i32 to vector<16xi32>
    %rem3A_563 = arith.remsi %add3A_560, %rem3A_562 : vector<16xi32>
    %eq3A_564 = arith.constant 0 : i32
    %eq3A_565 = vector.broadcast %eq3A_564 : i32 to vector<16xi32>
    %eq3A_566 = arith.cmpi eq, %rem3A_563, %eq3A_565 : vector<16xi32>
    %jit3A_567 = arith.constant 0 : i32
    %broadcast_in_dim3A_568 = vector.broadcast %jit3A_567 : i32 to vector<16xi32>
    %select_n3A_569 = arith.select %eq3A_566, %broadcast_in_dim3A_568, %get3A_555 : vector<16xi1>, vector<16xi32>
    %mul3A_570 = arith.constant 1000003 : i32
    %mul3A_571 = vector.broadcast %mul3A_570 : i32 to vector<16xi32>
    %mul3A_572 = arith.muli %select_n3A_569, %mul3A_571 : vector<16xi32>
    %add3A_573 = arith.addi %mul3A_572, %get3A_552 : vector<16xi32>
    %rem3A_574 = arith.constant 100000 : i32
    %rem3A_575 = vector.broadcast %rem3A_574 : i32 to vector<16xi32>
    %rem3A_576 = arith.remsi %add3A_573, %rem3A_575 : vector<16xi32>
    %lt3A_577 = arith.constant 0 : i32
    %lt3A_578 = vector.broadcast %lt3A_577 : i32 to vector<16xi32>
    %lt3A_579 = arith.cmpi slt, %rem3A_576, %lt3A_578 : vector<16xi32>
    %add3A_580 = arith.constant 100000 : i32
    %add3A_581 = vector.broadcast %add3A_580 : i32 to vector<16xi32>
    %add3A_582 = arith.addi %rem3A_576, %add3A_581 : vector<16xi32>
    %select_n3A_583 = arith.select %lt3A_579, %add3A_582, %rem3A_576 : vector<16xi1>, vector<16xi32>
    %swap3A_584 = arith.constant 16 : index
    %swap3A_585 = tpu.vector_load %arg12[%swap3A_584] {strides = array<i32>} : memref<32xi32, #tpu.memory_space<vmem>>, vector<16xi32>,
    %swap3A_586 = vector.shape_cast %swap3A_585 : vector<16xi32> to vector<16xi32>
    %swap3A_587 = vector.shape_cast %select_n3A_583 : vector<16xi32> to vector<16xi32>
    tpu.vector_store %arg12[%swap3A_584], %swap3A_587 {strides = array<i32>} : memref<32xi32, #tpu.memory_space<vmem>>, vector<16xi32>,
    %dma_start3A_588 = arith.constant 192 : i32
    %dma_start3A_589 = arith.constant 0 : i32
    %dma_start3A_590 = tpu.memref_slice %arg17[%dma_start3A_588, %dma_start3A_589] : memref<352x128xf32, #tpu.memory_space<vmem>> -> memref<32x128xf32, #tpu.memory_space<vmem>>
    %dma_start3A_591 = arith.constant 0 : i32
    %dma_start3A_592 = arith.constant 0 : i32
    %dma_start3A_593 = tpu.memref_slice %arg3[%dma_start3A_591, %dma_start3A_592] : memref<100000x128xf32, #tpu.memory_space<hbm>> -> memref<100000x128xf32, #tpu.memory_space<hbm>>
    tpu.enqueue_indirect_dma source(%dma_start3A_593 : memref<100000x128xf32, #tpu.memory_space<hbm>>) target(%dma_start3A_590 : memref<32x128xf32, #tpu.memory_space<vmem>>) offsets(%arg12 : memref<32xi32, #tpu.memory_space<vmem>>) semaphore(%arg24 : memref<!tpu.dma_semaphore, #tpu.memory_space<semaphore_mem>>)
    %get3A_594 = arith.constant 232 : index
    %get3A_595 = tpu.vector_load %arg5[%get3A_594] {strides = array<i32>} : memref<360xi32, #tpu.memory_space<vmem>>, vector<16xi32>,
    %get3A_596 = vector.shape_cast %get3A_595 : vector<16xi32> to vector<16xi32>
    %get3A_597 = arith.constant 231 : index
    %get3A_598 = tpu.vector_load %arg5[%get3A_597] {strides = array<i32>} : memref<360xi32, #tpu.memory_space<vmem>>, vector<16xi32>,
    %get3A_599 = vector.shape_cast %get3A_598 : vector<16xi32> to vector<16xi32>
    %add3A_600 = arith.constant 224 : i32
    %add3A_601 = arith.addi %add3A_4, %add3A_600 : i32
    %iota3A_602 = tpu.iota {dimensions = array<i32: 0>} : vector<16xi32>
    %add3A_603 = vector.broadcast %add3A_601 : i32 to vector<16xi32>
    %add3A_604 = arith.addi %add3A_603, %iota3A_602 : vector<16xi32>
    %rem3A_605 = arith.constant 4096 : i32
    %rem3A_606 = vector.broadcast %rem3A_605 : i32 to vector<16xi32>
    %rem3A_607 = arith.remsi %add3A_604, %rem3A_606 : vector<16xi32>
    %eq3A_608 = arith.constant 0 : i32
    %eq3A_609 = vector.broadcast %eq3A_608 : i32 to vector<16xi32>
    %eq3A_610 = arith.cmpi eq, %rem3A_607, %eq3A_609 : vector<16xi32>
    %jit3A_611 = arith.constant 0 : i32
    %broadcast_in_dim3A_612 = vector.broadcast %jit3A_611 : i32 to vector<16xi32>
    %select_n3A_613 = arith.select %eq3A_610, %broadcast_in_dim3A_612, %get3A_599 : vector<16xi1>, vector<16xi32>
    %mul3A_614 = arith.constant 1000003 : i32
    %mul3A_615 = vector.broadcast %mul3A_614 : i32 to vector<16xi32>
    %mul3A_616 = arith.muli %select_n3A_613, %mul3A_615 : vector<16xi32>
    %add3A_617 = arith.addi %mul3A_616, %get3A_596 : vector<16xi32>
    %rem3A_618 = arith.constant 100000 : i32
    %rem3A_619 = vector.broadcast %rem3A_618 : i32 to vector<16xi32>
    %rem3A_620 = arith.remsi %add3A_617, %rem3A_619 : vector<16xi32>
    %lt3A_621 = arith.constant 0 : i32
    %lt3A_622 = vector.broadcast %lt3A_621 : i32 to vector<16xi32>
    %lt3A_623 = arith.cmpi slt, %rem3A_620, %lt3A_622 : vector<16xi32>
    %add3A_624 = arith.constant 100000 : i32
    %add3A_625 = vector.broadcast %add3A_624 : i32 to vector<16xi32>
    %add3A_626 = arith.addi %rem3A_620, %add3A_625 : vector<16xi32>
    %select_n3A_627 = arith.select %lt3A_623, %add3A_626, %rem3A_620 : vector<16xi1>, vector<16xi32>
    %swap3A_628 = arith.constant 0 : index
    %swap3A_629 = tpu.vector_load %arg13[%swap3A_628] {strides = array<i32>} : memref<32xi32, #tpu.memory_space<vmem>>, vector<16xi32>,
    %swap3A_630 = vector.shape_cast %swap3A_629 : vector<16xi32> to vector<16xi32>
    %swap3A_631 = vector.shape_cast %select_n3A_627 : vector<16xi32> to vector<16xi32>
    tpu.vector_store %arg13[%swap3A_628], %swap3A_631 {strides = array<i32>} : memref<32xi32, #tpu.memory_space<vmem>>, vector<16xi32>,
    %get3A_632 = arith.constant 248 : index
    %get3A_633 = tpu.vector_load %arg5[%get3A_632] {strides = array<i32>} : memref<360xi32, #tpu.memory_space<vmem>>, vector<16xi32>,
    %get3A_634 = vector.shape_cast %get3A_633 : vector<16xi32> to vector<16xi32>
    %get3A_635 = arith.constant 247 : index
    %get3A_636 = tpu.vector_load %arg5[%get3A_635] {strides = array<i32>} : memref<360xi32, #tpu.memory_space<vmem>>, vector<16xi32>,
    %get3A_637 = vector.shape_cast %get3A_636 : vector<16xi32> to vector<16xi32>
    %add3A_638 = arith.constant 240 : i32
    %add3A_639 = arith.addi %add3A_4, %add3A_638 : i32
    %iota3A_640 = tpu.iota {dimensions = array<i32: 0>} : vector<16xi32>
    %add3A_641 = vector.broadcast %add3A_639 : i32 to vector<16xi32>
    %add3A_642 = arith.addi %add3A_641, %iota3A_640 : vector<16xi32>
    %rem3A_643 = arith.constant 4096 : i32
    %rem3A_644 = vector.broadcast %rem3A_643 : i32 to vector<16xi32>
    %rem3A_645 = arith.remsi %add3A_642, %rem3A_644 : vector<16xi32>
    %eq3A_646 = arith.constant 0 : i32
    %eq3A_647 = vector.broadcast %eq3A_646 : i32 to vector<16xi32>
    %eq3A_648 = arith.cmpi eq, %rem3A_645, %eq3A_647 : vector<16xi32>
    %jit3A_649 = arith.constant 0 : i32
    %broadcast_in_dim3A_650 = vector.broadcast %jit3A_649 : i32 to vector<16xi32>
    %select_n3A_651 = arith.select %eq3A_648, %broadcast_in_dim3A_650, %get3A_637 : vector<16xi1>, vector<16xi32>
    %mul3A_652 = arith.constant 1000003 : i32
    %mul3A_653 = vector.broadcast %mul3A_652 : i32 to vector<16xi32>
    %mul3A_654 = arith.muli %select_n3A_651, %mul3A_653 : vector<16xi32>
    %add3A_655 = arith.addi %mul3A_654, %get3A_634 : vector<16xi32>
    %rem3A_656 = arith.constant 100000 : i32
    %rem3A_657 = vector.broadcast %rem3A_656 : i32 to vector<16xi32>
    %rem3A_658 = arith.remsi %add3A_655, %rem3A_657 : vector<16xi32>
    %lt3A_659 = arith.constant 0 : i32
    %lt3A_660 = vector.broadcast %lt3A_659 : i32 to vector<16xi32>
    %lt3A_661 = arith.cmpi slt, %rem3A_658, %lt3A_660 : vector<16xi32>
    %add3A_662 = arith.constant 100000 : i32
    %add3A_663 = vector.broadcast %add3A_662 : i32 to vector<16xi32>
    %add3A_664 = arith.addi %rem3A_658, %add3A_663 : vector<16xi32>
    %select_n3A_665 = arith.select %lt3A_661, %add3A_664, %rem3A_658 : vector<16xi1>, vector<16xi32>
    %swap3A_666 = arith.constant 16 : index
    %swap3A_667 = tpu.vector_load %arg13[%swap3A_666] {strides = array<i32>} : memref<32xi32, #tpu.memory_space<vmem>>, vector<16xi32>,
    %swap3A_668 = vector.shape_cast %swap3A_667 : vector<16xi32> to vector<16xi32>
    %swap3A_669 = vector.shape_cast %select_n3A_665 : vector<16xi32> to vector<16xi32>
    tpu.vector_store %arg13[%swap3A_666], %swap3A_669 {strides = array<i32>} : memref<32xi32, #tpu.memory_space<vmem>>, vector<16xi32>,
    %dma_start3A_670 = arith.constant 224 : i32
    %dma_start3A_671 = arith.constant 0 : i32
    %dma_start3A_672 = tpu.memref_slice %arg17[%dma_start3A_670, %dma_start3A_671] : memref<352x128xf32, #tpu.memory_space<vmem>> -> memref<32x128xf32, #tpu.memory_space<vmem>>
    %dma_start3A_673 = arith.constant 0 : i32
    %dma_start3A_674 = arith.constant 0 : i32
    %dma_start3A_675 = tpu.memref_slice %arg3[%dma_start3A_673, %dma_start3A_674] : memref<100000x128xf32, #tpu.memory_space<hbm>> -> memref<100000x128xf32, #tpu.memory_space<hbm>>
    tpu.enqueue_indirect_dma source(%dma_start3A_675 : memref<100000x128xf32, #tpu.memory_space<hbm>>) target(%dma_start3A_672 : memref<32x128xf32, #tpu.memory_space<vmem>>) offsets(%arg13 : memref<32xi32, #tpu.memory_space<vmem>>) semaphore(%arg25 : memref<!tpu.dma_semaphore, #tpu.memory_space<semaphore_mem>>)
    %get3A_676 = arith.constant 264 : index
    %get3A_677 = tpu.vector_load %arg5[%get3A_676] {strides = array<i32>} : memref<360xi32, #tpu.memory_space<vmem>>, vector<16xi32>,
    %get3A_678 = vector.shape_cast %get3A_677 : vector<16xi32> to vector<16xi32>
    %get3A_679 = arith.constant 263 : index
    %get3A_680 = tpu.vector_load %arg5[%get3A_679] {strides = array<i32>} : memref<360xi32, #tpu.memory_space<vmem>>, vector<16xi32>,
    %get3A_681 = vector.shape_cast %get3A_680 : vector<16xi32> to vector<16xi32>
    %add3A_682 = arith.constant 256 : i32
    %add3A_683 = arith.addi %add3A_4, %add3A_682 : i32
    %iota3A_684 = tpu.iota {dimensions = array<i32: 0>} : vector<16xi32>
    %add3A_685 = vector.broadcast %add3A_683 : i32 to vector<16xi32>
    %add3A_686 = arith.addi %add3A_685, %iota3A_684 : vector<16xi32>
    %rem3A_687 = arith.constant 4096 : i32
    %rem3A_688 = vector.broadcast %rem3A_687 : i32 to vector<16xi32>
    %rem3A_689 = arith.remsi %add3A_686, %rem3A_688 : vector<16xi32>
    %eq3A_690 = arith.constant 0 : i32
    %eq3A_691 = vector.broadcast %eq3A_690 : i32 to vector<16xi32>
    %eq3A_692 = arith.cmpi eq, %rem3A_689, %eq3A_691 : vector<16xi32>
    %jit3A_693 = arith.constant 0 : i32
    %broadcast_in_dim3A_694 = vector.broadcast %jit3A_693 : i32 to vector<16xi32>
    %select_n3A_695 = arith.select %eq3A_692, %broadcast_in_dim3A_694, %get3A_681 : vector<16xi1>, vector<16xi32>
    %mul3A_696 = arith.constant 1000003 : i32
    %mul3A_697 = vector.broadcast %mul3A_696 : i32 to vector<16xi32>
    %mul3A_698 = arith.muli %select_n3A_695, %mul3A_697 : vector<16xi32>
    %add3A_699 = arith.addi %mul3A_698, %get3A_678 : vector<16xi32>
    %rem3A_700 = arith.constant 100000 : i32
    %rem3A_701 = vector.broadcast %rem3A_700 : i32 to vector<16xi32>
    %rem3A_702 = arith.remsi %add3A_699, %rem3A_701 : vector<16xi32>
    %lt3A_703 = arith.constant 0 : i32
    %lt3A_704 = vector.broadcast %lt3A_703 : i32 to vector<16xi32>
    %lt3A_705 = arith.cmpi slt, %rem3A_702, %lt3A_704 : vector<16xi32>
    %add3A_706 = arith.constant 100000 : i32
    %add3A_707 = vector.broadcast %add3A_706 : i32 to vector<16xi32>
    %add3A_708 = arith.addi %rem3A_702, %add3A_707 : vector<16xi32>
    %select_n3A_709 = arith.select %lt3A_705, %add3A_708, %rem3A_702 : vector<16xi1>, vector<16xi32>
    %swap3A_710 = arith.constant 0 : index
    %swap3A_711 = tpu.vector_load %arg14[%swap3A_710] {strides = array<i32>} : memref<32xi32, #tpu.memory_space<vmem>>, vector<16xi32>,
    %swap3A_712 = vector.shape_cast %swap3A_711 : vector<16xi32> to vector<16xi32>
    %swap3A_713 = vector.shape_cast %select_n3A_709 : vector<16xi32> to vector<16xi32>
    tpu.vector_store %arg14[%swap3A_710], %swap3A_713 {strides = array<i32>} : memref<32xi32, #tpu.memory_space<vmem>>, vector<16xi32>,
    %get3A_714 = arith.constant 280 : index
    %get3A_715 = tpu.vector_load %arg5[%get3A_714] {strides = array<i32>} : memref<360xi32, #tpu.memory_space<vmem>>, vector<16xi32>,
    %get3A_716 = vector.shape_cast %get3A_715 : vector<16xi32> to vector<16xi32>
    %get3A_717 = arith.constant 279 : index
    %get3A_718 = tpu.vector_load %arg5[%get3A_717] {strides = array<i32>} : memref<360xi32, #tpu.memory_space<vmem>>, vector<16xi32>,
    %get3A_719 = vector.shape_cast %get3A_718 : vector<16xi32> to vector<16xi32>
    %add3A_720 = arith.constant 272 : i32
    %add3A_721 = arith.addi %add3A_4, %add3A_720 : i32
    %iota3A_722 = tpu.iota {dimensions = array<i32: 0>} : vector<16xi32>
    %add3A_723 = vector.broadcast %add3A_721 : i32 to vector<16xi32>
    %add3A_724 = arith.addi %add3A_723, %iota3A_722 : vector<16xi32>
    %rem3A_725 = arith.constant 4096 : i32
    %rem3A_726 = vector.broadcast %rem3A_725 : i32 to vector<16xi32>
    %rem3A_727 = arith.remsi %add3A_724, %rem3A_726 : vector<16xi32>
    %eq3A_728 = arith.constant 0 : i32
    %eq3A_729 = vector.broadcast %eq3A_728 : i32 to vector<16xi32>
    %eq3A_730 = arith.cmpi eq, %rem3A_727, %eq3A_729 : vector<16xi32>
    %jit3A_731 = arith.constant 0 : i32
    %broadcast_in_dim3A_732 = vector.broadcast %jit3A_731 : i32 to vector<16xi32>
    %select_n3A_733 = arith.select %eq3A_730, %broadcast_in_dim3A_732, %get3A_719 : vector<16xi1>, vector<16xi32>
    %mul3A_734 = arith.constant 1000003 : i32
    %mul3A_735 = vector.broadcast %mul3A_734 : i32 to vector<16xi32>
    %mul3A_736 = arith.muli %select_n3A_733, %mul3A_735 : vector<16xi32>
    %add3A_737 = arith.addi %mul3A_736, %get3A_716 : vector<16xi32>
    %rem3A_738 = arith.constant 100000 : i32
    %rem3A_739 = vector.broadcast %rem3A_738 : i32 to vector<16xi32>
    %rem3A_740 = arith.remsi %add3A_737, %rem3A_739 : vector<16xi32>
    %lt3A_741 = arith.constant 0 : i32
    %lt3A_742 = vector.broadcast %lt3A_741 : i32 to vector<16xi32>
    %lt3A_743 = arith.cmpi slt, %rem3A_740, %lt3A_742 : vector<16xi32>
    %add3A_744 = arith.constant 100000 : i32
    %add3A_745 = vector.broadcast %add3A_744 : i32 to vector<16xi32>
    %add3A_746 = arith.addi %rem3A_740, %add3A_745 : vector<16xi32>
    %select_n3A_747 = arith.select %lt3A_743, %add3A_746, %rem3A_740 : vector<16xi1>, vector<16xi32>
    %swap3A_748 = arith.constant 16 : index
    %swap3A_749 = tpu.vector_load %arg14[%swap3A_748] {strides = array<i32>} : memref<32xi32, #tpu.memory_space<vmem>>, vector<16xi32>,
    %swap3A_750 = vector.shape_cast %swap3A_749 : vector<16xi32> to vector<16xi32>
    %swap3A_751 = vector.shape_cast %select_n3A_747 : vector<16xi32> to vector<16xi32>
    tpu.vector_store %arg14[%swap3A_748], %swap3A_751 {strides = array<i32>} : memref<32xi32, #tpu.memory_space<vmem>>, vector<16xi32>,
    %dma_start3A_752 = arith.constant 256 : i32
    %dma_start3A_753 = arith.constant 0 : i32
    %dma_start3A_754 = tpu.memref_slice %arg17[%dma_start3A_752, %dma_start3A_753] : memref<352x128xf32, #tpu.memory_space<vmem>> -> memref<32x128xf32, #tpu.memory_space<vmem>>
    %dma_start3A_755 = arith.constant 0 : i32
    %dma_start3A_756 = arith.constant 0 : i32
    %dma_start3A_757 = tpu.memref_slice %arg3[%dma_start3A_755, %dma_start3A_756] : memref<100000x128xf32, #tpu.memory_space<hbm>> -> memref<100000x128xf32, #tpu.memory_space<hbm>>
    tpu.enqueue_indirect_dma source(%dma_start3A_757 : memref<100000x128xf32, #tpu.memory_space<hbm>>) target(%dma_start3A_754 : memref<32x128xf32, #tpu.memory_space<vmem>>) offsets(%arg14 : memref<32xi32, #tpu.memory_space<vmem>>) semaphore(%arg26 : memref<!tpu.dma_semaphore, #tpu.memory_space<semaphore_mem>>)
    %get3A_758 = arith.constant 296 : index
    %get3A_759 = tpu.vector_load %arg5[%get3A_758] {strides = array<i32>} : memref<360xi32, #tpu.memory_space<vmem>>, vector<16xi32>,
    %get3A_760 = vector.shape_cast %get3A_759 : vector<16xi32> to vector<16xi32>
    %get3A_761 = arith.constant 295 : index
    %get3A_762 = tpu.vector_load %arg5[%get3A_761] {strides = array<i32>} : memref<360xi32, #tpu.memory_space<vmem>>, vector<16xi32>,
    %get3A_763 = vector.shape_cast %get3A_762 : vector<16xi32> to vector<16xi32>
    %add3A_764 = arith.constant 288 : i32
    %add3A_765 = arith.addi %add3A_4, %add3A_764 : i32
    %iota3A_766 = tpu.iota {dimensions = array<i32: 0>} : vector<16xi32>
    %add3A_767 = vector.broadcast %add3A_765 : i32 to vector<16xi32>
    %add3A_768 = arith.addi %add3A_767, %iota3A_766 : vector<16xi32>
    %rem3A_769 = arith.constant 4096 : i32
    %rem3A_770 = vector.broadcast %rem3A_769 : i32 to vector<16xi32>
    %rem3A_771 = arith.remsi %add3A_768, %rem3A_770 : vector<16xi32>
    %eq3A_772 = arith.constant 0 : i32
    %eq3A_773 = vector.broadcast %eq3A_772 : i32 to vector<16xi32>
    %eq3A_774 = arith.cmpi eq, %rem3A_771, %eq3A_773 : vector<16xi32>
    %jit3A_775 = arith.constant 0 : i32
    %broadcast_in_dim3A_776 = vector.broadcast %jit3A_775 : i32 to vector<16xi32>
    %select_n3A_777 = arith.select %eq3A_774, %broadcast_in_dim3A_776, %get3A_763 : vector<16xi1>, vector<16xi32>
    %mul3A_778 = arith.constant 1000003 : i32
    %mul3A_779 = vector.broadcast %mul3A_778 : i32 to vector<16xi32>
    %mul3A_780 = arith.muli %select_n3A_777, %mul3A_779 : vector<16xi32>
    %add3A_781 = arith.addi %mul3A_780, %get3A_760 : vector<16xi32>
    %rem3A_782 = arith.constant 100000 : i32
    %rem3A_783 = vector.broadcast %rem3A_782 : i32 to vector<16xi32>
    %rem3A_784 = arith.remsi %add3A_781, %rem3A_783 : vector<16xi32>
    %lt3A_785 = arith.constant 0 : i32
    %lt3A_786 = vector.broadcast %lt3A_785 : i32 to vector<16xi32>
    %lt3A_787 = arith.cmpi slt, %rem3A_784, %lt3A_786 : vector<16xi32>
    %add3A_788 = arith.constant 100000 : i32
    %add3A_789 = vector.broadcast %add3A_788 : i32 to vector<16xi32>
    %add3A_790 = arith.addi %rem3A_784, %add3A_789 : vector<16xi32>
    %select_n3A_791 = arith.select %lt3A_787, %add3A_790, %rem3A_784 : vector<16xi1>, vector<16xi32>
    %swap3A_792 = arith.constant 0 : index
    %swap3A_793 = tpu.vector_load %arg15[%swap3A_792] {strides = array<i32>} : memref<32xi32, #tpu.memory_space<vmem>>, vector<16xi32>,
    %swap3A_794 = vector.shape_cast %swap3A_793 : vector<16xi32> to vector<16xi32>
    %swap3A_795 = vector.shape_cast %select_n3A_791 : vector<16xi32> to vector<16xi32>
    tpu.vector_store %arg15[%swap3A_792], %swap3A_795 {strides = array<i32>} : memref<32xi32, #tpu.memory_space<vmem>>, vector<16xi32>,
    %get3A_796 = arith.constant 312 : index
    %get3A_797 = tpu.vector_load %arg5[%get3A_796] {strides = array<i32>} : memref<360xi32, #tpu.memory_space<vmem>>, vector<16xi32>,
    %get3A_798 = vector.shape_cast %get3A_797 : vector<16xi32> to vector<16xi32>
    %get3A_799 = arith.constant 311 : index
    %get3A_800 = tpu.vector_load %arg5[%get3A_799] {strides = array<i32>} : memref<360xi32, #tpu.memory_space<vmem>>, vector<16xi32>,
    %get3A_801 = vector.shape_cast %get3A_800 : vector<16xi32> to vector<16xi32>
    %add3A_802 = arith.constant 304 : i32
    %add3A_803 = arith.addi %add3A_4, %add3A_802 : i32
    %iota3A_804 = tpu.iota {dimensions = array<i32: 0>} : vector<16xi32>
    %add3A_805 = vector.broadcast %add3A_803 : i32 to vector<16xi32>
    %add3A_806 = arith.addi %add3A_805, %iota3A_804 : vector<16xi32>
    %rem3A_807 = arith.constant 4096 : i32
    %rem3A_808 = vector.broadcast %rem3A_807 : i32 to vector<16xi32>
    %rem3A_809 = arith.remsi %add3A_806, %rem3A_808 : vector<16xi32>
    %eq3A_810 = arith.constant 0 : i32
    %eq3A_811 = vector.broadcast %eq3A_810 : i32 to vector<16xi32>
    %eq3A_812 = arith.cmpi eq, %rem3A_809, %eq3A_811 : vector<16xi32>
    %jit3A_813 = arith.constant 0 : i32
    %broadcast_in_dim3A_814 = vector.broadcast %jit3A_813 : i32 to vector<16xi32>
    %select_n3A_815 = arith.select %eq3A_812, %broadcast_in_dim3A_814, %get3A_801 : vector<16xi1>, vector<16xi32>
    %mul3A_816 = arith.constant 1000003 : i32
    %mul3A_817 = vector.broadcast %mul3A_816 : i32 to vector<16xi32>
    %mul3A_818 = arith.muli %select_n3A_815, %mul3A_817 : vector<16xi32>
    %add3A_819 = arith.addi %mul3A_818, %get3A_798 : vector<16xi32>
    %rem3A_820 = arith.constant 100000 : i32
    %rem3A_821 = vector.broadcast %rem3A_820 : i32 to vector<16xi32>
    %rem3A_822 = arith.remsi %add3A_819, %rem3A_821 : vector<16xi32>
    %lt3A_823 = arith.constant 0 : i32
    %lt3A_824 = vector.broadcast %lt3A_823 : i32 to vector<16xi32>
    %lt3A_825 = arith.cmpi slt, %rem3A_822, %lt3A_824 : vector<16xi32>
    %add3A_826 = arith.constant 100000 : i32
    %add3A_827 = vector.broadcast %add3A_826 : i32 to vector<16xi32>
    %add3A_828 = arith.addi %rem3A_822, %add3A_827 : vector<16xi32>
    %select_n3A_829 = arith.select %lt3A_825, %add3A_828, %rem3A_822 : vector<16xi1>, vector<16xi32>
    %swap3A_830 = arith.constant 16 : index
    %swap3A_831 = tpu.vector_load %arg15[%swap3A_830] {strides = array<i32>} : memref<32xi32, #tpu.memory_space<vmem>>, vector<16xi32>,
    %swap3A_832 = vector.shape_cast %swap3A_831 : vector<16xi32> to vector<16xi32>
    %swap3A_833 = vector.shape_cast %select_n3A_829 : vector<16xi32> to vector<16xi32>
    tpu.vector_store %arg15[%swap3A_830], %swap3A_833 {strides = array<i32>} : memref<32xi32, #tpu.memory_space<vmem>>, vector<16xi32>,
    %dma_start3A_834 = arith.constant 288 : i32
    %dma_start3A_835 = arith.constant 0 : i32
    %dma_start3A_836 = tpu.memref_slice %arg17[%dma_start3A_834, %dma_start3A_835] : memref<352x128xf32, #tpu.memory_space<vmem>> -> memref<32x128xf32, #tpu.memory_space<vmem>>
    %dma_start3A_837 = arith.constant 0 : i32
    %dma_start3A_838 = arith.constant 0 : i32
    %dma_start3A_839 = tpu.memref_slice %arg3[%dma_start3A_837, %dma_start3A_838] : memref<100000x128xf32, #tpu.memory_space<hbm>> -> memref<100000x128xf32, #tpu.memory_space<hbm>>
    tpu.enqueue_indirect_dma source(%dma_start3A_839 : memref<100000x128xf32, #tpu.memory_space<hbm>>) target(%dma_start3A_836 : memref<32x128xf32, #tpu.memory_space<vmem>>) offsets(%arg15 : memref<32xi32, #tpu.memory_space<vmem>>) semaphore(%arg27 : memref<!tpu.dma_semaphore, #tpu.memory_space<semaphore_mem>>)
    %get3A_840 = arith.constant 328 : index
    %get3A_841 = tpu.vector_load %arg5[%get3A_840] {strides = array<i32>} : memref<360xi32, #tpu.memory_space<vmem>>, vector<16xi32>,
    %get3A_842 = vector.shape_cast %get3A_841 : vector<16xi32> to vector<16xi32>
    %get3A_843 = arith.constant 327 : index
    %get3A_844 = tpu.vector_load %arg5[%get3A_843] {strides = array<i32>} : memref<360xi32, #tpu.memory_space<vmem>>, vector<16xi32>,
    %get3A_845 = vector.shape_cast %get3A_844 : vector<16xi32> to vector<16xi32>
    %add3A_846 = arith.constant 320 : i32
    %add3A_847 = arith.addi %add3A_4, %add3A_846 : i32
    %iota3A_848 = tpu.iota {dimensions = array<i32: 0>} : vector<16xi32>
    %add3A_849 = vector.broadcast %add3A_847 : i32 to vector<16xi32>
    %add3A_850 = arith.addi %add3A_849, %iota3A_848 : vector<16xi32>
    %rem3A_851 = arith.constant 4096 : i32
    %rem3A_852 = vector.broadcast %rem3A_851 : i32 to vector<16xi32>
    %rem3A_853 = arith.remsi %add3A_850, %rem3A_852 : vector<16xi32>
    %eq3A_854 = arith.constant 0 : i32
    %eq3A_855 = vector.broadcast %eq3A_854 : i32 to vector<16xi32>
    %eq3A_856 = arith.cmpi eq, %rem3A_853, %eq3A_855 : vector<16xi32>
    %jit3A_857 = arith.constant 0 : i32
    %broadcast_in_dim3A_858 = vector.broadcast %jit3A_857 : i32 to vector<16xi32>
    %select_n3A_859 = arith.select %eq3A_856, %broadcast_in_dim3A_858, %get3A_845 : vector<16xi1>, vector<16xi32>
    %mul3A_860 = arith.constant 1000003 : i32
    %mul3A_861 = vector.broadcast %mul3A_860 : i32 to vector<16xi32>
    %mul3A_862 = arith.muli %select_n3A_859, %mul3A_861 : vector<16xi32>
    %add3A_863 = arith.addi %mul3A_862, %get3A_842 : vector<16xi32>
    %rem3A_864 = arith.constant 100000 : i32
    %rem3A_865 = vector.broadcast %rem3A_864 : i32 to vector<16xi32>
    %rem3A_866 = arith.remsi %add3A_863, %rem3A_865 : vector<16xi32>
    %lt3A_867 = arith.constant 0 : i32
    %lt3A_868 = vector.broadcast %lt3A_867 : i32 to vector<16xi32>
    %lt3A_869 = arith.cmpi slt, %rem3A_866, %lt3A_868 : vector<16xi32>
    %add3A_870 = arith.constant 100000 : i32
    %add3A_871 = vector.broadcast %add3A_870 : i32 to vector<16xi32>
    %add3A_872 = arith.addi %rem3A_866, %add3A_871 : vector<16xi32>
    %select_n3A_873 = arith.select %lt3A_869, %add3A_872, %rem3A_866 : vector<16xi1>, vector<16xi32>
    %swap3A_874 = arith.constant 0 : index
    %swap3A_875 = tpu.vector_load %arg16[%swap3A_874] {strides = array<i32>} : memref<32xi32, #tpu.memory_space<vmem>>, vector<16xi32>,
    %swap3A_876 = vector.shape_cast %swap3A_875 : vector<16xi32> to vector<16xi32>
    %swap3A_877 = vector.shape_cast %select_n3A_873 : vector<16xi32> to vector<16xi32>
    tpu.vector_store %arg16[%swap3A_874], %swap3A_877 {strides = array<i32>} : memref<32xi32, #tpu.memory_space<vmem>>, vector<16xi32>,
    %get3A_878 = arith.constant 344 : index
    %get3A_879 = tpu.vector_load %arg5[%get3A_878] {strides = array<i32>} : memref<360xi32, #tpu.memory_space<vmem>>, vector<16xi32>,
    %get3A_880 = vector.shape_cast %get3A_879 : vector<16xi32> to vector<16xi32>
    %get3A_881 = arith.constant 343 : index
    %get3A_882 = tpu.vector_load %arg5[%get3A_881] {strides = array<i32>} : memref<360xi32, #tpu.memory_space<vmem>>, vector<16xi32>,
    %get3A_883 = vector.shape_cast %get3A_882 : vector<16xi32> to vector<16xi32>
    %add3A_884 = arith.constant 336 : i32
    %add3A_885 = arith.addi %add3A_4, %add3A_884 : i32
    %iota3A_886 = tpu.iota {dimensions = array<i32: 0>} : vector<16xi32>
    %add3A_887 = vector.broadcast %add3A_885 : i32 to vector<16xi32>
    %add3A_888 = arith.addi %add3A_887, %iota3A_886 : vector<16xi32>
    %rem3A_889 = arith.constant 4096 : i32
    %rem3A_890 = vector.broadcast %rem3A_889 : i32 to vector<16xi32>
    %rem3A_891 = arith.remsi %add3A_888, %rem3A_890 : vector<16xi32>
    %eq3A_892 = arith.constant 0 : i32
    %eq3A_893 = vector.broadcast %eq3A_892 : i32 to vector<16xi32>
    %eq3A_894 = arith.cmpi eq, %rem3A_891, %eq3A_893 : vector<16xi32>
    %jit3A_895 = arith.constant 0 : i32
    %broadcast_in_dim3A_896 = vector.broadcast %jit3A_895 : i32 to vector<16xi32>
    %select_n3A_897 = arith.select %eq3A_894, %broadcast_in_dim3A_896, %get3A_883 : vector<16xi1>, vector<16xi32>
    %mul3A_898 = arith.constant 1000003 : i32
    %mul3A_899 = vector.broadcast %mul3A_898 : i32 to vector<16xi32>
    %mul3A_900 = arith.muli %select_n3A_897, %mul3A_899 : vector<16xi32>
    %add3A_901 = arith.addi %mul3A_900, %get3A_880 : vector<16xi32>
    %rem3A_902 = arith.constant 100000 : i32
    %rem3A_903 = vector.broadcast %rem3A_902 : i32 to vector<16xi32>
    %rem3A_904 = arith.remsi %add3A_901, %rem3A_903 : vector<16xi32>
    %lt3A_905 = arith.constant 0 : i32
    %lt3A_906 = vector.broadcast %lt3A_905 : i32 to vector<16xi32>
    %lt3A_907 = arith.cmpi slt, %rem3A_904, %lt3A_906 : vector<16xi32>
    %add3A_908 = arith.constant 100000 : i32
    %add3A_909 = vector.broadcast %add3A_908 : i32 to vector<16xi32>
    %add3A_910 = arith.addi %rem3A_904, %add3A_909 : vector<16xi32>
    %select_n3A_911 = arith.select %lt3A_907, %add3A_910, %rem3A_904 : vector<16xi1>, vector<16xi32>
    %swap3A_912 = arith.constant 16 : index
    %swap3A_913 = tpu.vector_load %arg16[%swap3A_912] {strides = array<i32>} : memref<32xi32, #tpu.memory_space<vmem>>, vector<16xi32>,
    %swap3A_914 = vector.shape_cast %swap3A_913 : vector<16xi32> to vector<16xi32>
    %swap3A_915 = vector.shape_cast %select_n3A_911 : vector<16xi32> to vector<16xi32>
    tpu.vector_store %arg16[%swap3A_912], %swap3A_915 {strides = array<i32>} : memref<32xi32, #tpu.memory_space<vmem>>, vector<16xi32>,
    %dma_start3A_916 = arith.constant 320 : i32
    %dma_start3A_917 = arith.constant 0 : i32
    %dma_start3A_918 = tpu.memref_slice %arg17[%dma_start3A_916, %dma_start3A_917] : memref<352x128xf32, #tpu.memory_space<vmem>> -> memref<32x128xf32, #tpu.memory_space<vmem>>
    %dma_start3A_919 = arith.constant 0 : i32
    %dma_start3A_920 = arith.constant 0 : i32
    %dma_start3A_921 = tpu.memref_slice %arg3[%dma_start3A_919, %dma_start3A_920] : memref<100000x128xf32, #tpu.memory_space<hbm>> -> memref<100000x128xf32, #tpu.memory_space<hbm>>
    tpu.enqueue_indirect_dma source(%dma_start3A_921 : memref<100000x128xf32, #tpu.memory_space<hbm>>) target(%dma_start3A_918 : memref<32x128xf32, #tpu.memory_space<vmem>>) offsets(%arg16 : memref<32xi32, #tpu.memory_space<vmem>>) semaphore(%arg28 : memref<!tpu.dma_semaphore, #tpu.memory_space<semaphore_mem>>)
    %dma_wait3A_922 = arith.constant 0 : i32
    %dma_wait3A_923 = arith.constant 0 : i32
    %dma_wait3A_924 = tpu.memref_slice %arg17[%dma_wait3A_922, %dma_wait3A_923] : memref<352x128xf32, #tpu.memory_space<vmem>> -> memref<32x128xf32, #tpu.memory_space<vmem>>
    %dma_wait3A_925 = arith.constant 0 : i32
    %dma_wait3A_926 = arith.constant 0 : i32
    %dma_wait3A_927 = tpu.memref_slice %arg3[%dma_wait3A_925, %dma_wait3A_926] : memref<100000x128xf32, #tpu.memory_space<hbm>> -> memref<100000x128xf32, #tpu.memory_space<hbm>>
    tpu.wait_indirect_dma semaphore(%arg18 : memref<!tpu.dma_semaphore, #tpu.memory_space<semaphore_mem>>) src(%dma_wait3A_927 : memref<100000x128xf32, #tpu.memory_space<hbm>>) dst(%dma_wait3A_924 : memref<32x128xf32, #tpu.memory_space<vmem>>)
    %mul3A_928 = arith.constant 352 : i32
    %mul3A_929 = arith.muli %add3A, %mul3A_928 : i32
    %add3A_930 = arith.constant 0 : i32
    %add3A_931 = arith.addi %mul3A_929, %add3A_930 : i32
    %dma_start3A_932 = arith.constant 0 : i32
    %dma_start3A_933 = arith.constant 0 : i32
    %dma_start3A_934 = tpu.memref_slice %arg17[%dma_start3A_932, %dma_start3A_933] : memref<352x128xf32, #tpu.memory_space<vmem>> -> memref<32x128xf32, #tpu.memory_space<vmem>>
    %dma_start3A_935 = arith.constant 0 : i32
    %dma_start3A_936 = tpu.memref_slice %arg4[%add3A_931, %dma_start3A_935] : memref<11264x128xf32, #tpu.memory_space<hbm>> -> memref<32x128xf32, #tpu.memory_space<hbm>>
    %dma_start3A_937 = arith.constant 0 : i32
    %dma_start3A_938 = tpu.memref_slice %arg4[%add3A_931, %dma_start3A_937] : memref<11264x128xf32, #tpu.memory_space<hbm>> -> memref<32x128xf32, #tpu.memory_space<hbm>>
    %dma_start3A_939 = arith.constant 0 : i32
    %dma_start3A_940 = arith.constant 0 : i32
    %dma_start3A_941 = tpu.memref_slice %arg17[%dma_start3A_939, %dma_start3A_940] : memref<352x128xf32, #tpu.memory_space<vmem>> -> memref<32x128xf32, #tpu.memory_space<vmem>>
    tpu.enqueue_dma source(%dma_start3A_941 : memref<32x128xf32, #tpu.memory_space<vmem>>) target(%dma_start3A_938 : memref<32x128xf32, #tpu.memory_space<hbm>>) target_semaphore(%arg29 : memref<!tpu.dma_semaphore, #tpu.memory_space<semaphore_mem>>)
    %dma_wait3A_942 = arith.constant 32 : i32
    %dma_wait3A_943 = arith.constant 0 : i32
    %dma_wait3A_944 = tpu.memref_slice %arg17[%dma_wait3A_942, %dma_wait3A_943] : memref<352x128xf32, #tpu.memory_space<vmem>> -> memref<32x128xf32, #tpu.memory_space<vmem>>
    %dma_wait3A_945 = arith.constant 0 : i32
    %dma_wait3A_946 = arith.constant 0 : i32
    %dma_wait3A_947 = tpu.memref_slice %arg3[%dma_wait3A_945, %dma_wait3A_946] : memref<100000x128xf32, #tpu.memory_space<hbm>> -> memref<100000x128xf32, #tpu.memory_space<hbm>>
    tpu.wait_indirect_dma semaphore(%arg19 : memref<!tpu.dma_semaphore, #tpu.memory_space<semaphore_mem>>) src(%dma_wait3A_947 : memref<100000x128xf32, #tpu.memory_space<hbm>>) dst(%dma_wait3A_944 : memref<32x128xf32, #tpu.memory_space<vmem>>)
    %mul3A_948 = arith.constant 352 : i32
    %mul3A_949 = arith.muli %add3A, %mul3A_948 : i32
    %add3A_950 = arith.constant 32 : i32
    %add3A_951 = arith.addi %mul3A_949, %add3A_950 : i32
    %dma_start3A_952 = arith.constant 32 : i32
    %dma_start3A_953 = arith.constant 0 : i32
    %dma_start3A_954 = tpu.memref_slice %arg17[%dma_start3A_952, %dma_start3A_953] : memref<352x128xf32, #tpu.memory_space<vmem>> -> memref<32x128xf32, #tpu.memory_space<vmem>>
    %dma_start3A_955 = arith.constant 0 : i32
    %dma_start3A_956 = tpu.memref_slice %arg4[%add3A_951, %dma_start3A_955] : memref<11264x128xf32, #tpu.memory_space<hbm>> -> memref<32x128xf32, #tpu.memory_space<hbm>>
    %dma_start3A_957 = arith.constant 0 : i32
    %dma_start3A_958 = tpu.memref_slice %arg4[%add3A_951, %dma_start3A_957] : memref<11264x128xf32, #tpu.memory_space<hbm>> -> memref<32x128xf32, #tpu.memory_space<hbm>>
    %dma_start3A_959 = arith.constant 32 : i32
    %dma_start3A_960 = arith.constant 0 : i32
    %dma_start3A_961 = tpu.memref_slice %arg17[%dma_start3A_959, %dma_start3A_960] : memref<352x128xf32, #tpu.memory_space<vmem>> -> memref<32x128xf32, #tpu.memory_space<vmem>>
    tpu.enqueue_dma source(%dma_start3A_961 : memref<32x128xf32, #tpu.memory_space<vmem>>) target(%dma_start3A_958 : memref<32x128xf32, #tpu.memory_space<hbm>>) target_semaphore(%arg29 : memref<!tpu.dma_semaphore, #tpu.memory_space<semaphore_mem>>)
    %dma_wait3A_962 = arith.constant 64 : i32
    %dma_wait3A_963 = arith.constant 0 : i32
    %dma_wait3A_964 = tpu.memref_slice %arg17[%dma_wait3A_962, %dma_wait3A_963] : memref<352x128xf32, #tpu.memory_space<vmem>> -> memref<32x128xf32, #tpu.memory_space<vmem>>
    %dma_wait3A_965 = arith.constant 0 : i32
    %dma_wait3A_966 = arith.constant 0 : i32
    %dma_wait3A_967 = tpu.memref_slice %arg3[%dma_wait3A_965, %dma_wait3A_966] : memref<100000x128xf32, #tpu.memory_space<hbm>> -> memref<100000x128xf32, #tpu.memory_space<hbm>>
    tpu.wait_indirect_dma semaphore(%arg20 : memref<!tpu.dma_semaphore, #tpu.memory_space<semaphore_mem>>) src(%dma_wait3A_967 : memref<100000x128xf32, #tpu.memory_space<hbm>>) dst(%dma_wait3A_964 : memref<32x128xf32, #tpu.memory_space<vmem>>)
    %mul3A_968 = arith.constant 352 : i32
    %mul3A_969 = arith.muli %add3A, %mul3A_968 : i32
    %add3A_970 = arith.constant 64 : i32
    %add3A_971 = arith.addi %mul3A_969, %add3A_970 : i32
    %dma_start3A_972 = arith.constant 64 : i32
    %dma_start3A_973 = arith.constant 0 : i32
    %dma_start3A_974 = tpu.memref_slice %arg17[%dma_start3A_972, %dma_start3A_973] : memref<352x128xf32, #tpu.memory_space<vmem>> -> memref<32x128xf32, #tpu.memory_space<vmem>>
    %dma_start3A_975 = arith.constant 0 : i32
    %dma_start3A_976 = tpu.memref_slice %arg4[%add3A_971, %dma_start3A_975] : memref<11264x128xf32, #tpu.memory_space<hbm>> -> memref<32x128xf32, #tpu.memory_space<hbm>>
    %dma_start3A_977 = arith.constant 0 : i32
    %dma_start3A_978 = tpu.memref_slice %arg4[%add3A_971, %dma_start3A_977] : memref<11264x128xf32, #tpu.memory_space<hbm>> -> memref<32x128xf32, #tpu.memory_space<hbm>>
    %dma_start3A_979 = arith.constant 64 : i32
    %dma_start3A_980 = arith.constant 0 : i32
    %dma_start3A_981 = tpu.memref_slice %arg17[%dma_start3A_979, %dma_start3A_980] : memref<352x128xf32, #tpu.memory_space<vmem>> -> memref<32x128xf32, #tpu.memory_space<vmem>>
    tpu.enqueue_dma source(%dma_start3A_981 : memref<32x128xf32, #tpu.memory_space<vmem>>) target(%dma_start3A_978 : memref<32x128xf32, #tpu.memory_space<hbm>>) target_semaphore(%arg29 : memref<!tpu.dma_semaphore, #tpu.memory_space<semaphore_mem>>)
    %dma_wait3A_982 = arith.constant 96 : i32
    %dma_wait3A_983 = arith.constant 0 : i32
    %dma_wait3A_984 = tpu.memref_slice %arg17[%dma_wait3A_982, %dma_wait3A_983] : memref<352x128xf32, #tpu.memory_space<vmem>> -> memref<32x128xf32, #tpu.memory_space<vmem>>
    %dma_wait3A_985 = arith.constant 0 : i32
    %dma_wait3A_986 = arith.constant 0 : i32
    %dma_wait3A_987 = tpu.memref_slice %arg3[%dma_wait3A_985, %dma_wait3A_986] : memref<100000x128xf32, #tpu.memory_space<hbm>> -> memref<100000x128xf32, #tpu.memory_space<hbm>>
    tpu.wait_indirect_dma semaphore(%arg21 : memref<!tpu.dma_semaphore, #tpu.memory_space<semaphore_mem>>) src(%dma_wait3A_987 : memref<100000x128xf32, #tpu.memory_space<hbm>>) dst(%dma_wait3A_984 : memref<32x128xf32, #tpu.memory_space<vmem>>)
    %mul3A_988 = arith.constant 352 : i32
    %mul3A_989 = arith.muli %add3A, %mul3A_988 : i32
    %add3A_990 = arith.constant 96 : i32
    %add3A_991 = arith.addi %mul3A_989, %add3A_990 : i32
    %dma_start3A_992 = arith.constant 96 : i32
    %dma_start3A_993 = arith.constant 0 : i32
    %dma_start3A_994 = tpu.memref_slice %arg17[%dma_start3A_992, %dma_start3A_993] : memref<352x128xf32, #tpu.memory_space<vmem>> -> memref<32x128xf32, #tpu.memory_space<vmem>>
    %dma_start3A_995 = arith.constant 0 : i32
    %dma_start3A_996 = tpu.memref_slice %arg4[%add3A_991, %dma_start3A_995] : memref<11264x128xf32, #tpu.memory_space<hbm>> -> memref<32x128xf32, #tpu.memory_space<hbm>>
    %dma_start3A_997 = arith.constant 0 : i32
    %dma_start3A_998 = tpu.memref_slice %arg4[%add3A_991, %dma_start3A_997] : memref<11264x128xf32, #tpu.memory_space<hbm>> -> memref<32x128xf32, #tpu.memory_space<hbm>>
    %dma_start3A_999 = arith.constant 96 : i32
    %dma_start3A_1000 = arith.constant 0 : i32
    %dma_start3A_1001 = tpu.memref_slice %arg17[%dma_start3A_999, %dma_start3A_1000] : memref<352x128xf32, #tpu.memory_space<vmem>> -> memref<32x128xf32, #tpu.memory_space<vmem>>
    tpu.enqueue_dma source(%dma_start3A_1001 : memref<32x128xf32, #tpu.memory_space<vmem>>) target(%dma_start3A_998 : memref<32x128xf32, #tpu.memory_space<hbm>>) target_semaphore(%arg29 : memref<!tpu.dma_semaphore, #tpu.memory_space<semaphore_mem>>)
    %dma_wait3A_1002 = arith.constant 128 : i32
    %dma_wait3A_1003 = arith.constant 0 : i32
    %dma_wait3A_1004 = tpu.memref_slice %arg17[%dma_wait3A_1002, %dma_wait3A_1003] : memref<352x128xf32, #tpu.memory_space<vmem>> -> memref<32x128xf32, #tpu.memory_space<vmem>>
    %dma_wait3A_1005 = arith.constant 0 : i32
    %dma_wait3A_1006 = arith.constant 0 : i32
    %dma_wait3A_1007 = tpu.memref_slice %arg3[%dma_wait3A_1005, %dma_wait3A_1006] : memref<100000x128xf32, #tpu.memory_space<hbm>> -> memref<100000x128xf32, #tpu.memory_space<hbm>>
    tpu.wait_indirect_dma semaphore(%arg22 : memref<!tpu.dma_semaphore, #tpu.memory_space<semaphore_mem>>) src(%dma_wait3A_1007 : memref<100000x128xf32, #tpu.memory_space<hbm>>) dst(%dma_wait3A_1004 : memref<32x128xf32, #tpu.memory_space<vmem>>)
    %mul3A_1008 = arith.constant 352 : i32
    %mul3A_1009 = arith.muli %add3A, %mul3A_1008 : i32
    %add3A_1010 = arith.constant 128 : i32
    %add3A_1011 = arith.addi %mul3A_1009, %add3A_1010 : i32
    %dma_start3A_1012 = arith.constant 128 : i32
    %dma_start3A_1013 = arith.constant 0 : i32
    %dma_start3A_1014 = tpu.memref_slice %arg17[%dma_start3A_1012, %dma_start3A_1013] : memref<352x128xf32, #tpu.memory_space<vmem>> -> memref<32x128xf32, #tpu.memory_space<vmem>>
    %dma_start3A_1015 = arith.constant 0 : i32
    %dma_start3A_1016 = tpu.memref_slice %arg4[%add3A_1011, %dma_start3A_1015] : memref<11264x128xf32, #tpu.memory_space<hbm>> -> memref<32x128xf32, #tpu.memory_space<hbm>>
    %dma_start3A_1017 = arith.constant 0 : i32
    %dma_start3A_1018 = tpu.memref_slice %arg4[%add3A_1011, %dma_start3A_1017] : memref<11264x128xf32, #tpu.memory_space<hbm>> -> memref<32x128xf32, #tpu.memory_space<hbm>>
    %dma_start3A_1019 = arith.constant 128 : i32
    %dma_start3A_1020 = arith.constant 0 : i32
    %dma_start3A_1021 = tpu.memref_slice %arg17[%dma_start3A_1019, %dma_start3A_1020] : memref<352x128xf32, #tpu.memory_space<vmem>> -> memref<32x128xf32, #tpu.memory_space<vmem>>
    tpu.enqueue_dma source(%dma_start3A_1021 : memref<32x128xf32, #tpu.memory_space<vmem>>) target(%dma_start3A_1018 : memref<32x128xf32, #tpu.memory_space<hbm>>) target_semaphore(%arg29 : memref<!tpu.dma_semaphore, #tpu.memory_space<semaphore_mem>>)
    %dma_wait3A_1022 = arith.constant 160 : i32
    %dma_wait3A_1023 = arith.constant 0 : i32
    %dma_wait3A_1024 = tpu.memref_slice %arg17[%dma_wait3A_1022, %dma_wait3A_1023] : memref<352x128xf32, #tpu.memory_space<vmem>> -> memref<32x128xf32, #tpu.memory_space<vmem>>
    %dma_wait3A_1025 = arith.constant 0 : i32
    %dma_wait3A_1026 = arith.constant 0 : i32
    %dma_wait3A_1027 = tpu.memref_slice %arg3[%dma_wait3A_1025, %dma_wait3A_1026] : memref<100000x128xf32, #tpu.memory_space<hbm>> -> memref<100000x128xf32, #tpu.memory_space<hbm>>
    tpu.wait_indirect_dma semaphore(%arg23 : memref<!tpu.dma_semaphore, #tpu.memory_space<semaphore_mem>>) src(%dma_wait3A_1027 : memref<100000x128xf32, #tpu.memory_space<hbm>>) dst(%dma_wait3A_1024 : memref<32x128xf32, #tpu.memory_space<vmem>>)
    %mul3A_1028 = arith.constant 352 : i32
    %mul3A_1029 = arith.muli %add3A, %mul3A_1028 : i32
    %add3A_1030 = arith.constant 160 : i32
    %add3A_1031 = arith.addi %mul3A_1029, %add3A_1030 : i32
    %dma_start3A_1032 = arith.constant 160 : i32
    %dma_start3A_1033 = arith.constant 0 : i32
    %dma_start3A_1034 = tpu.memref_slice %arg17[%dma_start3A_1032, %dma_start3A_1033] : memref<352x128xf32, #tpu.memory_space<vmem>> -> memref<32x128xf32, #tpu.memory_space<vmem>>
    %dma_start3A_1035 = arith.constant 0 : i32
    %dma_start3A_1036 = tpu.memref_slice %arg4[%add3A_1031, %dma_start3A_1035] : memref<11264x128xf32, #tpu.memory_space<hbm>> -> memref<32x128xf32, #tpu.memory_space<hbm>>
    %dma_start3A_1037 = arith.constant 0 : i32
    %dma_start3A_1038 = tpu.memref_slice %arg4[%add3A_1031, %dma_start3A_1037] : memref<11264x128xf32, #tpu.memory_space<hbm>> -> memref<32x128xf32, #tpu.memory_space<hbm>>
    %dma_start3A_1039 = arith.constant 160 : i32
    %dma_start3A_1040 = arith.constant 0 : i32
    %dma_start3A_1041 = tpu.memref_slice %arg17[%dma_start3A_1039, %dma_start3A_1040] : memref<352x128xf32, #tpu.memory_space<vmem>> -> memref<32x128xf32, #tpu.memory_space<vmem>>
    tpu.enqueue_dma source(%dma_start3A_1041 : memref<32x128xf32, #tpu.memory_space<vmem>>) target(%dma_start3A_1038 : memref<32x128xf32, #tpu.memory_space<hbm>>) target_semaphore(%arg29 : memref<!tpu.dma_semaphore, #tpu.memory_space<semaphore_mem>>)
    %dma_wait3A_1042 = arith.constant 192 : i32
    %dma_wait3A_1043 = arith.constant 0 : i32
    %dma_wait3A_1044 = tpu.memref_slice %arg17[%dma_wait3A_1042, %dma_wait3A_1043] : memref<352x128xf32, #tpu.memory_space<vmem>> -> memref<32x128xf32, #tpu.memory_space<vmem>>
    %dma_wait3A_1045 = arith.constant 0 : i32
    %dma_wait3A_1046 = arith.constant 0 : i32
    %dma_wait3A_1047 = tpu.memref_slice %arg3[%dma_wait3A_1045, %dma_wait3A_1046] : memref<100000x128xf32, #tpu.memory_space<hbm>> -> memref<100000x128xf32, #tpu.memory_space<hbm>>
    tpu.wait_indirect_dma semaphore(%arg24 : memref<!tpu.dma_semaphore, #tpu.memory_space<semaphore_mem>>) src(%dma_wait3A_1047 : memref<100000x128xf32, #tpu.memory_space<hbm>>) dst(%dma_wait3A_1044 : memref<32x128xf32, #tpu.memory_space<vmem>>)
    %mul3A_1048 = arith.constant 352 : i32
    %mul3A_1049 = arith.muli %add3A, %mul3A_1048 : i32
    %add3A_1050 = arith.constant 192 : i32
    %add3A_1051 = arith.addi %mul3A_1049, %add3A_1050 : i32
    %dma_start3A_1052 = arith.constant 192 : i32
    %dma_start3A_1053 = arith.constant 0 : i32
    %dma_start3A_1054 = tpu.memref_slice %arg17[%dma_start3A_1052, %dma_start3A_1053] : memref<352x128xf32, #tpu.memory_space<vmem>> -> memref<32x128xf32, #tpu.memory_space<vmem>>
    %dma_start3A_1055 = arith.constant 0 : i32
    %dma_start3A_1056 = tpu.memref_slice %arg4[%add3A_1051, %dma_start3A_1055] : memref<11264x128xf32, #tpu.memory_space<hbm>> -> memref<32x128xf32, #tpu.memory_space<hbm>>
    %dma_start3A_1057 = arith.constant 0 : i32
    %dma_start3A_1058 = tpu.memref_slice %arg4[%add3A_1051, %dma_start3A_1057] : memref<11264x128xf32, #tpu.memory_space<hbm>> -> memref<32x128xf32, #tpu.memory_space<hbm>>
    %dma_start3A_1059 = arith.constant 192 : i32
    %dma_start3A_1060 = arith.constant 0 : i32
    %dma_start3A_1061 = tpu.memref_slice %arg17[%dma_start3A_1059, %dma_start3A_1060] : memref<352x128xf32, #tpu.memory_space<vmem>> -> memref<32x128xf32, #tpu.memory_space<vmem>>
    tpu.enqueue_dma source(%dma_start3A_1061 : memref<32x128xf32, #tpu.memory_space<vmem>>) target(%dma_start3A_1058 : memref<32x128xf32, #tpu.memory_space<hbm>>) target_semaphore(%arg29 : memref<!tpu.dma_semaphore, #tpu.memory_space<semaphore_mem>>)
    %dma_wait3A_1062 = arith.constant 224 : i32
    %dma_wait3A_1063 = arith.constant 0 : i32
    %dma_wait3A_1064 = tpu.memref_slice %arg17[%dma_wait3A_1062, %dma_wait3A_1063] : memref<352x128xf32, #tpu.memory_space<vmem>> -> memref<32x128xf32, #tpu.memory_space<vmem>>
    %dma_wait3A_1065 = arith.constant 0 : i32
    %dma_wait3A_1066 = arith.constant 0 : i32
    %dma_wait3A_1067 = tpu.memref_slice %arg3[%dma_wait3A_1065, %dma_wait3A_1066] : memref<100000x128xf32, #tpu.memory_space<hbm>> -> memref<100000x128xf32, #tpu.memory_space<hbm>>
    tpu.wait_indirect_dma semaphore(%arg25 : memref<!tpu.dma_semaphore, #tpu.memory_space<semaphore_mem>>) src(%dma_wait3A_1067 : memref<100000x128xf32, #tpu.memory_space<hbm>>) dst(%dma_wait3A_1064 : memref<32x128xf32, #tpu.memory_space<vmem>>)
    %mul3A_1068 = arith.constant 352 : i32
    %mul3A_1069 = arith.muli %add3A, %mul3A_1068 : i32
    %add3A_1070 = arith.constant 224 : i32
    %add3A_1071 = arith.addi %mul3A_1069, %add3A_1070 : i32
    %dma_start3A_1072 = arith.constant 224 : i32
    %dma_start3A_1073 = arith.constant 0 : i32
    %dma_start3A_1074 = tpu.memref_slice %arg17[%dma_start3A_1072, %dma_start3A_1073] : memref<352x128xf32, #tpu.memory_space<vmem>> -> memref<32x128xf32, #tpu.memory_space<vmem>>
    %dma_start3A_1075 = arith.constant 0 : i32
    %dma_start3A_1076 = tpu.memref_slice %arg4[%add3A_1071, %dma_start3A_1075] : memref<11264x128xf32, #tpu.memory_space<hbm>> -> memref<32x128xf32, #tpu.memory_space<hbm>>
    %dma_start3A_1077 = arith.constant 0 : i32
    %dma_start3A_1078 = tpu.memref_slice %arg4[%add3A_1071, %dma_start3A_1077] : memref<11264x128xf32, #tpu.memory_space<hbm>> -> memref<32x128xf32, #tpu.memory_space<hbm>>
    %dma_start3A_1079 = arith.constant 224 : i32
    %dma_start3A_1080 = arith.constant 0 : i32
    %dma_start3A_1081 = tpu.memref_slice %arg17[%dma_start3A_1079, %dma_start3A_1080] : memref<352x128xf32, #tpu.memory_space<vmem>> -> memref<32x128xf32, #tpu.memory_space<vmem>>
    tpu.enqueue_dma source(%dma_start3A_1081 : memref<32x128xf32, #tpu.memory_space<vmem>>) target(%dma_start3A_1078 : memref<32x128xf32, #tpu.memory_space<hbm>>) target_semaphore(%arg29 : memref<!tpu.dma_semaphore, #tpu.memory_space<semaphore_mem>>)
    %dma_wait3A_1082 = arith.constant 256 : i32
    %dma_wait3A_1083 = arith.constant 0 : i32
    %dma_wait3A_1084 = tpu.memref_slice %arg17[%dma_wait3A_1082, %dma_wait3A_1083] : memref<352x128xf32, #tpu.memory_space<vmem>> -> memref<32x128xf32, #tpu.memory_space<vmem>>
    %dma_wait3A_1085 = arith.constant 0 : i32
    %dma_wait3A_1086 = arith.constant 0 : i32
    %dma_wait3A_1087 = tpu.memref_slice %arg3[%dma_wait3A_1085, %dma_wait3A_1086] : memref<100000x128xf32, #tpu.memory_space<hbm>> -> memref<100000x128xf32, #tpu.memory_space<hbm>>
    tpu.wait_indirect_dma semaphore(%arg26 : memref<!tpu.dma_semaphore, #tpu.memory_space<semaphore_mem>>) src(%dma_wait3A_1087 : memref<100000x128xf32, #tpu.memory_space<hbm>>) dst(%dma_wait3A_1084 : memref<32x128xf32, #tpu.memory_space<vmem>>)
    %mul3A_1088 = arith.constant 352 : i32
    %mul3A_1089 = arith.muli %add3A, %mul3A_1088 : i32
    %add3A_1090 = arith.constant 256 : i32
    %add3A_1091 = arith.addi %mul3A_1089, %add3A_1090 : i32
    %dma_start3A_1092 = arith.constant 256 : i32
    %dma_start3A_1093 = arith.constant 0 : i32
    %dma_start3A_1094 = tpu.memref_slice %arg17[%dma_start3A_1092, %dma_start3A_1093] : memref<352x128xf32, #tpu.memory_space<vmem>> -> memref<32x128xf32, #tpu.memory_space<vmem>>
    %dma_start3A_1095 = arith.constant 0 : i32
    %dma_start3A_1096 = tpu.memref_slice %arg4[%add3A_1091, %dma_start3A_1095] : memref<11264x128xf32, #tpu.memory_space<hbm>> -> memref<32x128xf32, #tpu.memory_space<hbm>>
    %dma_start3A_1097 = arith.constant 0 : i32
    %dma_start3A_1098 = tpu.memref_slice %arg4[%add3A_1091, %dma_start3A_1097] : memref<11264x128xf32, #tpu.memory_space<hbm>> -> memref<32x128xf32, #tpu.memory_space<hbm>>
    %dma_start3A_1099 = arith.constant 256 : i32
    %dma_start3A_1100 = arith.constant 0 : i32
    %dma_start3A_1101 = tpu.memref_slice %arg17[%dma_start3A_1099, %dma_start3A_1100] : memref<352x128xf32, #tpu.memory_space<vmem>> -> memref<32x128xf32, #tpu.memory_space<vmem>>
    tpu.enqueue_dma source(%dma_start3A_1101 : memref<32x128xf32, #tpu.memory_space<vmem>>) target(%dma_start3A_1098 : memref<32x128xf32, #tpu.memory_space<hbm>>) target_semaphore(%arg29 : memref<!tpu.dma_semaphore, #tpu.memory_space<semaphore_mem>>)
    %dma_wait3A_1102 = arith.constant 288 : i32
    %dma_wait3A_1103 = arith.constant 0 : i32
    %dma_wait3A_1104 = tpu.memref_slice %arg17[%dma_wait3A_1102, %dma_wait3A_1103] : memref<352x128xf32, #tpu.memory_space<vmem>> -> memref<32x128xf32, #tpu.memory_space<vmem>>
    %dma_wait3A_1105 = arith.constant 0 : i32
    %dma_wait3A_1106 = arith.constant 0 : i32
    %dma_wait3A_1107 = tpu.memref_slice %arg3[%dma_wait3A_1105, %dma_wait3A_1106] : memref<100000x128xf32, #tpu.memory_space<hbm>> -> memref<100000x128xf32, #tpu.memory_space<hbm>>
    tpu.wait_indirect_dma semaphore(%arg27 : memref<!tpu.dma_semaphore, #tpu.memory_space<semaphore_mem>>) src(%dma_wait3A_1107 : memref<100000x128xf32, #tpu.memory_space<hbm>>) dst(%dma_wait3A_1104 : memref<32x128xf32, #tpu.memory_space<vmem>>)
    %mul3A_1108 = arith.constant 352 : i32
    %mul3A_1109 = arith.muli %add3A, %mul3A_1108 : i32
    %add3A_1110 = arith.constant 288 : i32
    %add3A_1111 = arith.addi %mul3A_1109, %add3A_1110 : i32
    %dma_start3A_1112 = arith.constant 288 : i32
    %dma_start3A_1113 = arith.constant 0 : i32
    %dma_start3A_1114 = tpu.memref_slice %arg17[%dma_start3A_1112, %dma_start3A_1113] : memref<352x128xf32, #tpu.memory_space<vmem>> -> memref<32x128xf32, #tpu.memory_space<vmem>>
    %dma_start3A_1115 = arith.constant 0 : i32
    %dma_start3A_1116 = tpu.memref_slice %arg4[%add3A_1111, %dma_start3A_1115] : memref<11264x128xf32, #tpu.memory_space<hbm>> -> memref<32x128xf32, #tpu.memory_space<hbm>>
    %dma_start3A_1117 = arith.constant 0 : i32
    %dma_start3A_1118 = tpu.memref_slice %arg4[%add3A_1111, %dma_start3A_1117] : memref<11264x128xf32, #tpu.memory_space<hbm>> -> memref<32x128xf32, #tpu.memory_space<hbm>>
    %dma_start3A_1119 = arith.constant 288 : i32
    %dma_start3A_1120 = arith.constant 0 : i32
    %dma_start3A_1121 = tpu.memref_slice %arg17[%dma_start3A_1119, %dma_start3A_1120] : memref<352x128xf32, #tpu.memory_space<vmem>> -> memref<32x128xf32, #tpu.memory_space<vmem>>
    tpu.enqueue_dma source(%dma_start3A_1121 : memref<32x128xf32, #tpu.memory_space<vmem>>) target(%dma_start3A_1118 : memref<32x128xf32, #tpu.memory_space<hbm>>) target_semaphore(%arg29 : memref<!tpu.dma_semaphore, #tpu.memory_space<semaphore_mem>>)
    %dma_wait3A_1122 = arith.constant 320 : i32
    %dma_wait3A_1123 = arith.constant 0 : i32
    %dma_wait3A_1124 = tpu.memref_slice %arg17[%dma_wait3A_1122, %dma_wait3A_1123] : memref<352x128xf32, #tpu.memory_space<vmem>> -> memref<32x128xf32, #tpu.memory_space<vmem>>
    %dma_wait3A_1125 = arith.constant 0 : i32
    %dma_wait3A_1126 = arith.constant 0 : i32
    %dma_wait3A_1127 = tpu.memref_slice %arg3[%dma_wait3A_1125, %dma_wait3A_1126] : memref<100000x128xf32, #tpu.memory_space<hbm>> -> memref<100000x128xf32, #tpu.memory_space<hbm>>
    tpu.wait_indirect_dma semaphore(%arg28 : memref<!tpu.dma_semaphore, #tpu.memory_space<semaphore_mem>>) src(%dma_wait3A_1127 : memref<100000x128xf32, #tpu.memory_space<hbm>>) dst(%dma_wait3A_1124 : memref<32x128xf32, #tpu.memory_space<vmem>>)
    %mul3A_1128 = arith.constant 352 : i32
    %mul3A_1129 = arith.muli %add3A, %mul3A_1128 : i32
    %add3A_1130 = arith.constant 320 : i32
    %add3A_1131 = arith.addi %mul3A_1129, %add3A_1130 : i32
    %dma_start3A_1132 = arith.constant 320 : i32
    %dma_start3A_1133 = arith.constant 0 : i32
    %dma_start3A_1134 = tpu.memref_slice %arg17[%dma_start3A_1132, %dma_start3A_1133] : memref<352x128xf32, #tpu.memory_space<vmem>> -> memref<32x128xf32, #tpu.memory_space<vmem>>
    %dma_start3A_1135 = arith.constant 0 : i32
    %dma_start3A_1136 = tpu.memref_slice %arg4[%add3A_1131, %dma_start3A_1135] : memref<11264x128xf32, #tpu.memory_space<hbm>> -> memref<32x128xf32, #tpu.memory_space<hbm>>
    %dma_start3A_1137 = arith.constant 0 : i32
    %dma_start3A_1138 = tpu.memref_slice %arg4[%add3A_1131, %dma_start3A_1137] : memref<11264x128xf32, #tpu.memory_space<hbm>> -> memref<32x128xf32, #tpu.memory_space<hbm>>
    %dma_start3A_1139 = arith.constant 320 : i32
    %dma_start3A_1140 = arith.constant 0 : i32
    %dma_start3A_1141 = tpu.memref_slice %arg17[%dma_start3A_1139, %dma_start3A_1140] : memref<352x128xf32, #tpu.memory_space<vmem>> -> memref<32x128xf32, #tpu.memory_space<vmem>>
    tpu.enqueue_dma source(%dma_start3A_1141 : memref<32x128xf32, #tpu.memory_space<vmem>>) target(%dma_start3A_1138 : memref<32x128xf32, #tpu.memory_space<hbm>>) target_semaphore(%arg29 : memref<!tpu.dma_semaphore, #tpu.memory_space<semaphore_mem>>)
    %dma_wait3A_1142 = arith.constant 0 : i32
    %dma_wait3A_1143 = arith.constant 0 : i32
    %dma_wait3A_1144 = tpu.memref_slice %arg17[%dma_wait3A_1142, %dma_wait3A_1143] : memref<352x128xf32, #tpu.memory_space<vmem>> -> memref<32x128xf32, #tpu.memory_space<vmem>>
    %dma_wait3A_1145 = arith.constant 0 : i32
    %dma_wait3A_1146 = tpu.memref_slice %arg4[%add3A_931, %dma_wait3A_1145] : memref<11264x128xf32, #tpu.memory_space<hbm>> -> memref<32x128xf32, #tpu.memory_space<hbm>>
    %dma_wait3A_1147 = arith.constant 0 : i32
    %dma_wait3A_1148 = tpu.memref_slice %arg4[%add3A_931, %dma_wait3A_1147] : memref<11264x128xf32, #tpu.memory_space<hbm>> -> memref<32x128xf32, #tpu.memory_space<hbm>>
    %dma_wait3A_1149 = arith.constant 0 : i32
    %dma_wait3A_1150 = arith.constant 0 : i32
    %dma_wait3A_1151 = tpu.memref_slice %arg17[%dma_wait3A_1149, %dma_wait3A_1150] : memref<352x128xf32, #tpu.memory_space<vmem>> -> memref<32x128xf32, #tpu.memory_space<vmem>>
    tpu.wait_dma2 semaphore(%arg29 : memref<!tpu.dma_semaphore, #tpu.memory_space<semaphore_mem>>) src(%dma_wait3A_1151 : memref<32x128xf32, #tpu.memory_space<vmem>>) dst(%dma_wait3A_1148 : memref<32x128xf32, #tpu.memory_space<hbm>>)
    %dma_wait3A_1152 = arith.constant 32 : i32
    %dma_wait3A_1153 = arith.constant 0 : i32
    %dma_wait3A_1154 = tpu.memref_slice %arg17[%dma_wait3A_1152, %dma_wait3A_1153] : memref<352x128xf32, #tpu.memory_space<vmem>> -> memref<32x128xf32, #tpu.memory_space<vmem>>
    %dma_wait3A_1155 = arith.constant 0 : i32
    %dma_wait3A_1156 = tpu.memref_slice %arg4[%add3A_951, %dma_wait3A_1155] : memref<11264x128xf32, #tpu.memory_space<hbm>> -> memref<32x128xf32, #tpu.memory_space<hbm>>
    %dma_wait3A_1157 = arith.constant 0 : i32
    %dma_wait3A_1158 = tpu.memref_slice %arg4[%add3A_951, %dma_wait3A_1157] : memref<11264x128xf32, #tpu.memory_space<hbm>> -> memref<32x128xf32, #tpu.memory_space<hbm>>
    %dma_wait3A_1159 = arith.constant 32 : i32
    %dma_wait3A_1160 = arith.constant 0 : i32
    %dma_wait3A_1161 = tpu.memref_slice %arg17[%dma_wait3A_1159, %dma_wait3A_1160] : memref<352x128xf32, #tpu.memory_space<vmem>> -> memref<32x128xf32, #tpu.memory_space<vmem>>
    tpu.wait_dma2 semaphore(%arg29 : memref<!tpu.dma_semaphore, #tpu.memory_space<semaphore_mem>>) src(%dma_wait3A_1161 : memref<32x128xf32, #tpu.memory_space<vmem>>) dst(%dma_wait3A_1158 : memref<32x128xf32, #tpu.memory_space<hbm>>)
    %dma_wait3A_1162 = arith.constant 64 : i32
    %dma_wait3A_1163 = arith.constant 0 : i32
    %dma_wait3A_1164 = tpu.memref_slice %arg17[%dma_wait3A_1162, %dma_wait3A_1163] : memref<352x128xf32, #tpu.memory_space<vmem>> -> memref<32x128xf32, #tpu.memory_space<vmem>>
    %dma_wait3A_1165 = arith.constant 0 : i32
    %dma_wait3A_1166 = tpu.memref_slice %arg4[%add3A_971, %dma_wait3A_1165] : memref<11264x128xf32, #tpu.memory_space<hbm>> -> memref<32x128xf32, #tpu.memory_space<hbm>>
    %dma_wait3A_1167 = arith.constant 0 : i32
    %dma_wait3A_1168 = tpu.memref_slice %arg4[%add3A_971, %dma_wait3A_1167] : memref<11264x128xf32, #tpu.memory_space<hbm>> -> memref<32x128xf32, #tpu.memory_space<hbm>>
    %dma_wait3A_1169 = arith.constant 64 : i32
    %dma_wait3A_1170 = arith.constant 0 : i32
    %dma_wait3A_1171 = tpu.memref_slice %arg17[%dma_wait3A_1169, %dma_wait3A_1170] : memref<352x128xf32, #tpu.memory_space<vmem>> -> memref<32x128xf32, #tpu.memory_space<vmem>>
    tpu.wait_dma2 semaphore(%arg29 : memref<!tpu.dma_semaphore, #tpu.memory_space<semaphore_mem>>) src(%dma_wait3A_1171 : memref<32x128xf32, #tpu.memory_space<vmem>>) dst(%dma_wait3A_1168 : memref<32x128xf32, #tpu.memory_space<hbm>>)
    %dma_wait3A_1172 = arith.constant 96 : i32
    %dma_wait3A_1173 = arith.constant 0 : i32
    %dma_wait3A_1174 = tpu.memref_slice %arg17[%dma_wait3A_1172, %dma_wait3A_1173] : memref<352x128xf32, #tpu.memory_space<vmem>> -> memref<32x128xf32, #tpu.memory_space<vmem>>
    %dma_wait3A_1175 = arith.constant 0 : i32
    %dma_wait3A_1176 = tpu.memref_slice %arg4[%add3A_991, %dma_wait3A_1175] : memref<11264x128xf32, #tpu.memory_space<hbm>> -> memref<32x128xf32, #tpu.memory_space<hbm>>
    %dma_wait3A_1177 = arith.constant 0 : i32
    %dma_wait3A_1178 = tpu.memref_slice %arg4[%add3A_991, %dma_wait3A_1177] : memref<11264x128xf32, #tpu.memory_space<hbm>> -> memref<32x128xf32, #tpu.memory_space<hbm>>
    %dma_wait3A_1179 = arith.constant 96 : i32
    %dma_wait3A_1180 = arith.constant 0 : i32
    %dma_wait3A_1181 = tpu.memref_slice %arg17[%dma_wait3A_1179, %dma_wait3A_1180] : memref<352x128xf32, #tpu.memory_space<vmem>> -> memref<32x128xf32, #tpu.memory_space<vmem>>
    tpu.wait_dma2 semaphore(%arg29 : memref<!tpu.dma_semaphore, #tpu.memory_space<semaphore_mem>>) src(%dma_wait3A_1181 : memref<32x128xf32, #tpu.memory_space<vmem>>) dst(%dma_wait3A_1178 : memref<32x128xf32, #tpu.memory_space<hbm>>)
    %dma_wait3A_1182 = arith.constant 128 : i32
    %dma_wait3A_1183 = arith.constant 0 : i32
    %dma_wait3A_1184 = tpu.memref_slice %arg17[%dma_wait3A_1182, %dma_wait3A_1183] : memref<352x128xf32, #tpu.memory_space<vmem>> -> memref<32x128xf32, #tpu.memory_space<vmem>>
    %dma_wait3A_1185 = arith.constant 0 : i32
    %dma_wait3A_1186 = tpu.memref_slice %arg4[%add3A_1011, %dma_wait3A_1185] : memref<11264x128xf32, #tpu.memory_space<hbm>> -> memref<32x128xf32, #tpu.memory_space<hbm>>
    %dma_wait3A_1187 = arith.constant 0 : i32
    %dma_wait3A_1188 = tpu.memref_slice %arg4[%add3A_1011, %dma_wait3A_1187] : memref<11264x128xf32, #tpu.memory_space<hbm>> -> memref<32x128xf32, #tpu.memory_space<hbm>>
    %dma_wait3A_1189 = arith.constant 128 : i32
    %dma_wait3A_1190 = arith.constant 0 : i32
    %dma_wait3A_1191 = tpu.memref_slice %arg17[%dma_wait3A_1189, %dma_wait3A_1190] : memref<352x128xf32, #tpu.memory_space<vmem>> -> memref<32x128xf32, #tpu.memory_space<vmem>>
    tpu.wait_dma2 semaphore(%arg29 : memref<!tpu.dma_semaphore, #tpu.memory_space<semaphore_mem>>) src(%dma_wait3A_1191 : memref<32x128xf32, #tpu.memory_space<vmem>>) dst(%dma_wait3A_1188 : memref<32x128xf32, #tpu.memory_space<hbm>>)
    %dma_wait3A_1192 = arith.constant 160 : i32
    %dma_wait3A_1193 = arith.constant 0 : i32
    %dma_wait3A_1194 = tpu.memref_slice %arg17[%dma_wait3A_1192, %dma_wait3A_1193] : memref<352x128xf32, #tpu.memory_space<vmem>> -> memref<32x128xf32, #tpu.memory_space<vmem>>
    %dma_wait3A_1195 = arith.constant 0 : i32
    %dma_wait3A_1196 = tpu.memref_slice %arg4[%add3A_1031, %dma_wait3A_1195] : memref<11264x128xf32, #tpu.memory_space<hbm>> -> memref<32x128xf32, #tpu.memory_space<hbm>>
    %dma_wait3A_1197 = arith.constant 0 : i32
    %dma_wait3A_1198 = tpu.memref_slice %arg4[%add3A_1031, %dma_wait3A_1197] : memref<11264x128xf32, #tpu.memory_space<hbm>> -> memref<32x128xf32, #tpu.memory_space<hbm>>
    %dma_wait3A_1199 = arith.constant 160 : i32
    %dma_wait3A_1200 = arith.constant 0 : i32
    %dma_wait3A_1201 = tpu.memref_slice %arg17[%dma_wait3A_1199, %dma_wait3A_1200] : memref<352x128xf32, #tpu.memory_space<vmem>> -> memref<32x128xf32, #tpu.memory_space<vmem>>
    tpu.wait_dma2 semaphore(%arg29 : memref<!tpu.dma_semaphore, #tpu.memory_space<semaphore_mem>>) src(%dma_wait3A_1201 : memref<32x128xf32, #tpu.memory_space<vmem>>) dst(%dma_wait3A_1198 : memref<32x128xf32, #tpu.memory_space<hbm>>)
    %dma_wait3A_1202 = arith.constant 192 : i32
    %dma_wait3A_1203 = arith.constant 0 : i32
    %dma_wait3A_1204 = tpu.memref_slice %arg17[%dma_wait3A_1202, %dma_wait3A_1203] : memref<352x128xf32, #tpu.memory_space<vmem>> -> memref<32x128xf32, #tpu.memory_space<vmem>>
    %dma_wait3A_1205 = arith.constant 0 : i32
    %dma_wait3A_1206 = tpu.memref_slice %arg4[%add3A_1051, %dma_wait3A_1205] : memref<11264x128xf32, #tpu.memory_space<hbm>> -> memref<32x128xf32, #tpu.memory_space<hbm>>
    %dma_wait3A_1207 = arith.constant 0 : i32
    %dma_wait3A_1208 = tpu.memref_slice %arg4[%add3A_1051, %dma_wait3A_1207] : memref<11264x128xf32, #tpu.memory_space<hbm>> -> memref<32x128xf32, #tpu.memory_space<hbm>>
    %dma_wait3A_1209 = arith.constant 192 : i32
    %dma_wait3A_1210 = arith.constant 0 : i32
    %dma_wait3A_1211 = tpu.memref_slice %arg17[%dma_wait3A_1209, %dma_wait3A_1210] : memref<352x128xf32, #tpu.memory_space<vmem>> -> memref<32x128xf32, #tpu.memory_space<vmem>>
    tpu.wait_dma2 semaphore(%arg29 : memref<!tpu.dma_semaphore, #tpu.memory_space<semaphore_mem>>) src(%dma_wait3A_1211 : memref<32x128xf32, #tpu.memory_space<vmem>>) dst(%dma_wait3A_1208 : memref<32x128xf32, #tpu.memory_space<hbm>>)
    %dma_wait3A_1212 = arith.constant 224 : i32
    %dma_wait3A_1213 = arith.constant 0 : i32
    %dma_wait3A_1214 = tpu.memref_slice %arg17[%dma_wait3A_1212, %dma_wait3A_1213] : memref<352x128xf32, #tpu.memory_space<vmem>> -> memref<32x128xf32, #tpu.memory_space<vmem>>
    %dma_wait3A_1215 = arith.constant 0 : i32
    %dma_wait3A_1216 = tpu.memref_slice %arg4[%add3A_1071, %dma_wait3A_1215] : memref<11264x128xf32, #tpu.memory_space<hbm>> -> memref<32x128xf32, #tpu.memory_space<hbm>>
    %dma_wait3A_1217 = arith.constant 0 : i32
    %dma_wait3A_1218 = tpu.memref_slice %arg4[%add3A_1071, %dma_wait3A_1217] : memref<11264x128xf32, #tpu.memory_space<hbm>> -> memref<32x128xf32, #tpu.memory_space<hbm>>
    %dma_wait3A_1219 = arith.constant 224 : i32
    %dma_wait3A_1220 = arith.constant 0 : i32
    %dma_wait3A_1221 = tpu.memref_slice %arg17[%dma_wait3A_1219, %dma_wait3A_1220] : memref<352x128xf32, #tpu.memory_space<vmem>> -> memref<32x128xf32, #tpu.memory_space<vmem>>
    tpu.wait_dma2 semaphore(%arg29 : memref<!tpu.dma_semaphore, #tpu.memory_space<semaphore_mem>>) src(%dma_wait3A_1221 : memref<32x128xf32, #tpu.memory_space<vmem>>) dst(%dma_wait3A_1218 : memref<32x128xf32, #tpu.memory_space<hbm>>)
    %dma_wait3A_1222 = arith.constant 256 : i32
    %dma_wait3A_1223 = arith.constant 0 : i32
    %dma_wait3A_1224 = tpu.memref_slice %arg17[%dma_wait3A_1222, %dma_wait3A_1223] : memref<352x128xf32, #tpu.memory_space<vmem>> -> memref<32x128xf32, #tpu.memory_space<vmem>>
    %dma_wait3A_1225 = arith.constant 0 : i32
    %dma_wait3A_1226 = tpu.memref_slice %arg4[%add3A_1091, %dma_wait3A_1225] : memref<11264x128xf32, #tpu.memory_space<hbm>> -> memref<32x128xf32, #tpu.memory_space<hbm>>
    %dma_wait3A_1227 = arith.constant 0 : i32
    %dma_wait3A_1228 = tpu.memref_slice %arg4[%add3A_1091, %dma_wait3A_1227] : memref<11264x128xf32, #tpu.memory_space<hbm>> -> memref<32x128xf32, #tpu.memory_space<hbm>>
    %dma_wait3A_1229 = arith.constant 256 : i32
    %dma_wait3A_1230 = arith.constant 0 : i32
    %dma_wait3A_1231 = tpu.memref_slice %arg17[%dma_wait3A_1229, %dma_wait3A_1230] : memref<352x128xf32, #tpu.memory_space<vmem>> -> memref<32x128xf32, #tpu.memory_space<vmem>>
    tpu.wait_dma2 semaphore(%arg29 : memref<!tpu.dma_semaphore, #tpu.memory_space<semaphore_mem>>) src(%dma_wait3A_1231 : memref<32x128xf32, #tpu.memory_space<vmem>>) dst(%dma_wait3A_1228 : memref<32x128xf32, #tpu.memory_space<hbm>>)
    %dma_wait3A_1232 = arith.constant 288 : i32
    %dma_wait3A_1233 = arith.constant 0 : i32
    %dma_wait3A_1234 = tpu.memref_slice %arg17[%dma_wait3A_1232, %dma_wait3A_1233] : memref<352x128xf32, #tpu.memory_space<vmem>> -> memref<32x128xf32, #tpu.memory_space<vmem>>
    %dma_wait3A_1235 = arith.constant 0 : i32
    %dma_wait3A_1236 = tpu.memref_slice %arg4[%add3A_1111, %dma_wait3A_1235] : memref<11264x128xf32, #tpu.memory_space<hbm>> -> memref<32x128xf32, #tpu.memory_space<hbm>>
    %dma_wait3A_1237 = arith.constant 0 : i32
    %dma_wait3A_1238 = tpu.memref_slice %arg4[%add3A_1111, %dma_wait3A_1237] : memref<11264x128xf32, #tpu.memory_space<hbm>> -> memref<32x128xf32, #tpu.memory_space<hbm>>
    %dma_wait3A_1239 = arith.constant 288 : i32
    %dma_wait3A_1240 = arith.constant 0 : i32
    %dma_wait3A_1241 = tpu.memref_slice %arg17[%dma_wait3A_1239, %dma_wait3A_1240] : memref<352x128xf32, #tpu.memory_space<vmem>> -> memref<32x128xf32, #tpu.memory_space<vmem>>
    tpu.wait_dma2 semaphore(%arg29 : memref<!tpu.dma_semaphore, #tpu.memory_space<semaphore_mem>>) src(%dma_wait3A_1241 : memref<32x128xf32, #tpu.memory_space<vmem>>) dst(%dma_wait3A_1238 : memref<32x128xf32, #tpu.memory_space<hbm>>)
    %dma_wait3A_1242 = arith.constant 320 : i32
    %dma_wait3A_1243 = arith.constant 0 : i32
    %dma_wait3A_1244 = tpu.memref_slice %arg17[%dma_wait3A_1242, %dma_wait3A_1243] : memref<352x128xf32, #tpu.memory_space<vmem>> -> memref<32x128xf32, #tpu.memory_space<vmem>>
    %dma_wait3A_1245 = arith.constant 0 : i32
    %dma_wait3A_1246 = tpu.memref_slice %arg4[%add3A_1131, %dma_wait3A_1245] : memref<11264x128xf32, #tpu.memory_space<hbm>> -> memref<32x128xf32, #tpu.memory_space<hbm>>
    %dma_wait3A_1247 = arith.constant 0 : i32
    %dma_wait3A_1248 = tpu.memref_slice %arg4[%add3A_1131, %dma_wait3A_1247] : memref<11264x128xf32, #tpu.memory_space<hbm>> -> memref<32x128xf32, #tpu.memory_space<hbm>>
    %dma_wait3A_1249 = arith.constant 320 : i32
    %dma_wait3A_1250 = arith.constant 0 : i32
    %dma_wait3A_1251 = tpu.memref_slice %arg17[%dma_wait3A_1249, %dma_wait3A_1250] : memref<352x128xf32, #tpu.memory_space<vmem>> -> memref<32x128xf32, #tpu.memory_space<vmem>>
    tpu.wait_dma2 semaphore(%arg29 : memref<!tpu.dma_semaphore, #tpu.memory_space<semaphore_mem>>) src(%dma_wait3A_1251 : memref<32x128xf32, #tpu.memory_space<vmem>>) dst(%dma_wait3A_1248 : memref<32x128xf32, #tpu.memory_space<hbm>>)
    return
  }
}

#map = affine_map<(d0, d1) -> (0)>
#map1 = affine_map<(d0, d1) -> (0, 0)>
module attributes {stable_mosaic.version = 14 : i64} {
  func.func @hash_gather_t0(%arg0: i32, %arg1: i32, %arg2: memref<16384xi32, #tpu.memory_space<hbm>>, %arg3: memref<100000x128xf32, #tpu.memory_space<hbm>>, %arg4: memref<5120x128xf32, #tpu.memory_space<hbm>>, %arg5: memref<168xi32, #tpu.memory_space<vmem>>, %arg6: memref<80xi32, #tpu.memory_space<vmem>>, %arg7: memref<80xi32, #tpu.memory_space<vmem>>, %arg8: memref<160x128xf32, #tpu.memory_space<vmem>>, %arg9: memref<!tpu.dma_semaphore, #tpu.memory_space<semaphore_mem>>, %arg10: memref<!tpu.dma_semaphore, #tpu.memory_space<semaphore_mem>>, %arg11: memref<!tpu.dma_semaphore, #tpu.memory_space<semaphore_mem>>) attributes {dimension_semantics = [#tpu.dimension_semantics<core_parallel>, #tpu.dimension_semantics<subcore_parallel>], iteration_bounds = array<i64: 2, 16>, scalar_prefetch = 0 : i64, scratch_operands = 7 : i64, tpu.core_type = #tpu.core_type<sc_vector_subcore>, window_params = [{transform_indices = #map}, {transform_indices = #map1}, {transform_indices = #map1}]} {
    %mul3A = arith.constant 2 : i32
    %mul3A_0 = arith.muli %arg1, %mul3A : i32
    %add3A = arith.addi %mul3A_0, %arg0 : i32
    %mul3A_1 = arith.constant 160 : i32
    %mul3A_2 = arith.muli %add3A, %mul3A_1 : i32
    %add3A_3 = arith.constant 0 : i32
    %add3A_4 = arith.addi %add3A_3, %mul3A_2 : i32
    %dma_start3A = arith.constant 8 : i32
    %dma_start3A_5 = tpu.memref_slice %arg5[%dma_start3A] : memref<168xi32, #tpu.memory_space<vmem>> -> memref<160xi32, #tpu.memory_space<vmem>>
    %dma_start3A_6 = tpu.memref_slice %arg2[%add3A_4] : memref<16384xi32, #tpu.memory_space<hbm>> -> memref<160xi32, #tpu.memory_space<hbm>>
    %dma_start3A_7 = arith.constant 8 : i32
    %dma_start3A_8 = tpu.memref_slice %arg5[%dma_start3A_7] : memref<168xi32, #tpu.memory_space<vmem>> -> memref<160xi32, #tpu.memory_space<vmem>>
    %dma_start3A_9 = tpu.memref_slice %arg2[%add3A_4] : memref<16384xi32, #tpu.memory_space<hbm>> -> memref<160xi32, #tpu.memory_space<hbm>>
    tpu.enqueue_dma source(%dma_start3A_9 : memref<160xi32, #tpu.memory_space<hbm>>) target(%dma_start3A_8 : memref<160xi32, #tpu.memory_space<vmem>>) target_semaphore(%arg9 : memref<!tpu.dma_semaphore, #tpu.memory_space<semaphore_mem>>)
    %sub3A = arith.constant 8 : i32
    %sub3A_10 = arith.subi %add3A_4, %sub3A : i32
    %max3A = arith.constant 0 : i32
    %max3A_11 = arith.maxsi %sub3A_10, %max3A : i32
    %multiple_of3A = tpu.assume_multiple %max3A_11, 8 : i32
    %dma_start3A_12 = arith.constant 0 : i32
    %dma_start3A_13 = tpu.memref_slice %arg5[%dma_start3A_12] : memref<168xi32, #tpu.memory_space<vmem>> -> memref<8xi32, #tpu.memory_space<vmem>>
    %dma_start3A_14 = tpu.memref_slice %arg2[%multiple_of3A] : memref<16384xi32, #tpu.memory_space<hbm>> -> memref<8xi32, #tpu.memory_space<hbm>>
    %dma_start3A_15 = arith.constant 0 : i32
    %dma_start3A_16 = tpu.memref_slice %arg5[%dma_start3A_15] : memref<168xi32, #tpu.memory_space<vmem>> -> memref<8xi32, #tpu.memory_space<vmem>>
    %dma_start3A_17 = tpu.memref_slice %arg2[%multiple_of3A] : memref<16384xi32, #tpu.memory_space<hbm>> -> memref<8xi32, #tpu.memory_space<hbm>>
    tpu.enqueue_dma source(%dma_start3A_17 : memref<8xi32, #tpu.memory_space<hbm>>) target(%dma_start3A_16 : memref<8xi32, #tpu.memory_space<vmem>>) target_semaphore(%arg11 : memref<!tpu.dma_semaphore, #tpu.memory_space<semaphore_mem>>)
    %dma_wait3A = arith.constant 8 : i32
    %dma_wait3A_18 = tpu.memref_slice %arg5[%dma_wait3A] : memref<168xi32, #tpu.memory_space<vmem>> -> memref<160xi32, #tpu.memory_space<vmem>>
    %dma_wait3A_19 = tpu.memref_slice %arg2[%add3A_4] : memref<16384xi32, #tpu.memory_space<hbm>> -> memref<160xi32, #tpu.memory_space<hbm>>
    %dma_wait3A_20 = arith.constant 8 : i32
    %dma_wait3A_21 = tpu.memref_slice %arg5[%dma_wait3A_20] : memref<168xi32, #tpu.memory_space<vmem>> -> memref<160xi32, #tpu.memory_space<vmem>>
    %dma_wait3A_22 = tpu.memref_slice %arg2[%add3A_4] : memref<16384xi32, #tpu.memory_space<hbm>> -> memref<160xi32, #tpu.memory_space<hbm>>
    tpu.wait_dma2 semaphore(%arg9 : memref<!tpu.dma_semaphore, #tpu.memory_space<semaphore_mem>>) src(%dma_wait3A_22 : memref<160xi32, #tpu.memory_space<hbm>>) dst(%dma_wait3A_21 : memref<160xi32, #tpu.memory_space<vmem>>)
    %dma_wait3A_23 = arith.constant 0 : i32
    %dma_wait3A_24 = tpu.memref_slice %arg5[%dma_wait3A_23] : memref<168xi32, #tpu.memory_space<vmem>> -> memref<8xi32, #tpu.memory_space<vmem>>
    %dma_wait3A_25 = tpu.memref_slice %arg2[%multiple_of3A] : memref<16384xi32, #tpu.memory_space<hbm>> -> memref<8xi32, #tpu.memory_space<hbm>>
    %dma_wait3A_26 = arith.constant 0 : i32
    %dma_wait3A_27 = tpu.memref_slice %arg5[%dma_wait3A_26] : memref<168xi32, #tpu.memory_space<vmem>> -> memref<8xi32, #tpu.memory_space<vmem>>
    %dma_wait3A_28 = tpu.memref_slice %arg2[%multiple_of3A] : memref<16384xi32, #tpu.memory_space<hbm>> -> memref<8xi32, #tpu.memory_space<hbm>>
    tpu.wait_dma2 semaphore(%arg11 : memref<!tpu.dma_semaphore, #tpu.memory_space<semaphore_mem>>) src(%dma_wait3A_28 : memref<8xi32, #tpu.memory_space<hbm>>) dst(%dma_wait3A_27 : memref<8xi32, #tpu.memory_space<vmem>>)
    %get3A = arith.constant 8 : index
    %get3A_29 = tpu.vector_load %arg5[%get3A] {strides = array<i32>} : memref<168xi32, #tpu.memory_space<vmem>>, vector<16xi32>,
    %get3A_30 = vector.shape_cast %get3A_29 : vector<16xi32> to vector<16xi32>
    %get3A_31 = arith.constant 7 : index
    %get3A_32 = tpu.vector_load %arg5[%get3A_31] {strides = array<i32>} : memref<168xi32, #tpu.memory_space<vmem>>, vector<16xi32>,
    %get3A_33 = vector.shape_cast %get3A_32 : vector<16xi32> to vector<16xi32>
    %add3A_34 = arith.constant 0 : i32
    %add3A_35 = arith.addi %add3A_4, %add3A_34 : i32
    %iota3A = tpu.iota {dimensions = array<i32: 0>} : vector<16xi32>
    %add3A_36 = vector.broadcast %add3A_35 : i32 to vector<16xi32>
    %add3A_37 = arith.addi %add3A_36, %iota3A : vector<16xi32>
    %rem3A = arith.constant 4096 : i32
    %rem3A_38 = vector.broadcast %rem3A : i32 to vector<16xi32>
    %rem3A_39 = arith.remsi %add3A_37, %rem3A_38 : vector<16xi32>
    %eq3A = arith.constant 0 : i32
    %eq3A_40 = vector.broadcast %eq3A : i32 to vector<16xi32>
    %eq3A_41 = arith.cmpi eq, %rem3A_39, %eq3A_40 : vector<16xi32>
    %jit3A = arith.constant 0 : i32
    %broadcast_in_dim3A = vector.broadcast %jit3A : i32 to vector<16xi32>
    %select_n3A = arith.select %eq3A_41, %broadcast_in_dim3A, %get3A_33 : vector<16xi1>, vector<16xi32>
    %mul3A_42 = arith.constant 1000003 : i32
    %mul3A_43 = vector.broadcast %mul3A_42 : i32 to vector<16xi32>
    %mul3A_44 = arith.muli %select_n3A, %mul3A_43 : vector<16xi32>
    %add3A_45 = arith.addi %mul3A_44, %get3A_30 : vector<16xi32>
    %rem3A_46 = arith.constant 100000 : i32
    %rem3A_47 = vector.broadcast %rem3A_46 : i32 to vector<16xi32>
    %rem3A_48 = arith.remsi %add3A_45, %rem3A_47 : vector<16xi32>
    %lt3A = arith.constant 0 : i32
    %lt3A_49 = vector.broadcast %lt3A : i32 to vector<16xi32>
    %lt3A_50 = arith.cmpi slt, %rem3A_48, %lt3A_49 : vector<16xi32>
    %add3A_51 = arith.constant 100000 : i32
    %add3A_52 = vector.broadcast %add3A_51 : i32 to vector<16xi32>
    %add3A_53 = arith.addi %rem3A_48, %add3A_52 : vector<16xi32>
    %select_n3A_54 = arith.select %lt3A_50, %add3A_53, %rem3A_48 : vector<16xi1>, vector<16xi32>
    %swap3A = arith.constant 0 : index
    %swap3A_55 = tpu.vector_load %arg6[%swap3A] {strides = array<i32>} : memref<80xi32, #tpu.memory_space<vmem>>, vector<16xi32>,
    %swap3A_56 = vector.shape_cast %swap3A_55 : vector<16xi32> to vector<16xi32>
    %swap3A_57 = vector.shape_cast %select_n3A_54 : vector<16xi32> to vector<16xi32>
    tpu.vector_store %arg6[%swap3A], %swap3A_57 {strides = array<i32>} : memref<80xi32, #tpu.memory_space<vmem>>, vector<16xi32>,
    %get3A_58 = arith.constant 24 : index
    %get3A_59 = tpu.vector_load %arg5[%get3A_58] {strides = array<i32>} : memref<168xi32, #tpu.memory_space<vmem>>, vector<16xi32>,
    %get3A_60 = vector.shape_cast %get3A_59 : vector<16xi32> to vector<16xi32>
    %get3A_61 = arith.constant 23 : index
    %get3A_62 = tpu.vector_load %arg5[%get3A_61] {strides = array<i32>} : memref<168xi32, #tpu.memory_space<vmem>>, vector<16xi32>,
    %get3A_63 = vector.shape_cast %get3A_62 : vector<16xi32> to vector<16xi32>
    %add3A_64 = arith.constant 16 : i32
    %add3A_65 = arith.addi %add3A_4, %add3A_64 : i32
    %iota3A_66 = tpu.iota {dimensions = array<i32: 0>} : vector<16xi32>
    %add3A_67 = vector.broadcast %add3A_65 : i32 to vector<16xi32>
    %add3A_68 = arith.addi %add3A_67, %iota3A_66 : vector<16xi32>
    %rem3A_69 = arith.constant 4096 : i32
    %rem3A_70 = vector.broadcast %rem3A_69 : i32 to vector<16xi32>
    %rem3A_71 = arith.remsi %add3A_68, %rem3A_70 : vector<16xi32>
    %eq3A_72 = arith.constant 0 : i32
    %eq3A_73 = vector.broadcast %eq3A_72 : i32 to vector<16xi32>
    %eq3A_74 = arith.cmpi eq, %rem3A_71, %eq3A_73 : vector<16xi32>
    %jit3A_75 = arith.constant 0 : i32
    %broadcast_in_dim3A_76 = vector.broadcast %jit3A_75 : i32 to vector<16xi32>
    %select_n3A_77 = arith.select %eq3A_74, %broadcast_in_dim3A_76, %get3A_63 : vector<16xi1>, vector<16xi32>
    %mul3A_78 = arith.constant 1000003 : i32
    %mul3A_79 = vector.broadcast %mul3A_78 : i32 to vector<16xi32>
    %mul3A_80 = arith.muli %select_n3A_77, %mul3A_79 : vector<16xi32>
    %add3A_81 = arith.addi %mul3A_80, %get3A_60 : vector<16xi32>
    %rem3A_82 = arith.constant 100000 : i32
    %rem3A_83 = vector.broadcast %rem3A_82 : i32 to vector<16xi32>
    %rem3A_84 = arith.remsi %add3A_81, %rem3A_83 : vector<16xi32>
    %lt3A_85 = arith.constant 0 : i32
    %lt3A_86 = vector.broadcast %lt3A_85 : i32 to vector<16xi32>
    %lt3A_87 = arith.cmpi slt, %rem3A_84, %lt3A_86 : vector<16xi32>
    %add3A_88 = arith.constant 100000 : i32
    %add3A_89 = vector.broadcast %add3A_88 : i32 to vector<16xi32>
    %add3A_90 = arith.addi %rem3A_84, %add3A_89 : vector<16xi32>
    %select_n3A_91 = arith.select %lt3A_87, %add3A_90, %rem3A_84 : vector<16xi1>, vector<16xi32>
    %swap3A_92 = arith.constant 16 : index
    %swap3A_93 = tpu.vector_load %arg6[%swap3A_92] {strides = array<i32>} : memref<80xi32, #tpu.memory_space<vmem>>, vector<16xi32>,
    %swap3A_94 = vector.shape_cast %swap3A_93 : vector<16xi32> to vector<16xi32>
    %swap3A_95 = vector.shape_cast %select_n3A_91 : vector<16xi32> to vector<16xi32>
    tpu.vector_store %arg6[%swap3A_92], %swap3A_95 {strides = array<i32>} : memref<80xi32, #tpu.memory_space<vmem>>, vector<16xi32>,
    %get3A_96 = arith.constant 40 : index
    %get3A_97 = tpu.vector_load %arg5[%get3A_96] {strides = array<i32>} : memref<168xi32, #tpu.memory_space<vmem>>, vector<16xi32>,
    %get3A_98 = vector.shape_cast %get3A_97 : vector<16xi32> to vector<16xi32>
    %get3A_99 = arith.constant 39 : index
    %get3A_100 = tpu.vector_load %arg5[%get3A_99] {strides = array<i32>} : memref<168xi32, #tpu.memory_space<vmem>>, vector<16xi32>,
    %get3A_101 = vector.shape_cast %get3A_100 : vector<16xi32> to vector<16xi32>
    %add3A_102 = arith.constant 32 : i32
    %add3A_103 = arith.addi %add3A_4, %add3A_102 : i32
    %iota3A_104 = tpu.iota {dimensions = array<i32: 0>} : vector<16xi32>
    %add3A_105 = vector.broadcast %add3A_103 : i32 to vector<16xi32>
    %add3A_106 = arith.addi %add3A_105, %iota3A_104 : vector<16xi32>
    %rem3A_107 = arith.constant 4096 : i32
    %rem3A_108 = vector.broadcast %rem3A_107 : i32 to vector<16xi32>
    %rem3A_109 = arith.remsi %add3A_106, %rem3A_108 : vector<16xi32>
    %eq3A_110 = arith.constant 0 : i32
    %eq3A_111 = vector.broadcast %eq3A_110 : i32 to vector<16xi32>
    %eq3A_112 = arith.cmpi eq, %rem3A_109, %eq3A_111 : vector<16xi32>
    %jit3A_113 = arith.constant 0 : i32
    %broadcast_in_dim3A_114 = vector.broadcast %jit3A_113 : i32 to vector<16xi32>
    %select_n3A_115 = arith.select %eq3A_112, %broadcast_in_dim3A_114, %get3A_101 : vector<16xi1>, vector<16xi32>
    %mul3A_116 = arith.constant 1000003 : i32
    %mul3A_117 = vector.broadcast %mul3A_116 : i32 to vector<16xi32>
    %mul3A_118 = arith.muli %select_n3A_115, %mul3A_117 : vector<16xi32>
    %add3A_119 = arith.addi %mul3A_118, %get3A_98 : vector<16xi32>
    %rem3A_120 = arith.constant 100000 : i32
    %rem3A_121 = vector.broadcast %rem3A_120 : i32 to vector<16xi32>
    %rem3A_122 = arith.remsi %add3A_119, %rem3A_121 : vector<16xi32>
    %lt3A_123 = arith.constant 0 : i32
    %lt3A_124 = vector.broadcast %lt3A_123 : i32 to vector<16xi32>
    %lt3A_125 = arith.cmpi slt, %rem3A_122, %lt3A_124 : vector<16xi32>
    %add3A_126 = arith.constant 100000 : i32
    %add3A_127 = vector.broadcast %add3A_126 : i32 to vector<16xi32>
    %add3A_128 = arith.addi %rem3A_122, %add3A_127 : vector<16xi32>
    %select_n3A_129 = arith.select %lt3A_125, %add3A_128, %rem3A_122 : vector<16xi1>, vector<16xi32>
    %swap3A_130 = arith.constant 32 : index
    %swap3A_131 = tpu.vector_load %arg6[%swap3A_130] {strides = array<i32>} : memref<80xi32, #tpu.memory_space<vmem>>, vector<16xi32>,
    %swap3A_132 = vector.shape_cast %swap3A_131 : vector<16xi32> to vector<16xi32>
    %swap3A_133 = vector.shape_cast %select_n3A_129 : vector<16xi32> to vector<16xi32>
    tpu.vector_store %arg6[%swap3A_130], %swap3A_133 {strides = array<i32>} : memref<80xi32, #tpu.memory_space<vmem>>, vector<16xi32>,
    %get3A_134 = arith.constant 56 : index
    %get3A_135 = tpu.vector_load %arg5[%get3A_134] {strides = array<i32>} : memref<168xi32, #tpu.memory_space<vmem>>, vector<16xi32>,
    %get3A_136 = vector.shape_cast %get3A_135 : vector<16xi32> to vector<16xi32>
    %get3A_137 = arith.constant 55 : index
    %get3A_138 = tpu.vector_load %arg5[%get3A_137] {strides = array<i32>} : memref<168xi32, #tpu.memory_space<vmem>>, vector<16xi32>,
    %get3A_139 = vector.shape_cast %get3A_138 : vector<16xi32> to vector<16xi32>
    %add3A_140 = arith.constant 48 : i32
    %add3A_141 = arith.addi %add3A_4, %add3A_140 : i32
    %iota3A_142 = tpu.iota {dimensions = array<i32: 0>} : vector<16xi32>
    %add3A_143 = vector.broadcast %add3A_141 : i32 to vector<16xi32>
    %add3A_144 = arith.addi %add3A_143, %iota3A_142 : vector<16xi32>
    %rem3A_145 = arith.constant 4096 : i32
    %rem3A_146 = vector.broadcast %rem3A_145 : i32 to vector<16xi32>
    %rem3A_147 = arith.remsi %add3A_144, %rem3A_146 : vector<16xi32>
    %eq3A_148 = arith.constant 0 : i32
    %eq3A_149 = vector.broadcast %eq3A_148 : i32 to vector<16xi32>
    %eq3A_150 = arith.cmpi eq, %rem3A_147, %eq3A_149 : vector<16xi32>
    %jit3A_151 = arith.constant 0 : i32
    %broadcast_in_dim3A_152 = vector.broadcast %jit3A_151 : i32 to vector<16xi32>
    %select_n3A_153 = arith.select %eq3A_150, %broadcast_in_dim3A_152, %get3A_139 : vector<16xi1>, vector<16xi32>
    %mul3A_154 = arith.constant 1000003 : i32
    %mul3A_155 = vector.broadcast %mul3A_154 : i32 to vector<16xi32>
    %mul3A_156 = arith.muli %select_n3A_153, %mul3A_155 : vector<16xi32>
    %add3A_157 = arith.addi %mul3A_156, %get3A_136 : vector<16xi32>
    %rem3A_158 = arith.constant 100000 : i32
    %rem3A_159 = vector.broadcast %rem3A_158 : i32 to vector<16xi32>
    %rem3A_160 = arith.remsi %add3A_157, %rem3A_159 : vector<16xi32>
    %lt3A_161 = arith.constant 0 : i32
    %lt3A_162 = vector.broadcast %lt3A_161 : i32 to vector<16xi32>
    %lt3A_163 = arith.cmpi slt, %rem3A_160, %lt3A_162 : vector<16xi32>
    %add3A_164 = arith.constant 100000 : i32
    %add3A_165 = vector.broadcast %add3A_164 : i32 to vector<16xi32>
    %add3A_166 = arith.addi %rem3A_160, %add3A_165 : vector<16xi32>
    %select_n3A_167 = arith.select %lt3A_163, %add3A_166, %rem3A_160 : vector<16xi1>, vector<16xi32>
    %swap3A_168 = arith.constant 48 : index
    %swap3A_169 = tpu.vector_load %arg6[%swap3A_168] {strides = array<i32>} : memref<80xi32, #tpu.memory_space<vmem>>, vector<16xi32>,
    %swap3A_170 = vector.shape_cast %swap3A_169 : vector<16xi32> to vector<16xi32>
    %swap3A_171 = vector.shape_cast %select_n3A_167 : vector<16xi32> to vector<16xi32>
    tpu.vector_store %arg6[%swap3A_168], %swap3A_171 {strides = array<i32>} : memref<80xi32, #tpu.memory_space<vmem>>, vector<16xi32>,
    %get3A_172 = arith.constant 72 : index
    %get3A_173 = tpu.vector_load %arg5[%get3A_172] {strides = array<i32>} : memref<168xi32, #tpu.memory_space<vmem>>, vector<16xi32>,
    %get3A_174 = vector.shape_cast %get3A_173 : vector<16xi32> to vector<16xi32>
    %get3A_175 = arith.constant 71 : index
    %get3A_176 = tpu.vector_load %arg5[%get3A_175] {strides = array<i32>} : memref<168xi32, #tpu.memory_space<vmem>>, vector<16xi32>,
    %get3A_177 = vector.shape_cast %get3A_176 : vector<16xi32> to vector<16xi32>
    %add3A_178 = arith.constant 64 : i32
    %add3A_179 = arith.addi %add3A_4, %add3A_178 : i32
    %iota3A_180 = tpu.iota {dimensions = array<i32: 0>} : vector<16xi32>
    %add3A_181 = vector.broadcast %add3A_179 : i32 to vector<16xi32>
    %add3A_182 = arith.addi %add3A_181, %iota3A_180 : vector<16xi32>
    %rem3A_183 = arith.constant 4096 : i32
    %rem3A_184 = vector.broadcast %rem3A_183 : i32 to vector<16xi32>
    %rem3A_185 = arith.remsi %add3A_182, %rem3A_184 : vector<16xi32>
    %eq3A_186 = arith.constant 0 : i32
    %eq3A_187 = vector.broadcast %eq3A_186 : i32 to vector<16xi32>
    %eq3A_188 = arith.cmpi eq, %rem3A_185, %eq3A_187 : vector<16xi32>
    %jit3A_189 = arith.constant 0 : i32
    %broadcast_in_dim3A_190 = vector.broadcast %jit3A_189 : i32 to vector<16xi32>
    %select_n3A_191 = arith.select %eq3A_188, %broadcast_in_dim3A_190, %get3A_177 : vector<16xi1>, vector<16xi32>
    %mul3A_192 = arith.constant 1000003 : i32
    %mul3A_193 = vector.broadcast %mul3A_192 : i32 to vector<16xi32>
    %mul3A_194 = arith.muli %select_n3A_191, %mul3A_193 : vector<16xi32>
    %add3A_195 = arith.addi %mul3A_194, %get3A_174 : vector<16xi32>
    %rem3A_196 = arith.constant 100000 : i32
    %rem3A_197 = vector.broadcast %rem3A_196 : i32 to vector<16xi32>
    %rem3A_198 = arith.remsi %add3A_195, %rem3A_197 : vector<16xi32>
    %lt3A_199 = arith.constant 0 : i32
    %lt3A_200 = vector.broadcast %lt3A_199 : i32 to vector<16xi32>
    %lt3A_201 = arith.cmpi slt, %rem3A_198, %lt3A_200 : vector<16xi32>
    %add3A_202 = arith.constant 100000 : i32
    %add3A_203 = vector.broadcast %add3A_202 : i32 to vector<16xi32>
    %add3A_204 = arith.addi %rem3A_198, %add3A_203 : vector<16xi32>
    %select_n3A_205 = arith.select %lt3A_201, %add3A_204, %rem3A_198 : vector<16xi1>, vector<16xi32>
    %swap3A_206 = arith.constant 64 : index
    %swap3A_207 = tpu.vector_load %arg6[%swap3A_206] {strides = array<i32>} : memref<80xi32, #tpu.memory_space<vmem>>, vector<16xi32>,
    %swap3A_208 = vector.shape_cast %swap3A_207 : vector<16xi32> to vector<16xi32>
    %swap3A_209 = vector.shape_cast %select_n3A_205 : vector<16xi32> to vector<16xi32>
    tpu.vector_store %arg6[%swap3A_206], %swap3A_209 {strides = array<i32>} : memref<80xi32, #tpu.memory_space<vmem>>, vector<16xi32>,
    %dma_start3A_210 = arith.constant 0 : i32
    %dma_start3A_211 = arith.constant 0 : i32
    %dma_start3A_212 = tpu.memref_slice %arg8[%dma_start3A_210, %dma_start3A_211] : memref<160x128xf32, #tpu.memory_space<vmem>> -> memref<80x128xf32, #tpu.memory_space<vmem>>
    %dma_start3A_213 = arith.constant 0 : i32
    %dma_start3A_214 = arith.constant 0 : i32
    %dma_start3A_215 = tpu.memref_slice %arg3[%dma_start3A_213, %dma_start3A_214] : memref<100000x128xf32, #tpu.memory_space<hbm>> -> memref<100000x128xf32, #tpu.memory_space<hbm>>
    tpu.enqueue_indirect_dma source(%dma_start3A_215 : memref<100000x128xf32, #tpu.memory_space<hbm>>) target(%dma_start3A_212 : memref<80x128xf32, #tpu.memory_space<vmem>>) offsets(%arg6 : memref<80xi32, #tpu.memory_space<vmem>>) semaphore(%arg9 : memref<!tpu.dma_semaphore, #tpu.memory_space<semaphore_mem>>)
    %get3A_216 = arith.constant 88 : index
    %get3A_217 = tpu.vector_load %arg5[%get3A_216] {strides = array<i32>} : memref<168xi32, #tpu.memory_space<vmem>>, vector<16xi32>,
    %get3A_218 = vector.shape_cast %get3A_217 : vector<16xi32> to vector<16xi32>
    %get3A_219 = arith.constant 87 : index
    %get3A_220 = tpu.vector_load %arg5[%get3A_219] {strides = array<i32>} : memref<168xi32, #tpu.memory_space<vmem>>, vector<16xi32>,
    %get3A_221 = vector.shape_cast %get3A_220 : vector<16xi32> to vector<16xi32>
    %add3A_222 = arith.constant 80 : i32
    %add3A_223 = arith.addi %add3A_4, %add3A_222 : i32
    %iota3A_224 = tpu.iota {dimensions = array<i32: 0>} : vector<16xi32>
    %add3A_225 = vector.broadcast %add3A_223 : i32 to vector<16xi32>
    %add3A_226 = arith.addi %add3A_225, %iota3A_224 : vector<16xi32>
    %rem3A_227 = arith.constant 4096 : i32
    %rem3A_228 = vector.broadcast %rem3A_227 : i32 to vector<16xi32>
    %rem3A_229 = arith.remsi %add3A_226, %rem3A_228 : vector<16xi32>
    %eq3A_230 = arith.constant 0 : i32
    %eq3A_231 = vector.broadcast %eq3A_230 : i32 to vector<16xi32>
    %eq3A_232 = arith.cmpi eq, %rem3A_229, %eq3A_231 : vector<16xi32>
    %jit3A_233 = arith.constant 0 : i32
    %broadcast_in_dim3A_234 = vector.broadcast %jit3A_233 : i32 to vector<16xi32>
    %select_n3A_235 = arith.select %eq3A_232, %broadcast_in_dim3A_234, %get3A_221 : vector<16xi1>, vector<16xi32>
    %mul3A_236 = arith.constant 1000003 : i32
    %mul3A_237 = vector.broadcast %mul3A_236 : i32 to vector<16xi32>
    %mul3A_238 = arith.muli %select_n3A_235, %mul3A_237 : vector<16xi32>
    %add3A_239 = arith.addi %mul3A_238, %get3A_218 : vector<16xi32>
    %rem3A_240 = arith.constant 100000 : i32
    %rem3A_241 = vector.broadcast %rem3A_240 : i32 to vector<16xi32>
    %rem3A_242 = arith.remsi %add3A_239, %rem3A_241 : vector<16xi32>
    %lt3A_243 = arith.constant 0 : i32
    %lt3A_244 = vector.broadcast %lt3A_243 : i32 to vector<16xi32>
    %lt3A_245 = arith.cmpi slt, %rem3A_242, %lt3A_244 : vector<16xi32>
    %add3A_246 = arith.constant 100000 : i32
    %add3A_247 = vector.broadcast %add3A_246 : i32 to vector<16xi32>
    %add3A_248 = arith.addi %rem3A_242, %add3A_247 : vector<16xi32>
    %select_n3A_249 = arith.select %lt3A_245, %add3A_248, %rem3A_242 : vector<16xi1>, vector<16xi32>
    %swap3A_250 = arith.constant 0 : index
    %swap3A_251 = tpu.vector_load %arg7[%swap3A_250] {strides = array<i32>} : memref<80xi32, #tpu.memory_space<vmem>>, vector<16xi32>,
    %swap3A_252 = vector.shape_cast %swap3A_251 : vector<16xi32> to vector<16xi32>
    %swap3A_253 = vector.shape_cast %select_n3A_249 : vector<16xi32> to vector<16xi32>
    tpu.vector_store %arg7[%swap3A_250], %swap3A_253 {strides = array<i32>} : memref<80xi32, #tpu.memory_space<vmem>>, vector<16xi32>,
    %get3A_254 = arith.constant 104 : index
    %get3A_255 = tpu.vector_load %arg5[%get3A_254] {strides = array<i32>} : memref<168xi32, #tpu.memory_space<vmem>>, vector<16xi32>,
    %get3A_256 = vector.shape_cast %get3A_255 : vector<16xi32> to vector<16xi32>
    %get3A_257 = arith.constant 103 : index
    %get3A_258 = tpu.vector_load %arg5[%get3A_257] {strides = array<i32>} : memref<168xi32, #tpu.memory_space<vmem>>, vector<16xi32>,
    %get3A_259 = vector.shape_cast %get3A_258 : vector<16xi32> to vector<16xi32>
    %add3A_260 = arith.constant 96 : i32
    %add3A_261 = arith.addi %add3A_4, %add3A_260 : i32
    %iota3A_262 = tpu.iota {dimensions = array<i32: 0>} : vector<16xi32>
    %add3A_263 = vector.broadcast %add3A_261 : i32 to vector<16xi32>
    %add3A_264 = arith.addi %add3A_263, %iota3A_262 : vector<16xi32>
    %rem3A_265 = arith.constant 4096 : i32
    %rem3A_266 = vector.broadcast %rem3A_265 : i32 to vector<16xi32>
    %rem3A_267 = arith.remsi %add3A_264, %rem3A_266 : vector<16xi32>
    %eq3A_268 = arith.constant 0 : i32
    %eq3A_269 = vector.broadcast %eq3A_268 : i32 to vector<16xi32>
    %eq3A_270 = arith.cmpi eq, %rem3A_267, %eq3A_269 : vector<16xi32>
    %jit3A_271 = arith.constant 0 : i32
    %broadcast_in_dim3A_272 = vector.broadcast %jit3A_271 : i32 to vector<16xi32>
    %select_n3A_273 = arith.select %eq3A_270, %broadcast_in_dim3A_272, %get3A_259 : vector<16xi1>, vector<16xi32>
    %mul3A_274 = arith.constant 1000003 : i32
    %mul3A_275 = vector.broadcast %mul3A_274 : i32 to vector<16xi32>
    %mul3A_276 = arith.muli %select_n3A_273, %mul3A_275 : vector<16xi32>
    %add3A_277 = arith.addi %mul3A_276, %get3A_256 : vector<16xi32>
    %rem3A_278 = arith.constant 100000 : i32
    %rem3A_279 = vector.broadcast %rem3A_278 : i32 to vector<16xi32>
    %rem3A_280 = arith.remsi %add3A_277, %rem3A_279 : vector<16xi32>
    %lt3A_281 = arith.constant 0 : i32
    %lt3A_282 = vector.broadcast %lt3A_281 : i32 to vector<16xi32>
    %lt3A_283 = arith.cmpi slt, %rem3A_280, %lt3A_282 : vector<16xi32>
    %add3A_284 = arith.constant 100000 : i32
    %add3A_285 = vector.broadcast %add3A_284 : i32 to vector<16xi32>
    %add3A_286 = arith.addi %rem3A_280, %add3A_285 : vector<16xi32>
    %select_n3A_287 = arith.select %lt3A_283, %add3A_286, %rem3A_280 : vector<16xi1>, vector<16xi32>
    %swap3A_288 = arith.constant 16 : index
    %swap3A_289 = tpu.vector_load %arg7[%swap3A_288] {strides = array<i32>} : memref<80xi32, #tpu.memory_space<vmem>>, vector<16xi32>,
    %swap3A_290 = vector.shape_cast %swap3A_289 : vector<16xi32> to vector<16xi32>
    %swap3A_291 = vector.shape_cast %select_n3A_287 : vector<16xi32> to vector<16xi32>
    tpu.vector_store %arg7[%swap3A_288], %swap3A_291 {strides = array<i32>} : memref<80xi32, #tpu.memory_space<vmem>>, vector<16xi32>,
    %get3A_292 = arith.constant 120 : index
    %get3A_293 = tpu.vector_load %arg5[%get3A_292] {strides = array<i32>} : memref<168xi32, #tpu.memory_space<vmem>>, vector<16xi32>,
    %get3A_294 = vector.shape_cast %get3A_293 : vector<16xi32> to vector<16xi32>
    %get3A_295 = arith.constant 119 : index
    %get3A_296 = tpu.vector_load %arg5[%get3A_295] {strides = array<i32>} : memref<168xi32, #tpu.memory_space<vmem>>, vector<16xi32>,
    %get3A_297 = vector.shape_cast %get3A_296 : vector<16xi32> to vector<16xi32>
    %add3A_298 = arith.constant 112 : i32
    %add3A_299 = arith.addi %add3A_4, %add3A_298 : i32
    %iota3A_300 = tpu.iota {dimensions = array<i32: 0>} : vector<16xi32>
    %add3A_301 = vector.broadcast %add3A_299 : i32 to vector<16xi32>
    %add3A_302 = arith.addi %add3A_301, %iota3A_300 : vector<16xi32>
    %rem3A_303 = arith.constant 4096 : i32
    %rem3A_304 = vector.broadcast %rem3A_303 : i32 to vector<16xi32>
    %rem3A_305 = arith.remsi %add3A_302, %rem3A_304 : vector<16xi32>
    %eq3A_306 = arith.constant 0 : i32
    %eq3A_307 = vector.broadcast %eq3A_306 : i32 to vector<16xi32>
    %eq3A_308 = arith.cmpi eq, %rem3A_305, %eq3A_307 : vector<16xi32>
    %jit3A_309 = arith.constant 0 : i32
    %broadcast_in_dim3A_310 = vector.broadcast %jit3A_309 : i32 to vector<16xi32>
    %select_n3A_311 = arith.select %eq3A_308, %broadcast_in_dim3A_310, %get3A_297 : vector<16xi1>, vector<16xi32>
    %mul3A_312 = arith.constant 1000003 : i32
    %mul3A_313 = vector.broadcast %mul3A_312 : i32 to vector<16xi32>
    %mul3A_314 = arith.muli %select_n3A_311, %mul3A_313 : vector<16xi32>
    %add3A_315 = arith.addi %mul3A_314, %get3A_294 : vector<16xi32>
    %rem3A_316 = arith.constant 100000 : i32
    %rem3A_317 = vector.broadcast %rem3A_316 : i32 to vector<16xi32>
    %rem3A_318 = arith.remsi %add3A_315, %rem3A_317 : vector<16xi32>
    %lt3A_319 = arith.constant 0 : i32
    %lt3A_320 = vector.broadcast %lt3A_319 : i32 to vector<16xi32>
    %lt3A_321 = arith.cmpi slt, %rem3A_318, %lt3A_320 : vector<16xi32>
    %add3A_322 = arith.constant 100000 : i32
    %add3A_323 = vector.broadcast %add3A_322 : i32 to vector<16xi32>
    %add3A_324 = arith.addi %rem3A_318, %add3A_323 : vector<16xi32>
    %select_n3A_325 = arith.select %lt3A_321, %add3A_324, %rem3A_318 : vector<16xi1>, vector<16xi32>
    %swap3A_326 = arith.constant 32 : index
    %swap3A_327 = tpu.vector_load %arg7[%swap3A_326] {strides = array<i32>} : memref<80xi32, #tpu.memory_space<vmem>>, vector<16xi32>,
    %swap3A_328 = vector.shape_cast %swap3A_327 : vector<16xi32> to vector<16xi32>
    %swap3A_329 = vector.shape_cast %select_n3A_325 : vector<16xi32> to vector<16xi32>
    tpu.vector_store %arg7[%swap3A_326], %swap3A_329 {strides = array<i32>} : memref<80xi32, #tpu.memory_space<vmem>>, vector<16xi32>,
    %get3A_330 = arith.constant 136 : index
    %get3A_331 = tpu.vector_load %arg5[%get3A_330] {strides = array<i32>} : memref<168xi32, #tpu.memory_space<vmem>>, vector<16xi32>,
    %get3A_332 = vector.shape_cast %get3A_331 : vector<16xi32> to vector<16xi32>
    %get3A_333 = arith.constant 135 : index
    %get3A_334 = tpu.vector_load %arg5[%get3A_333] {strides = array<i32>} : memref<168xi32, #tpu.memory_space<vmem>>, vector<16xi32>,
    %get3A_335 = vector.shape_cast %get3A_334 : vector<16xi32> to vector<16xi32>
    %add3A_336 = arith.constant 128 : i32
    %add3A_337 = arith.addi %add3A_4, %add3A_336 : i32
    %iota3A_338 = tpu.iota {dimensions = array<i32: 0>} : vector<16xi32>
    %add3A_339 = vector.broadcast %add3A_337 : i32 to vector<16xi32>
    %add3A_340 = arith.addi %add3A_339, %iota3A_338 : vector<16xi32>
    %rem3A_341 = arith.constant 4096 : i32
    %rem3A_342 = vector.broadcast %rem3A_341 : i32 to vector<16xi32>
    %rem3A_343 = arith.remsi %add3A_340, %rem3A_342 : vector<16xi32>
    %eq3A_344 = arith.constant 0 : i32
    %eq3A_345 = vector.broadcast %eq3A_344 : i32 to vector<16xi32>
    %eq3A_346 = arith.cmpi eq, %rem3A_343, %eq3A_345 : vector<16xi32>
    %jit3A_347 = arith.constant 0 : i32
    %broadcast_in_dim3A_348 = vector.broadcast %jit3A_347 : i32 to vector<16xi32>
    %select_n3A_349 = arith.select %eq3A_346, %broadcast_in_dim3A_348, %get3A_335 : vector<16xi1>, vector<16xi32>
    %mul3A_350 = arith.constant 1000003 : i32
    %mul3A_351 = vector.broadcast %mul3A_350 : i32 to vector<16xi32>
    %mul3A_352 = arith.muli %select_n3A_349, %mul3A_351 : vector<16xi32>
    %add3A_353 = arith.addi %mul3A_352, %get3A_332 : vector<16xi32>
    %rem3A_354 = arith.constant 100000 : i32
    %rem3A_355 = vector.broadcast %rem3A_354 : i32 to vector<16xi32>
    %rem3A_356 = arith.remsi %add3A_353, %rem3A_355 : vector<16xi32>
    %lt3A_357 = arith.constant 0 : i32
    %lt3A_358 = vector.broadcast %lt3A_357 : i32 to vector<16xi32>
    %lt3A_359 = arith.cmpi slt, %rem3A_356, %lt3A_358 : vector<16xi32>
    %add3A_360 = arith.constant 100000 : i32
    %add3A_361 = vector.broadcast %add3A_360 : i32 to vector<16xi32>
    %add3A_362 = arith.addi %rem3A_356, %add3A_361 : vector<16xi32>
    %select_n3A_363 = arith.select %lt3A_359, %add3A_362, %rem3A_356 : vector<16xi1>, vector<16xi32>
    %swap3A_364 = arith.constant 48 : index
    %swap3A_365 = tpu.vector_load %arg7[%swap3A_364] {strides = array<i32>} : memref<80xi32, #tpu.memory_space<vmem>>, vector<16xi32>,
    %swap3A_366 = vector.shape_cast %swap3A_365 : vector<16xi32> to vector<16xi32>
    %swap3A_367 = vector.shape_cast %select_n3A_363 : vector<16xi32> to vector<16xi32>
    tpu.vector_store %arg7[%swap3A_364], %swap3A_367 {strides = array<i32>} : memref<80xi32, #tpu.memory_space<vmem>>, vector<16xi32>,
    %get3A_368 = arith.constant 152 : index
    %get3A_369 = tpu.vector_load %arg5[%get3A_368] {strides = array<i32>} : memref<168xi32, #tpu.memory_space<vmem>>, vector<16xi32>,
    %get3A_370 = vector.shape_cast %get3A_369 : vector<16xi32> to vector<16xi32>
    %get3A_371 = arith.constant 151 : index
    %get3A_372 = tpu.vector_load %arg5[%get3A_371] {strides = array<i32>} : memref<168xi32, #tpu.memory_space<vmem>>, vector<16xi32>,
    %get3A_373 = vector.shape_cast %get3A_372 : vector<16xi32> to vector<16xi32>
    %add3A_374 = arith.constant 144 : i32
    %add3A_375 = arith.addi %add3A_4, %add3A_374 : i32
    %iota3A_376 = tpu.iota {dimensions = array<i32: 0>} : vector<16xi32>
    %add3A_377 = vector.broadcast %add3A_375 : i32 to vector<16xi32>
    %add3A_378 = arith.addi %add3A_377, %iota3A_376 : vector<16xi32>
    %rem3A_379 = arith.constant 4096 : i32
    %rem3A_380 = vector.broadcast %rem3A_379 : i32 to vector<16xi32>
    %rem3A_381 = arith.remsi %add3A_378, %rem3A_380 : vector<16xi32>
    %eq3A_382 = arith.constant 0 : i32
    %eq3A_383 = vector.broadcast %eq3A_382 : i32 to vector<16xi32>
    %eq3A_384 = arith.cmpi eq, %rem3A_381, %eq3A_383 : vector<16xi32>
    %jit3A_385 = arith.constant 0 : i32
    %broadcast_in_dim3A_386 = vector.broadcast %jit3A_385 : i32 to vector<16xi32>
    %select_n3A_387 = arith.select %eq3A_384, %broadcast_in_dim3A_386, %get3A_373 : vector<16xi1>, vector<16xi32>
    %mul3A_388 = arith.constant 1000003 : i32
    %mul3A_389 = vector.broadcast %mul3A_388 : i32 to vector<16xi32>
    %mul3A_390 = arith.muli %select_n3A_387, %mul3A_389 : vector<16xi32>
    %add3A_391 = arith.addi %mul3A_390, %get3A_370 : vector<16xi32>
    %rem3A_392 = arith.constant 100000 : i32
    %rem3A_393 = vector.broadcast %rem3A_392 : i32 to vector<16xi32>
    %rem3A_394 = arith.remsi %add3A_391, %rem3A_393 : vector<16xi32>
    %lt3A_395 = arith.constant 0 : i32
    %lt3A_396 = vector.broadcast %lt3A_395 : i32 to vector<16xi32>
    %lt3A_397 = arith.cmpi slt, %rem3A_394, %lt3A_396 : vector<16xi32>
    %add3A_398 = arith.constant 100000 : i32
    %add3A_399 = vector.broadcast %add3A_398 : i32 to vector<16xi32>
    %add3A_400 = arith.addi %rem3A_394, %add3A_399 : vector<16xi32>
    %select_n3A_401 = arith.select %lt3A_397, %add3A_400, %rem3A_394 : vector<16xi1>, vector<16xi32>
    %swap3A_402 = arith.constant 64 : index
    %swap3A_403 = tpu.vector_load %arg7[%swap3A_402] {strides = array<i32>} : memref<80xi32, #tpu.memory_space<vmem>>, vector<16xi32>,
    %swap3A_404 = vector.shape_cast %swap3A_403 : vector<16xi32> to vector<16xi32>
    %swap3A_405 = vector.shape_cast %select_n3A_401 : vector<16xi32> to vector<16xi32>
    tpu.vector_store %arg7[%swap3A_402], %swap3A_405 {strides = array<i32>} : memref<80xi32, #tpu.memory_space<vmem>>, vector<16xi32>,
    %dma_start3A_406 = arith.constant 80 : i32
    %dma_start3A_407 = arith.constant 0 : i32
    %dma_start3A_408 = tpu.memref_slice %arg8[%dma_start3A_406, %dma_start3A_407] : memref<160x128xf32, #tpu.memory_space<vmem>> -> memref<80x128xf32, #tpu.memory_space<vmem>>
    %dma_start3A_409 = arith.constant 0 : i32
    %dma_start3A_410 = arith.constant 0 : i32
    %dma_start3A_411 = tpu.memref_slice %arg3[%dma_start3A_409, %dma_start3A_410] : memref<100000x128xf32, #tpu.memory_space<hbm>> -> memref<100000x128xf32, #tpu.memory_space<hbm>>
    tpu.enqueue_indirect_dma source(%dma_start3A_411 : memref<100000x128xf32, #tpu.memory_space<hbm>>) target(%dma_start3A_408 : memref<80x128xf32, #tpu.memory_space<vmem>>) offsets(%arg7 : memref<80xi32, #tpu.memory_space<vmem>>) semaphore(%arg10 : memref<!tpu.dma_semaphore, #tpu.memory_space<semaphore_mem>>)
    %dma_wait3A_412 = arith.constant 0 : i32
    %dma_wait3A_413 = arith.constant 0 : i32
    %dma_wait3A_414 = tpu.memref_slice %arg8[%dma_wait3A_412, %dma_wait3A_413] : memref<160x128xf32, #tpu.memory_space<vmem>> -> memref<80x128xf32, #tpu.memory_space<vmem>>
    %dma_wait3A_415 = arith.constant 0 : i32
    %dma_wait3A_416 = arith.constant 0 : i32
    %dma_wait3A_417 = tpu.memref_slice %arg3[%dma_wait3A_415, %dma_wait3A_416] : memref<100000x128xf32, #tpu.memory_space<hbm>> -> memref<100000x128xf32, #tpu.memory_space<hbm>>
    tpu.wait_indirect_dma semaphore(%arg9 : memref<!tpu.dma_semaphore, #tpu.memory_space<semaphore_mem>>) src(%dma_wait3A_417 : memref<100000x128xf32, #tpu.memory_space<hbm>>) dst(%dma_wait3A_414 : memref<80x128xf32, #tpu.memory_space<vmem>>)
    %mul3A_418 = arith.constant 160 : i32
    %mul3A_419 = arith.muli %add3A, %mul3A_418 : i32
    %add3A_420 = arith.constant 0 : i32
    %add3A_421 = arith.addi %mul3A_419, %add3A_420 : i32
    %dma_start3A_422 = arith.constant 0 : i32
    %dma_start3A_423 = arith.constant 0 : i32
    %dma_start3A_424 = tpu.memref_slice %arg8[%dma_start3A_422, %dma_start3A_423] : memref<160x128xf32, #tpu.memory_space<vmem>> -> memref<80x128xf32, #tpu.memory_space<vmem>>
    %dma_start3A_425 = arith.constant 0 : i32
    %dma_start3A_426 = tpu.memref_slice %arg4[%add3A_421, %dma_start3A_425] : memref<5120x128xf32, #tpu.memory_space<hbm>> -> memref<80x128xf32, #tpu.memory_space<hbm>>
    %dma_start3A_427 = arith.constant 0 : i32
    %dma_start3A_428 = tpu.memref_slice %arg4[%add3A_421, %dma_start3A_427] : memref<5120x128xf32, #tpu.memory_space<hbm>> -> memref<80x128xf32, #tpu.memory_space<hbm>>
    %dma_start3A_429 = arith.constant 0 : i32
    %dma_start3A_430 = arith.constant 0 : i32
    %dma_start3A_431 = tpu.memref_slice %arg8[%dma_start3A_429, %dma_start3A_430] : memref<160x128xf32, #tpu.memory_space<vmem>> -> memref<80x128xf32, #tpu.memory_space<vmem>>
    tpu.enqueue_dma source(%dma_start3A_431 : memref<80x128xf32, #tpu.memory_space<vmem>>) target(%dma_start3A_428 : memref<80x128xf32, #tpu.memory_space<hbm>>) target_semaphore(%arg11 : memref<!tpu.dma_semaphore, #tpu.memory_space<semaphore_mem>>)
    %dma_wait3A_432 = arith.constant 80 : i32
    %dma_wait3A_433 = arith.constant 0 : i32
    %dma_wait3A_434 = tpu.memref_slice %arg8[%dma_wait3A_432, %dma_wait3A_433] : memref<160x128xf32, #tpu.memory_space<vmem>> -> memref<80x128xf32, #tpu.memory_space<vmem>>
    %dma_wait3A_435 = arith.constant 0 : i32
    %dma_wait3A_436 = arith.constant 0 : i32
    %dma_wait3A_437 = tpu.memref_slice %arg3[%dma_wait3A_435, %dma_wait3A_436] : memref<100000x128xf32, #tpu.memory_space<hbm>> -> memref<100000x128xf32, #tpu.memory_space<hbm>>
    tpu.wait_indirect_dma semaphore(%arg10 : memref<!tpu.dma_semaphore, #tpu.memory_space<semaphore_mem>>) src(%dma_wait3A_437 : memref<100000x128xf32, #tpu.memory_space<hbm>>) dst(%dma_wait3A_434 : memref<80x128xf32, #tpu.memory_space<vmem>>)
    %mul3A_438 = arith.constant 160 : i32
    %mul3A_439 = arith.muli %add3A, %mul3A_438 : i32
    %add3A_440 = arith.constant 80 : i32
    %add3A_441 = arith.addi %mul3A_439, %add3A_440 : i32
    %dma_start3A_442 = arith.constant 80 : i32
    %dma_start3A_443 = arith.constant 0 : i32
    %dma_start3A_444 = tpu.memref_slice %arg8[%dma_start3A_442, %dma_start3A_443] : memref<160x128xf32, #tpu.memory_space<vmem>> -> memref<80x128xf32, #tpu.memory_space<vmem>>
    %dma_start3A_445 = arith.constant 0 : i32
    %dma_start3A_446 = tpu.memref_slice %arg4[%add3A_441, %dma_start3A_445] : memref<5120x128xf32, #tpu.memory_space<hbm>> -> memref<80x128xf32, #tpu.memory_space<hbm>>
    %dma_start3A_447 = arith.constant 0 : i32
    %dma_start3A_448 = tpu.memref_slice %arg4[%add3A_441, %dma_start3A_447] : memref<5120x128xf32, #tpu.memory_space<hbm>> -> memref<80x128xf32, #tpu.memory_space<hbm>>
    %dma_start3A_449 = arith.constant 80 : i32
    %dma_start3A_450 = arith.constant 0 : i32
    %dma_start3A_451 = tpu.memref_slice %arg8[%dma_start3A_449, %dma_start3A_450] : memref<160x128xf32, #tpu.memory_space<vmem>> -> memref<80x128xf32, #tpu.memory_space<vmem>>
    tpu.enqueue_dma source(%dma_start3A_451 : memref<80x128xf32, #tpu.memory_space<vmem>>) target(%dma_start3A_448 : memref<80x128xf32, #tpu.memory_space<hbm>>) target_semaphore(%arg11 : memref<!tpu.dma_semaphore, #tpu.memory_space<semaphore_mem>>)
    %dma_wait3A_452 = arith.constant 0 : i32
    %dma_wait3A_453 = arith.constant 0 : i32
    %dma_wait3A_454 = tpu.memref_slice %arg8[%dma_wait3A_452, %dma_wait3A_453] : memref<160x128xf32, #tpu.memory_space<vmem>> -> memref<80x128xf32, #tpu.memory_space<vmem>>
    %dma_wait3A_455 = arith.constant 0 : i32
    %dma_wait3A_456 = tpu.memref_slice %arg4[%add3A_421, %dma_wait3A_455] : memref<5120x128xf32, #tpu.memory_space<hbm>> -> memref<80x128xf32, #tpu.memory_space<hbm>>
    %dma_wait3A_457 = arith.constant 0 : i32
    %dma_wait3A_458 = tpu.memref_slice %arg4[%add3A_421, %dma_wait3A_457] : memref<5120x128xf32, #tpu.memory_space<hbm>> -> memref<80x128xf32, #tpu.memory_space<hbm>>
    %dma_wait3A_459 = arith.constant 0 : i32
    %dma_wait3A_460 = arith.constant 0 : i32
    %dma_wait3A_461 = tpu.memref_slice %arg8[%dma_wait3A_459, %dma_wait3A_460] : memref<160x128xf32, #tpu.memory_space<vmem>> -> memref<80x128xf32, #tpu.memory_space<vmem>>
    tpu.wait_dma2 semaphore(%arg11 : memref<!tpu.dma_semaphore, #tpu.memory_space<semaphore_mem>>) src(%dma_wait3A_461 : memref<80x128xf32, #tpu.memory_space<vmem>>) dst(%dma_wait3A_458 : memref<80x128xf32, #tpu.memory_space<hbm>>)
    %dma_wait3A_462 = arith.constant 80 : i32
    %dma_wait3A_463 = arith.constant 0 : i32
    %dma_wait3A_464 = tpu.memref_slice %arg8[%dma_wait3A_462, %dma_wait3A_463] : memref<160x128xf32, #tpu.memory_space<vmem>> -> memref<80x128xf32, #tpu.memory_space<vmem>>
    %dma_wait3A_465 = arith.constant 0 : i32
    %dma_wait3A_466 = tpu.memref_slice %arg4[%add3A_441, %dma_wait3A_465] : memref<5120x128xf32, #tpu.memory_space<hbm>> -> memref<80x128xf32, #tpu.memory_space<hbm>>
    %dma_wait3A_467 = arith.constant 0 : i32
    %dma_wait3A_468 = tpu.memref_slice %arg4[%add3A_441, %dma_wait3A_467] : memref<5120x128xf32, #tpu.memory_space<hbm>> -> memref<80x128xf32, #tpu.memory_space<hbm>>
    %dma_wait3A_469 = arith.constant 80 : i32
    %dma_wait3A_470 = arith.constant 0 : i32
    %dma_wait3A_471 = tpu.memref_slice %arg8[%dma_wait3A_469, %dma_wait3A_470] : memref<160x128xf32, #tpu.memory_space<vmem>> -> memref<80x128xf32, #tpu.memory_space<vmem>>
    tpu.wait_dma2 semaphore(%arg11 : memref<!tpu.dma_semaphore, #tpu.memory_space<semaphore_mem>>) src(%dma_wait3A_471 : memref<80x128xf32, #tpu.memory_space<vmem>>) dst(%dma_wait3A_468 : memref<80x128xf32, #tpu.memory_space<hbm>>)
    return
  }
}

module attributes {stable_mosaic.version = 14 : i64} {
  func.func @body(%arg0: i32, %arg1: memref<1024x128xf32, #tpu.memory_space<vmem>>, %arg2: memref<2048x128xf32, #tpu.memory_space<vmem>>, %arg3: memref<16384x2048xf32, #tpu.memory_space<any>>, %arg4: memref<1024x2048xf32, #tpu.memory_space<vmem>>) attributes {dimension_semantics = [#tpu.dimension_semantics<arbitrary>], iteration_bounds = array<i64: 11>, scalar_prefetch = 0 : i64, scratch_operands = 0 : i64, tpu.core_type = #tpu.core_type<tc>, window_params = [{transform_indices = @transform_0, window_bounds = array<i64: 1024, 128>}, {pipeline_mode = #tpu.pipeline_mode<synchronous>, transform_indices = @transform_1, window_bounds = array<i64: 2048, 128>}, {}, {transform_indices = @transform_3, window_bounds = array<i64: 1024, 2048>}]} {
    %get3A = arith.constant 0 : index
    %get3A_0 = arith.constant 0 : index
    %get3A_1 = vector.load %arg1[%get3A, %get3A_0] : memref<1024x128xf32, #tpu.memory_space<vmem>>, vector<1024x128xf32>
    %get3A_2 = arith.constant 0 : index
    %get3A_3 = arith.constant 0 : index
    %get3A_4 = vector.load %arg2[%get3A_2, %get3A_3] : memref<2048x128xf32, #tpu.memory_space<vmem>>, vector<2048x128xf32>
    %dot_general3A = arith.constant dense<0.000000e+00> : vector<1024x2048xf32>
    %dot_general3A_5 = tpu.matmul %get3A_1, %get3A_4, %dot_general3A {dimension_numbers = #tpu.dot_dimension_numbers<[1], [1], [0], [0], [0, 0, 1, 0], [], []>, transpose_lhs_hint = false} : vector<1024x128xf32>, vector<2048x128xf32>, vector<1024x2048xf32> -> vector<1024x2048xf32>
    %swap3A = arith.constant 0 : index
    %swap3A_6 = arith.constant 0 : index
    %swap3A_7 = vector.load %arg4[%swap3A, %swap3A_6] : memref<1024x2048xf32, #tpu.memory_space<vmem>>, vector<1024x2048xf32>
    tpu.vector_store %arg4[%swap3A, %swap3A_6], %dot_general3A_5 {strides = array<i32>} : memref<1024x2048xf32, #tpu.memory_space<vmem>>, vector<1024x2048xf32>,
    return
  }
  func.func @transform_0(%arg0: i32) -> (i32, i32) {
    %c0_i32 = arith.constant 0 : i32
    %c0_i32_0 = arith.constant 0 : i32
    return %arg0, %c0_i32 : i32, i32
  }
  func.func @transform_1(%arg0: i32) -> (i32, i32) {
    %c0_i32 = arith.constant 0 : i32
    %c0_i32_0 = arith.constant 0 : i32
    %c0_i32_1 = arith.constant 0 : i32
    return %c0_i32, %c0_i32_0 : i32, i32
  }
  func.func @transform_3(%arg0: i32) -> (i32, i32) {
    %add3A = arith.constant 5 : i32
    %add3A_0 = arith.addi %add3A, %arg0 : i32
    %c0_i32 = arith.constant 0 : i32
    %c0_i32_1 = arith.constant 0 : i32
    return %add3A_0, %c0_i32 : i32, i32
  }
}

module attributes {stable_mosaic.version = 14 : i64} {
  func.func @body(%arg0: i32, %arg1: memref<1024x128xf32, #tpu.memory_space<vmem>>, %arg2: memref<2048x128xf32, #tpu.memory_space<vmem>>, %arg3: memref<1024x2048xf32, #tpu.memory_space<vmem>>) attributes {dimension_semantics = [#tpu.dimension_semantics<arbitrary>], iteration_bounds = array<i64: 5>, scalar_prefetch = 0 : i64, scratch_operands = 0 : i64, tpu.core_type = #tpu.core_type<tc>, window_params = [{transform_indices = @transform_0, window_bounds = array<i64: 1024, 128>}, {pipeline_mode = #tpu.pipeline_mode<synchronous>, transform_indices = @transform_1, window_bounds = array<i64: 2048, 128>}, {transform_indices = @transform_2, window_bounds = array<i64: 1024, 2048>}]} {
    %get3A = arith.constant 0 : index
    %get3A_0 = arith.constant 0 : index
    %get3A_1 = vector.load %arg1[%get3A, %get3A_0] : memref<1024x128xf32, #tpu.memory_space<vmem>>, vector<1024x128xf32>
    %get3A_2 = arith.constant 0 : index
    %get3A_3 = arith.constant 0 : index
    %get3A_4 = vector.load %arg2[%get3A_2, %get3A_3] : memref<2048x128xf32, #tpu.memory_space<vmem>>, vector<2048x128xf32>
    %dot_general3A = arith.constant dense<0.000000e+00> : vector<1024x2048xf32>
    %dot_general3A_5 = tpu.matmul %get3A_1, %get3A_4, %dot_general3A {dimension_numbers = #tpu.dot_dimension_numbers<[1], [1], [0], [0], [0, 0, 1, 0], [], []>, transpose_lhs_hint = false} : vector<1024x128xf32>, vector<2048x128xf32>, vector<1024x2048xf32> -> vector<1024x2048xf32>
    %swap3A = arith.constant 0 : index
    %swap3A_6 = arith.constant 0 : index
    %swap3A_7 = vector.load %arg3[%swap3A, %swap3A_6] : memref<1024x2048xf32, #tpu.memory_space<vmem>>, vector<1024x2048xf32>
    tpu.vector_store %arg3[%swap3A, %swap3A_6], %dot_general3A_5 {strides = array<i32>} : memref<1024x2048xf32, #tpu.memory_space<vmem>>, vector<1024x2048xf32>,
    return
  }
  func.func @transform_0(%arg0: i32) -> (i32, i32) {
    %c0_i32 = arith.constant 0 : i32
    %c0_i32_0 = arith.constant 0 : i32
    return %arg0, %c0_i32 : i32, i32
  }
  func.func @transform_1(%arg0: i32) -> (i32, i32) {
    %c0_i32 = arith.constant 0 : i32
    %c0_i32_0 = arith.constant 0 : i32
    %c0_i32_1 = arith.constant 0 : i32
    return %c0_i32, %c0_i32_0 : i32, i32
  }
  func.func @transform_2(%arg0: i32) -> (i32, i32) {
    %add3A = arith.constant 0 : i32
    %add3A_0 = arith.addi %add3A, %arg0 : i32
    %c0_i32 = arith.constant 0 : i32
    %c0_i32_1 = arith.constant 0 : i32
    return %add3A_0, %c0_i32 : i32, i32
  }
}

</mosaic_0001>

<sc_bundles>
// kernel: hash_gather_t0.3.cloned.1.call-start
scs
__scs_entry_jumppad:
0x0: {  	(pc) =	sbr.rel $0x88, $3  }
0x1: {  	(tag) =	ssettag $0x0;
	lr =	simm.s32 $0x1  }
0x2: {  	[smem:$0x3F9E] =	sst lr;
	_ =	strace $0xD0000000  }
0x3: {  	_ = 	snop  }
0x4: {  	_ = 	snop  }
0x5: {  	_ = 	snop  }
0x6: {  	_ = 	snop  }
0x7: {  	_ = 	snop  }
__scs_overlays_trampoline_lowered:
0x8: {  	[smem:$0x3FAD] =	sst s0  }
0x9: {  	[smem:$0x3FAE] =	sst s1  }
0xa: {  	[smem:$0x3FAF] =	sst s2  }
0xb: {  	[smem:$0x3FB0] =	sst s3  }
0xc: {  	[smem:$0x3FB1] =	sst s4  }
0xd: {  	[smem:$0x3FB2] =	sst s5  }
0xe: {  	[smem:$0x3FB3] =	sst s6  }
0xf: {  	[smem:$0x3FB4] =	sst s7  }
0x10: {  	[smem:$0x3FB5] =	sst s8  }
0x11: {  	[smem:$0x3FB6] =	sst s9;
	s0 =	simm.s32 @!p0 $0x0  }
0x12: {  	s1 =	sld [smem:$0x3F9C];
	s0 =	simm.s32 @p0 $0x1  }
0x13: {  	[smem:$0x3FB7] =	sst s0;
	s0 =	simm.s32 @!p1 $0x0  }
0x14: {  	s2 =	sld [smem:$0x3F9B];
	s0 =	simm.s32 @p1 $0x1  }
0x15: {  	[smem:$0x3FB8] =	sst s0;
	s0 =	simm.s32 @!p2 $0x0  }
0x16: {  	s3 =	sld [smem:$0x3FDB];
	s0 =	simm.s32 @p2 $0x1  }
0x17: {  	s4 =	simm.s32 $0x1BF5;
	[smem:$0x3FBA] =	sst s0  }
0x18: {  	s0 =	sld [smem:$0x3F9D];
	_ =	swait.ge [sflag:s4], $0x0  }
0x19: {  	s7 =	sld [smem:$0x3F9E]  }
0x1a: {  	s8 =	sadd.s32 $0xFFFFE003, lr  }
0x1b: {  	s9 =	sadd.s32 $0xFFFFFEF7, lr;
	s5 =	simm.s32 $0xFFFFFFFF;
	p2 =	slt.u32 s8, $0xFFFFF086  }
0x1c: {  	p1 =	slt.u32 s9, $0xF7A;
	s5 =	simm.s32 @!p2 $0x0  }
0x1d: {  	s5 =	simm.s32 @p1 $0x1;
	p0 =	seq.s32 s7, s2  }
0x1e: {  	s7 =	smul.u32 @!p0 $0xF7A, s2;
	p2 =	seq.s32 @!p0 s5, $0x0  }
0x1f: {  	s9 =	smul.u32 $0xF7A, s1;
	s8 =	simm.s32 @!p0 $0x1BF5;
	p2 =	por !p2, p0  }
0x20: {  	[sflag:s8] =	ssyncset.s32 @!p0 $0xFFFFF086;
	s6 =	sadd.s32 @!p0 s3, s7;
	s7 =	simm.s32 @!p0 $0x108  }
0x21: {  	s3 =	sadd.s32 s3, s9;
	s6 =	sadd.s32 @!p0 $0x88, s6;
	s7 =	simm.s32 @p2 $0x1082  }
0x22: {  	[simem:s7], [sflag:s8] =	dma.local @!p0 [hbm:s6], $0xF7A  }
0x23: {  	s9 =	sor.u32 $0xD0000000, s2;
	s6 =	simm.s32 $0x108;
	_ =	swait.ge @!p0 [sflag:s8], $0x0  }
0x24: {  	s3 =	sadd.s32 $0x88, s3;
	s6 =	simm.s32 @!p1 $0x1082;
	[sflag:s4] =	ssyncset.s32 $0xFFFFF086  }
0x25: {  	[simem:s6], [sflag:s4] =	dma.local [hbm:s3], $0xF7A  }
0x26: {  	[smem:$0x3F9E] =	sst s1;
	(tag) =	ssettag s2;
	_ =	strace s9  }
0x27: {  	s1 =	sld [smem:$0x3FAE]  }
0x28: {  	s2 =	sld [smem:$0x3FAF]  }
0x29: {  	s4 =	sld [smem:$0x3FB1]  }
0x2a: {  	p0 =	seq.s32 s5, $0x0;
	s5 =	sld [smem:$0x3FB2]  }
0x2b: {  	s6 =	sld [smem:$0x3FB3]  }
0x2c: {  	s7 =	sld [smem:$0x3FB4]  }
0x2d: {  	s3 =	simm.s32 $0x108;
	s8 =	sld [smem:$0x3FB5]  }
0x2e: {  	s3 =	simm.s32 @!p0 $0x1082;
	s9 =	sld [smem:$0x3FB6]  }
0x2f: {  	lr =	sadd.s32 s0, s3;
	s0 =	sld [smem:$0x3FAD]  }
0x30: {  	s3 =	sld [smem:$0x3FB0]  }
0x31: {  	[smem:$0x3FB9] =	sst s10  }
0x32: {  	s10 =	sld [smem:$0x3FB7];
	_ =	sdelay $0x3  }
0x33: {  	p0 =	seq.s32 s10, $0x1;
	s10 =	sld [smem:$0x3FB9];
	_ =	sdelay $0x3  }
0x34: {  	[smem:$0x3FB9] =	sst s10  }
0x35: {  	s10 =	sld [smem:$0x3FB8];
	_ =	sdelay $0x3  }
0x36: {  	p1 =	seq.s32 s10, $0x1;
	s10 =	sld [smem:$0x3FB9];
	_ =	sdelay $0x3  }
0x37: {  	[smem:$0x3FB9] =	sst s10  }
0x38: {  	s10 =	sld [smem:$0x3FBA]  }
0x39: {  	_ = 	snop;
	(pc) =	sbr.ind lr, $3  }
0x3a: {  	_ = 	snop  }
0x3b: {  	_ = 	snop  }
0x3c: {  	p2 =	seq.s32 s10, $0x1;
	s10 =	sld [smem:$0x3FB9]  }
0x3d: {  	_ =	shalt  }
0x3e: {  	_ =	shalt  }
0x3f: {  	_ =	shalt  }
0x40: {  	_ =	shalt  }
0x41: {  	_ =	shalt  }
0x42: {  	_ =	shalt  }
0x43: {  	_ =	shalt  }
0x44: {  	_ =	shalt  }
0x45: {  	_ =	shalt  }
0x46: {  	_ =	shalt  }
0x47: {  	_ =	shalt  }
0x48: {  	_ =	shalt  }
0x49: {  	_ =	shalt  }
0x4a: {  	_ =	shalt  }
0x4b: {  	_ =	shalt  }
0x4c: {  	_ =	shalt  }
0x4d: {  	_ =	shalt  }
0x4e: {  	_ =	shalt  }
0x4f: {  	_ =	shalt  }
0x50: {  	_ =	shalt  }
0x51: {  	_ =	shalt  }
0x52: {  	_ =	shalt  }
0x53: {  	_ =	shalt  }
0x54: {  	_ =	shalt  }
0x55: {  	_ =	shalt  }
0x56: {  	_ =	shalt  }
0x57: {  	_ =	shalt  }
0x58: {  	_ =	shalt  }
0x59: {  	_ =	shalt  }
0x5a: {  	_ =	shalt  }
0x5b: {  	_ =	shalt  }
0x5c: {  	_ =	shalt  }
0x5d: {  	_ =	shalt  }
0x5e: {  	_ =	shalt  }
0x5f: {  	_ =	shalt  }
0x60: {  	_ =	shalt  }
0x61: {  	_ =	shalt  }
0x62: {  	_ =	shalt  }
0x63: {  	_ =	shalt  }
0x64: {  	_ =	shalt  }
0x65: {  	_ =	shalt  }
0x66: {  	_ =	shalt  }
0x67: {  	_ =	shalt  }
0x68: {  	_ =	shalt  }
0x69: {  	_ =	shalt  }
0x6a: {  	_ =	shalt  }
0x6b: {  	_ =	shalt  }
0x6c: {  	_ =	shalt  }
0x6d: {  	_ =	shalt  }
0x6e: {  	_ =	shalt  }
0x6f: {  	_ =	shalt  }
0x70: {  	_ =	shalt  }
0x71: {  	_ =	shalt  }
0x72: {  	_ =	shalt  }
0x73: {  	_ =	shalt  }
0x74: {  	_ =	shalt  }
0x75: {  	_ =	shalt  }
0x76: {  	_ =	shalt  }
0x77: {  	_ =	shalt  }
0x78: {  	_ =	shalt  }
0x79: {  	_ =	shalt  }
0x7a: {  	_ =	shalt  }
0x7b: {  	_ =	shalt  }
0x7c: {  	_ =	shalt  }
0x7d: {  	_ =	shalt  }
0x7e: {  	_ =	shalt  }
0x7f: {  	_ =	shalt  }
0x80: {  	_ =	shalt  }
0x81: {  	_ =	shalt  }
0x82: {  	_ =	shalt  }
0x83: {  	_ =	shalt  }
0x84: {  	_ =	shalt  }
0x85: {  	_ =	shalt  }
0x86: {  	_ =	shalt  }
0x87: {  	_ =	shalt  }
.Lfunc_end0:
.L_simem_size_0:
called_computation_lowered:
.L_overlay_start_0:
0x88: {  	s2 =	sld [smem:$0x3FD9]  }
0x89: {  	s3 =	sld [smem:$0x3FFE];
	_ =	sdelay $0x1  }
0x8a: {  	s1 =	srdreg.scid  }
0x8b: {  	s0 =	sand.u32 $0x1, s1  }
0x8c: {  	s17 =	sshll.u32 s0, $0xA;
	s2 =	sadd.s32 s3, s2  }
0x8d: {  	s2 =	sadd.s32 s2, s17  }
0x8e: {  	[smem:$0x3FC5] =	sst s2  }
0x8f: {  	_ = 	snop  }
0x90: {  	s2 =	sld [smem:$0x3FC8]  }
0x91: {  	s18 =	sld [smem:$0x3FD0];
	(tm) =	ssettm $0x1  }
0x92: {  	s4 =	sld [smem:$0x3FFB];
	_ =	sdelay $0x3  }
0x93: {  	_ =	strace s4  }
0x94: {  	s4 =	sld [smem:$0x3FFC];
	_ =	sdelay $0x3  }
0x95: {  	_ =	strace s4  }
0x96: {  	s4 =	sld [smem:$0x3FFD];
	_ =	sdelay $0x3  }
0x97: {  	_ =	strace s4  }
0x98: {  	_ =	strace $0x8FFFFFFF  }
0x99: {  	s19 =	sld [smem:$0x3FDB];
	_ =	sdelay $0x1  }
0x9a: {  	s5 =	simm.s32 $_scs_section_size  }
0x9b: {  	s6 =	simm.s32 $_size__tile_overlayer_lowered;
	s7 =	simm.s32 $_tile_overlayer_lowered  }
0x9c: {  	s22 =	simm.s32 $0x1BFF;
	s21 =	sshll.u32 s7, $0x1;
	s4 =	sadd.s32 s5, s19  }
0x9d: {  	s8 =	simm.s32 $0x0;
	s20 =	sshll.u32 s6, $0x1;
	s6 =	sadd.s32 s21, s4  }
0x9e: {  	[timem:s8], [sflag:s22] =	dma.local [hbm:s6], s20  }
0x9f: {  	_ =	swait.ge [sflag:s22], s20  }
0xa0: {  	s5 =	ssub.s32 $0x0, s20;
	[sflag:s22] =	ssyncset.done $0x0  }
0xa1: {  	[sflag:s22] =	ssyncadd.s32 s5;
	_ =	sdelay $0x1  }
0xa2: {  	s23 =	simm.s32 $0x1B8B  }
0xa3: {  	_ =	swait.ge [sflag:s23], $0x1  }
0xa4: {  	[sflag:s23] =	ssyncset.done $0x0  }
0xa5: {  	s25 =	simm.s32 $0x1B8E;
	s24 =	sld [smem:$0x3FFE];
	[sflag:s23] =	ssyncadd.s32 $0xFFFFFFFF  }
0xa6: {  	s26 =	simm.s32 $execute0_lowered;
	[smem:$0x3FD2] =	sst s25  }
0xa7: {  	s6 =	sshll.u32 s26, $0x1;
	_ =	strace $0x80000046;
	[dreg:$0x1] =	wrdreg $0xFFFFFFFF  }
0xa8: {  	s28 =	simm.s32 $_size_execute0_lowered;
	s4 =	sadd.s32 s4, s6;
	[dreg:$0x0] =	wrdreg $0x0  }
0xa9: {  	s6 =	sshll.u32 s28, $0x1;
	[dreg:$0x2] =	wrdreg s4  }
0xaa: {  	[dreg:$0x3] =	wrdreg s6  }
0xab: {  	[dreg:$0x4] =	wrdreg $0xC0  }
0xac: {  	_ =	task [dreg:s8], $0x5FFFF  }
0xad: {  	[dreg:$0x1] =	wrdreg $0xFFFFFFFF  }
0xae: {  	[dreg:$0x0] =	wrdreg $0x60  }
0xaf: {  	[dreg:$0x2] =	wrdreg s24  }
0xb0: {  	[dreg:$0x3] =	wrdreg s2  }
0xb1: {  	[dreg:$0x4] =	wrdreg s18  }
0xb2: {  	[dreg:$0x5] =	wrdreg $0x9  }
0xb3: {  	_ =	task.clear_ibuf [dreg:s8], $0x6FFFF;
	_ =	strace $0x90000046  }
0xb4: {  	s29 =	simm.s32 $0x9;
	_ =	strace $0x80000048  }
0xb5: {  	_ =	swait.ge [sflag:s29], $0x1  }
0xb6: {  	[sflag:s29] =	ssyncadd.s32 $0xFFFFFFFF  }
0xb7: {  	_ =	strace $0x90000048  }
0xb8: {  	_ =	sfence  }
0xb9: {  	s30 =	sld [smem:$0x0];
	_ =	sdelay $0x2  }
0xba: {  	s31 =	sshll.u32 s1, $0xD;
	s1 =	sshrl.u32 s1, $0x2  }
0xbb: {  	s3 =	sand.u32 $0x4000, s31;
	s1 =	sadd.s32 s1, s30  }
0xbc: {  	s0 =	sor.u32 s3, s0;
	s1 =	sshll.u32 s1, $0x11  }
0xbd: {  	s0 =	sor.u32 s1, s0  }
0xbe: {  	s0 =	sadd.s32 $0x8F2B, s0  }
0xbf: {  	[sflag:s0] =	ssyncadd.remote.s32 $0x1  }
0xc0: {  	_ =	sfence.sel $0xFFFF  }
0xc1: {  	[dreg:$0x0] =	wrdreg $0xFFFFFFFF;
	(pc) =	sbr.abs _section_cstart, $3  }
0xc2: {  	[dreg:$0x1] =	wrdreg $0xFFFFFFFF  }
0xc3: {  	_ =	task.clear_ibuf [dreg:s8], $0x2FFFF;
	_ =	strace $0x9FFFFFFF  }
0xc4: {  	(tm) =	ssettm $0x7FFFFFFF  }
0xc5: {  	_ =	shalt  }
tec
execute0_lowered:
.L_overlay_start_1:
0x0: {  	(tag) =	ssettag $0x1  }
0x1: {  	s1 =	srdreg.scid;
	s2 =	stileid.u32  }
0x2: {  	s1 =	sand.u32 $0x1, s1;
	s2 =	sshll.u32 s2, $0x1  }
0x3: {  	s2 =	sor.u32 s1, s2  }
0x4: {  	s4 =	smul.u32 $0xA0, s2  }
0x5: {  	s0 =	rddreg [dreg:$0x0];
	v1 =	vlaneseq.u32;
	v62 =	vimm.s32 $0x0  }
0x6: {  	s3 =	rddreg [dreg:$0x2];
	v63 =	vimm.s32 $0x0;
	vm6 =	vcmask $0xB08;
	vm7 =	vcmask $0x1310;
	s18 =	sadd.s32 $0x20, s4;
	s19 =	sadd.s32 $0x40, s4  }
0x7: {  	s5 =	simm.s32 $0x0;
	v0 =	vor.u32 s4, v1;
	s6 =	sadd.s32 $0x80, s4;
	s21 =	sadd.s32 $0x60, s4;
	v2 =	vor.u32 s18, v1;
	v3 =	vor.u32 s19, v1  }
0x8: {  	s29 =	simm.s32 $0x8;
	s30 =	simm.s32 $0x100;
	[smem:$0x7FF] =	sst s5;
	v0 =	vand.u32 $0xFEF, v0;
	v4 =	vor.u32 s6, v1;
	v5 =	vor.u32 s21, v1  }
0x9: {  	s31 =	simm.s32 $0x180;
	_ =	strace $0x80000047;
	[dreg:$0x4] =	wrdreg s29;
	v2 =	vand.u32 $0xFEF, v2;
	v4 =	vand.u32 $0xFEF, v4;
	v3 =	vand.u32 $0xFEF, v3  }
0xa: {  	s0 =	sadd.s32 $0xE00, s0;
	[dreg:$0x7] =	wrdreg s30;
	s22 =	smul.u32 $0x5000, s2;
	v5 =	vand.u32 $0xFEF, v5;
	vm14 =	veq.s32 v0, $0x0;
	v0 =	vimm.s32 $0x0  }
0xb: {  	s1 =	ssub.s32 $0x2, s1;
	[dreg:$0x8] =	wrdreg s31;
	s2 =	smul.u32 $0xA00, s2;
	vm0 =	veq.s32 v4, $0x0;
	vm15 =	veq.s32 v5, $0x0;
	v0 =	vsel vm14, $0xFFFFFFFF, v0  }
0xc: {  	s26 =	sshrl.u32 s1, $0x1;
	s20 =	smax.u32 s4, $0x8;
	s4 =	sshrl.u32 s4, $0x3;
	vm12 =	veq.s32 v3, $0x0;
	v3 =	vimm.s32 $0x0;
	v4 =	vsel vm0, $0xFFFFFFFF, v62;
	[tilespmem:$0x1FFE0] =	vst v0  }
0xd: {  	s23 =	sshrl.u32 s22, $0x3;
	s24 =	sadd.s32 s3, s2;
	s5 =	sadd.s32 $0xFFFFFFF8, s20;
	vm13 =	veq.s32 v2, $0x0;
	v2 =	vimm.s32 $0x0;
	v3 =	vsel vm12, $0xFFFFFFFF, v3;
	[tilespmem:$0x1FFA0] =	vst v4  }
0xe: {  	s4 =	sadd.s32 s0, s4;
	s25 =	sadd.s32 s3, s23;
	[dreg:$0x9] =	wrdreg s24;
	v2 =	vsel vm13, $0xFFFFFFFF, v2;
	v4 =	vsel vm15, $0xFFFFFFFF, v63;
	[tilespmem:$0x1FFC0] =	vst v3;
	v3 =	vimm.s32 $0xECA86420  }
0xf: {  	s5 =	sshrl.u32 s5, $0x3;
	[dreg:$0x5] =	wrdreg s4;
	s28 =	sadd.s32 $0x500, s25;
	[tilespmem:$0x1FFD0] =	vst v2;
	vm15 =	vmmov $0xff;
	v2 =	vimm.s32 $0x0;
	v0 =	vunpack.c.l.s4.s8 v3  }
0x10: {  	vm5 =	vcmask $0x1B18;
	vm9 =	vcmask $0x3B38;
	s1 =	ssub.s32 s1, s26;
	s0 =	sadd.s32 s0, s5;
	[dreg:$0xa] =	wrdreg s28;
	[tilespmem:$0x1FFB0] =	vst v4;
	v2 =	vsel vm15, $0xFFFFFFFF, v2  }
0x11: {  	vm4 =	vcmask $0x2724;
	s1 =	smax.u32 s1, $0x1;
	v1 =	vmul.u32 $0x2, v1;
	[dreg:$0x6] =	wrdreg s0;
	[tilespmem:$0x1FFF0] =	vst v2;
	v0 =	vunpack.c.0.s8.s32 v0  }
.LBB2_1:
0x12: {  	[dreg:$0xb] =	wrdreg s1  }
0x13: {  	s0 =	rddreg [dreg:$0x4]  }
0x14: {  	s25 =	rddreg [dreg:$0x5];
	s3 =	simm.s32 $0x0  }
0x15: {  	[tilespmem:s0], [sflag:$0x1] =	stream.linear.gather [hbm4b:s25+s3], $0xA0, $0x38;
	[tilespmem:$0x5200] =	vst v63  }
0x16: {  	s2 =	rddreg [dreg:$0x6];
	s26 =	simm.s32 $0x1  }
0x17: {  	[tilespmem:s3], [sflag:$0x3] =	stream.linear.gather [hbm4b:s2+s3], $0x8, $0x38;
	[tilespmem:$0x5200] =	vst v63  }
0x18: {  	_ =	swait.ge [sflag:s26], $0xA0  }
0x19: {  	[sflag:s26] =	ssyncset.done $0x0  }
0x1a: {  	s28 =	simm.s32 $0x3;
	[sflag:s26] =	ssyncadd.s32 $0xFFFFFF60  }
0x1b: {  	_ =	swait.ge [sflag:s28], $0x8  }
0x1c: {  	[sflag:s28] =	ssyncset.done $0x0  }
0x1d: {  	[sflag:s28] =	ssyncadd.s32 $0xFFFFFFF8  }
0x1e: {  	v2 =	vld [tilespmem:$0x7]  }
0x1f: {  	v4 =	vld [tilespmem:$0x1FFE0];
	_ =	sdelay $0x1  }
0x20: {  	v3 =	vld [tilespmem:$0x8];
	_ =	sdelay $0x1  }
0x21: {  	v2 =	vmul.u32 $0xF4243, v2  }
0x22: {  	vm14 =	vnez.u8 v4  }
0x23: {  	v2 =	vsel vm14, $0x0, v2  }
0x24: {  	v3 =	vadd.s32 v3, v2  }
0x25: {  	(v2sf) =	vpush v3, $0xD;
	_ =	sdelay $0x1  }
0x26: {  	(v2sf) =	vpush v3, $0xC;
	_ =	sdelay $0x1  }
0x27: {  	(v2sf) =	vpush v3, $0xE;
	_ =	sdelay $0x1  }
0x28: {  	(v2sf) =	vpush v3, $0xF  }
0x29: {  	(v2sf) =	vpush v3, $0x9;
	_ =	sdelay $0x2  }
0x2a: {  	(v2sf) =	vpush v3, $0x8  }
0x2b: {  	(v2sf) =	vpush v3, $0xA;
	_ =	sdelay $0x2  }
0x2c: {  	(v2sf) =	vpush v3, $0xB  }
0x2d: {  	(v2sf) =	vpush v3, $0x0;
	s29 =	spop (v2sf)  }
0x2e: {  	s30 =	smulhi.u32 $0x14F8B589, s29;
	s0 =	sshra.s32 s29, $0x1F  }
0x2f: {  	s31 =	spop (v2sf);
	s21 =	smul.u32 $0x14F8B589, s0  }
0x30: {  	(v2sf) =	vpush v3, $0x1;
	s18 =	smulhi.u32 $0x14F8B589, s31;
	s0 =	sshra.s32 s31, $0x1F  }
0x31: {  	s1 =	spop (v2sf);
	s22 =	smul.u32 $0x14F8B589, s0  }
0x32: {  	(v2sf) =	vpush v3, $0x2;
	s19 =	smulhi.u32 $0x14F8B589, s1;
	s0 =	sshra.s32 s1, $0x1F  }
0x33: {  	s2 =	spop (v2sf);
	(v2sf) =	vpush v3, $0x3;
	s12 =	smul.u32 $0x14F8B589, s0  }
0x34: {  	v2 =	vld [tilespmem:$0x17];
	s20 =	smulhi.u32 $0x14F8B589, s2;
	s0 =	sshra.s32 s2, $0x1F;
	s3 =	spop (v2sf);
	(v2sf) =	vpush v3, $0x4  }
0x35: {  	s9 =	smul.u32 $0x14F8B589, s0  }
0x36: {  	v47 =	vld [tilespmem:$0x18];
	s23 =	smulhi.u32 $0x14F8B589, s3;
	s0 =	sshra.s32 s3, $0x1F  }
0x37: {  	s4 =	spop (v2sf);
	(v2sf) =	vpush v3, $0x5;
	s13 =	smul.u32 $0x14F8B589, s0  }
0x38: {  	s24 =	smulhi.u32 $0x14F8B589, s4;
	s0 =	sshra.s32 s4, $0x1F;
	s5 =	spop (v2sf);
	(v2sf) =	vpush v3, $0x6  }
0x39: {  	v2 =	vmul.u32 $0xF4243, v2;
	s11 =	smul.u32 $0x14F8B589, s0  }
0x3a: {  	s25 =	smulhi.u32 $0x14F8B589, s5;
	s0 =	sshra.s32 s5, $0x1F  }
0x3b: {  	v4 =	vadd.s32 v47, v2;
	s6 =	spop (v2sf);
	(v2sf) =	vpush v3, $0x7;
	s28 =	smul.u32 $0x14F8B589, s0  }
0x3c: {  	s26 =	smulhi.u32 $0x14F8B589, s6;
	s0 =	sshra.s32 s6, $0x1F;
	s7 =	spop (v2sf);
	(v2sf) =	vpush v4, $0xD  }
0x3d: {  	[smem:$0x72E] =	sst s30;
	s30 =	smul.u32 $0x14F8B589, s0  }
0x3e: {  	s29 =	smulhi.u32 $0x14F8B589, s7;
	s0 =	sshra.s32 s7, $0x1F  }
0x3f: {  	s8 =	spop (v2sf);
	s7 =	smul.u32 $0x14F8B589, s0  }
0x40: {  	s31 =	smulhi.u32 $0x14F8B589, s8;
	s0 =	sshra.s32 s8, $0x1F  }
0x41: {  	(v2sf) =	vpush v4, $0xC;
	s6 =	smul.u32 $0x14F8B589, s0;
	s10 =	spop (v2sf)  }
0x42: {  	s14 =	smulhi.u32 $0x14F8B589, s10;
	s15 =	spop (v2sf)  }
0x43: {  	s0 =	sshra.s32 s10, $0x1F;
	s16 =	smulhi.u32 $0x14F8B589, s15;
	s17 =	spop (v2sf)  }
0x44: {  	(v2sf) =	vpush v4, $0xE;
	[smem:$0x72F] =	sst s14;
	s14 =	smul.u32 $0x14F8B589, s0  }
0x45: {  	s0 =	sshra.s32 s15, $0x1F;
	s2 =	smulhi.u32 $0x14F8B589, s17  }
0x46: {  	(v2sf) =	vpush v4, $0xF;
	s3 =	spop (v2sf);
	s8 =	smul.u32 $0x14F8B589, s0  }
0x47: {  	s0 =	sshra.s32 s17, $0x1F;
	s4 =	smulhi.u32 $0x14F8B589, s3;
	s5 =	spop (v2sf)  }
0x48: {  	(v2sf) =	vpush v4, $0x9;
	[smem:$0x731] =	sst s2;
	s2 =	smul.u32 $0x14F8B589, s0  }
0x49: {  	[smem:$0x730] =	sst s16;
	s0 =	sshra.s32 s3, $0x1F;
	s10 =	smulhi.u32 $0x14F8B589, s5  }
0x4a: {  	s15 =	spop (v2sf);
	s1 =	smul.u32 $0x14F8B589, s0  }
0x4b: {  	(v2sf) =	vpush v4, $0x8;
	s0 =	sshra.s32 s5, $0x1F;
	s16 =	smulhi.u32 $0x14F8B589, s15;
	s17 =	spop (v2sf)  }
0x4c: {  	[smem:$0x733] =	sst s10;
	s10 =	smul.u32 $0x14F8B589, s0  }
0x4d: {  	(v2sf) =	vpush v4, $0xA;
	s0 =	sshra.s32 s15, $0x1F;
	s5 =	smulhi.u32 $0x14F8B589, s17  }
0x4e: {  	[smem:$0x732] =	sst s4;
	s4 =	smul.u32 $0x14F8B589, s0;
	s0 =	sshra.s32 s17, $0x1F  }
0x4f: {  	s0 =	smul.u32 $0x14F8B589, s0  }
0x50: {  	s22 =	sadd.s32 s22, s18;
	s15 =	spop (v2sf);
	[smem:$0x734] =	sst s16  }
0x51: {  	s16 =	smulhi.u32 $0x14F8B589, s15;
	[smem:$0x736] =	sst s0;
	s0 =	sshra.s32 s15, $0x1F  }
0x52: {  	[smem:$0x76D] =	sst s22;
	(v2sf) =	vpush v4, $0xB;
	s0 =	smul.u32 $0x14F8B589, s0  }
0x53: {  	(v2sf) =	vpush v4, $0x0;
	[smem:$0x735] =	sst s5;
	s17 =	spop (v2sf)  }
0x54: {  	[smem:$0x738] =	sst s0;
	s5 =	smulhi.u32 $0x14F8B589, s17;
	s0 =	sshra.s32 s17, $0x1F  }
0x55: {  	s15 =	spop (v2sf);
	s0 =	smul.u32 $0x14F8B589, s0  }
0x56: {  	(v2sf) =	vpush v4, $0x1;
	[smem:$0x737] =	sst s16;
	s16 =	smulhi.u32 $0x14F8B589, s15  }
0x57: {  	s17 =	spop (v2sf);
	[smem:$0x73A] =	sst s0;
	s0 =	sshra.s32 s15, $0x1F  }
0x58: {  	(v2sf) =	vpush v4, $0x2;
	[smem:$0x739] =	sst s5;
	s0 =	smul.u32 $0x14F8B589, s0  }
0x59: {  	s5 =	smulhi.u32 $0x14F8B589, s17;
	[smem:$0x73B] =	sst s16  }
0x5a: {  	s15 =	spop (v2sf);
	[smem:$0x73C] =	sst s0;
	s0 =	sshra.s32 s17, $0x1F  }
0x5b: {  	(v2sf) =	vpush v4, $0x3;
	[smem:$0x73D] =	sst s5;
	s0 =	smul.u32 $0x14F8B589, s0  }
0x5c: {  	s16 =	smulhi.u32 $0x14F8B589, s15;
	s17 =	spop (v2sf)  }
0x5d: {  	(v2sf) =	vpush v4, $0x4;
	s5 =	smulhi.u32 $0x14F8B589, s17;
	[smem:$0x73E] =	sst s0;
	s0 =	sshra.s32 s15, $0x1F  }
0x5e: {  	[smem:$0x73F] =	sst s16;
	s0 =	smul.u32 $0x14F8B589, s0  }
0x5f: {  	[smem:$0x741] =	sst s5  }
0x60: {  	(v2sf) =	vpush v4, $0x5;
	[smem:$0x740] =	sst s0;
	s0 =	sshra.s32 s17, $0x1F  }
0x61: {  	s15 =	spop (v2sf);
	s0 =	smul.u32 $0x14F8B589, s0  }
0x62: {  	s16 =	smulhi.u32 $0x14F8B589, s15;
	s17 =	spop (v2sf)  }
0x63: {  	v2 =	vld [tilespmem:$0x27];
	s5 =	smulhi.u32 $0x14F8B589, s17;
	[smem:$0x742] =	sst s0;
	s0 =	sshra.s32 s15, $0x1F  }
0x64: {  	v6 =	vld [tilespmem:$0x1FFD0];
	(v2sf) =	vpush v4, $0x6;
	[smem:$0x743] =	sst s16;
	s0 =	smul.u32 $0x14F8B589, s0  }
0x65: {  	[smem:$0x745] =	sst s5;
	s15 =	spop (v2sf)  }
0x66: {  	v5 =	vld [tilespmem:$0x28];
	s16 =	smulhi.u32 $0x14F8B589, s15;
	[smem:$0x744] =	sst s0;
	s0 =	sshra.s32 s17, $0x1F  }
0x67: {  	s12 =	sadd.s32 s12, s19;
	s5 =	spop (v2sf);
	s17 =	smul.u32 $0x14F8B589, s0  }
0x68: {  	v2 =	vmul.u32 $0xF4243, v2;
	[smem:$0x76E] =	sst s12;
	(v2sf) =	vpush v4, $0x7;
	s0 =	sshra.s32 s15, $0x1F;
	s15 =	smulhi.u32 $0x14F8B589, s5  }
0x69: {  	vm1 =	vnez.u8 v6;
	[smem:$0x746] =	sst s16;
	s0 =	smul.u32 $0x14F8B589, s0  }
0x6a: {  	v2 =	vsel vm1, $0x0, v2;
	s16 =	spop (v2sf);
	[smem:$0x748] =	sst s15  }
0x6b: {  	v2 =	vadd.s32 v5, v2;
	s15 =	smulhi.u32 $0x14F8B589, s16;
	[smem:$0x747] =	sst s0;
	s0 =	sshra.s32 s5, $0x1F  }
0x6c: {  	(v2sf) =	vpush v2, $0xD;
	s5 =	smul.u32 $0x14F8B589, s0;
	s0 =	sshra.s32 s16, $0x1F;
	s16 =	spop (v2sf)  }
0x6d: {  	s9 =	sadd.s32 s9, s20;
	[smem:$0x749] =	sst s15;
	s15 =	smulhi.u32 $0x14F8B589, s16  }
0x6e: {  	[smem:$0x76F] =	sst s9;
	s3 =	smul.u32 $0x14F8B589, s0  }
0x6f: {  	s22 =	sadd.s32 s13, s23;
	[smem:$0x74A] =	sst s15;
	s15 =	spop (v2sf)  }
0x70: {  	(v2sf) =	vpush v2, $0xC;
	s0 =	sshra.s32 s16, $0x1F;
	s16 =	smulhi.u32 $0x14F8B589, s15;
	s15 =	sshra.s32 s15, $0x1F  }
0x71: {  	[smem:$0x770] =	sst s22;
	s11 =	sadd.s32 s11, s24;
	s15 =	smul.u32 $0x14F8B589, s15  }
0x72: {  	[smem:$0x772] =	sst s11  }
0x73: {  	s28 =	sadd.s32 s28, s25;
	[smem:$0x74C] =	sst s15;
	s15 =	spop (v2sf)  }
0x74: {  	(v2sf) =	vpush v2, $0xE;
	[smem:$0x74B] =	sst s16;
	s16 =	smulhi.u32 $0x14F8B589, s15;
	s15 =	sshra.s32 s15, $0x1F  }
0x75: {  	[smem:$0x773] =	sst s28;
	s13 =	sadd.s32 s30, s26;
	s15 =	smul.u32 $0x14F8B589, s15  }
0x76: {  	[smem:$0x774] =	sst s13  }
0x77: {  	[smem:$0x74E] =	sst s15;
	s15 =	spop (v2sf)  }
0x78: {  	(v2sf) =	vpush v2, $0xF;
	[smem:$0x74D] =	sst s16;
	s16 =	smulhi.u32 $0x14F8B589, s15;
	s15 =	sshra.s32 s15, $0x1F  }
0x79: {  	s28 =	sld [smem:$0x731];
	s15 =	smul.u32 $0x14F8B589, s15  }
0x7a: {  	s11 =	sld [smem:$0x733]  }
0x7b: {  	[smem:$0x750] =	sst s15;
	s15 =	spop (v2sf)  }
0x7c: {  	[smem:$0x74F] =	sst s16;
	s16 =	smulhi.u32 $0x14F8B589, s15;
	s15 =	sshra.s32 s15, $0x1F  }
0x7d: {  	s2 =	sadd.s32 s2, s28;
	s13 =	sld [smem:$0x734];
	s15 =	smul.u32 $0x14F8B589, s15  }
0x7e: {  	[smem:$0x776] =	sst s2  }
0x7f: {  	s2 =	sadd.s32 s10, s11;
	(v2sf) =	vpush v2, $0x9;
	[smem:$0x752] =	sst s15;
	s15 =	spop (v2sf)  }
0x80: {  	[smem:$0x751] =	sst s16;
	s16 =	smulhi.u32 $0x14F8B589, s15;
	s15 =	sshra.s32 s15, $0x1F  }
0x81: {  	[smem:$0x778] =	sst s2;
	s2 =	sadd.s32 s4, s13;
	(v2sf) =	vpush v2, $0x8;
	s15 =	smul.u32 $0x14F8B589, s15  }
0x82: {  	[smem:$0x771] =	sst s2  }
0x83: {  	(v2sf) =	vpush v2, $0xA;
	[smem:$0x754] =	sst s15;
	s15 =	spop (v2sf)  }
0x84: {  	[smem:$0x753] =	sst s16;
	s16 =	smulhi.u32 $0x14F8B589, s15;
	s15 =	sshra.s32 s15, $0x1F  }
0x85: {  	s28 =	sld [smem:$0x73B];
	(v2sf) =	vpush v2, $0xB;
	s15 =	smul.u32 $0x14F8B589, s15  }
0x86: {  	s4 =	sld [smem:$0x73D]  }
0x87: {  	[smem:$0x756] =	sst s15;
	s15 =	spop (v2sf)  }
0x88: {  	(v2sf) =	vpush v2, $0x0;
	[smem:$0x755] =	sst s16;
	s16 =	smulhi.u32 $0x14F8B589, s15  }
0x89: {  	s10 =	sld [smem:$0x741]  }
0x8a: {  	[smem:$0x757] =	sst s16  }
0x8b: {  	s15 =	sshra.s32 s15, $0x1F;
	s16 =	sld [smem:$0x72E]  }
0x8c: {  	s11 =	sld [smem:$0x742];
	(v2sf) =	vpush v2, $0x1;
	s15 =	smul.u32 $0x14F8B589, s15  }
0x8d: {  	s13 =	sld [smem:$0x744]  }
0x8e: {  	[smem:$0x758] =	sst s15;
	s15 =	spop (v2sf);
	s16 =	sadd.s32 s21, s16  }
0x8f: {  	s21 =	smulhi.u32 $0x14F8B589, s15;
	s15 =	sshra.s32 s15, $0x1F;
	[smem:$0x76C] =	sst s16  }
0x90: {  	s15 =	smul.u32 $0x14F8B589, s15;
	s16 =	spop (v2sf)  }
0x91: {  	(v2sf) =	vpush v2, $0x2;
	[smem:$0x759] =	sst s21;
	s18 =	smulhi.u32 $0x14F8B589, s16;
	s19 =	sshra.s32 s16, $0x1F  }
0x92: {  	s21 =	spop (v2sf);
	s20 =	smul.u32 $0x14F8B589, s19  }
0x93: {  	[smem:$0x75A] =	sst s15;
	s23 =	smulhi.u32 $0x14F8B589, s21  }
0x94: {  	s9 =	sshra.s32 s21, $0x1F;
	s24 =	spop (v2sf);
	s21 =	sld [smem:$0x72F]  }
0x95: {  	[smem:$0x75B] =	sst s18;
	s9 =	smul.u32 $0x14F8B589, s9  }
0x96: {  	s12 =	smulhi.u32 $0x14F8B589, s24;
	[smem:$0x75C] =	sst s20  }
0x97: {  	s15 =	spop (v2sf);
	[smem:$0x75D] =	sst s23  }
0x98: {  	s16 =	smulhi.u32 $0x14F8B589, s15;
	s18 =	sshra.s32 s15, $0x1F;
	s15 =	sld [smem:$0x735]  }
0x99: {  	[smem:$0x75E] =	sst s9  }
0x9a: {  	s26 =	sadd.s32 s6, s31;
	[smem:$0x75F] =	sst s12  }
0x9b: {  	s20 =	spop (v2sf);
	s9 =	sshra.s32 s24, $0x1F;
	s24 =	sld [smem:$0x730]  }
0x9c: {  	s22 =	smulhi.u32 $0x14F8B589, s20;
	s6 =	sshra.s32 s20, $0x1F;
	s20 =	sld [smem:$0x738]  }
0x9d: {  	s19 =	smul.u32 $0x14F8B589, s18;
	[smem:$0x761] =	sst s16  }
0x9e: {  	(v2sf) =	vpush v2, $0x3;
	s16 =	sld [smem:$0x736]  }
0x9f: {  	[smem:$0x762] =	sst s19  }
0xa0: {  	s25 =	spop (v2sf);
	[smem:$0x763] =	sst s22  }
0xa1: {  	s9 =	smul.u32 $0x14F8B589, s9;
	s19 =	sld [smem:$0x737]  }
0xa2: {  	s6 =	smul.u32 $0x14F8B589, s6;
	s22 =	sld [smem:$0x739]  }
0xa3: {  	s23 =	sadd.s32 s7, s29;
	s29 =	smulhi.u32 $0x14F8B589, s25;
	[smem:$0x760] =	sst s9  }
0xa4: {  	[smem:$0x764] =	sst s6  }
0xa5: {  	[smem:$0x765] =	sst s29  }
0xa6: {  	s7 =	sadd.s32 s8, s24;
	s24 =	sld [smem:$0x73A]  }
0xa7: {  	s29 =	sld [smem:$0x73C]  }
0xa8: {  	(v2sf) =	vpush v2, $0x4;
	s6 =	sld [smem:$0x73E]  }
0xa9: {  	[smem:$0x775] =	sst s7  }
0xaa: {  	s31 =	sshra.s32 s25, $0x1F;
	s7 =	sld [smem:$0x732]  }
0xab: {  	s8 =	smul.u32 $0x14F8B589, s31;
	s2 =	sadd.s32 s16, s15;
	s15 =	sld [smem:$0x745]  }
0xac: {  	s16 =	sld [smem:$0x746]  }
0xad: {  	s9 =	spop (v2sf);
	[smem:$0x766] =	sst s8  }
0xae: {  	s12 =	smulhi.u32 $0x14F8B589, s9;
	[smem:$0x779] =	sst s2  }
0xaf: {  	v48 =	vld [tilespmem:$0x37];
	s8 =	sld [smem:$0x740]  }
0xb0: {  	(v2sf) =	vpush v2, $0x5;
	s2 =	sadd.s32 s20, s19;
	[smem:$0x767] =	sst s12  }
0xb1: {  	v49 =	vld [tilespmem:$0x38];
	[smem:$0x77A] =	sst s2  }
0xb2: {  	(v2sf) =	vpush v2, $0x6;
	s2 =	sadd.s32 s24, s22;
	s12 =	sld [smem:$0x743]  }
0xb3: {  	[smem:$0x77B] =	sst s2  }
0xb4: {  	v5 =	vmul.u32 $0xF4243, v48;
	s1 =	sadd.s32 s1, s7;
	s7 =	sld [smem:$0x73F]  }
0xb5: {  	(v2sf) =	vpush v2, $0x7;
	s2 =	sadd.s32 s29, s28;
	[smem:$0x777] =	sst s1  }
0xb6: {  	v5 =	vadd.s32 v49, v5;
	s30 =	sadd.s32 s14, s21;
	[smem:$0x77C] =	sst s2  }
0xb7: {  	(v2sf) =	vpush v5, $0xD;
	s14 =	spop (v2sf);
	s2 =	sadd.s32 s6, s4;
	s4 =	sld [smem:$0x749]  }
0xb8: {  	s18 =	smulhi.u32 $0x14F8B589, s14;
	s6 =	sld [smem:$0x74A]  }
0xb9: {  	(v2sf) =	vpush v5, $0xC;
	s1 =	sshra.s32 s9, $0x1F;
	[smem:$0x77E] =	sst s2  }
0xba: {  	s1 =	smul.u32 $0x14F8B589, s1;
	[smem:$0x769] =	sst s18  }
0xbb: {  	s2 =	sadd.s32 s8, s7;
	s8 =	sld [smem:$0x74B]  }
0xbc: {  	[smem:$0x768] =	sst s1  }
0xbd: {  	s0 =	smul.u32 $0x14F8B589, s0;
	[smem:$0x780] =	sst s2  }
0xbe: {  	s2 =	sadd.s32 s11, s10;
	s11 =	sld [smem:$0x74D]  }
0xbf: {  	s21 =	spop (v2sf);
	s0 =	sadd.s32 s0, s6;
	[smem:$0x781] =	sst s2  }
0xc0: {  	(v2sf) =	vpush v5, $0xE;
	s1 =	sshra.s32 s14, $0x1F;
	s25 =	smulhi.u32 $0x14F8B589, s21;
	[smem:$0x786] =	sst s0  }
0xc1: {  	s31 =	spop (v2sf);
	s2 =	sadd.s32 s13, s12;
	s12 =	sld [smem:$0x74E]  }
0xc2: {  	s1 =	smul.u32 $0x14F8B589, s1;
	s13 =	sld [smem:$0x74F]  }
0xc3: {  	s28 =	smulhi.u32 $0x14F8B589, s31;
	[smem:$0x76B] =	sst s25  }
0xc4: {  	s9 =	spop (v2sf);
	[smem:$0x783] =	sst s2  }
0xc5: {  	s24 =	smulhi.u32 $0x14F8B589, s9;
	s2 =	sadd.s32 s17, s15;
	s17 =	sld [smem:$0x747]  }
0xc6: {  	(v2sf) =	vpush v5, $0xF;
	s14 =	spop (v2sf);
	[smem:$0x76A] =	sst s1  }
0xc7: {  	s1 =	sshra.s32 s21, $0x1F;
	[smem:$0x77F] =	sst s2;
	s21 =	smulhi.u32 $0x14F8B589, s14  }
0xc8: {  	s18 =	spop (v2sf);
	s29 =	smul.u32 $0x14F8B589, s1;
	s1 =	sshra.s32 s31, $0x1F  }
0xc9: {  	s31 =	sld [smem:$0x748];
	s25 =	smul.u32 $0x14F8B589, s1  }
0xca: {  	s1 =	sshra.s32 s9, $0x1F;
	s2 =	sadd.s32 s17, s16;
	s9 =	sld [smem:$0x74C]  }
0xcb: {  	s22 =	smul.u32 $0x14F8B589, s1;
	[smem:$0x782] =	sst s2  }
0xcc: {  	s1 =	sshra.s32 s14, $0x1F;
	s14 =	sld [smem:$0x750];
	s2 =	sadd.s32 s5, s31  }
0xcd: {  	s19 =	smulhi.u32 $0x14F8B589, s18;
	[smem:$0x784] =	sst s2  }
0xce: {  	s20 =	smul.u32 $0x14F8B589, s1;
	s2 =	sadd.s32 s3, s4;
	s3 =	sld [smem:$0x752]  }
0xcf: {  	s1 =	sshra.s32 s18, $0x1F;
	s5 =	spop (v2sf);
	s4 =	sld [smem:$0x753]  }
0xd0: {  	s17 =	smulhi.u32 $0x14F8B589, s5;
	s7 =	sshra.s32 s5, $0x1F;
	s5 =	sld [smem:$0x754]  }
0xd1: {  	s18 =	smul.u32 $0x14F8B589, s1;
	s1 =	sadd.s32 s9, s8;
	s8 =	sld [smem:$0x756]  }
0xd2: {  	(v2sf) =	vpush v5, $0x9;
	s9 =	sld [smem:$0x757]  }
0xd3: {  	[smem:$0x785] =	sst s2  }
0xd4: {  	[smem:$0x787] =	sst s1  }
0xd5: {  	(v2sf) =	vpush v5, $0x8;
	s10 =	spop (v2sf);
	s2 =	sld [smem:$0x751]  }
0xd6: {  	(v2sf) =	vpush v5, $0xA;
	s16 =	smul.u32 $0x14F8B589, s7;
	s1 =	sadd.s32 s12, s11;
	s7 =	sld [smem:$0x755]  }
0xd7: {  	s15 =	smulhi.u32 $0x14F8B589, s10;
	s0 =	sshra.s32 s10, $0x1F;
	s10 =	sld [smem:$0x758]  }
0xd8: {  	s20 =	sadd.s32 s20, s21;
	[smem:$0x788] =	sst s1  }
0xd9: {  	s1 =	sadd.s32 s14, s13;
	[smem:$0x796] =	sst s20  }
0xda: {  	[smem:$0x77D] =	sst s1  }
0xdb: {  	s1 =	sadd.s32 s3, s2;
	s2 =	sld [smem:$0x759]  }
0xdc: {  	s16 =	sadd.s32 s16, s17;
	s3 =	sld [smem:$0x75A]  }
0xdd: {  	[smem:$0x797] =	sst s16  }
0xde: {  	s14 =	smul.u32 $0x14F8B589, s0;
	[smem:$0x789] =	sst s1  }
0xdf: {  	(v2sf) =	vpush v5, $0xB;
	s1 =	sadd.s32 s5, s4;
	s4 =	sld [smem:$0x75B]  }
0xe0: {  	s14 =	sadd.s32 s14, s15;
	s5 =	sld [smem:$0x75C]  }
0xe1: {  	(v2sf) =	vpush v5, $0x0;
	s31 =	spop (v2sf);
	[smem:$0x798] =	sst s14  }
0xe2: {  	s13 =	smulhi.u32 $0x14F8B589, s31;
	s0 =	sshra.s32 s31, $0x1F;
	[smem:$0x78A] =	sst s1  }
0xe3: {  	s12 =	smul.u32 $0x14F8B589, s0;
	s1 =	sadd.s32 s8, s7;
	s8 =	sld [smem:$0x75D]  }
0xe4: {  	s6 =	spop (v2sf);
	[smem:$0x78B] =	sst s1  }
0xe5: {  	s0 =	sshra.s32 s6, $0x1F;
	s1 =	sadd.s32 s10, s9;
	s31 =	spop (v2sf)  }
0xe6: {  	[smem:$0x78C] =	sst s1;
	s9 =	smul.u32 $0x14F8B589, s0  }
0xe7: {  	s10 =	smulhi.u32 $0x14F8B589, s31;
	s0 =	sshra.s32 s31, $0x1F;
	s31 =	sld [smem:$0x75E]  }
0xe8: {  	s1 =	sadd.s32 s3, s2;
	s2 =	sld [smem:$0x75F]  }
0xe9: {  	s12 =	sadd.s32 s12, s13;
	s3 =	sld [smem:$0x760]  }
0xea: {  	[smem:$0x799] =	sst s12  }
0xeb: {  	[smem:$0x78D] =	sst s1  }
0xec: {  	s1 =	sadd.s32 s5, s4;
	s5 =	sld [smem:$0x761]  }
0xed: {  	s11 =	smulhi.u32 $0x14F8B589, s6;
	[smem:$0x78E] =	sst s1  }
0xee: {  	(v2sf) =	vpush v5, $0x1;
	s6 =	spop (v2sf);
	s1 =	sadd.s32 s31, s8;
	s31 =	sld [smem:$0x762]  }
0xef: {  	s7 =	smul.u32 $0x14F8B589, s0;
	[smem:$0x78F] =	sst s1  }
0xf0: {  	s4 =	spop (v2sf);
	s1 =	sadd.s32 s3, s2;
	s2 =	sld [smem:$0x763]  }
0xf1: {  	(v2sf) =	vpush v5, $0x2;
	s0 =	sshra.s32 s6, $0x1F;
	s8 =	smulhi.u32 $0x14F8B589, s6;
	s3 =	sld [smem:$0x764]  }
0xf2: {  	v50 =	vld [tilespmem:$0x47];
	s6 =	smul.u32 $0x14F8B589, s0;
	s0 =	sshra.s32 s4, $0x1F;
	[smem:$0x790] =	sst s1  }
0xf3: {  	v8 =	vld [tilespmem:$0x1FFC0];
	(v2sf) =	vpush v5, $0x3;
	s1 =	sadd.s32 s31, s5;
	s5 =	smulhi.u32 $0x14F8B589, s4;
	s4 =	sld [smem:$0x765]  }
0xf4: {  	s31 =	sld [smem:$0x766]  }
0xf5: {  	v7 =	vld [tilespmem:$0x48];
	(v2sf) =	vpush v5, $0x4;
	[smem:$0x791] =	sst s1  }
0xf6: {  	s1 =	sadd.s32 s3, s2;
	s2 =	sld [smem:$0x767]  }
0xf7: {  	v6 =	vmul.u32 $0xF4243, v50;
	(v2sf) =	vpush v5, $0x5;
	[smem:$0x792] =	sst s1  }
0xf8: {  	vm2 =	vnez.u8 v8;
	s9 =	sadd.s32 s9, s11;
	s1 =	sadd.s32 s31, s4;
	s31 =	sld [smem:$0x768]  }
0xf9: {  	v6 =	vsel vm2, $0x0, v6;
	(v2sf) =	vpush v5, $0x6;
	[smem:$0x79A] =	sst s9  }
0xfa: {  	v6 =	vadd.s32 v7, v6;
	(v2sf) =	vpush v5, $0x7;
	[smem:$0x793] =	sst s1  }
0xfb: {  	(v2sf) =	vpush v6, $0xD;
	s1 =	sadd.s32 s31, s2;
	s2 =	sld [smem:$0x769]  }
0xfc: {  	s31 =	sld [smem:$0x76A]  }
0xfd: {  	s3 =	smul.u32 $0x14F8B589, s0;
	s0 =	spop (v2sf)  }
0xfe: {  	s28 =	sadd.s32 s25, s28;
	s4 =	smulhi.u32 $0x14F8B589, s0;
	[smem:$0x794] =	sst s1  }
0xff: {  	s0 =	sshra.s32 s0, $0x1F;
	s2 =	sadd.s32 s31, s2;
	s31 =	sld [smem:$0x76B]  }
0x100: {  	s7 =	sadd.s32 s7, s10;
	s1 =	smul.u32 $0x14F8B589, s0;
	s0 =	spop (v2sf)  }
0x101: {  	[smem:$0x795] =	sst s2;
	s2 =	smulhi.u32 $0x14F8B589, s0;
	s0 =	sshra.s32 s0, $0x1F  }
0x102: {  	s0 =	smul.u32 $0x14F8B589, s0;
	s31 =	sadd.s32 s29, s31;
	s29 =	spop (v2sf)  }
0x103: {  	[smem:$0x79B] =	sst s7;
	(v2sf) =	vpush v6, $0xC;
	s25 =	smulhi.u32 $0x14F8B589, s29;
	s29 =	sshra.s32 s29, $0x1F  }
0x104: {  	s24 =	sadd.s32 s22, s24;
	s22 =	smul.u32 $0x14F8B589, s29;
	s29 =	spop (v2sf)  }
0x105: {  	s6 =	sadd.s32 s6, s8;
	s20 =	smulhi.u32 $0x14F8B589, s29;
	s21 =	sshra.s32 s29, $0x1F  }
0x106: {  	s29 =	sadd.s32 s18, s19;
	s18 =	smul.u32 $0x14F8B589, s21;
	s21 =	spop (v2sf)  }
0x107: {  	[smem:$0x79C] =	sst s6;
	s16 =	smulhi.u32 $0x14F8B589, s21;
	s21 =	sshra.s32 s21, $0x1F  }
0x108: {  	s11 =	sadd.s32 s3, s5;
	s19 =	spop (v2sf);
	s14 =	smul.u32 $0x14F8B589, s21  }
0x109: {  	s12 =	smulhi.u32 $0x14F8B589, s19;
	s21 =	sshra.s32 s19, $0x1F;
	s15 =	spop (v2sf)  }
0x10a: {  	s0 =	sadd.s32 s0, s2;
	s9 =	smul.u32 $0x14F8B589, s21;
	s19 =	spop (v2sf)  }
0x10b: {  	[smem:$0x79D] =	sst s0;
	s3 =	smulhi.u32 $0x14F8B589, s19;
	s21 =	sshra.s32 s19, $0x1F  }
0x10c: {  	s19 =	sadd.s32 s22, s25;
	s22 =	sadd.s32 s14, s16;
	s14 =	sld [smem:$0x770]  }
0x10d: {  	[dreg:$0x1c] =	wrdreg s19  }
0x10e: {  	[dreg:$0x13] =	wrdreg s22  }
0x10f: {  	s8 =	smul.u32 $0x14F8B589, s21;
	s21 =	sadd.s32 s18, s20;
	s20 =	sld [smem:$0x76D]  }
0x110: {  	s7 =	smulhi.u32 $0x14F8B589, s15;
	s17 =	sshra.s32 s15, $0x1F;
	s22 =	sld [smem:$0x76E]  }
0x111: {  	s6 =	smul.u32 $0x14F8B589, s17;
	s25 =	sadd.s32 s9, s12;
	s12 =	sld [smem:$0x76F]  }
0x112: {  	s10 =	spop (v2sf);
	[dreg:$0x1a] =	wrdreg s21  }
0x113: {  	s15 =	smulhi.u32 $0x14F8B589, s10;
	s17 =	sshra.s32 s10, $0x1F;
	[dreg:$0x12] =	wrdreg s25  }
0x114: {  	s2 =	smul.u32 $0x14F8B589, s17;
	s5 =	sadd.s32 s6, s7;
	s6 =	sld [smem:$0x76C]  }
0x115: {  	s13 =	sadd.s32 s1, s4;
	[dreg:$0x11] =	wrdreg s5;
	s1 =	sadd.s32 s8, s3  }
0x116: {  	s18 =	sshra.s32 s23, $0xD;
	[dreg:$0x10] =	wrdreg s1;
	s0 =	sadd.s32 s2, s15  }
0x117: {  	s19 =	sshrl.u32 s23, $0x1F;
	s21 =	sshrl.u32 s20, $0x1F;
	[dreg:$0xf] =	wrdreg s0  }
0x118: {  	s25 =	sshrl.u32 s22, $0x1F;
	s3 =	sshra.s32 s22, $0xD;
	s17 =	sld [smem:$0x771]  }
0x119: {  	s8 =	sshrl.u32 s12, $0x1F;
	s22 =	sshra.s32 s26, $0xD;
	s7 =	sshrl.u32 s6, $0x1F  }
0x11a: {  	vm13 =	vcmask $0x300;
	s1 =	sshra.s32 s6, $0xD;
	s6 =	sshra.s32 s20, $0xD;
	v52 =	vmov s21;
	s16 =	sld [smem:$0x772]  }
0x11b: {  	vm15 =	vcmask $0x704;
	v9 =	vmov s19;
	s20 =	sshra.s32 s23, $0x1F;
	v8 =	vsel vm6, s7, v52;
	s21 =	sld [smem:$0x773];
	s15 =	sshra.s32 s17, $0x1F  }
0x11c: {  	v9 =	vnsel vm13, $0x0, v9;
	s23 =	sshrl.u32 s26, $0x1F;
	v8 =	vsel vm7, s25, v8;
	s25 =	sshra.s32 s26, $0x1F;
	s26 =	sld [smem:$0x774];
	v51 =	vmov s15  }
0x11d: {  	v54 =	vsel vm6, s23, v9;
	v53 =	vsel vm5, s8, v8;
	s10 =	sshrl.u32 s16, $0x1F;
	s5 =	sshra.s32 s16, $0xD;
	s16 =	sshrl.u32 s30, $0x1F;
	v7 =	vsel vm13, s18, v51  }
0x11e: {  	v56 =	vmov s10;
	v8 =	vsel vm7, s16, v54;
	s10 =	sshrl.u32 s17, $0x1F;
	s16 =	sshra.s32 s17, $0xD;
	s17 =	sld [smem:$0x779];
	v7 =	vsel vm15, s20, v7  }
0x11f: {  	vm1 =	vcmask $0xF0C;
	s19 =	sshra.s32 s30, $0x1F;
	s9 =	sshrl.u32 s14, $0x1F;
	s20 =	sld [smem:$0x775];
	v10 =	vsel vm6, s22, v7  }
0x120: {  	s0 =	sshra.s32 s12, $0xD;
	s4 =	sshrl.u32 s21, $0x1F;
	s18 =	sshra.s32 s30, $0xD;
	v55 =	vsel vm1, s25, v10  }
0x121: {  	vm2 =	vcmask $0x1714;
	s12 =	sshra.s32 s21, $0xD;
	s15 =	sshrl.u32 s26, $0x1F;
	s25 =	sld [smem:$0x776];
	v9 =	vsel vm7, s18, v55  }
0x122: {  	vm11 =	vcmask $0x2320;
	s7 =	sshra.s32 s26, $0xD;
	v10 =	vsel vm6, s9, v56;
	s9 =	sshrl.u32 s17, $0x1F;
	s22 =	sshra.s32 s20, $0xD;
	v9 =	vsel vm2, s19, v9  }
0x123: {  	vm3 =	vcmask $0x1F1C;
	v59 =	vmov s6;
	s21 =	sshrl.u32 s20, $0x1F;
	s23 =	sshra.s32 s20, $0x1F;
	s19 =	sld [smem:$0x777];
	v11 =	vsel vm5, s22, v9  }
0x124: {  	v10 =	vsel vm7, s4, v10;
	v8 =	vsel vm5, s21, v8;
	s26 =	sshrl.u32 s25, $0x1F;
	s30 =	sshra.s32 s25, $0xD;
	v58 =	vsel vm3, s23, v11;
	s23 =	sld [smem:$0x778]  }
0x125: {  	v57 =	vsel vm5, s15, v10;
	s18 =	sshra.s32 s25, $0x1F;
	v11 =	vsel vm6, s1, v59;
	s1 =	sshra.s32 s17, $0xD;
	s17 =	sld [smem:$0x780];
	v10 =	vsel vm11, s30, v58  }
0x126: {  	vm8 =	vcmask $0x2B28;
	v8 =	vsel vm11, s26, v8;
	s20 =	sshrl.u32 s19, $0x1F;
	v10 =	vsel vm4, s18, v10;
	s18 =	sld [smem:$0x77A]  }
0x127: {  	s21 =	sshra.s32 s19, $0xD;
	v8 =	vsel vm8, s20, v8;
	s20 =	sld [smem:$0x77B]  }
0x128: {  	s22 =	sshra.s32 s19, $0x1F;
	s25 =	sshrl.u32 s23, $0x1F;
	v13 =	vsel vm8, s21, v10;
	s21 =	sld [smem:$0x77C]  }
0x129: {  	s26 =	sshra.s32 s23, $0xD;
	s30 =	sshra.s32 s23, $0x1F;
	s23 =	sld [smem:$0x77E]  }
0x12a: {  	vm12 =	vcmask $0x3330;
	v12 =	vmov s5;
	s19 =	sshrl.u32 s18, $0x1F;
	s5 =	sshra.s32 s18, $0xD;
	s18 =	sld [smem:$0x77D]  }
0x12b: {  	s2 =	sshra.s32 s14, $0xD;
	v8 =	vsel vm12, s25, v8;
	s25 =	sld [smem:$0x77F]  }
0x12c: {  	vm14 =	vcmask $0x2F2C;
	v61 =	vsel vm6, s2, v12;
	v11 =	vsel vm7, s3, v11;
	s14 =	sshrl.u32 s20, $0x1F;
	s3 =	sshra.s32 s20, $0xD;
	s20 =	sld [smem:$0x782]  }
0x12d: {  	v60 =	vsel vm5, s0, v11;
	v11 =	vsel vm7, s12, v61;
	v62 =	vsel vm14, s22, v13;
	s0 =	sshrl.u32 s21, $0x1F;
	s4 =	sshra.s32 s21, $0xD;
	s22 =	sshra.s32 s18, $0x1F  }
0x12e: {  	v13 =	vsel vm12, s26, v62;
	s12 =	sshrl.u32 s23, $0x1F;
	v34 =	vmov s19;
	s19 =	sld [smem:$0x781];
	s26 =	sshra.s32 s25, $0xD;
	v14 =	vmov s22  }
0x12f: {  	vm0 =	vcmask $0x3734;
	s2 =	sshra.s32 s23, $0xD;
	s8 =	sshra.s32 s25, $0x1F;
	v33 =	vsel vm13, s26, v14;
	s26 =	sld [smem:$0x784]  }
0x130: {  	v32 =	vsel vm0, s30, v13;
	s30 =	sshrl.u32 s25, $0x1F;
	s25 =	sld [smem:$0x783];
	s21 =	sshra.s32 s20, $0xD;
	v13 =	vsel vm15, s8, v33  }
0x131: {  	v8 =	vsel vm9, s10, v8;
	s23 =	sshra.s32 s20, $0x1F;
	s10 =	sshrl.u32 s19, $0x1F;
	v13 =	vsel vm6, s21, v13;
	s21 =	sld [smem:$0x785]  }
0x132: {  	v15 =	vmov s30;
	s22 =	sshrl.u32 s20, $0x1F;
	s8 =	sshra.s32 s19, $0xD;
	v16 =	vsel vm1, s23, v13;
	s30 =	sshra.s32 s26, $0xD  }
0x133: {  	v15 =	vnsel vm13, $0x0, v15;
	v14 =	vsel vm6, s9, v34;
	s19 =	sshrl.u32 s26, $0x1F;
	s20 =	sshra.s32 s26, $0x1F;
	s26 =	sld [smem:$0x786];
	v37 =	vsel vm7, s30, v16  }
0x134: {  	s15 =	sshrl.u32 s17, $0x1F;
	s9 =	sshrl.u32 s25, $0x1F;
	v36 =	vsel vm6, s22, v15;
	v14 =	vsel vm7, s14, v14;
	v15 =	vsel vm2, s20, v37;
	s23 =	sshra.s32 s21, $0xD  }
0x135: {  	v38 =	vmov s15;
	s14 =	sshra.s32 s25, $0xD;
	v35 =	vsel vm5, s0, v14;
	s25 =	sshra.s32 s21, $0x1F;
	s20 =	sld [smem:$0x787];
	v15 =	vsel vm5, s23, v15  }
0x136: {  	v14 =	vsel vm7, s19, v36;
	v16 =	vsel vm6, s12, v38;
	s22 =	sshrl.u32 s21, $0x1F;
	s12 =	sshra.s32 s26, $0xD;
	s23 =	sld [smem:$0x788];
	v17 =	vsel vm3, s25, v15  }
0x137: {  	v16 =	vsel vm7, s10, v16;
	s30 =	sshrl.u32 s26, $0x1F;
	v14 =	vsel vm5, s22, v14;
	s19 =	sshra.s32 s26, $0x1F;
	v40 =	vsel vm11, s12, v17  }
0x138: {  	v39 =	vsel vm5, s9, v16;
	v14 =	vsel vm11, s30, v14;
	s21 =	sshrl.u32 s20, $0x1F;
	v16 =	vsel vm4, s19, v40;
	s19 =	sld [smem:$0x789]  }
0x139: {  	v63 =	vsel vm5, s7, v11;
	s7 =	sshra.s32 s17, $0xD;
	s25 =	sshrl.u32 s23, $0x1F;
	v14 =	vsel vm8, s21, v14;
	s21 =	sld [smem:$0x78A]  }
0x13a: {  	v11 =	vsel vm9, s16, v32;
	s26 =	sshra.s32 s23, $0xD;
	s16 =	sshra.s32 s23, $0x1F;
	s23 =	sld [smem:$0x78B]  }
0x13b: {  	s30 =	sshrl.u32 s18, $0x1F;
	s22 =	sshra.s32 s20, $0xD;
	v14 =	vsel vm12, s25, v14;
	s25 =	sld [smem:$0x78C]  }
0x13c: {  	s18 =	sshra.s32 s18, $0xD;
	s10 =	sshra.s32 s20, $0x1F;
	v16 =	vsel vm8, s22, v16;
	v14 =	vsel vm9, s30, v14;
	s30 =	sld [smem:$0x78E]  }
0x13d: {  	vm10 =	vmmov vm12;
	v41 =	vmov s5;
	v16 =	vsel vm14, s10, v16;
	s20 =	sshrl.u32 s19, $0x1F;
	s0 =	sshra.s32 s19, $0xD;
	s22 =	sshrl.u32 s21, $0x1F  }
0x13e: {  	v17 =	vsel vm6, s1, v41;
	s6 =	sshra.s32 s21, $0xD;
	s17 =	sshrl.u32 s23, $0x1F;
	v16 =	vsel vm10, s26, v16;
	s26 =	sld [smem:$0x78D]  }
0x13f: {  	v17 =	vsel vm7, s3, v17;
	s3 =	sshra.s32 s23, $0xD;
	s19 =	sld [smem:$0x791];
	s21 =	sshra.s32 s24, $0x1F  }
0x140: {  	s10 =	sshrl.u32 s25, $0x1F;
	s1 =	sshra.s32 s25, $0xD;
	v16 =	vsel vm0, s16, v16;
	s16 =	sld [smem:$0x78F]  }
0x141: {  	v18 =	vmov s7;
	v17 =	vsel vm5, s4, v17;
	s25 =	sld [smem:$0x792];
	s9 =	sshrl.u32 s30, $0x1F;
	s4 =	sshra.s32 s30, $0xD  }
0x142: {  	v18 =	vsel vm6, s2, v18;
	v19 =	vmov s22;
	v42 =	vsel vm9, s18, v16;
	s18 =	sld [smem:$0x790];
	s2 =	sshrl.u32 s26, $0x1F;
	s7 =	sshra.s32 s26, $0xD  }
0x143: {  	(v2sf) =	vpush v6, $0xE;
	v43 =	vsel vm6, s20, v19;
	s20 =	sshrl.u32 s19, $0x1F;
	s22 =	sshra.s32 s19, $0xD;
	s23 =	sshra.s32 s19, $0x1F  }
0x144: {  	v18 =	vsel vm7, s8, v18;
	v22 =	vmov s9;
	s9 =	sshra.s32 s31, $0xD;
	v24 =	vmov s4;
	s4 =	sld [smem:$0x79B];
	s8 =	sshrl.u32 s16, $0x1F  }
0x145: {  	v20 =	vsel vm5, s14, v18;
	v16 =	vsel vm7, s17, v43;
	s5 =	sshra.s32 s16, $0xD;
	v44 =	vmov s20;
	s26 =	sshrl.u32 s25, $0x1F;
	s20 =	sld [smem:$0x793]  }
0x146: {  	v21 =	vmov s21;
	s30 =	sshra.s32 s25, $0xD;
	v16 =	vsel vm5, s10, v16;
	s10 =	sld [smem:$0x794];
	v22 =	vsel vm6, s2, v22;
	s16 =	sshra.s32 s31, $0x1F  }
0x147: {  	v21 =	vsel vm13, s22, v21;
	v49 =	vsel vm6, s7, v24;
	s7 =	sld [smem:$0x79C];
	s14 =	sshrl.u32 s18, $0x1F;
	s12 =	sshra.s32 s18, $0xD;
	v22 =	vsel vm7, s8, v22  }
0x148: {  	(v2sf) =	vpush v6, $0xF;
	s18 =	sshra.s32 s25, $0x1F;
	v21 =	vsel vm15, s23, v21;
	s23 =	sld [smem:$0x795];
	v45 =	vsel vm5, s14, v22;
	s14 =	sshrl.u32 s29, $0x1F  }
0x149: {  	(v2sf) =	vpush v6, $0x9;
	v19 =	vnsel vm13, $0x0, v44;
	s21 =	sshrl.u32 s20, $0x1F;
	s22 =	sshra.s32 s20, $0xD;
	s19 =	sshra.s32 s20, $0x1F  }
0x14a: {  	(v2sf) =	vpush v6, $0x8;
	v19 =	vsel vm6, s26, v19;
	v21 =	vsel vm6, s30, v21;
	s15 =	sshrl.u32 s10, $0x1F;
	s20 =	sshra.s32 s10, $0xD;
	s17 =	sshra.s32 s10, $0x1F  }
0x14b: {  	(v2sf) =	vpush v6, $0xA;
	v21 =	vsel vm1, s18, v21;
	s10 =	sshra.s32 s29, $0xD;
	s29 =	rddreg [dreg:$0x11];
	v19 =	vsel vm7, s21, v19;
	s25 =	sshrl.u32 s23, $0x1F  }
0x14c: {  	(v2sf) =	vpush v6, $0xB;
	s26 =	sshra.s32 s23, $0xD;
	s30 =	sshra.s32 s23, $0x1F;
	v21 =	vsel vm7, s22, v21;
	s21 =	sshrl.u32 s31, $0x1F;
	v19 =	vsel vm5, s15, v19  }
0x14d: {  	(v2sf) =	vpush v6, $0x0;
	s22 =	sshrl.u32 s28, $0x1F;
	s23 =	sshrl.u32 s24, $0x1F;
	v21 =	vsel vm2, s19, v21;
	v19 =	vsel vm11, s25, v19;
	s25 =	sld [smem:$0x796]  }
0x14e: {  	vm12 =	vmmov vm8;
	v47 =	vmov s6;
	s31 =	sld [smem:$0x79A];
	s19 =	sshra.s32 s28, $0xD;
	s15 =	sshra.s32 s24, $0xD;
	v23 =	vsel vm5, s20, v21  }
0x14f: {  	s20 =	sshra.s32 s11, $0x1F;
	v19 =	vsel vm12, s21, v19;
	s21 =	sshra.s32 s28, $0x1F;
	v46 =	vsel vm3, s17, v23;
	s28 =	sld [smem:$0x798];
	v23 =	vsel vm6, s0, v47  }
0x150: {  	v19 =	vsel vm10, s22, v19;
	v22 =	vsel vm11, s26, v46;
	s26 =	sld [smem:$0x797];
	v23 =	vsel vm7, s3, v23;
	s3 =	sshra.s32 s7, $0xD;
	s22 =	sshrl.u32 s25, $0x1F  }
0x151: {  	(v2sf) =	vpush v6, $0x1;
	v7 =	vcombine.low v57, v53;
	s8 =	sshra.s32 s25, $0xD;
	v22 =	vsel vm4, s30, v22;
	s30 =	sld [smem:$0x799];
	s25 =	sshrl.u32 s31, $0x1F  }
0x152: {  	v19 =	vsel vm9, s23, v19;
	v48 =	vsel vm5, s1, v23;
	v23 =	vsel vm7, s5, v49;
	s23 =	sshra.s32 s11, $0xD;
	s5 =	rddreg [dreg:$0x1c];
	s18 =	sshrl.u32 s28, $0x1F  }
0x153: {  	(v2sf) =	vpush v6, $0x2;
	v7 =	vperm.xlane v7, v0;
	s6 =	sshra.s32 s28, $0xD;
	v25 =	vsel vm12, s9, v22;
	s9 =	sshra.s32 s31, $0xD;
	s28 =	sshrl.u32 s7, $0x1F  }
0x154: {  	v10 =	vcombine.low v63, v60;
	vm8 =	vmmov vm14;
	s7 =	sshra.s32 s13, $0x1F;
	s31 =	spop (v2sf);
	v27 =	vmov s25;
	s25 =	rddreg [dreg:$0x13]  }
0x155: {  	vm14 =	vmmov vm0;
	vm0 =	vmmov vm15;
	v51 =	vmov s14;
	s17 =	sshrl.u32 s26, $0x1F;
	s2 =	sshra.s32 s26, $0xD;
	s26 =	sshrl.u32 s4, $0x1F  }
0x156: {  	vm15 =	vmmov vm1;
	v50 =	vsel vm8, s16, v25;
	s4 =	sshra.s32 s4, $0xD;
	s16 =	sshrl.u32 s11, $0x1F;
	v25 =	vsel vm6, s22, v51;
	s22 =	sld [smem:$0x79D]  }
0x157: {  	vm1 =	vmmov vm10;
	v23 =	vsel vm5, s12, v23;
	s12 =	sshra.s32 s31, $0x1F;
	s11 =	sshra.s32 s5, $0x1F;
	v52 =	vmov s9;
	s9 =	sshra.s32 s29, $0xD  }
0x158: {  	v8 =	vperm.xlane v8, v1;
	v10 =	vperm.xlane v10, v0;
	s24 =	sshrl.u32 s30, $0x1F;
	s0 =	sshra.s32 s30, $0xD;
	v24 =	vsel vm1, s19, v50;
	s19 =	sshrl.u32 s13, $0x1F  }
0x159: {  	v13 =	vcombine.low v39, v35;
	v25 =	vsel vm7, s17, v25;
	s17 =	smulhi.u32 $0x14F8B589, s31;
	s31 =	sshra.s32 s29, $0x1F;
	v24 =	vsel vm14, s21, v24;
	s21 =	sshra.s32 s13, $0xD  }
0x15a: {  	v11 =	vperm.xlane v11, v1;
	v26 =	vmov s16;
	v25 =	vsel vm5, s18, v25;
	s13 =	spop (v2sf);
	s18 =	sshra.s32 s5, $0xD;
	s30 =	sshrl.u32 s22, $0x1F  }
0x15b: {  	v56 =	vperm.xlane v13, v0;
	v55 =	vcombine.low v20, v17;
	v26 =	vnsel vm13, $0x0, v26;
	s16 =	sshra.s32 s22, $0xD;
	s1 =	sshra.s32 s22, $0x1F;
	s22 =	smul.u32 $0x14F8B589, s12  }
0x15c: {  	(v2sf) =	vpush v6, $0x3;
	v27 =	vsel vm6, s24, v27;
	v26 =	vsel vm6, s19, v26;
	s12 =	sshrl.u32 s5, $0x1F;
	s19 =	smulhi.u32 $0x14F8B589, s13;
	s14 =	sshra.s32 s13, $0x1F  }
0x15d: {  	v24 =	vsel vm9, s15, v24;
	s15 =	rddreg [dreg:$0x1a];
	v27 =	vsel vm7, s26, v27;
	s26 =	sshrl.u32 s25, $0x1F;
	s13 =	sshra.s32 s25, $0xD;
	v26 =	vsel vm7, s30, v26  }
0x15e: {  	(v2sf) =	vpush v6, $0x4;
	v29 =	vmov s31;
	s24 =	sshrl.u32 s15, $0x1F;
	s5 =	sshra.s32 s15, $0x1F;
	s30 =	spop (v2sf);
	v26 =	vsel vm5, s12, v26  }
0x15f: {  	(v2sf) =	vpush v6, $0x5;
	v29 =	vsel vm13, s23, v29;
	s12 =	sshra.s32 s15, $0xD;
	s31 =	spop (v2sf);
	v26 =	vsel vm11, s24, v26;
	s24 =	smul.u32 $0x14F8B589, s14  }
0x160: {  	(v2sf) =	vpush v6, $0x6;
	v9 =	vsel vm6, s0, v52;
	v29 =	vsel vm0, s20, v29;
	s0 =	sadd.s32 s22, s17;
	s14 =	sshra.s32 s25, $0x1F;
	s25 =	smulhi.u32 $0x14F8B589, s30  }
0x161: {  	(v2sf) =	vpush v6, $0x7;
	v29 =	vsel vm6, s21, v29;
	s20 =	smulhi.u32 $0x14F8B589, s31;
	s23 =	sshra.s32 s31, $0x1F;
	v26 =	vsel vm12, s26, v26;
	s26 =	rddreg [dreg:$0x12]  }
0x162: {  	v28 =	vmov s10;
	v27 =	vsel vm5, s28, v27;
	v53 =	vsel vm15, s7, v29;
	s7 =	sshrl.u32 s0, $0x1F;
	s21 =	smul.u32 $0x14F8B589, s23;
	s28 =	sshrl.u32 s26, $0x1F  }
0x163: {  	v62 =	vcombine.low v45, v16;
	v28 =	vsel vm6, s8, v28;
	v12 =	vsel vm7, s16, v53;
	s15 =	sshra.s32 s26, $0xD;
	s8 =	sshra.s32 s26, $0x1F;
	s26 =	spop (v2sf)  }
0x164: {  	v57 =	vperm.xlane v14, v1;
	v12 =	vsel vm2, s1, v12;
	s1 =	sadd.s32 s24, s19;
	v26 =	vsel vm1, s28, v26;
	s28 =	sshra.s32 s30, $0x1F;
	s30 =	sshrl.u32 s29, $0x1F  }
0x165: {  	v58 =	vperm.xlane v42, v1;
	v21 =	vperm.xlane v62, v0;
	s23 =	smulhi.u32 $0x14F8B589, s26;
	s29 =	sshra.s32 s26, $0x1F;
	s26 =	rddreg [dreg:$0xf]  }
0x166: {  	v54 =	vld [tilespmem:$0x1FFF0];
	vm10 =	vmmov vm3;
	v28 =	vsel vm7, s2, v28;
	v9 =	vsel vm7, s4, v9;
	s4 =	sadd.s32 s21, s20;
	s2 =	smul.u32 $0x14F8B589, s28;
	s28 =	rddreg [dreg:$0x10]  }
0x167: {  	vm3 =	vmmov vm15;
	v12 =	vsel vm5, s18, v12;
	v26 =	vsel vm9, s30, v26;
	s10 =	sshrl.u32 s26, $0x1F;
	s16 =	smul.u32 $0x14F8B589, s29;
	s30 =	spop (v2sf)  }
0x168: {  	v22 =	vperm.xlane v19, v1;
	v20 =	vcombine.low v23, v48;
	v12 =	vsel vm10, s11, v12;
	s11 =	sshrl.u32 s1, $0x1F;
	s17 =	smulhi.u32 $0x14F8B589, s30;
	s31 =	sshra.s32 s30, $0x1F  }
0x169: {  	vm14 =	vmmov vm11;
	v28 =	vsel vm5, s6, v28;
	v9 =	vsel vm5, s3, v9;
	s6 =	sshrl.u32 s28, $0x1F;
	s24 =	spop (v2sf);
	s18 =	smul.u32 $0x14F8B589, s31  }
0x16a: {  	v24 =	vperm.xlane v24, v1;
	v9 =	vcombine.low v9, v28;
	vm11 =	vmmov vm0;
	s22 =	smulhi.u32 $0x14F8B589, s24;
	s19 =	sshra.s32 s24, $0x1F;
	s29 =	spop (v2sf)  }
0x16b: {  	vm0 =	vmmov vm2;
	vm15 =	vcmask $0x3734;
	vm2 =	vnez.u8 v54;
	s2 =	sadd.s32 s2, s25;
	s19 =	smul.u32 $0x14F8B589, s19;
	s30 =	spop (v2sf)  }
0x16c: {  	v29 =	vcombine.low v27, v25;
	v9 =	vperm.xlane v9, v0;
	v7 =	vsel vm2, v8, v7;
	s20 =	smulhi.u32 $0x14F8B589, s29;
	s24 =	sshra.s32 s29, $0x1F;
	s25 =	spop (v2sf)  }
0x16d: {  	v10 =	vsel vm2, v11, v10;
	v8 =	vperm.xlane v55, v0;
	v59 =	vsel vm14, s12, v12;
	s3 =	sadd.s32 s16, s23;
	s16 =	smul.u32 $0x14F8B589, s24;
	s23 =	spop (v2sf)  }
0x16e: {  	v11 =	vsel vm2, v57, v56;
	v7 =	vadd.s32 v7, v10;
	v10 =	vsel vm4, s5, v59;
	s24 =	smulhi.u32 $0x14F8B589, s30;
	s31 =	sshra.s32 s30, $0x1F;
	s21 =	spop (v2sf)  }
0x16f: {  	v7 =	vmul.u32 $0x186A0, v7;
	v8 =	vsel vm2, v58, v8;
	s12 =	sshrl.u32 s2, $0x1F;
	v60 =	vsel vm12, s13, v10;
	s29 =	smul.u32 $0x14F8B589, s31;
	s13 =	spop (v2sf)  }
0x170: {  	v30 =	vmov s10;
	v32 =	vperm.xlane v26, v1;
	v8 =	vadd.s32 v11, v8;
	s5 =	sadd.s32 s18, s17;
	s17 =	smulhi.u32 $0x14F8B589, s25;
	s30 =	spop (v2sf)  }
0x171: {  	v7 =	vsub.s32 v3, v7;
	v3 =	vmul.u32 $0x186A0, v8;
	s2 =	sshra.s32 s2, $0xD;
	v8 =	vsel vm8, s14, v60;
	s31 =	smulhi.u32 $0x14F8B589, s30;
	s18 =	sshra.s32 s30, $0x1F  }
0x172: {  	v11 =	vperm.xlane v29, v0;
	v13 =	vsel vm6, s6, v30;
	v8 =	vsel vm1, s15, v8;
	s15 =	sadd.s32 s19, s22;
	s25 =	sshra.s32 s25, $0x1F;
	s18 =	smul.u32 $0x14F8B589, s18  }
0x173: {  	v10 =	vsel vm2, v22, v21;
	v13 =	vsel vm7, s7, v13;
	vm14 =	vlt.s32 v7, $0x0;
	s22 =	sshrl.u32 s3, $0x1F;
	s16 =	sadd.s32 s16, s20;
	s20 =	sshrl.u32 s4, $0x1F  }
0x174: {  	v61 =	vadd.s32 $0x186A0, v7;
	v13 =	vsel vm5, s11, v13;
	v8 =	vsel vm15, s8, v8;
	s6 =	smulhi.u32 $0x14F8B589, s23;
	s23 =	sshra.s32 s23, $0x1F;
	s8 =	sadd.s32 s18, s31  }
0x175: {  	v11 =	vsel vm2, v32, v11;
	v63 =	vsel vm14, v61, v7;
	v7 =	vperm.xlane v20, v0;
	s4 =	sshra.s32 s4, $0xD;
	s14 =	sadd.s32 s29, s24;
	s19 =	sshra.s32 s8, $0x1F  }
0x176: {  	v3 =	vsub.s32 v4, v3;
	s29 =	smul.u32 $0x14F8B589, s25;
	v8 =	vsel vm9, s9, v8;
	s9 =	sshrl.u32 s5, $0x1F;
	s31 =	sshra.s32 s15, $0xD;
	v31 =	vmov s19  }
0x177: {  	vm14 =	vlt.s32 v3, $0x0;
	v7 =	vsel vm2, v24, v7;
	s23 =	smul.u32 $0x14F8B589, s23;
	s30 =	sshrl.u32 s15, $0x1F;
	s15 =	sshra.s32 s15, $0x1F;
	v14 =	vsel vm13, s31, v31  }
0x178: {  	s24 =	smulhi.u32 $0x14F8B589, s21;
	s21 =	sshra.s32 s21, $0x1F;
	s25 =	sshra.s32 s16, $0xD;
	v34 =	vmov s20;
	v36 =	vmov s4;
	v14 =	vsel vm11, s15, v14  }
0x179: {  	s10 =	sshrl.u32 s16, $0x1F;
	v8 =	vperm.xlane v8, v1;
	s21 =	smul.u32 $0x14F8B589, s21;
	v33 =	vmov s30;
	s30 =	sshra.s32 s16, $0x1F;
	v14 =	vsel vm6, s25, v14  }
0x17a: {  	v17 =	vsel vm6, s12, v34;
	v18 =	vsel vm6, s2, v36;
	s17 =	sadd.s32 s29, s17;
	s6 =	sadd.s32 s23, s6;
	s15 =	sshra.s32 s14, $0xD;
	v14 =	vsel vm3, s30, v14  }
0x17b: {  	v7 =	vadd.s32 v10, v7;
	s29 =	sshrl.u32 s17, $0x1F;
	s20 =	sadd.s32 s21, s24;
	s16 =	sshra.s32 s14, $0x1F;
	v16 =	vnsel vm13, $0x0, v33;
	v14 =	vsel vm7, s15, v14  }
0x17c: {  	v17 =	vsel vm7, s22, v17;
	s21 =	sshra.s32 s17, $0xD;
	s24 =	sshra.s32 s17, $0x1F;
	v16 =	vsel vm6, s10, v16;
	s19 =	sshrl.u32 s14, $0x1F;
	v14 =	vsel vm0, s16, v14  }
0x17d: {  	v17 =	vsel vm5, s9, v17;
	s23 =	sshrl.u32 s20, $0x1F;
	s31 =	smulhi.u32 $0x14F8B589, s13;
	s13 =	sshra.s32 s13, $0x1F;
	v16 =	vsel vm7, s19, v16;
	v14 =	vsel vm5, s21, v14  }
0x17e: {  	s19 =	sshrl.u32 s6, $0x1F;
	s11 =	smul.u32 $0x14F8B589, s13;
	v16 =	vsel vm5, s29, v16;
	vm11 =	vcmask $0x2320;
	s29 =	sshra.s32 s6, $0xD;
	v14 =	vsel vm10, s24, v14  }
0x17f: {  	v13 =	vcombine.low v17, v13;
	s7 =	sshra.s32 s20, $0xD;
	s6 =	sshra.s32 s6, $0x1F;
	v16 =	vsel vm11, s19, v16;
	s30 =	sshra.s32 s26, $0xD;
	v14 =	vsel vm11, s29, v14  }
0x180: {  	s10 =	sadd.s32 s11, s31;
	v16 =	vsel vm12, s23, v16;
	s31 =	sshra.s32 s28, $0xD;
	s11 =	sshra.s32 s3, $0xD;
	v35 =	vmov s30;
	v14 =	vsel vm4, s6, v14  }
0x181: {  	s0 =	sshra.s32 s0, $0xD;
	s13 =	sshra.s32 s20, $0x1F;
	s25 =	sshrl.u32 s10, $0x1F;
	v18 =	vsel vm7, s11, v18;
	v17 =	vsel vm6, s31, v35;
	v14 =	vsel vm12, s7, v14  }
0x182: {  	s14 =	sshra.s32 s1, $0xD;
	s15 =	sshra.s32 s5, $0xD;
	v16 =	vsel vm1, s25, v16;
	s16 =	sshra.s32 s10, $0xD;
	v17 =	vsel vm7, s0, v17;
	v14 =	vsel vm8, s13, v14  }
0x183: {  	s17 =	sshrl.u32 s8, $0x1F;
	s18 =	sshra.s32 s10, $0x1F;
	v18 =	vsel vm5, s15, v18;
	v17 =	vsel vm5, s14, v17;
	v14 =	vsel vm1, s16, v14  }
0x184: {  	s19 =	sshra.s32 s8, $0xD;
	v16 =	vsel vm9, s17, v16;
	v17 =	vcombine.low v18, v17;
	v14 =	vsel vm15, s18, v14  }
0x185: {  	v13 =	vperm.xlane v13, v0;
	v16 =	vperm.xlane v16, v1;
	v14 =	vsel vm9, s19, v14  }
0x186: {  	v8 =	vsel vm2, v8, v9;
	v37 =	vperm.xlane v17, v0;
	v14 =	vperm.xlane v14, v1  }
0x187: {  	v23 =	vadd.s32 $0x186A0, v3;
	v7 =	vmul.u32 $0x186A0, v7;
	v8 =	vadd.s32 v11, v8  }
0x188: {  	v39 =	vmul.u32 $0x186A0, v8;
	v38 =	vsel vm2, v16, v13;
	v10 =	vsel vm2, v14, v37  }
0x189: {  	v3 =	vsel vm14, v23, v3;
	v40 =	vadd.s32 v38, v10  }
0x18a: {  	v2 =	vsub.s32 v2, v7;
	v42 =	vsub.s32 v5, v39;
	v8 =	vmul.u32 $0x186A0, v40  }
0x18b: {  	[tilespmem:$0x110] =	vst v3;
	v41 =	vadd.s32 $0x186A0, v2;
	v3 =	vadd.s32 $0x186A0, v42;
	vm0 =	vlt.s32 v2, $0x0  }
0x18c: {  	[tilespmem:$0x100] =	vst v63;
	v2 =	vsel vm0, v41, v2;
	vm0 =	vlt.s32 v42, $0x0;
	v43 =	vsub.s32 v6, v8  }
0x18d: {  	[tilespmem:$0x120] =	vst v2;
	v2 =	vsel vm0, v3, v42;
	vm0 =	vlt.s32 v43, $0x0;
	v3 =	vadd.s32 $0x186A0, v43  }
0x18e: {  	s20 =	rddreg [dreg:$0x7];
	[tilespmem:$0x130] =	vst v2;
	v2 =	vsel vm0, v3, v43  }
0x18f: {  	s22 =	simm.s32 $0x50;
	s23 =	simm.s32 $0x200;
	s21 =	rddreg [dreg:$0x1];
	[tilespmem:$0x140] =	vst v2  }
0x190: {  	[tilespmem:s23], [sflag:$0x1] =	stream.indirect.gather [hbm4b:s21+s22], $0x80, s20, s22, $0xb8;
	[tilespmem:$0x5200] =	vst v63  }
0x191: {  	v2 =	vld [tilespmem:$0x57];
	_ =	sdelay $0x1  }
0x192: {  	v3 =	vld [tilespmem:$0x58];
	_ =	sdelay $0x2  }
0x193: {  	v2 =	vmul.u32 $0xF4243, v2;
	_ =	sdelay $0x1  }
0x194: {  	v4 =	vadd.s32 v3, v2  }
0x195: {  	(v2sf) =	vpush v4, $0xD;
	_ =	sdelay $0x1  }
0x196: {  	(v2sf) =	vpush v4, $0xC;
	_ =	sdelay $0x1  }
0x197: {  	(v2sf) =	vpush v4, $0xE  }
0x198: {  	(v2sf) =	vpush v4, $0xF  }
0x199: {  	(v2sf) =	vpush v4, $0x9;
	_ =	sdelay $0x1  }
0x19a: {  	(v2sf) =	vpush v4, $0x8;
	_ =	sdelay $0x1  }
0x19b: {  	(v2sf) =	vpush v4, $0xA  }
0x19c: {  	(v2sf) =	vpush v4, $0xB;
	_ =	sdelay $0x1  }
0x19d: {  	(v2sf) =	vpush v4, $0x0;
	_ =	sdelay $0x1  }
0x19e: {  	s24 =	spop (v2sf)  }
0x19f: {  	(v2sf) =	vpush v4, $0x1;
	s25 =	smulhi.u32 $0x14F8B589, s24;
	s0 =	sshra.s32 s24, $0x1F  }
0x1a0: {  	s26 =	spop (v2sf);
	s14 =	smul.u32 $0x14F8B589, s0  }
0x1a1: {  	s12 =	smulhi.u32 $0x14F8B589, s26;
	s0 =	sshra.s32 s26, $0x1F  }
0x1a2: {  	v2 =	vld [tilespmem:$0x67];
	(v2sf) =	vpush v4, $0x2;
	s28 =	spop (v2sf);
	s15 =	smul.u32 $0x14F8B589, s0  }
0x1a3: {  	v44 =	vld [tilespmem:$0x1FFB0];
	(v2sf) =	vpush v4, $0x3;
	s13 =	smulhi.u32 $0x14F8B589, s28;
	s0 =	sshra.s32 s28, $0x1F;
	s29 =	spop (v2sf)  }
0x1a4: {  	s17 =	smul.u32 $0x14F8B589, s0;
	s30 =	spop (v2sf);
	(v2sf) =	vpush v4, $0x4  }
0x1a5: {  	v3 =	vld [tilespmem:$0x68];
	s16 =	smulhi.u32 $0x14F8B589, s29;
	s0 =	sshra.s32 s29, $0x1F  }
0x1a6: {  	s19 =	smul.u32 $0x14F8B589, s0;
	s31 =	spop (v2sf);
	(v2sf) =	vpush v4, $0x5  }
0x1a7: {  	v2 =	vmul.u32 $0xF4243, v2;
	s18 =	smulhi.u32 $0x14F8B589, s30;
	s0 =	sshra.s32 s30, $0x1F  }
0x1a8: {  	vm0 =	vnez.u8 v44;
	s21 =	smul.u32 $0x14F8B589, s0;
	s1 =	spop (v2sf);
	(v2sf) =	vpush v4, $0x6  }
0x1a9: {  	v2 =	vsel vm0, $0x0, v2;
	s20 =	smulhi.u32 $0x14F8B589, s31;
	s0 =	sshra.s32 s31, $0x1F;
	s2 =	spop (v2sf);
	(v2sf) =	vpush v4, $0x7  }
0x1aa: {  	v2 =	vadd.s32 v3, v2;
	s23 =	smul.u32 $0x14F8B589, s0  }
0x1ab: {  	s22 =	smulhi.u32 $0x14F8B589, s1;
	s0 =	sshra.s32 s1, $0x1F;
	s3 =	spop (v2sf);
	(v2sf) =	vpush v2, $0xD  }
0x1ac: {  	[smem:$0x79E] =	sst s25;
	s25 =	smul.u32 $0x14F8B589, s0  }
0x1ad: {  	s24 =	smulhi.u32 $0x14F8B589, s2;
	s0 =	sshra.s32 s2, $0x1F  }
0x1ae: {  	s29 =	smul.u32 $0x14F8B589, s0;
	s4 =	spop (v2sf);
	(v2sf) =	vpush v2, $0xC  }
0x1af: {  	s26 =	smulhi.u32 $0x14F8B589, s3  }
0x1b0: {  	s28 =	smulhi.u32 $0x14F8B589, s4;
	s1 =	sshra.s32 s4, $0x1F  }
0x1b1: {  	s5 =	spop (v2sf);
	(v2sf) =	vpush v2, $0xE;
	s2 =	smul.u32 $0x14F8B589, s1  }
0x1b2: {  	s30 =	smulhi.u32 $0x14F8B589, s5;
	s6 =	spop (v2sf)  }
0x1b3: {  	s31 =	smulhi.u32 $0x14F8B589, s6;
	s7 =	spop (v2sf)  }
0x1b4: {  	(v2sf) =	vpush v2, $0xF;
	s8 =	smulhi.u32 $0x14F8B589, s7;
	s4 =	sshra.s32 s7, $0x1F  }
0x1b5: {  	s1 =	sshra.s32 s5, $0x1F;
	s9 =	spop (v2sf);
	s5 =	smul.u32 $0x14F8B589, s4  }
0x1b6: {  	s10 =	smulhi.u32 $0x14F8B589, s9  }
0x1b7: {  	s0 =	sshra.s32 s3, $0x1F;
	(v2sf) =	vpush v2, $0x9;
	s11 =	spop (v2sf);
	[smem:$0x79F] =	sst s8  }
0x1b8: {  	s4 =	sshra.s32 s9, $0x1F;
	s8 =	smulhi.u32 $0x14F8B589, s11;
	s9 =	spop (v2sf)  }
0x1b9: {  	s3 =	sshra.s32 s6, $0x1F;
	[smem:$0x7A0] =	sst s10;
	s10 =	smulhi.u32 $0x14F8B589, s9  }
0x1ba: {  	(v2sf) =	vpush v2, $0x8;
	s6 =	sshra.s32 s11, $0x1F;
	s11 =	spop (v2sf);
	[smem:$0x7A1] =	sst s8  }
0x1bb: {  	s8 =	sshra.s32 s11, $0x1F;
	[smem:$0x7A2] =	sst s10;
	s10 =	smulhi.u32 $0x14F8B589, s11  }
0x1bc: {  	s8 =	smul.u32 $0x14F8B589, s8  }
0x1bd: {  	(v2sf) =	vpush v2, $0xA;
	[smem:$0x7A3] =	sst s10;
	s11 =	spop (v2sf)  }
0x1be: {  	[smem:$0x7A4] =	sst s8;
	s10 =	smulhi.u32 $0x14F8B589, s11;
	s8 =	sshra.s32 s11, $0x1F  }
0x1bf: {  	(v2sf) =	vpush v2, $0xB;
	s8 =	smul.u32 $0x14F8B589, s8  }
0x1c0: {  	s11 =	spop (v2sf);
	[smem:$0x7A5] =	sst s10  }
0x1c1: {  	s10 =	smulhi.u32 $0x14F8B589, s11;
	[smem:$0x7A6] =	sst s8;
	s8 =	sshra.s32 s11, $0x1F  }
0x1c2: {  	s8 =	smul.u32 $0x14F8B589, s8  }
0x1c3: {  	(v2sf) =	vpush v2, $0x0;
	s11 =	spop (v2sf);
	[smem:$0x7A7] =	sst s10  }
0x1c4: {  	(v2sf) =	vpush v2, $0x1;
	s10 =	smulhi.u32 $0x14F8B589, s11;
	[smem:$0x7A8] =	sst s8;
	s8 =	sshra.s32 s11, $0x1F  }
0x1c5: {  	s8 =	smul.u32 $0x14F8B589, s8  }
0x1c6: {  	(v2sf) =	vpush v2, $0x2;
	[smem:$0x7A9] =	sst s10;
	s11 =	spop (v2sf)  }
0x1c7: {  	s10 =	smulhi.u32 $0x14F8B589, s11;
	[smem:$0x7AA] =	sst s8;
	s8 =	sshra.s32 s11, $0x1F  }
0x1c8: {  	s8 =	smul.u32 $0x14F8B589, s8  }
0x1c9: {  	[smem:$0x7AB] =	sst s10;
	s11 =	spop (v2sf)  }
0x1ca: {  	(v2sf) =	vpush v2, $0x3;
	s10 =	smulhi.u32 $0x14F8B589, s11;
	[smem:$0x7AC] =	sst s8;
	s8 =	sshra.s32 s11, $0x1F  }
0x1cb: {  	s8 =	smul.u32 $0x14F8B589, s8  }
0x1cc: {  	[smem:$0x7AD] =	sst s10;
	s11 =	spop (v2sf)  }
0x1cd: {  	s10 =	smulhi.u32 $0x14F8B589, s11;
	[smem:$0x7AE] =	sst s8;
	s8 =	sshra.s32 s11, $0x1F  }
0x1ce: {  	(v2sf) =	vpush v2, $0x4;
	s11 =	spop (v2sf);
	s8 =	smul.u32 $0x14F8B589, s8  }
0x1cf: {  	[smem:$0x7AF] =	sst s10;
	s10 =	smulhi.u32 $0x14F8B589, s11  }
0x1d0: {  	[smem:$0x7B0] =	sst s8  }
0x1d1: {  	[smem:$0x7B1] =	sst s10;
	s8 =	sshra.s32 s11, $0x1F  }
0x1d2: {  	(v2sf) =	vpush v2, $0x5;
	s11 =	spop (v2sf);
	s8 =	smul.u32 $0x14F8B589, s8  }
0x1d3: {  	s7 =	sshra.s32 s9, $0x1F;
	s10 =	smulhi.u32 $0x14F8B589, s11;
	s9 =	spop (v2sf)  }
0x1d4: {  	[smem:$0x7B2] =	sst s8;
	s8 =	sshra.s32 s11, $0x1F;
	s11 =	smulhi.u32 $0x14F8B589, s9  }
0x1d5: {  	[smem:$0x7B3] =	sst s10;
	s10 =	spop (v2sf)  }
0x1d6: {  	v3 =	vld [tilespmem:$0x77];
	(v2sf) =	vpush v2, $0x6;
	[smem:$0x7B4] =	sst s11;
	s11 =	smulhi.u32 $0x14F8B589, s10;
	s10 =	sshra.s32 s10, $0x1F  }
0x1d7: {  	s10 =	smul.u32 $0x14F8B589, s10  }
0x1d8: {  	v45 =	vld [tilespmem:$0x78]  }
0x1d9: {  	[smem:$0x7B6] =	sst s10;
	s10 =	spop (v2sf)  }
0x1da: {  	(v2sf) =	vpush v2, $0x7;
	[smem:$0x7B5] =	sst s11;
	s11 =	smulhi.u32 $0x14F8B589, s10;
	s10 =	sshra.s32 s10, $0x1F  }
0x1db: {  	v3 =	vmul.u32 $0xF4243, v3;
	s10 =	smul.u32 $0x14F8B589, s10;
	_ =	sdelay $0x1  }
0x1dc: {  	v3 =	vadd.s32 v45, v3;
	[smem:$0x7B8] =	sst s10;
	s10 =	spop (v2sf)  }
0x1dd: {  	(v2sf) =	vpush v3, $0xD;
	[smem:$0x7B7] =	sst s11;
	s11 =	smulhi.u32 $0x14F8B589, s10;
	s10 =	sshra.s32 s10, $0x1F  }
0x1de: {  	s10 =	smul.u32 $0x14F8B589, s10;
	_ =	sdelay $0x1  }
0x1df: {  	s15 =	sadd.s32 s15, s12;
	[smem:$0x7BA] =	sst s10;
	s10 =	spop (v2sf)  }
0x1e0: {  	(v2sf) =	vpush v3, $0xC;
	[smem:$0x7B9] =	sst s11;
	s11 =	smulhi.u32 $0x14F8B589, s10;
	s10 =	sshra.s32 s10, $0x1F  }
0x1e1: {  	[smem:$0x7D9] =	sst s15;
	s13 =	sadd.s32 s17, s13;
	s10 =	smul.u32 $0x14F8B589, s10  }
0x1e2: {  	[smem:$0x7DB] =	sst s13  }
0x1e3: {  	s15 =	sadd.s32 s19, s16;
	[smem:$0x7BC] =	sst s10;
	s10 =	spop (v2sf)  }
0x1e4: {  	(v2sf) =	vpush v3, $0xE;
	[smem:$0x7BB] =	sst s11;
	s11 =	smulhi.u32 $0x14F8B589, s10;
	s10 =	sshra.s32 s10, $0x1F  }
0x1e5: {  	[smem:$0x7DD] =	sst s15;
	s17 =	sadd.s32 s21, s18;
	s10 =	smul.u32 $0x14F8B589, s10  }
0x1e6: {  	[smem:$0x7E0] =	sst s17;
	s1 =	smul.u32 $0x14F8B589, s1  }
0x1e7: {  	s19 =	sadd.s32 s23, s20;
	[smem:$0x7BE] =	sst s10;
	s10 =	spop (v2sf)  }
0x1e8: {  	(v2sf) =	vpush v3, $0xF;
	[smem:$0x7BD] =	sst s11;
	s11 =	smulhi.u32 $0x14F8B589, s10;
	s10 =	sshra.s32 s10, $0x1F  }
0x1e9: {  	[smem:$0x7DE] =	sst s19;
	s21 =	sadd.s32 s25, s22;
	s10 =	smul.u32 $0x14F8B589, s10  }
0x1ea: {  	[smem:$0x7E2] =	sst s21;
	s3 =	smul.u32 $0x14F8B589, s3  }
0x1eb: {  	s23 =	sadd.s32 s29, s24;
	[smem:$0x7C0] =	sst s10;
	s10 =	spop (v2sf)  }
0x1ec: {  	[smem:$0x7BF] =	sst s11;
	s11 =	smulhi.u32 $0x14F8B589, s10;
	s10 =	sshra.s32 s10, $0x1F  }
0x1ed: {  	[smem:$0x7E4] =	sst s23;
	s1 =	sadd.s32 s1, s30;
	s10 =	smul.u32 $0x14F8B589, s10  }
0x1ee: {  	[smem:$0x7DC] =	sst s1  }
0x1ef: {  	s3 =	sadd.s32 s3, s31;
	[smem:$0x7C2] =	sst s10;
	s10 =	spop (v2sf)  }
0x1f0: {  	(v2sf) =	vpush v3, $0x9;
	[smem:$0x7C1] =	sst s11;
	s11 =	smulhi.u32 $0x14F8B589, s10;
	s10 =	sshra.s32 s10, $0x1F  }
0x1f1: {  	[smem:$0x7DF] =	sst s3;
	(v2sf) =	vpush v3, $0x8;
	s10 =	smul.u32 $0x14F8B589, s10  }
0x1f2: {  	s13 =	sld [smem:$0x7A0]  }
0x1f3: {  	[smem:$0x7C4] =	sst s10;
	s10 =	spop (v2sf)  }
0x1f4: {  	[smem:$0x7C3] =	sst s11;
	s11 =	smulhi.u32 $0x14F8B589, s10;
	s10 =	sshra.s32 s10, $0x1F  }
0x1f5: {  	s15 =	sld [smem:$0x7A1];
	(v2sf) =	vpush v3, $0xA;
	s10 =	smul.u32 $0x14F8B589, s10  }
0x1f6: {  	s17 =	sld [smem:$0x7A2]  }
0x1f7: {  	[smem:$0x7C6] =	sst s10;
	s10 =	spop (v2sf)  }
0x1f8: {  	[smem:$0x7C5] =	sst s11;
	s11 =	smulhi.u32 $0x14F8B589, s10  }
0x1f9: {  	s19 =	sld [smem:$0x7A3];
	(v2sf) =	vpush v3, $0xB  }
0x1fa: {  	[smem:$0x7C7] =	sst s11  }
0x1fb: {  	s10 =	sshra.s32 s10, $0x1F;
	s11 =	sld [smem:$0x79E]  }
0x1fc: {  	s23 =	sld [smem:$0x7A6];
	s10 =	smul.u32 $0x14F8B589, s10  }
0x1fd: {  	s3 =	sld [smem:$0x7AA]  }
0x1fe: {  	[smem:$0x7C8] =	sst s10;
	s11 =	sadd.s32 s14, s11  }
0x1ff: {  	s14 =	spop (v2sf);
	[smem:$0x7DA] =	sst s11  }
0x200: {  	(v2sf) =	vpush v3, $0x0;
	s12 =	smulhi.u32 $0x14F8B589, s14;
	s10 =	sshra.s32 s14, $0x1F;
	s14 =	spop (v2sf)  }
0x201: {  	s11 =	sld [smem:$0x79F];
	s10 =	smul.u32 $0x14F8B589, s10  }
0x202: {  	(v2sf) =	vpush v3, $0x1;
	s16 =	smulhi.u32 $0x14F8B589, s14;
	[smem:$0x7C9] =	sst s12  }
0x203: {  	[smem:$0x7CA] =	sst s10  }
0x204: {  	s18 =	spop (v2sf);
	[smem:$0x7CB] =	sst s16  }
0x205: {  	(v2sf) =	vpush v3, $0x2;
	s20 =	smulhi.u32 $0x14F8B589, s18;
	s1 =	sadd.s32 s5, s11;
	s5 =	sld [smem:$0x7AC]  }
0x206: {  	s11 =	sld [smem:$0x7AF]  }
0x207: {  	s4 =	smul.u32 $0x14F8B589, s4;
	(v2sf) =	vpush v3, $0x3;
	[smem:$0x7CD] =	sst s20  }
0x208: {  	s22 =	spop (v2sf);
	[smem:$0x7E1] =	sst s1  }
0x209: {  	s24 =	smulhi.u32 $0x14F8B589, s22;
	s20 =	sld [smem:$0x7A4]  }
0x20a: {  	s0 =	smul.u32 $0x14F8B589, s0;
	s1 =	sadd.s32 s4, s13;
	s4 =	sld [smem:$0x7AB]  }
0x20b: {  	s6 =	smul.u32 $0x14F8B589, s6;
	s10 =	sshra.s32 s14, $0x1F;
	[smem:$0x7CF] =	sst s24  }
0x20c: {  	s10 =	smul.u32 $0x14F8B589, s10;
	[smem:$0x7E3] =	sst s1  }
0x20d: {  	s28 =	sadd.s32 s2, s28;
	s1 =	sadd.s32 s6, s15;
	s15 =	sld [smem:$0x7B2]  }
0x20e: {  	s7 =	smul.u32 $0x14F8B589, s7;
	s24 =	sadd.s32 s0, s26;
	[smem:$0x7CC] =	sst s10  }
0x20f: {  	s26 =	spop (v2sf);
	s10 =	sshra.s32 s18, $0x1F;
	[smem:$0x7E5] =	sst s1  }
0x210: {  	s29 =	smulhi.u32 $0x14F8B589, s26;
	s0 =	sshra.s32 s26, $0x1F;
	s26 =	sld [smem:$0x7A8]  }
0x211: {  	s2 =	spop (v2sf);
	s1 =	sadd.s32 s7, s17;
	s7 =	sld [smem:$0x7AD]  }
0x212: {  	s10 =	smul.u32 $0x14F8B589, s10;
	[smem:$0x7D8] =	sst s1  }
0x213: {  	s0 =	smul.u32 $0x14F8B589, s0;
	s1 =	sadd.s32 s20, s19;
	[smem:$0x7D1] =	sst s29  }
0x214: {  	s12 =	spop (v2sf);
	[smem:$0x7E9] =	sst s1  }
0x215: {  	s14 =	smulhi.u32 $0x14F8B589, s12;
	[smem:$0x7CE] =	sst s10  }
0x216: {  	(v2sf) =	vpush v3, $0x4;
	s16 =	spop (v2sf);
	[smem:$0x7D2] =	sst s0  }
0x217: {  	(v2sf) =	vpush v3, $0x5;
	s10 =	sshra.s32 s22, $0x1F;
	s18 =	smulhi.u32 $0x14F8B589, s16;
	s22 =	sld [smem:$0x7A5]  }
0x218: {  	s25 =	smul.u32 $0x14F8B589, s10;
	[smem:$0x7D5] =	sst s14  }
0x219: {  	s0 =	sshra.s32 s2, $0x1F;
	s10 =	smulhi.u32 $0x14F8B589, s2;
	s2 =	sld [smem:$0x7A9]  }
0x21a: {  	s14 =	sld [smem:$0x7B1]  }
0x21b: {  	(v2sf) =	vpush v3, $0x6;
	[smem:$0x7D7] =	sst s18  }
0x21c: {  	v46 =	vld [tilespmem:$0x87];
	s0 =	smul.u32 $0x14F8B589, s0;
	[smem:$0x7D0] =	sst s25  }
0x21d: {  	v48 =	vld [tilespmem:$0x1FFA0];
	[smem:$0x7D3] =	sst s10  }
0x21e: {  	[smem:$0x7D4] =	sst s0  }
0x21f: {  	v47 =	vld [tilespmem:$0x88];
	s25 =	sld [smem:$0x7A7]  }
0x220: {  	s0 =	sshra.s32 s12, $0x1F;
	s10 =	sld [smem:$0x7AE]  }
0x221: {  	v5 =	vmul.u32 $0xF4243, v46;
	(v2sf) =	vpush v3, $0x7;
	s1 =	sadd.s32 s23, s22;
	s12 =	sld [smem:$0x7B0];
	s0 =	smul.u32 $0x14F8B589, s0  }
0x222: {  	vm0 =	vnez.u8 v48;
	[smem:$0x7E7] =	sst s1  }
0x223: {  	v5 =	vsel vm0, $0x0, v5;
	[smem:$0x7D6] =	sst s0  }
0x224: {  	v5 =	vadd.s32 v47, v5;
	s0 =	sshra.s32 s16, $0x1F;
	s1 =	sadd.s32 s26, s25;
	s16 =	sld [smem:$0x7B3]  }
0x225: {  	(v2sf) =	vpush v5, $0xD;
	s21 =	spop (v2sf);
	[smem:$0x7EA] =	sst s1  }
0x226: {  	s31 =	spop (v2sf);
	s1 =	sadd.s32 s3, s2;
	s2 =	sld [smem:$0x7B5]  }
0x227: {  	(v2sf) =	vpush v5, $0xC;
	s29 =	smul.u32 $0x14F8B589, s0;
	s3 =	sld [smem:$0x7B6]  }
0x228: {  	s0 =	sshra.s32 s21, $0x1F;
	s25 =	smulhi.u32 $0x14F8B589, s31;
	[smem:$0x7EC] =	sst s1  }
0x229: {  	s26 =	smul.u32 $0x14F8B589, s0;
	s0 =	sshra.s32 s31, $0x1F;
	s31 =	sld [smem:$0x7B4]  }
0x22a: {  	s6 =	spop (v2sf);
	s1 =	sadd.s32 s5, s4;
	s5 =	sld [smem:$0x7B7]  }
0x22b: {  	(v2sf) =	vpush v5, $0xE;
	s23 =	smulhi.u32 $0x14F8B589, s6;
	[smem:$0x7F0] =	sst s1  }
0x22c: {  	s22 =	smul.u32 $0x14F8B589, s0;
	s0 =	sshra.s32 s6, $0x1F;
	s6 =	sld [smem:$0x7B8]  }
0x22d: {  	s1 =	sadd.s32 s10, s7;
	s7 =	sld [smem:$0x7B9]  }
0x22e: {  	s8 =	smul.u32 $0x14F8B589, s8;
	s10 =	sld [smem:$0x7BB]  }
0x22f: {  	s30 =	smulhi.u32 $0x14F8B589, s21;
	[smem:$0x7EE] =	sst s1  }
0x230: {  	s13 =	spop (v2sf);
	s1 =	sadd.s32 s12, s11;
	s11 =	sld [smem:$0x7BC]  }
0x231: {  	s9 =	sshra.s32 s9, $0x1F;
	s21 =	smulhi.u32 $0x14F8B589, s13;
	s12 =	sld [smem:$0x7BD]  }
0x232: {  	s20 =	smul.u32 $0x14F8B589, s0;
	s0 =	sshra.s32 s13, $0x1F;
	s13 =	sld [smem:$0x7BE]  }
0x233: {  	s9 =	smul.u32 $0x14F8B589, s9;
	(v2sf) =	vpush v5, $0xF;
	[smem:$0x7F2] =	sst s1  }
0x234: {  	s1 =	sadd.s32 s15, s14;
	s18 =	smul.u32 $0x14F8B589, s0;
	s17 =	spop (v2sf)  }
0x235: {  	[smem:$0x7F4] =	sst s1;
	s1 =	sadd.s32 s8, s16;
	s19 =	smulhi.u32 $0x14F8B589, s17  }
0x236: {  	s0 =	sshra.s32 s17, $0x1F;
	s4 =	spop (v2sf);
	s8 =	sld [smem:$0x7BA]  }
0x237: {  	[smem:$0x7E8] =	sst s1;
	s1 =	sadd.s32 s9, s31;
	s16 =	smul.u32 $0x14F8B589, s0  }
0x238: {  	s17 =	smulhi.u32 $0x14F8B589, s4;
	s0 =	sshra.s32 s4, $0x1F;
	s4 =	sld [smem:$0x7C1]  }
0x239: {  	[smem:$0x7EB] =	sst s1  }
0x23a: {  	(v2sf) =	vpush v5, $0x9;
	s9 =	spop (v2sf);
	s1 =	sadd.s32 s3, s2;
	s2 =	sld [smem:$0x7BF]  }
0x23b: {  	s14 =	smul.u32 $0x14F8B589, s0;
	s3 =	sld [smem:$0x7C0]  }
0x23c: {  	(v2sf) =	vpush v5, $0x8;
	s15 =	smulhi.u32 $0x14F8B589, s9;
	s0 =	sshra.s32 s9, $0x1F;
	s9 =	sld [smem:$0x7C5]  }
0x23d: {  	[smem:$0x7ED] =	sst s1  }
0x23e: {  	s1 =	sadd.s32 s6, s5;
	s5 =	sld [smem:$0x7C2]  }
0x23f: {  	[smem:$0x7EF] =	sst s1  }
0x240: {  	s1 =	sadd.s32 s8, s7;
	s7 =	sld [smem:$0x7C3]  }
0x241: {  	(v2sf) =	vpush v5, $0xA;
	s8 =	sld [smem:$0x7C4]  }
0x242: {  	s31 =	spop (v2sf);
	[smem:$0x7F1] =	sst s1;
	s1 =	sadd.s32 s11, s10  }
0x243: {  	[smem:$0x7F3] =	sst s1;
	s1 =	sadd.s32 s13, s12;
	s12 =	smul.u32 $0x14F8B589, s0  }
0x244: {  	s13 =	smulhi.u32 $0x14F8B589, s31;
	s0 =	sshra.s32 s31, $0x1F;
	s31 =	sld [smem:$0x7C6]  }
0x245: {  	[smem:$0x7F5] =	sst s1;
	s1 =	sadd.s32 s3, s2  }
0x246: {  	[smem:$0x7E6] =	sst s1  }
0x247: {  	s1 =	sadd.s32 s5, s4;
	s4 =	sld [smem:$0x7C7]  }
0x248: {  	(v2sf) =	vpush v5, $0xB;
	s10 =	smul.u32 $0x14F8B589, s0;
	s5 =	sld [smem:$0x7C8]  }
0x249: {  	s6 =	spop (v2sf);
	[dreg:$0x1f] =	wrdreg s1  }
0x24a: {  	s11 =	smulhi.u32 $0x14F8B589, s6;
	s0 =	sshra.s32 s6, $0x1F;
	s6 =	sld [smem:$0x7C9]  }
0x24b: {  	s1 =	sadd.s32 s8, s7;
	s3 =	spop (v2sf);
	s7 =	sld [smem:$0x7CA]  }
0x24c: {  	[smem:$0x7F6] =	sst s1;
	s1 =	sadd.s32 s31, s9;
	s8 =	smul.u32 $0x14F8B589, s0  }
0x24d: {  	s9 =	smulhi.u32 $0x14F8B589, s3;
	s0 =	sshra.s32 s3, $0x1F;
	s3 =	sld [smem:$0x7CB]  }
0x24e: {  	[smem:$0x7F8] =	sst s1  }
0x24f: {  	s1 =	sadd.s32 s5, s4;
	s4 =	sld [smem:$0x7CC]  }
0x250: {  	s31 =	spop (v2sf);
	s5 =	sld [smem:$0x7CD]  }
0x251: {  	[dreg:$0x1e] =	wrdreg s1;
	s1 =	sadd.s32 s7, s6;
	s7 =	smul.u32 $0x14F8B589, s0  }
0x252: {  	s6 =	smulhi.u32 $0x14F8B589, s31;
	s0 =	sshra.s32 s31, $0x1F;
	s31 =	sld [smem:$0x7CE]  }
0x253: {  	[smem:$0x7F9] =	sst s1  }
0x254: {  	s1 =	sadd.s32 s4, s3;
	s4 =	sld [smem:$0x7CF]  }
0x255: {  	[smem:$0x7F7] =	sst s1  }
0x256: {  	(v2sf) =	vpush v5, $0x0;
	s1 =	sadd.s32 s31, s5;
	s31 =	sld [smem:$0x7D0]  }
0x257: {  	s3 =	spop (v2sf)  }
0x258: {  	(v2sf) =	vpush v5, $0x1;
	s5 =	smul.u32 $0x14F8B589, s0;
	s0 =	sshra.s32 s3, $0x1F;
	[smem:$0x7FA] =	sst s1  }
0x259: {  	s1 =	sadd.s32 s31, s4;
	s4 =	smulhi.u32 $0x14F8B589, s3;
	s3 =	sld [smem:$0x7D1]  }
0x25a: {  	(v2sf) =	vpush v5, $0x2;
	s31 =	sld [smem:$0x7D2]  }
0x25b: {  	s2 =	sld [smem:$0x7D3]  }
0x25c: {  	(v2sf) =	vpush v5, $0x3;
	[dreg:$0x1d] =	wrdreg s1  }
0x25d: {  	v49 =	vld [tilespmem:$0x97];
	s1 =	sadd.s32 s31, s3;
	s31 =	sld [smem:$0x7D4]  }
0x25e: {  	(v2sf) =	vpush v5, $0x4  }
0x25f: {  	v50 =	vld [tilespmem:$0x98];
	[smem:$0x7FB] =	sst s1  }
0x260: {  	(v2sf) =	vpush v5, $0x5;
	s1 =	sadd.s32 s31, s2;
	s31 =	sld [smem:$0x7D6]  }
0x261: {  	[smem:$0x7FC] =	sst s1  }
0x262: {  	v6 =	vmul.u32 $0xF4243, v49;
	s30 =	sadd.s32 s26, s30;
	s16 =	sadd.s32 s16, s19;
	(v2sf) =	vpush v5, $0x6;
	s1 =	sld [smem:$0x7D5]  }
0x263: {  	s22 =	sadd.s32 s22, s25;
	[dreg:$0x1b] =	wrdreg s16;
	s14 =	sadd.s32 s14, s17;
	(v2sf) =	vpush v5, $0x7  }
0x264: {  	v6 =	vadd.s32 v50, v6;
	s20 =	sadd.s32 s20, s23;
	[dreg:$0x19] =	wrdreg s14;
	s3 =	smul.u32 $0x14F8B589, s0  }
0x265: {  	s0 =	spop (v2sf);
	(v2sf) =	vpush v6, $0xD;
	s1 =	sadd.s32 s31, s1;
	s31 =	sld [smem:$0x7D7]  }
0x266: {  	s2 =	smulhi.u32 $0x14F8B589, s0;
	s0 =	sshra.s32 s0, $0x1F;
	[smem:$0x7FD] =	sst s1  }
0x267: {  	s18 =	sadd.s32 s18, s21;
	s1 =	smul.u32 $0x14F8B589, s0;
	s0 =	spop (v2sf)  }
0x268: {  	s31 =	sadd.s32 s29, s31;
	s29 =	smulhi.u32 $0x14F8B589, s0;
	s0 =	sshra.s32 s0, $0x1F  }
0x269: {  	s12 =	sadd.s32 s12, s15;
	(v2sf) =	vpush v6, $0xC;
	s26 =	smul.u32 $0x14F8B589, s0;
	s0 =	spop (v2sf)  }
0x26a: {  	[dreg:$0x17] =	wrdreg s12;
	s25 =	smulhi.u32 $0x14F8B589, s0;
	s0 =	sshra.s32 s0, $0x1F  }
0x26b: {  	s10 =	sadd.s32 s10, s13;
	(v2sf) =	vpush v6, $0xE;
	s23 =	spop (v2sf);
	s0 =	smul.u32 $0x14F8B589, s0  }
0x26c: {  	[dreg:$0x18] =	wrdreg s10;
	s21 =	smulhi.u32 $0x14F8B589, s23;
	s23 =	sshra.s32 s23, $0x1F  }
0x26d: {  	s8 =	sadd.s32 s8, s11;
	s16 =	smul.u32 $0x14F8B589, s23;
	s23 =	spop (v2sf)  }
0x26e: {  	[dreg:$0x16] =	wrdreg s8;
	(v2sf) =	vpush v6, $0xF;
	s14 =	smulhi.u32 $0x14F8B589, s23;
	s19 =	sshra.s32 s23, $0x1F  }
0x26f: {  	s7 =	sadd.s32 s7, s9;
	(v2sf) =	vpush v6, $0x9;
	s23 =	spop (v2sf);
	s12 =	smul.u32 $0x14F8B589, s19  }
0x270: {  	[dreg:$0x15] =	wrdreg s7;
	s13 =	smulhi.u32 $0x14F8B589, s23;
	s15 =	sshra.s32 s23, $0x1F  }
0x271: {  	s5 =	sadd.s32 s5, s6;
	s17 =	spop (v2sf);
	s8 =	smul.u32 $0x14F8B589, s15  }
0x272: {  	s7 =	smulhi.u32 $0x14F8B589, s17;
	s19 =	sshra.s32 s17, $0x1F;
	s23 =	spop (v2sf)  }
0x273: {  	[dreg:$0x14] =	wrdreg s5;
	s5 =	smul.u32 $0x14F8B589, s19;
	s9 =	sshra.s32 s23, $0x1F  }
0x274: {  	s10 =	sadd.s32 s1, s2;
	s11 =	spop (v2sf);
	s6 =	smul.u32 $0x14F8B589, s9  }
0x275: {  	s2 =	sadd.s32 s26, s29;
	s9 =	smulhi.u32 $0x14F8B589, s11;
	s1 =	sshra.s32 s11, $0x1F  }
0x276: {  	s19 =	sadd.s32 s3, s4;
	s3 =	sadd.s32 s0, s25;
	s0 =	smul.u32 $0x14F8B589, s1  }
0x277: {  	s4 =	smulhi.u32 $0x14F8B589, s23;
	s26 =	sadd.s32 s12, s14;
	s25 =	sadd.s32 s8, s13  }
0x278: {  	s1 =	sadd.s32 s16, s21;
	s0 =	sadd.s32 s0, s9;
	s15 =	spop (v2sf)  }
0x279: {  	[dreg:$0xe] =	wrdreg s0;
	s17 =	smulhi.u32 $0x14F8B589, s15;
	s11 =	sshra.s32 s15, $0x1F  }
0x27a: {  	s21 =	sadd.s32 s6, s4;
	s11 =	smul.u32 $0x14F8B589, s11;
	s23 =	spop (v2sf)  }
0x27b: {  	s29 =	smulhi.u32 $0x14F8B589, s23;
	s12 =	sshra.s32 s23, $0x1F;
	s23 =	sadd.s32 s5, s7  }
0x27c: {  	s11 =	sadd.s32 s11, s17;
	s17 =	sld [smem:$0x7D8];
	s7 =	smul.u32 $0x14F8B589, s12  }
0x27d: {  	s9 =	sshra.s32 s24, $0x1F;
	[dreg:$0xd] =	wrdreg s11;
	s12 =	spop (v2sf)  }
0x27e: {  	s11 =	sshrl.u32 s24, $0x1F;
	s13 =	smulhi.u32 $0x14F8B589, s12;
	s15 =	spop (v2sf)  }
0x27f: {  	s0 =	sshra.s32 s12, $0x1F;
	s16 =	smulhi.u32 $0x14F8B589, s15;
	s6 =	sshra.s32 s15, $0x1F  }
0x280: {  	s12 =	sld [smem:$0x7D9];
	s14 =	sshra.s32 s17, $0x1F;
	s8 =	smul.u32 $0x14F8B589, s6  }
0x281: {  	s4 =	sadd.s32 s7, s29;
	s29 =	sshra.s32 s24, $0xD;
	s7 =	sld [smem:$0x7DA];
	v51 =	vmov s14  }
0x282: {  	vm15 =	vcmask $0x704;
	s0 =	smul.u32 $0x14F8B589, s0;
	v7 =	vsel vm13, s29, v51;
	s24 =	sadd.s32 s8, s16;
	s8 =	sld [smem:$0x7DB]  }
0x283: {  	v7 =	vsel vm15, s9, v7;
	s9 =	sld [smem:$0x7DC]  }
0x284: {  	vm8 =	vmmov vm13;
	s14 =	sshra.s32 s28, $0xD;
	s29 =	sadd.s32 s0, s13;
	s13 =	sshrl.u32 s12, $0x1F  }
0x285: {  	s5 =	sshrl.u32 s28, $0x1F;
	v53 =	vmov s11;
	v52 =	vmov s13;
	s15 =	sshrl.u32 s7, $0x1F;
	s16 =	sshra.s32 s28, $0x1F;
	v7 =	vsel vm6, s14, v7  }
0x286: {  	v9 =	vnsel vm13, $0x0, v53;
	s28 =	sld [smem:$0x7DF];
	v8 =	vsel vm6, s15, v52;
	v7 =	vsel vm3, s16, v7;
	s6 =	sshrl.u32 s8, $0x1F;
	s11 =	sshra.s32 s9, $0xD  }
0x287: {  	vm13 =	vcmask $0x1714;
	s14 =	sshra.s32 s9, $0x1F;
	v8 =	vsel vm7, s6, v8;
	v54 =	vsel vm7, s11, v7;
	s6 =	sld [smem:$0x7DD]  }
0x288: {  	v56 =	vsel vm13, s14, v54;
	s14 =	sld [smem:$0x7DE]  }
0x289: {  	s13 =	sshrl.u32 s9, $0x1F;
	s9 =	sld [smem:$0x7E0]  }
0x28a: {  	v9 =	vsel vm6, s5, v9  }
0x28b: {  	v55 =	vsel vm7, s13, v9;
	s11 =	sshrl.u32 s28, $0x1F;
	s15 =	sshrl.u32 s6, $0x1F;
	s16 =	sshrl.u32 s14, $0x1F  }
0x28c: {  	v7 =	vsel vm5, s15, v8;
	v8 =	vsel vm5, s11, v55;
	s11 =	sld [smem:$0x7E1];
	v57 =	vmov s16;
	s16 =	sshrl.u32 s9, $0x1F  }
0x28d: {  	s13 =	sshra.s32 s28, $0xD;
	v10 =	vsel vm6, s16, v57;
	s16 =	sld [smem:$0x7E3]  }
0x28e: {  	v9 =	vsel vm5, s13, v56;
	s13 =	sld [smem:$0x7E2]  }
0x28f: {  	vm10 =	vmmov vm11;
	vm0 =	vmmov vm3;
	vm3 =	vcmask $0x1F1C;
	s15 =	sshra.s32 s28, $0x1F;
	s28 =	sshrl.u32 s11, $0x1F;
	s0 =	sshra.s32 s11, $0x1F  }
0x290: {  	v9 =	vsel vm3, s15, v9;
	v8 =	vsel vm10, s28, v8;
	s28 =	sshra.s32 s11, $0xD;
	s11 =	sld [smem:$0x7E4];
	s15 =	sshrl.u32 s16, $0x1F  }
0x291: {  	v8 =	vsel vm12, s15, v8;
	s15 =	sld [smem:$0x7E5]  }
0x292: {  	s5 =	sshrl.u32 s13, $0x1F  }
0x293: {  	vm11 =	vmmov vm12;
	v10 =	vsel vm7, s5, v10;
	s5 =	sshrl.u32 s11, $0x1F  }
0x294: {  	[dreg:$0xc] =	wrdreg s4;
	v9 =	vsel vm10, s28, v9;
	vm12 =	vmmov vm1;
	v10 =	vsel vm5, s5, v10;
	s5 =	sshra.s32 s12, $0xD;
	s28 =	sshrl.u32 s15, $0x1F  }
0x295: {  	s4 =	sshra.s32 s8, $0xD;
	v58 =	vsel vm4, s0, v9;
	s12 =	sshrl.u32 s17, $0x1F;
	v59 =	vmov s5;
	v8 =	vsel vm1, s28, v8;
	s28 =	sshra.s32 s16, $0xD  }
0x296: {  	s14 =	sshra.s32 s14, $0xD;
	vm1 =	vcmask $0x2F2C;
	v9 =	vsel vm9, s12, v8;
	v11 =	vsel vm11, s28, v58;
	s12 =	sshra.s32 s7, $0xD;
	s28 =	sshra.s32 s16, $0x1F  }
0x297: {  	s8 =	sshra.s32 s6, $0xD;
	v60 =	vmov s14;
	s14 =	sshra.s32 s17, $0xD;
	v8 =	vsel vm6, s12, v59;
	v11 =	vsel vm1, s28, v11;
	s28 =	sld [smem:$0x7E6]  }
0x298: {  	s17 =	sld [smem:$0x7E8];
	s5 =	sshra.s32 s9, $0xD;
	s7 =	sshra.s32 s15, $0xD;
	v8 =	vsel vm7, s4, v8  }
0x299: {  	vm14 =	vcmask $0x3734;
	s9 =	sshra.s32 s13, $0xD;
	s12 =	sshra.s32 s15, $0x1F;
	v11 =	vsel vm12, s7, v11;
	v14 =	vsel vm5, s8, v8;
	s8 =	sld [smem:$0x7E9]  }
0x29a: {  	s13 =	sshra.s32 s11, $0xD;
	s11 =	sld [smem:$0x7E7];
	v11 =	vsel vm14, s12, v11;
	s15 =	sshra.s32 s28, $0x1F  }
0x29b: {  	v12 =	vsel vm6, s5, v60;
	s7 =	sshra.s32 s17, $0xD;
	s12 =	sshra.s32 s17, $0x1F;
	v63 =	vsel vm9, s14, v11;
	s14 =	sld [smem:$0x7EB];
	v31 =	vmov s15  }
0x29c: {  	v61 =	vsel vm7, s9, v12;
	v8 =	vsel vm8, s7, v31;
	s9 =	sshrl.u32 s8, $0x1F;
	s4 =	sshra.s32 s8, $0xD;
	s8 =	sld [smem:$0x7EA]  }
0x29d: {  	s5 =	sshrl.u32 s17, $0x1F;
	s16 =	sshrl.u32 s11, $0x1F;
	v8 =	vsel vm15, s12, v8;
	s12 =	sld [smem:$0x7ED]  }
0x29e: {  	v33 =	vmov s5;
	v32 =	vmov s16;
	s7 =	sld [smem:$0x7EC]  }
0x29f: {  	v62 =	vsel vm5, s13, v61;
	v12 =	vnsel vm8, $0x0, v33;
	v11 =	vsel vm6, s9, v32;
	s15 =	sshrl.u32 s14, $0x1F;
	s16 =	sshra.s32 s14, $0xD;
	s13 =	sshrl.u32 s8, $0x1F  }
0x2a0: {  	s17 =	sshra.s32 s14, $0x1F;
	v12 =	vsel vm6, s15, v12;
	v34 =	vsel vm6, s16, v8;
	v11 =	vsel vm7, s13, v11;
	s14 =	sshrl.u32 s12, $0x1F;
	s13 =	sld [smem:$0x7EF]  }
0x2a1: {  	v36 =	vsel vm0, s17, v34;
	s17 =	sshra.s32 s12, $0xD;
	v35 =	vsel vm7, s14, v12;
	s14 =	sld [smem:$0x7EE]  }
0x2a2: {  	s9 =	sshrl.u32 s7, $0x1F;
	v12 =	vsel vm7, s17, v36;
	s17 =	sld [smem:$0x7F1]  }
0x2a3: {  	s12 =	sshra.s32 s12, $0x1F;
	v8 =	vsel vm5, s9, v11;
	s9 =	sld [smem:$0x7F0]  }
0x2a4: {  	v12 =	vsel vm13, s12, v12;
	s12 =	sld [smem:$0x7F2];
	s16 =	sshrl.u32 s13, $0x1F  }
0x2a5: {  	s0 =	sshra.s32 s13, $0x1F;
	s15 =	sshrl.u32 s14, $0x1F;
	v11 =	vsel vm5, s16, v35;
	s16 =	sshrl.u32 s17, $0x1F  }
0x2a6: {  	v37 =	vmov s15;
	s15 =	sshrl.u32 s9, $0x1F;
	v11 =	vsel vm10, s16, v11;
	s16 =	sshra.s32 s13, $0xD;
	s13 =	sld [smem:$0x7F4]  }
0x2a7: {  	v16 =	vsel vm6, s15, v37;
	s15 =	sld [smem:$0x7F3]  }
0x2a8: {  	s5 =	sshrl.u32 s12, $0x1F;
	v38 =	vsel vm5, s16, v12;
	s16 =	sld [smem:$0x7F5]  }
0x2a9: {  	v16 =	vsel vm7, s5, v16;
	v39 =	vsel vm3, s0, v38;
	s0 =	sshra.s32 s11, $0xD;
	s11 =	sshra.s32 s17, $0xD;
	s5 =	sshrl.u32 s13, $0x1F  }
0x2aa: {  	v12 =	vsel vm5, s5, v16;
	v16 =	vsel vm10, s11, v39;
	s11 =	sshra.s32 s14, $0xD;
	s14 =	sshra.s32 s17, $0x1F  }
0x2ab: {  	s6 =	sshrl.u32 s15, $0x1F;
	s17 =	sshra.s32 s7, $0xD;
	s7 =	sshra.s32 s15, $0xD;
	v16 =	vsel vm4, s14, v16  }
0x2ac: {  	v11 =	vsel vm11, s6, v11;
	s6 =	sshrl.u32 s16, $0x1F;
	v42 =	vsel vm11, s7, v16;
	s7 =	sld [smem:$0x7F6]  }
0x2ad: {  	v40 =	vmov s0;
	v11 =	vsel vm12, s6, v11;
	s6 =	sshrl.u32 s28, $0x1F  }
0x2ae: {  	s8 =	sshra.s32 s8, $0xD;
	v17 =	vsel vm6, s4, v40;
	v41 =	vmov s11;
	v11 =	vsel vm9, s6, v11;
	s6 =	sshra.s32 s9, $0xD  }
0x2af: {  	v17 =	vsel vm7, s8, v17;
	s8 =	sshra.s32 s12, $0xD;
	v18 =	vsel vm6, s6, v41;
	s14 =	sshrl.u32 s7, $0x1F  }
0x2b0: {  	s9 =	sshra.s32 s13, $0xD;
	v44 =	vsel vm7, s8, v18;
	v46 =	vmov s14;
	s14 =	sld [smem:$0x7F7]  }
0x2b1: {  	s11 =	sshra.s32 s15, $0x1F;
	v18 =	vsel vm5, s9, v44;
	s9 =	sld [smem:$0x7F9]  }
0x2b2: {  	s12 =	sshra.s32 s16, $0xD;
	v19 =	vsel vm1, s11, v42;
	s13 =	sshra.s32 s16, $0x1F;
	s16 =	rddreg [dreg:$0x1f]  }
0x2b3: {  	s15 =	sshra.s32 s28, $0xD;
	s11 =	sld [smem:$0x7F8];
	v45 =	vsel vm12, s12, v19;
	s28 =	sshrl.u32 s14, $0x1F  }
0x2b4: {  	v43 =	vsel vm5, s17, v17;
	v17 =	vsel vm14, s13, v45;
	s13 =	rddreg [dreg:$0x1e];
	s12 =	sshrl.u32 s9, $0x1F;
	v47 =	vmov s28  }
0x2b5: {  	s17 =	sshrl.u32 s16, $0x1F;
	v20 =	vsel vm6, s12, v47;
	s12 =	sld [smem:$0x7FA]  }
0x2b6: {  	s5 =	sshra.s32 s16, $0xD;
	s0 =	sshra.s32 s7, $0xD;
	v19 =	vsel vm6, s17, v46;
	s17 =	sld [smem:$0x7FB]  }
0x2b7: {  	s7 =	sshra.s32 s18, $0x1F;
	s8 =	sshrl.u32 s11, $0x1F;
	v17 =	vsel vm9, s15, v17;
	s15 =	sshrl.u32 s13, $0x1F  }
0x2b8: {  	(v2sf) =	vpush v6, $0x8;
	v49 =	vmov s7;
	s7 =	sshra.s32 s13, $0xD;
	s13 =	rddreg [dreg:$0x1d];
	v19 =	vsel vm7, s8, v19;
	s16 =	sshrl.u32 s12, $0x1F  }
0x2b9: {  	v50 =	vmov s0;
	v19 =	vsel vm5, s15, v19;
	s15 =	sshra.s32 s17, $0xD;
	v20 =	vsel vm7, s16, v20;
	s16 =	sld [smem:$0x7FC]  }
0x2ba: {  	s6 =	sshra.s32 s11, $0xD;
	v23 =	vsel vm6, s5, v50;
	s28 =	sshrl.u32 s17, $0x1F;
	v22 =	vsel vm8, s15, v49;
	s15 =	sld [smem:$0x7FD]  }
0x2bb: {  	s5 =	sshra.s32 s20, $0xD;
	v23 =	vsel vm7, s6, v23;
	s6 =	sshra.s32 s18, $0xD;
	s4 =	sshra.s32 s9, $0xD;
	v48 =	vmov s28  }
0x2bc: {  	s9 =	sshra.s32 s14, $0xD;
	s17 =	sshra.s32 s17, $0x1F;
	v21 =	vnsel vm8, $0x0, v48;
	s11 =	sshrl.u32 s16, $0x1F  }
0x2bd: {  	(v2sf) =	vpush v6, $0xA;
	v22 =	vsel vm15, s17, v22;
	s17 =	sshrl.u32 s31, $0x1F;
	s28 =	sshrl.u32 s15, $0x1F;
	s14 =	sshra.s32 s16, $0x1F;
	v21 =	vsel vm6, s11, v21  }
0x2be: {  	s11 =	sshrl.u32 s13, $0x1F;
	v21 =	vsel vm7, s28, v21;
	s28 =	sshra.s32 s16, $0xD;
	s16 =	sshrl.u32 s30, $0x1F  }
0x2bf: {  	(v2sf) =	vpush v6, $0xB;
	v20 =	vsel vm5, s11, v20;
	s11 =	sshra.s32 s12, $0xD;
	s12 =	sshra.s32 s13, $0xD;
	s13 =	sshra.s32 s20, $0x1F;
	v22 =	vsel vm6, s28, v22  }
0x2c0: {  	(v2sf) =	vpush v6, $0x0;
	v21 =	vsel vm5, s17, v21;
	s17 =	sshrl.u32 s22, $0x1F;
	s28 =	sshra.s32 s15, $0xD;
	v22 =	vsel vm0, s14, v22;
	s14 =	sshra.s32 s15, $0x1F  }
0x2c1: {  	v21 =	vsel vm10, s16, v21;
	s15 =	sshrl.u32 s20, $0x1F;
	s16 =	sshra.s32 s31, $0xD;
	s20 =	sshrl.u32 s10, $0x1F  }
0x2c2: {  	(v2sf) =	vpush v6, $0x1;
	v21 =	vsel vm11, s17, v21;
	v22 =	vsel vm7, s28, v22;
	s17 =	sshra.s32 s31, $0x1F;
	s31 =	sshra.s32 s30, $0xD;
	s28 =	sshra.s32 s22, $0xD  }
0x2c3: {  	(v2sf) =	vpush v6, $0x2;
	v21 =	vsel vm12, s15, v21;
	v22 =	vsel vm13, s14, v22;
	s15 =	sshra.s32 s30, $0x1F;
	s30 =	sshrl.u32 s18, $0x1F;
	s18 =	rddreg [dreg:$0x19]  }
0x2c4: {  	(v2sf) =	vpush v6, $0x3;
	v55 =	vmov s20;
	s20 =	sshra.s32 s10, $0xD;
	v22 =	vsel vm5, s16, v22;
	s16 =	sshra.s32 s22, $0x1F;
	s22 =	rddreg [dreg:$0x17]  }
0x2c5: {  	(v2sf) =	vpush v6, $0x4;
	s10 =	sshra.s32 s10, $0x1F;
	v21 =	vsel vm9, s30, v21;
	s0 =	sshrl.u32 s18, $0x1F;
	s30 =	rddreg [dreg:$0x16];
	v22 =	vsel vm3, s17, v22  }
0x2c6: {  	(v2sf) =	vpush v6, $0x5;
	v52 =	vsel vm5, s7, v23;
	s17 =	sshra.s32 s18, $0xD;
	s7 =	sshrl.u32 s22, $0x1F;
	v51 =	vsel vm10, s31, v22;
	s31 =	rddreg [dreg:$0x1b]  }
0x2c7: {  	v54 =	vmov s9;
	v56 =	vmov s0;
	s0 =	spop (v2sf);
	v58 =	vmov s17;
	s17 =	sshra.s32 s2, $0x1F;
	s14 =	sshrl.u32 s31, $0x1F  }
0x2c8: {  	v14 =	vcombine.low v62, v14;
	v24 =	vsel vm6, s4, v54;
	s8 =	sshra.s32 s31, $0xD;
	v53 =	vsel vm4, s15, v51;
	s15 =	sshra.s32 s22, $0xD;
	s22 =	rddreg [dreg:$0x15]  }
0x2c9: {  	v24 =	vsel vm7, s11, v24;
	v25 =	vnsel vm8, $0x0, v55;
	s31 =	sshrl.u32 s2, $0x1F;
	v23 =	vsel vm11, s28, v53;
	s28 =	rddreg [dreg:$0x18];
	s11 =	sshrl.u32 s22, $0x1F  }
0x2ca: {  	v7 =	vcombine.low v10, v7;
	v13 =	vperm.xlane v63, v1;
	v25 =	vsel vm6, s31, v25;
	s9 =	sshra.s32 s22, $0xD;
	s31 =	sshrl.u32 s1, $0x1F;
	s22 =	sshrl.u32 s26, $0x1F  }
0x2cb: {  	v14 =	vperm.xlane v14, v0;
	v26 =	vsel vm6, s14, v56;
	s18 =	sshrl.u32 s28, $0x1F;
	v23 =	vsel vm1, s16, v23;
	s4 =	sshra.s32 s28, $0xD;
	s16 =	sshrl.u32 s30, $0x1F  }
0x2cc: {  	v24 =	vsel vm5, s12, v24;
	s28 =	sshrl.u32 s3, $0x1F;
	v57 =	vmov s11;
	s11 =	spop (v2sf);
	v26 =	vsel vm7, s7, v26;
	s7 =	sshra.s32 s19, $0xD  }
0x2cd: {  	v28 =	vsel vm6, s8, v58;
	v63 =	vmov s9;
	s9 =	sshra.s32 s26, $0xD;
	v23 =	vsel vm12, s5, v23;
	s5 =	sshra.s32 s30, $0xD;
	s30 =	rddreg [dreg:$0x14]  }
0x2ce: {  	v25 =	vsel vm7, s28, v25;
	s28 =	sshrl.u32 s19, $0x1F;
	v27 =	vsel vm6, s16, v57;
	s16 =	spop (v2sf);
	(v2sf) =	vpush v6, $0x6;
	s19 =	sshrl.u32 s21, $0x1F  }
0x2cf: {  	v26 =	vsel vm5, s18, v26;
	v23 =	vsel vm14, s13, v23;
	s12 =	sshrl.u32 s30, $0x1F;
	v25 =	vsel vm5, s31, v25;
	s31 =	sshrl.u32 s23, $0x1F;
	s13 =	spop (v2sf)  }
0x2d0: {  	(v2sf) =	vpush v6, $0x7;
	s8 =	smulhi.u32 $0x14F8B589, s16;
	v23 =	vsel vm9, s6, v23;
	s6 =	sshra.s32 s30, $0xD;
	v25 =	vsel vm10, s22, v25;
	s30 =	sshrl.u32 s25, $0x1F  }
0x2d1: {  	v31 =	vsel vm6, s5, v63;
	v27 =	vsel vm7, s12, v27;
	s22 =	sshra.s32 s21, $0x1F;
	s18 =	spop (v2sf);
	s12 =	smulhi.u32 $0x14F8B589, s13;
	v25 =	vsel vm11, s30, v25  }
0x2d2: {  	v27 =	vsel vm5, s28, v27;
	s28 =	sshra.s32 s2, $0xD;
	v59 =	vmov s22;
	s30 =	sshra.s32 s3, $0x1F;
	s22 =	sshra.s32 s1, $0x1F;
	v25 =	vsel vm12, s31, v25  }
0x2d3: {  	v33 =	vsel vm7, s6, v31;
	v29 =	vsel vm8, s20, v59;
	s31 =	smulhi.u32 $0x14F8B589, s0;
	s0 =	sshra.s32 s0, $0x1F;
	s20 =	sshra.s32 s1, $0xD;
	v25 =	vsel vm9, s19, v25  }
0x2d4: {  	s19 =	sshra.s32 s3, $0xD;
	s3 =	spop (v2sf);
	v61 =	vsel vm15, s10, v29;
	v29 =	vsel vm2, v13, v14;
	v13 =	vsel vm5, s7, v33;
	s7 =	smulhi.u32 $0x14F8B589, s18  }
0x2d5: {  	v7 =	vperm.xlane v7, v0;
	s18 =	sshra.s32 s18, $0x1F;
	s2 =	spop (v2sf);
	v62 =	vsel vm6, s28, v61;
	s28 =	smul.u32 $0x14F8B589, s0  }
0x2d6: {  	v8 =	vcombine.low v12, v8;
	v60 =	vsel vm7, s15, v28;
	s1 =	spop (v2sf);
	v15 =	vsel vm0, s17, v62;
	s17 =	smulhi.u32 $0x14F8B589, s11;
	s11 =	sshra.s32 s11, $0x1F  }
0x2d7: {  	v9 =	vperm.xlane v9, v1;
	v10 =	vsel vm5, s4, v60;
	s0 =	spop (v2sf);
	v15 =	vsel vm7, s19, v15;
	s4 =	sadd.s32 s28, s31;
	s11 =	smul.u32 $0x14F8B589, s11  }
0x2d8: {  	v8 =	vperm.xlane v8, v0;
	v11 =	vperm.xlane v11, v1;
	s19 =	rddreg [dreg:$0xe];
	s28 =	sshrl.u32 s29, $0x1F;
	v30 =	vsel vm13, s30, v15;
	s30 =	sshra.s32 s16, $0x1F  }
0x2d9: {  	v40 =	vcombine.low v18, v43;
	v43 =	vcombine.low v24, v52;
	s15 =	sshrl.u32 s19, $0x1F;
	s16 =	rddreg [dreg:$0xc];
	s10 =	smul.u32 $0x14F8B589, s30  }
0x2da: {  	v7 =	vsel vm2, v9, v7;
	v17 =	vperm.xlane v17, v1;
	v32 =	vsel vm5, s20, v30;
	s20 =	rddreg [dreg:$0xd];
	s6 =	sadd.s32 s11, s17;
	s11 =	smulhi.u32 $0x14F8B589, s3  }
0x2db: {  	v8 =	vsel vm2, v11, v8;
	v11 =	vperm.xlane v43, v0;
	v46 =	vperm.xlane v23, v1;
	s14 =	sshrl.u32 s16, $0x1F;
	s30 =	sshrl.u32 s24, $0x1F;
	s17 =	smulhi.u32 $0x14F8B589, s2  }
0x2dc: {  	v41 =	vcombine.low v20, v19;
	v45 =	vperm.xlane v21, v1;
	s2 =	sshra.s32 s2, $0x1F;
	s31 =	sshrl.u32 s20, $0x1F;
	v9 =	vsel vm3, s22, v32;
	s22 =	sshra.s32 s13, $0x1F  }
0x2dd: {  	v44 =	vcombine.low v27, v26;
	v11 =	vsel vm2, v46, v11;
	s2 =	smul.u32 $0x14F8B589, s2;
	s13 =	sshra.s32 s25, $0x1F;
	v34 =	vmov s31;
	s31 =	sshrl.u32 s4, $0x1F  }
0x2de: {  	v7 =	vadd.s32 v7, v29;
	v9 =	vsel vm10, s9, v9;
	s9 =	smul.u32 $0x14F8B589, s22;
	s5 =	sadd.s32 s10, s8;
	s22 =	sshrl.u32 s6, $0x1F;
	v35 =	vmov s31  }
0x2df: {  	v7 =	vmul.u32 $0x186A0, v7;
	s10 =	smul.u32 $0x14F8B589, s18;
	v14 =	vsel vm6, s15, v34;
	v37 =	vsel vm6, s30, v35;
	s30 =	sshra.s32 s3, $0x1F;
	s3 =	spop (v2sf)  }
0x2e0: {  	v48 =	vperm.xlane v44, v0;
	v15 =	vperm.xlane v41, v0;
	s18 =	sshra.s32 s19, $0xD;
	s4 =	sshra.s32 s4, $0xD;
	v36 =	vsel vm7, s14, v14;
	s19 =	spop (v2sf)  }
0x2e1: {  	v4 =	vsub.s32 v4, v7;
	v7 =	vsel vm5, s28, v36;
	v14 =	vsel vm7, s22, v37;
	s28 =	sshrl.u32 s5, $0x1F;
	s22 =	smulhi.u32 $0x14F8B589, s19;
	s14 =	sshra.s32 s19, $0x1F  }
0x2e2: {  	v50 =	vperm.xlane v25, v1;
	v15 =	vsel vm2, v45, v15;
	s6 =	sshra.s32 s6, $0xD;
	s15 =	sshra.s32 s20, $0xD;
	v39 =	vsel vm5, s28, v14;
	s28 =	smul.u32 $0x14F8B589, s14  }
0x2e3: {  	v10 =	vcombine.low v13, v10;
	vm14 =	vlt.s32 v4, $0x0;
	v11 =	vadd.s32 v15, v11;
	s20 =	sshra.s32 s16, $0xD;
	s9 =	sadd.s32 s9, s12;
	s10 =	sadd.s32 s10, s7  }
0x2e4: {  	v38 =	vadd.s32 $0x186A0, v4;
	v11 =	vmul.u32 $0x186A0, v11;
	v42 =	vmov s15;
	s7 =	sadd.s32 s2, s17;
	s15 =	sshra.s32 s24, $0xD;
	s2 =	sadd.s32 s28, s22  }
0x2e5: {  	v10 =	vperm.xlane v10, v0;
	v4 =	vsel vm14, v38, v4;
	v47 =	vmov s4;
	s24 =	smulhi.u32 $0x14F8B589, s1;
	s1 =	sshra.s32 s1, $0x1F;
	s14 =	sshra.s32 s2, $0x1F  }
0x2e6: {  	s31 =	smul.u32 $0x14F8B589, s30;
	v16 =	vsel vm6, s18, v42;
	s30 =	sshra.s32 s29, $0xD;
	s16 =	sshra.s32 s9, $0xD;
	v3 =	vsub.s32 v3, v11;
	v49 =	vmov s14  }
0x2e7: {  	s18 =	sshra.s32 s9, $0x1F;
	s9 =	sshrl.u32 s9, $0x1F;
	s5 =	sshra.s32 s5, $0xD;
	v14 =	vperm.xlane v40, v0;
	v16 =	vsel vm7, s20, v16;
	v18 =	vsel vm8, s16, v49  }
0x2e8: {  	s1 =	smul.u32 $0x14F8B589, s1;
	s29 =	sshra.s32 s7, $0xD;
	s20 =	sshra.s32 s10, $0xD;
	v55 =	vmov s9;
	v16 =	vsel vm5, s30, v16;
	v52 =	vsel vm15, s18, v18  }
0x2e9: {  	s8 =	sadd.s32 s31, s11;
	s19 =	sshrl.u32 s10, $0x1F;
	s10 =	sshra.s32 s10, $0x1F;
	v7 =	vcombine.low v39, v7;
	v15 =	vnsel vm8, $0x0, v55;
	v53 =	vsel vm6, s20, v52  }
0x2ea: {  	s31 =	sshra.s32 s26, $0x1F;
	s11 =	sshra.s32 s25, $0xD;
	v14 =	vsel vm2, v17, v14;
	v17 =	vsel vm6, s15, v47;
	s25 =	sshra.s32 s8, $0xD;
	v13 =	vsel vm0, s10, v53  }
0x2eb: {  	v9 =	vsel vm4, s31, v9;
	v15 =	vsel vm6, s19, v15;
	s31 =	smulhi.u32 $0x14F8B589, s3;
	s22 =	sshrl.u32 s8, $0x1F;
	s8 =	sshra.s32 s8, $0x1F;
	v13 =	vsel vm7, s25, v13  }
0x2ec: {  	s1 =	sadd.s32 s1, s24;
	v8 =	vadd.s32 v8, v14;
	v51 =	vsel vm7, s6, v17;
	s28 =	smulhi.u32 $0x14F8B589, s0;
	s0 =	sshra.s32 s0, $0x1F;
	v13 =	vsel vm13, s8, v13  }
0x2ed: {  	s30 =	sshra.s32 s7, $0x1F;
	s3 =	sshra.s32 s3, $0x1F;
	v9 =	vsel vm11, s11, v9;
	v7 =	vperm.xlane v7, v0;
	s0 =	smul.u32 $0x14F8B589, s0;
	v13 =	vsel vm5, s29, v13  }
0x2ee: {  	s26 =	sshrl.u32 s7, $0x1F;
	s7 =	sshra.s32 s1, $0xD;
	s3 =	smul.u32 $0x14F8B589, s3;
	v54 =	vsel vm5, s5, v51;
	v8 =	vmul.u32 $0x186A0, v8;
	v13 =	vsel vm3, s30, v13  }
0x2ef: {  	s17 =	sshra.s32 s23, $0xD;
	v9 =	vsel vm1, s13, v9;
	v12 =	vcombine.low v54, v16;
	s0 =	sadd.s32 s0, s28;
	s8 =	sshra.s32 s1, $0x1F;
	v13 =	vsel vm10, s7, v13  }
0x2f0: {  	v15 =	vsel vm7, s22, v15;
	v9 =	vsel vm12, s17, v9;
	s3 =	sadd.s32 s3, s31;
	s10 =	sshra.s32 s0, $0xD;
	v13 =	vsel vm4, s8, v13  }
0x2f1: {  	v15 =	vsel vm5, s26, v15;
	v56 =	vperm.xlane v12, v0;
	s11 =	sshrl.u32 s0, $0x1F;
	s0 =	sshra.s32 s0, $0x1F;
	s1 =	sshrl.u32 s1, $0x1F;
	v13 =	vsel vm11, s10, v13  }
0x2f2: {  	s9 =	sshra.s32 s23, $0x1F;
	s14 =	sshra.s32 s3, $0xD;
	vm15 =	vcmask $0x3734;
	v15 =	vsel vm10, s1, v15;
	v13 =	vsel vm1, s0, v13  }
0x2f3: {  	s12 =	sshra.s32 s21, $0xD;
	s13 =	sshrl.u32 s3, $0x1F;
	s16 =	sshra.s32 s3, $0x1F;
	v9 =	vsel vm15, s9, v9;
	v15 =	vsel vm11, s11, v15;
	v13 =	vsel vm12, s14, v13  }
0x2f4: {  	s15 =	sshrl.u32 s2, $0x1F;
	s18 =	sshra.s32 s2, $0xD;
	v9 =	vsel vm9, s12, v9;
	v15 =	vsel vm12, s13, v15;
	v13 =	vsel vm15, s16, v13  }
0x2f5: {  	v9 =	vperm.xlane v9, v1;
	v15 =	vsel vm9, s15, v15;
	v13 =	vsel vm9, s18, v13  }
0x2f6: {  	v61 =	vadd.s32 $0x186A0, v3;
	v15 =	vperm.xlane v15, v1;
	v57 =	vperm.xlane v13, v1  }
0x2f7: {  	v14 =	vsel vm2, v50, v48;
	v2 =	vsub.s32 v2, v8;
	v9 =	vsel vm2, v9, v10  }
0x2f8: {  	v58 =	vadd.s32 v14, v9;
	v7 =	vsel vm2, v15, v7;
	v59 =	vsel vm2, v57, v56  }
0x2f9: {  	v60 =	vadd.s32 $0x186A0, v2;
	v8 =	vmul.u32 $0x186A0, v58;
	v7 =	vadd.s32 v7, v59  }
0x2fa: {  	vm0 =	vlt.s32 v3, $0x0;
	vm1 =	vlt.s32 v2, $0x0;
	v7 =	vmul.u32 $0x186A0, v7  }
0x2fb: {  	[tilespmem:$0x180] =	vst v4;
	v3 =	vsel vm0, v61, v3;
	v62 =	vsub.s32 v5, v8;
	v2 =	vsel vm1, v60, v2  }
0x2fc: {  	v5 =	vadd.s32 $0x186A0, v62;
	vm1 =	vlt.s32 v62, $0x0;
	[tilespmem:$0x190] =	vst v2;
	v2 =	vsub.s32 v6, v7  }
0x2fd: {  	[tilespmem:$0x1A0] =	vst v3;
	v3 =	vsel vm1, v5, v62;
	vm2 =	vlt.s32 v2, $0x0;
	v63 =	vadd.s32 $0x186A0, v2  }
0x2fe: {  	s21 =	rddreg [dreg:$0x1];
	s23 =	simm.s32 $0x1;
	[tilespmem:$0x1B0] =	vst v3;
	v2 =	vsel vm2, v63, v2  }
0x2ff: {  	s19 =	rddreg [dreg:$0x8];
	s22 =	simm.s32 $0x50;
	s20 =	simm.s32 $0x2A00;
	[tilespmem:$0x1C0] =	vst v2  }
0x300: {  	[tilespmem:s20], [sflag:$0x2] =	stream.indirect.gather [hbm4b:s21+s22], $0x80, s19, s22, $0xb8;
	[tilespmem:$0x5200] =	vst v63  }
0x301: {  	s17 =	rddreg [dreg:$0xb];
	_ =	swait.ge [sflag:s23], $0x2800  }
0x302: {  	s26 =	simm.s32 $0x200;
	s28 =	simm.s32 $0x2;
	[sflag:s23] =	ssyncset.done $0x0  }
0x303: {  	s25 =	simm.s32 $0x0;
	s24 =	rddreg [dreg:$0x9];
	[sflag:s23] =	ssyncadd.s32 $0xFFFFD800  }
0x304: {  	[hbm4b:s24+s25] =	stream.linear.scatter [tilespmem:s26], [sflag:$0x3], $0x2800, $0x38;
	[tilespmem:$0x5200] =	vst v63  }
0x305: {  	_ =	swait.ge [sflag:s28], $0x2800  }
0x306: {  	[sflag:s28] =	ssyncset.done $0x0  }
0x307: {  	s30 =	simm.s32 $0x3;
	s29 =	rddreg [dreg:$0xa];
	[sflag:s28] =	ssyncadd.s32 $0xFFFFD800  }
0x308: {  	[hbm4b:s29+s25] =	stream.linear.scatter [tilespmem:s20], [sflag:$0x3], $0x2800, $0x38;
	[tilespmem:$0x5200] =	vst v63  }
0x309: {  	p0 =	sne.s32 s17, $0x1;
	_ =	swait.ge [sflag:s30], $0x2800  }
.Ltmp0:
0x30a: {  	[sflag:s30] =	ssyncset.done $0x0;
	(pc) =	sbr.rel @p0 .LBB2_1-.Ltmp0, $4  }
0x30b: {  	[sflag:s30] =	ssyncadd.s32 $0xFFFFD800  }
0x30c: {  	_ =	swait.ge [sflag:s30], $0x2800  }
0x30d: {  	s31 =	simm.s32 $0x3;
	[sflag:s30] =	ssyncset.done $0x0  }
0x30e: {  	s1 =	sadd.s32 $0xFFFFFFFF, s17;
	[sflag:s31] =	ssyncadd.s32 $0xFFFFD800  }
0x30f: {  	_ =	sfence.sel $0x180000  }
0x310: {  	[bflag:$0x0] =	sbarrier.arrive $0xFFFF  }
0x311: {  	_ =	strace $0x90000047  }
0x312: {  	s0 =	stileid.u32;
	[bflag:$0x2] =	sbarrier.arrive $0xFFFF  }
0x313: {  	p0 =	sne.s32 s0, $0x0;
	s0 =	rddreg [dreg:$0x3]  }
0x314: {  	s0 =	sadd.s32 @!p0 $0x100000, s0  }
0x315: {  	[sflag:s0] =	ssyncadd.tile.s32 @!p0 $0x1;
	_ =	shalt  }
.Lfunc_end2:
_tile_overlayer_lowered:
.L_overlay_start_2:
0x316: {  	(tag) =	ssettag $0x2  }
0x317: {  	s0 =	rddreg [dreg:$0x0];
	s2 =	stileid.u32  }
0x318: {  	s1 =	rddreg [dreg:$0x1];
	p0 =	sne.s32 s2, $0x0  }
0x319: {  	s3 =	rddreg [dreg:$0x2];
	[bflag:$0x3] =	sbarrier.arrive $0xFFFF;
	s2 =	simm.s32 @!p0 $0x1C04  }
0x31a: {  	[timem:s3], [sflag:s2] =	dma.local @!p0 [hbm:s0], s1  }
0x31b: {  	s0 =	simm.s32 @!p0 $0x4  }
0x31c: {  	_ =	swait.ge @!p0 [sflag:s0], s1  }
0x31d: {  	s1 =	ssub.s32 @!p0 $0x0, s1;
	[sflag:s0] =	ssyncset.done @!p0 $0x0  }
0x31e: {  	[sflag:s0] =	ssyncadd.s32 @!p0 s1  }
0x31f: {  	[bflag:$0x3] =	sbarrier.arrive $0xFFFF  }
0x320: {  	_ =	shalt  }

// kernel: hash_gather_t5120.3.cloned.1.call-start
scs
__scs_entry_jumppad:
0x0: {  	(pc) =	sbr.rel $0x88, $3  }
0x1: {  	(tag) =	ssettag $0x0;
	lr =	simm.s32 $0x1  }
0x2: {  	[smem:$0x3F9E] =	sst lr;
	_ =	strace $0xD0000000  }
0x3: {  	_ = 	snop  }
0x4: {  	_ = 	snop  }
0x5: {  	_ = 	snop  }
0x6: {  	_ = 	snop  }
0x7: {  	_ = 	snop  }
__scs_overlays_trampoline_lowered:
0x8: {  	[smem:$0x3FAD] =	sst s0  }
0x9: {  	[smem:$0x3FAE] =	sst s1  }
0xa: {  	[smem:$0x3FAF] =	sst s2  }
0xb: {  	[smem:$0x3FB0] =	sst s3  }
0xc: {  	[smem:$0x3FB1] =	sst s4  }
0xd: {  	[smem:$0x3FB2] =	sst s5  }
0xe: {  	[smem:$0x3FB3] =	sst s6  }
0xf: {  	[smem:$0x3FB4] =	sst s7  }
0x10: {  	[smem:$0x3FB5] =	sst s8  }
0x11: {  	[smem:$0x3FB6] =	sst s9;
	s0 =	simm.s32 @!p0 $0x0  }
0x12: {  	s1 =	sld [smem:$0x3F9C];
	s0 =	simm.s32 @p0 $0x1  }
0x13: {  	[smem:$0x3FB7] =	sst s0;
	s0 =	simm.s32 @!p1 $0x0  }
0x14: {  	s2 =	sld [smem:$0x3F9B];
	s0 =	simm.s32 @p1 $0x1  }
0x15: {  	[smem:$0x3FB8] =	sst s0;
	s0 =	simm.s32 @!p2 $0x0  }
0x16: {  	s3 =	sld [smem:$0x3FDB];
	s0 =	simm.s32 @p2 $0x1  }
0x17: {  	s4 =	simm.s32 $0x1BF5;
	[smem:$0x3FBA] =	sst s0  }
0x18: {  	s0 =	sld [smem:$0x3F9D];
	_ =	swait.ge [sflag:s4], $0x0  }
0x19: {  	s7 =	sld [smem:$0x3F9E]  }
0x1a: {  	s8 =	sadd.s32 $0xFFFFE003, lr  }
0x1b: {  	s9 =	sadd.s32 $0xFFFFFEF7, lr;
	s5 =	simm.s32 $0xFFFFFFFF;
	p2 =	slt.u32 s8, $0xFFFFF086  }
0x1c: {  	p1 =	slt.u32 s9, $0xF7A;
	s5 =	simm.s32 @!p2 $0x0  }
0x1d: {  	s5 =	simm.s32 @p1 $0x1;
	p0 =	seq.s32 s7, s2  }
0x1e: {  	s7 =	smul.u32 @!p0 $0xF7A, s2;
	p2 =	seq.s32 @!p0 s5, $0x0  }
0x1f: {  	s9 =	smul.u32 $0xF7A, s1;
	s8 =	simm.s32 @!p0 $0x1BF5;
	p2 =	por !p2, p0  }
0x20: {  	[sflag:s8] =	ssyncset.s32 @!p0 $0xFFFFF086;
	s6 =	sadd.s32 @!p0 s3, s7;
	s7 =	simm.s32 @!p0 $0x108  }
0x21: {  	s3 =	sadd.s32 s3, s9;
	s6 =	sadd.s32 @!p0 $0x88, s6;
	s7 =	simm.s32 @p2 $0x1082  }
0x22: {  	[simem:s7], [sflag:s8] =	dma.local @!p0 [hbm:s6], $0xF7A  }
0x23: {  	s9 =	sor.u32 $0xD0000000, s2;
	s6 =	simm.s32 $0x108;
	_ =	swait.ge @!p0 [sflag:s8], $0x0  }
0x24: {  	s3 =	sadd.s32 $0x88, s3;
	s6 =	simm.s32 @!p1 $0x1082;
	[sflag:s4] =	ssyncset.s32 $0xFFFFF086  }
0x25: {  	[simem:s6], [sflag:s4] =	dma.local [hbm:s3], $0xF7A  }
0x26: {  	[smem:$0x3F9E] =	sst s1;
	(tag) =	ssettag s2;
	_ =	strace s9  }
0x27: {  	s1 =	sld [smem:$0x3FAE]  }
0x28: {  	s2 =	sld [smem:$0x3FAF]  }
0x29: {  	s4 =	sld [smem:$0x3FB1]  }
0x2a: {  	p0 =	seq.s32 s5, $0x0;
	s5 =	sld [smem:$0x3FB2]  }
0x2b: {  	s6 =	sld [smem:$0x3FB3]  }
0x2c: {  	s7 =	sld [smem:$0x3FB4]  }
0x2d: {  	s3 =	simm.s32 $0x108;
	s8 =	sld [smem:$0x3FB5]  }
0x2e: {  	s3 =	simm.s32 @!p0 $0x1082;
	s9 =	sld [smem:$0x3FB6]  }
0x2f: {  	lr =	sadd.s32 s0, s3;
	s0 =	sld [smem:$0x3FAD]  }
0x30: {  	s3 =	sld [smem:$0x3FB0]  }
0x31: {  	[smem:$0x3FB9] =	sst s10  }
0x32: {  	s10 =	sld [smem:$0x3FB7];
	_ =	sdelay $0x3  }
0x33: {  	p0 =	seq.s32 s10, $0x1;
	s10 =	sld [smem:$0x3FB9];
	_ =	sdelay $0x3  }
0x34: {  	[smem:$0x3FB9] =	sst s10  }
0x35: {  	s10 =	sld [smem:$0x3FB8];
	_ =	sdelay $0x3  }
0x36: {  	p1 =	seq.s32 s10, $0x1;
	s10 =	sld [smem:$0x3FB9];
	_ =	sdelay $0x3  }
0x37: {  	[smem:$0x3FB9] =	sst s10  }
0x38: {  	s10 =	sld [smem:$0x3FBA]  }
0x39: {  	_ = 	snop;
	(pc) =	sbr.ind lr, $3  }
0x3a: {  	_ = 	snop  }
0x3b: {  	_ = 	snop  }
0x3c: {  	p2 =	seq.s32 s10, $0x1;
	s10 =	sld [smem:$0x3FB9]  }
0x3d: {  	_ =	shalt  }
0x3e: {  	_ =	shalt  }
0x3f: {  	_ =	shalt  }
0x40: {  	_ =	shalt  }
0x41: {  	_ =	shalt  }
0x42: {  	_ =	shalt  }
0x43: {  	_ =	shalt  }
0x44: {  	_ =	shalt  }
0x45: {  	_ =	shalt  }
0x46: {  	_ =	shalt  }
0x47: {  	_ =	shalt  }
0x48: {  	_ =	shalt  }
0x49: {  	_ =	shalt  }
0x4a: {  	_ =	shalt  }
0x4b: {  	_ =	shalt  }
0x4c: {  	_ =	shalt  }
0x4d: {  	_ =	shalt  }
0x4e: {  	_ =	shalt  }
0x4f: {  	_ =	shalt  }
0x50: {  	_ =	shalt  }
0x51: {  	_ =	shalt  }
0x52: {  	_ =	shalt  }
0x53: {  	_ =	shalt  }
0x54: {  	_ =	shalt  }
0x55: {  	_ =	shalt  }
0x56: {  	_ =	shalt  }
0x57: {  	_ =	shalt  }
0x58: {  	_ =	shalt  }
0x59: {  	_ =	shalt  }
0x5a: {  	_ =	shalt  }
0x5b: {  	_ =	shalt  }
0x5c: {  	_ =	shalt  }
0x5d: {  	_ =	shalt  }
0x5e: {  	_ =	shalt  }
0x5f: {  	_ =	shalt  }
0x60: {  	_ =	shalt  }
0x61: {  	_ =	shalt  }
0x62: {  	_ =	shalt  }
0x63: {  	_ =	shalt  }
0x64: {  	_ =	shalt  }
0x65: {  	_ =	shalt  }
0x66: {  	_ =	shalt  }
0x67: {  	_ =	shalt  }
0x68: {  	_ =	shalt  }
0x69: {  	_ =	shalt  }
0x6a: {  	_ =	shalt  }
0x6b: {  	_ =	shalt  }
0x6c: {  	_ =	shalt  }
0x6d: {  	_ =	shalt  }
0x6e: {  	_ =	shalt  }
0x6f: {  	_ =	shalt  }
0x70: {  	_ =	shalt  }
0x71: {  	_ =	shalt  }
0x72: {  	_ =	shalt  }
0x73: {  	_ =	shalt  }
0x74: {  	_ =	shalt  }
0x75: {  	_ =	shalt  }
0x76: {  	_ =	shalt  }
0x77: {  	_ =	shalt  }
0x78: {  	_ =	shalt  }
0x79: {  	_ =	shalt  }
0x7a: {  	_ =	shalt  }
0x7b: {  	_ =	shalt  }
0x7c: {  	_ =	shalt  }
0x7d: {  	_ =	shalt  }
0x7e: {  	_ =	shalt  }
0x7f: {  	_ =	shalt  }
0x80: {  	_ =	shalt  }
0x81: {  	_ =	shalt  }
0x82: {  	_ =	shalt  }
0x83: {  	_ =	shalt  }
0x84: {  	_ =	shalt  }
0x85: {  	_ =	shalt  }
0x86: {  	_ =	shalt  }
0x87: {  	_ =	shalt  }
.Lfunc_end0:
.L_simem_size_0:
called_computation.1_lowered:
.L_overlay_start_0:
0x88: {  	s2 =	sld [smem:$0x3FD9]  }
0x89: {  	s3 =	sld [smem:$0x3FFE];
	_ =	sdelay $0x1  }
0x8a: {  	s1 =	srdreg.scid  }
0x8b: {  	s0 =	sand.u32 $0x1, s1  }
0x8c: {  	s17 =	sshll.u32 s0, $0xA;
	s2 =	sadd.s32 s3, s2  }
0x8d: {  	s2 =	sadd.s32 s2, s17  }
0x8e: {  	[smem:$0x3FC5] =	sst s2  }
0x8f: {  	_ = 	snop  }
0x90: {  	s18 =	sld [smem:$0x3FC8];
	(tm) =	ssettm $0x1  }
0x91: {  	s19 =	sld [smem:$0x3FFB];
	_ =	sdelay $0x3  }
0x92: {  	_ =	strace s19  }
0x93: {  	s2 =	sld [smem:$0x3FFC];
	_ =	sdelay $0x3  }
0x94: {  	_ =	strace s2  }
0x95: {  	s2 =	sld [smem:$0x3FFD];
	_ =	sdelay $0x3  }
0x96: {  	_ =	strace s2  }
0x97: {  	_ =	strace $0x8FFFFFFF  }
0x98: {  	s20 =	sld [smem:$0x3FDB];
	_ =	sdelay $0x1  }
0x99: {  	s4 =	simm.s32 $_scs_section_size  }
0x9a: {  	s5 =	simm.s32 $_size__tile_overlayer_lowered;
	s6 =	simm.s32 $_tile_overlayer_lowered  }
0x9b: {  	s7 =	simm.s32 $0x1BFF;
	s21 =	sshll.u32 s6, $0x1;
	s4 =	sadd.s32 s4, s20  }
0x9c: {  	s22 =	simm.s32 $0x0;
	s5 =	sshll.u32 s5, $0x1;
	s6 =	sadd.s32 s21, s4  }
0x9d: {  	[timem:s22], [sflag:s7] =	dma.local [hbm:s6], s5  }
0x9e: {  	_ =	swait.ge [sflag:s7], s5  }
0x9f: {  	s5 =	ssub.s32 $0x0, s5;
	[sflag:s7] =	ssyncset.done $0x0  }
0xa0: {  	[sflag:s7] =	ssyncadd.s32 s5;
	_ =	sdelay $0x1  }
0xa1: {  	s23 =	simm.s32 $0x1B8B  }
0xa2: {  	_ =	swait.ge [sflag:s23], $0x1  }
0xa3: {  	[sflag:s23] =	ssyncset.done $0x0  }
0xa4: {  	[sflag:s23] =	ssyncadd.s32 $0xFFFFFFFF  }
0xa5: {  	s5 =	sld [smem:$0x0]  }
0xa6: {  	s6 =	sand.u32 $0xFFFFFFFE, s1  }
0xa7: {  	p0 =	sne.s32 s1, s6  }
0xa8: {  	s6 =	sshll.u32 @p0 s6, $0xE  }
0xa9: {  	s6 =	sadd.s32 @p0 $0x11B8D, s6;
	s7 =	sshll.u32 @p0 s5, $0x11  }
0xaa: {  	s6 =	sor.u32 @p0 s7, s6  }
0xab: {  	[sflag:s6] =	ssyncadd.remote.s32 @p0 $0x1;
	_ =	sdelay $0x1  }
0xac: {  	s6 =	simm.s32 @p0 $0x1B8D  }
0xad: {  	_ =	swait.eq @p0 [sflag:s6], $0x1  }
0xae: {  	[sflag:s6] =	ssyncadd.s32 @p0 $0xFFFFFFFF  }
0xaf: {  	s7 =	sshll.u32 @!p0 s1, $0xE  }
0xb0: {  	s7 =	sor.u32 @!p0 $0x4000, s7;
	s6 =	simm.s32 @!p0 $0x1B8D  }
0xb1: {  	s5 =	sshll.u32 @!p0 s5, $0x11;
	s7 =	sadd.s32 @!p0 $0x11B8D, s7;
	_ =	swait.eq @!p0 [sflag:s6], $0x1  }
0xb2: {  	s5 =	sor.u32 @!p0 s5, s7;
	[sflag:s6] =	ssyncadd.s32 @!p0 $0xFFFFFFFF  }
0xb3: {  	s25 =	simm.s32 $0x1B8E;
	s24 =	sld [smem:$0x3FFE];
	[sflag:s5] =	ssyncadd.remote.s32 @!p0 $0x1  }
0xb4: {  	s26 =	simm.s32 $execute0_lowered;
	[smem:$0x3FD2] =	sst s25  }
0xb5: {  	s6 =	sshll.u32 s26, $0x1;
	_ =	strace $0x80000049;
	[dreg:$0x1] =	wrdreg $0xFFFFFFFF  }
0xb6: {  	s28 =	simm.s32 $_size_execute0_lowered;
	s4 =	sadd.s32 s4, s6;
	[dreg:$0x0] =	wrdreg $0x0  }
0xb7: {  	s6 =	sshll.u32 s28, $0x1;
	[dreg:$0x2] =	wrdreg s4  }
0xb8: {  	[dreg:$0x3] =	wrdreg s6  }
0xb9: {  	[dreg:$0x4] =	wrdreg $0xC0  }
0xba: {  	_ =	task [dreg:s22], $0x5FFFF  }
0xbb: {  	[dreg:$0x1] =	wrdreg $0xFFFFFFFF  }
0xbc: {  	[dreg:$0x0] =	wrdreg $0x60  }
0xbd: {  	[dreg:$0x2] =	wrdreg s24  }
0xbe: {  	[dreg:$0x3] =	wrdreg s18  }
0xbf: {  	[dreg:$0x4] =	wrdreg $0xA  }
0xc0: {  	_ =	task.clear_ibuf [dreg:s22], $0x5FFFF;
	_ =	strace $0x90000049  }
0xc1: {  	s29 =	simm.s32 $0xA;
	_ =	strace $0x8000004B  }
0xc2: {  	_ =	swait.ge [sflag:s29], $0x1  }
0xc3: {  	[sflag:s29] =	ssyncadd.s32 $0xFFFFFFFF  }
0xc4: {  	_ =	strace $0x9000004B  }
0xc5: {  	_ =	sfence  }
0xc6: {  	s30 =	sld [smem:$0x0];
	_ =	sdelay $0x2  }
0xc7: {  	s31 =	sshll.u32 s1, $0xD;
	s1 =	sshrl.u32 s1, $0x2  }
0xc8: {  	s4 =	sand.u32 $0x4000, s31;
	s1 =	sadd.s32 s1, s30  }
0xc9: {  	s0 =	sor.u32 s4, s0;
	s1 =	sshll.u32 s1, $0x11  }
0xca: {  	s0 =	sor.u32 s1, s0  }
0xcb: {  	s0 =	sadd.s32 $0x8F2B, s0  }
0xcc: {  	[sflag:s0] =	ssyncadd.remote.s32 $0x1  }
0xcd: {  	_ =	sfence.sel $0xFFFF  }
0xce: {  	[dreg:$0x0] =	wrdreg $0xFFFFFFFF;
	(pc) =	sbr.abs _section_cstart, $3  }
0xcf: {  	[dreg:$0x1] =	wrdreg $0xFFFFFFFF  }
0xd0: {  	_ =	task.clear_ibuf [dreg:s22], $0x2FFFF;
	_ =	strace $0x9FFFFFFF  }
0xd1: {  	(tm) =	ssettm $0x7FFFFFFF  }
tec
execute0_lowered:
.L_overlay_start_1:
0x0: {  	(tag) =	ssettag $0x1  }
0x1: {  	s1 =	srdreg.scid;
	s2 =	stileid.u32  }
0x2: {  	s1 =	sand.u32 $0x1, s1;
	s2 =	sshll.u32 s2, $0x1  }
0x3: {  	s2 =	sor.u32 s1, s2  }
0x4: {  	s0 =	rddreg [dreg:$0x0];
	s3 =	simm.s32 $0x0;
	s21 =	smul.u32 $0x160, s2  }
0x5: {  	s20 =	simm.s32 $0x180;
	[smem:$0x7FF] =	sst s3;
	s8 =	smul.u32 $0xB000, s2  }
0x6: {  	s4 =	sadd.s32 $0xE00, s0;
	s0 =	sadd.s32 $0x1600, s0;
	s2 =	smul.u32 $0x1600, s2  }
0x7: {  	_ =	strace $0x8000004A;
	[dreg:$0x10] =	wrdreg s20;
	s22 =	sadd.s32 $0x1400, s21  }
0x8: {  	s7 =	sadd.s32 $0x13F8, s21;
	s23 =	sshrl.u32 s8, $0x3;
	s2 =	sadd.s32 s0, s2  }
0x9: {  	s24 =	sadd.s32 $0x1420, s21;
	s26 =	sadd.s32 $0x1440, s21;
	s29 =	sadd.s32 $0x1460, s21  }
0xa: {  	s31 =	sadd.s32 $0x1480, s21;
	s9 =	sadd.s32 $0x14A0, s21;
	s10 =	sadd.s32 $0x14C0, s21  }
0xb: {  	s11 =	sadd.s32 $0x14E0, s21;
	s12 =	sadd.s32 $0x1500, s21;
	s18 =	sadd.s32 $0x1520, s21  }
0xc: {  	v1 =	vlaneseq.u32;
	s3 =	sadd.s32 $0x1540, s21;
	s21 =	simm.s32 $0x200;
	[dreg:$0x5] =	wrdreg s2  }
0xd: {  	v56 =	vimm.s32 $0x0;
	v57 =	vimm.s32 $0x0;
	s6 =	sshrl.u32 s22, $0x3;
	v0 =	vor.u32 s22, v1;
	[dreg:$0x11] =	wrdreg s21;
	s22 =	simm.s32 $0x280  }
0xe: {  	v58 =	vimm.s32 $0x0;
	v59 =	vimm.s32 $0x0;
	v60 =	vimm.s32 $0x0;
	s0 =	sadd.s32 s0, s23;
	s23 =	simm.s32 $0x300;
	[dreg:$0x12] =	wrdreg s22  }
0xf: {  	v61 =	vimm.s32 $0x0;
	v62 =	vimm.s32 $0x0;
	v2 =	vor.u32 s24, v1;
	s24 =	simm.s32 $0x380;
	[dreg:$0x13] =	wrdreg s23  }
0x10: {  	v63 =	vimm.s32 $0x0;
	v3 =	vor.u32 s26, v1;
	v4 =	vor.u32 s29, v1;
	s26 =	simm.s32 $0x480;
	[dreg:$0x14] =	wrdreg s24  }
0x11: {  	v5 =	vor.u32 s31, v1;
	v6 =	vor.u32 s9, v1;
	v7 =	vor.u32 s10, v1;
	s29 =	simm.s32 $0x580;
	[dreg:$0x16] =	wrdreg s26  }
0x12: {  	v8 =	vor.u32 s11, v1;
	v9 =	vor.u32 s3, v1;
	v10 =	vor.u32 s12, v1;
	s31 =	simm.s32 $0x680;
	[dreg:$0x18] =	wrdreg s29  }
0x13: {  	s7 =	sshrl.u32 s7, $0x3;
	v11 =	vor.u32 s18, v1;
	s6 =	sadd.s32 s4, s6;
	v0 =	vand.u32 $0xFEF, v0;
	v2 =	vand.u32 $0xFEF, v2;
	[dreg:$0x1a] =	wrdreg s31  }
0x14: {  	s4 =	sadd.s32 s4, s7;
	v3 =	vand.u32 $0xFEF, v3;
	v4 =	vand.u32 $0xFEF, v4;
	v9 =	vand.u32 $0xFEF, v9;
	[dreg:$0x3] =	wrdreg s6  }
0x15: {  	s25 =	sadd.s32 $0x200, s0;
	v5 =	vand.u32 $0xFEF, v5;
	v8 =	vand.u32 $0xFEF, v8;
	[dreg:$0x4] =	wrdreg s4;
	vm0 =	veq.s32 v9, $0x0  }
0x16: {  	s28 =	sadd.s32 $0x400, s0;
	v7 =	vand.u32 $0xFEF, v7;
	[dreg:$0x6] =	wrdreg s25;
	vm11 =	veq.s32 v8, $0x0;
	v9 =	vsel vm0, $0xFFFFFFFF, v56  }
0x17: {  	s30 =	sadd.s32 $0x600, s0;
	v6 =	vand.u32 $0xFEF, v6;
	[dreg:$0x7] =	wrdreg s28;
	vm4 =	veq.s32 v7, $0x0;
	v8 =	vsel vm11, $0xFFFFFFFF, v59;
	[tilespmem:$0x1FF40] =	vst v9  }
0x18: {  	s13 =	sadd.s32 $0x800, s0;
	v10 =	vand.u32 $0xFEF, v10;
	[dreg:$0x8] =	wrdreg s30;
	vm5 =	veq.s32 v6, $0x0;
	v7 =	vsel vm4, $0xFFFFFFFF, v60;
	[tilespmem:$0x1FF70] =	vst v8  }
0x19: {  	s14 =	sadd.s32 $0xA00, s0;
	v11 =	vand.u32 $0xFEF, v11;
	[dreg:$0x9] =	wrdreg s13;
	vm6 =	veq.s32 v5, $0x0;
	v6 =	vsel vm5, $0xFFFFFFFF, v61;
	[tilespmem:$0x1FF80] =	vst v7  }
0x1a: {  	s15 =	sadd.s32 $0xC00, s0;
	[dreg:$0xa] =	wrdreg s14;
	vm9 =	veq.s32 v11, $0x0;
	vm7 =	veq.s32 v4, $0x0;
	v5 =	vsel vm6, $0xFFFFFFFF, v62;
	[tilespmem:$0x1FF90] =	vst v6  }
0x1b: {  	s16 =	sadd.s32 $0xE00, s0;
	[dreg:$0xb] =	wrdreg s15;
	vm8 =	veq.s32 v3, $0x0;
	v3 =	vimm.s32 $0x0;
	v4 =	vsel vm7, $0xFFFFFFFF, v63;
	[tilespmem:$0x1FFA0] =	vst v5  }
0x1c: {  	s17 =	sadd.s32 $0x1000, s0;
	[dreg:$0xc] =	wrdreg s16;
	vm10 =	veq.s32 v10, $0x0;
	v3 =	vsel vm8, $0xFFFFFFFF, v3;
	v9 =	vsel vm9, $0xFFFFFFFF, v57;
	[tilespmem:$0x1FFB0] =	vst v4  }
0x1d: {  	s19 =	sadd.s32 $0x1200, s0;
	[dreg:$0xd] =	wrdreg s17;
	vm9 =	veq.s32 v2, $0x0;
	v2 =	vimm.s32 $0x0;
	[tilespmem:$0x1FF50] =	vst v9;
	v9 =	vsel vm10, $0xFFFFFFFF, v58  }
0x1e: {  	s0 =	sadd.s32 $0x1400, s0;
	[dreg:$0xe] =	wrdreg s19;
	[tilespmem:$0x1FFC0] =	vst v3;
	v2 =	vsel vm9, $0xFFFFFFFF, v2;
	vm10 =	veq.s32 v0, $0x0;
	v0 =	vimm.s32 $0x0  }
0x1f: {  	s1 =	ssub.s32 $0x2, s1;
	[dreg:$0xf] =	wrdreg s0;
	s25 =	simm.s32 $0x400;
	v3 =	vimm.s32 $0xECA86420;
	[tilespmem:$0x1FFD0] =	vst v2;
	v0 =	vsel vm10, $0xFFFFFFFF, v0  }
0x20: {  	s5 =	sshrl.u32 s1, $0x1;
	s28 =	simm.s32 $0x500;
	[dreg:$0x15] =	wrdreg s25;
	vm11 =	vmmov $0xff;
	v2 =	vimm.s32 $0x0;
	[tilespmem:$0x1FFE0] =	vst v0;
	v0 =	vunpack.c.l.s4.s8 v3  }
0x21: {  	vm12 =	vcmask $0xB08;
	vm13 =	vcmask $0x1310;
	s1 =	ssub.s32 s1, s5;
	s30 =	simm.s32 $0x600;
	[dreg:$0x17] =	wrdreg s28;
	[tilespmem:$0x1FF60] =	vst v9;
	v2 =	vsel vm11, $0xFFFFFFFF, v2  }
0x22: {  	vm15 =	vcmask $0x1B18;
	s1 =	smax.u32 s1, $0x1;
	v1 =	vmul.u32 $0x2, v1;
	[dreg:$0x19] =	wrdreg s30;
	[tilespmem:$0x1FFF0] =	vst v2;
	v0 =	vunpack.c.0.s8.s32 v0  }
.LBB2_1:
0x23: {  	[dreg:$0x1b] =	wrdreg s1  }
0x24: {  	s0 =	rddreg [dreg:$0x3];
	s2 =	simm.s32 $0x0;
	s3 =	simm.s32 $0x8  }
0x25: {  	[tilespmem:s3], [sflag:$0x1] =	stream.linear.gather [hbm4b:s0+s2], $0x160, $0x38;
	[tilespmem:$0xB700] =	vst v63  }
0x26: {  	s8 =	rddreg [dreg:$0x4];
	s9 =	simm.s32 $0x1  }
0x27: {  	[tilespmem:s2], [sflag:$0xC] =	stream.linear.gather [hbm4b:s8+s2], $0x8, $0x38;
	[tilespmem:$0xB700] =	vst v63  }
0x28: {  	_ =	swait.ge [sflag:s9], $0x160  }
0x29: {  	[sflag:s9] =	ssyncset.done $0x0  }
0x2a: {  	s10 =	simm.s32 $0xC;
	[sflag:s9] =	ssyncadd.s32 $0xFFFFFEA0  }
0x2b: {  	_ =	swait.ge [sflag:s10], $0x8  }
0x2c: {  	[sflag:s10] =	ssyncset.done $0x0  }
0x2d: {  	[sflag:s10] =	ssyncadd.s32 $0xFFFFFFF8  }
0x2e: {  	v2 =	vld [tilespmem:$0x7]  }
0x2f: {  	v4 =	vld [tilespmem:$0x1FFE0];
	_ =	sdelay $0x1  }
0x30: {  	v3 =	vld [tilespmem:$0x8];
	_ =	sdelay $0x1  }
0x31: {  	v2 =	vmul.u32 $0xF4243, v2  }
0x32: {  	vm4 =	vnez.u8 v4  }
0x33: {  	v2 =	vsel vm4, $0x0, v2  }
0x34: {  	v2 =	vadd.s32 v3, v2  }
0x35: {  	(v2sf) =	vpush v2, $0xD;
	_ =	sdelay $0x1  }
0x36: {  	(v2sf) =	vpush v2, $0xC;
	_ =	sdelay $0x1  }
0x37: {  	(v2sf) =	vpush v2, $0xE;
	_ =	sdelay $0x1  }
0x38: {  	(v2sf) =	vpush v2, $0xF;
	_ =	sdelay $0x1  }
0x39: {  	(v2sf) =	vpush v2, $0x9;
	_ =	sdelay $0x1  }
0x3a: {  	(v2sf) =	vpush v2, $0x8;
	_ =	sdelay $0x1  }
0x3b: {  	(v2sf) =	vpush v2, $0xA;
	_ =	sdelay $0x1  }
0x3c: {  	(v2sf) =	vpush v2, $0xB  }
0x3d: {  	s11 =	spop (v2sf)  }
0x3e: {  	(v2sf) =	vpush v2, $0x0;
	s0 =	smulhi.u32 $0x14F8B589, s11;
	s1 =	sshra.s32 s11, $0x1F  }
0x3f: {  	s12 =	spop (v2sf);
	s19 =	smul.u32 $0x14F8B589, s1  }
0x40: {  	(v2sf) =	vpush v2, $0x1;
	s1 =	smulhi.u32 $0x14F8B589, s12;
	s2 =	sshra.s32 s12, $0x1F  }
0x41: {  	s13 =	spop (v2sf);
	s22 =	smul.u32 $0x14F8B589, s2  }
0x42: {  	(v2sf) =	vpush v2, $0x2;
	s7 =	smulhi.u32 $0x14F8B589, s13;
	s2 =	sshra.s32 s13, $0x1F  }
0x43: {  	s14 =	spop (v2sf);
	(v2sf) =	vpush v2, $0x3;
	s5 =	smul.u32 $0x14F8B589, s2  }
0x44: {  	s8 =	smulhi.u32 $0x14F8B589, s14;
	s2 =	sshra.s32 s14, $0x1F  }
0x45: {  	s15 =	spop (v2sf);
	(v2sf) =	vpush v2, $0x4;
	s10 =	smul.u32 $0x14F8B589, s2  }
0x46: {  	s9 =	smulhi.u32 $0x14F8B589, s15;
	s2 =	sshra.s32 s15, $0x1F  }
0x47: {  	v3 =	vld [tilespmem:$0x17];
	s16 =	spop (v2sf);
	(v2sf) =	vpush v2, $0x5;
	s3 =	smul.u32 $0x14F8B589, s2  }
0x48: {  	s11 =	smulhi.u32 $0x14F8B589, s16;
	s2 =	sshra.s32 s16, $0x1F  }
0x49: {  	v21 =	vld [tilespmem:$0x18];
	s17 =	spop (v2sf);
	s23 =	smul.u32 $0x14F8B589, s2  }
0x4a: {  	(v2sf) =	vpush v2, $0x6;
	s12 =	smulhi.u32 $0x14F8B589, s17;
	s2 =	sshra.s32 s17, $0x1F  }
0x4b: {  	s18 =	spop (v2sf);
	s24 =	smul.u32 $0x14F8B589, s2  }
0x4c: {  	v3 =	vmul.u32 $0xF4243, v3;
	(v2sf) =	vpush v2, $0x7;
	s4 =	smulhi.u32 $0x14F8B589, s18;
	s2 =	sshra.s32 s18, $0x1F  }
0x4d: {  	s29 =	smul.u32 $0x14F8B589, s2;
	s20 =	spop (v2sf)  }
0x4e: {  	v3 =	vadd.s32 v21, v3;
	[smem:$0x711] =	sst s4;
	s21 =	smulhi.u32 $0x14F8B589, s20;
	s2 =	sshra.s32 s20, $0x1F  }
0x4f: {  	s0 =	sadd.s32 s19, s0;
	(v2sf) =	vpush v3, $0xD;
	s25 =	spop (v2sf);
	s4 =	smul.u32 $0x14F8B589, s2  }
0x50: {  	[smem:$0x71F] =	sst s0;
	s6 =	smulhi.u32 $0x14F8B589, s25  }
0x51: {  	(v2sf) =	vpush v3, $0xC;
	s26 =	spop (v2sf);
	[smem:$0x712] =	sst s21  }
0x52: {  	s2 =	sshra.s32 s25, $0x1F;
	s13 =	smulhi.u32 $0x14F8B589, s26;
	s28 =	spop (v2sf)  }
0x53: {  	(v2sf) =	vpush v3, $0xE;
	[smem:$0x713] =	sst s6;
	s6 =	smul.u32 $0x14F8B589, s2  }
0x54: {  	s2 =	sshra.s32 s26, $0x1F;
	s30 =	smulhi.u32 $0x14F8B589, s28;
	s31 =	spop (v2sf)  }
0x55: {  	[smem:$0x714] =	sst s13;
	s26 =	smul.u32 $0x14F8B589, s2  }
0x56: {  	(v2sf) =	vpush v3, $0xF;
	s2 =	sshra.s32 s28, $0x1F;
	s14 =	smulhi.u32 $0x14F8B589, s31;
	s15 =	spop (v2sf)  }
0x57: {  	s13 =	sadd.s32 s3, s9;
	s9 =	sld [smem:$0x713];
	s21 =	smul.u32 $0x14F8B589, s2  }
0x58: {  	(v2sf) =	vpush v3, $0x9;
	[smem:$0x715] =	sst s30;
	s2 =	sshra.s32 s31, $0x1F;
	s16 =	smulhi.u32 $0x14F8B589, s15  }
0x59: {  	s17 =	spop (v2sf);
	s20 =	smul.u32 $0x14F8B589, s2  }
0x5a: {  	(v2sf) =	vpush v3, $0x8;
	[smem:$0x716] =	sst s14;
	s2 =	sshra.s32 s15, $0x1F;
	s25 =	smulhi.u32 $0x14F8B589, s17  }
0x5b: {  	s28 =	spop (v2sf);
	s18 =	smul.u32 $0x14F8B589, s2  }
0x5c: {  	(v2sf) =	vpush v3, $0xA;
	[smem:$0x717] =	sst s16;
	s2 =	sshra.s32 s17, $0x1F;
	s30 =	smulhi.u32 $0x14F8B589, s28  }
0x5d: {  	[smem:$0x718] =	sst s25;
	s17 =	smul.u32 $0x14F8B589, s2;
	s2 =	sshra.s32 s28, $0x1F  }
0x5e: {  	s16 =	smul.u32 $0x14F8B589, s2;
	s31 =	spop (v2sf)  }
0x5f: {  	[smem:$0x719] =	sst s30;
	s14 =	smulhi.u32 $0x14F8B589, s31;
	s2 =	sshra.s32 s31, $0x1F  }
0x60: {  	(v2sf) =	vpush v3, $0xB;
	s19 =	spop (v2sf);
	s15 =	smul.u32 $0x14F8B589, s2  }
0x61: {  	s28 =	sadd.s32 s22, s1;
	s22 =	smulhi.u32 $0x14F8B589, s19;
	[smem:$0x71A] =	sst s14  }
0x62: {  	s2 =	sshra.s32 s19, $0x1F;
	s30 =	spop (v2sf);
	[smem:$0x71B] =	sst s15  }
0x63: {  	s25 =	smul.u32 $0x14F8B589, s2;
	[smem:$0x71C] =	sst s22  }
0x64: {  	(v2sf) =	vpush v3, $0x0;
	s31 =	smulhi.u32 $0x14F8B589, s30;
	s22 =	sadd.s32 s5, s7;
	s5 =	sld [smem:$0x711]  }
0x65: {  	s0 =	sshra.s32 s30, $0x1F;
	s2 =	spop (v2sf);
	s7 =	sld [smem:$0x712]  }
0x66: {  	s15 =	sadd.s32 s10, s8;
	s30 =	smulhi.u32 $0x14F8B589, s2;
	s10 =	sld [smem:$0x714]  }
0x67: {  	s23 =	sadd.s32 s23, s11;
	s3 =	spop (v2sf);
	[smem:$0x71D] =	sst s25  }
0x68: {  	s24 =	sadd.s32 s24, s12;
	[smem:$0x71E] =	sst s31;
	s25 =	smul.u32 $0x14F8B589, s0  }
0x69: {  	s0 =	sshra.s32 s2, $0x1F;
	s19 =	smulhi.u32 $0x14F8B589, s3;
	s8 =	spop (v2sf)  }
0x6a: {  	s2 =	sld [smem:$0x715];
	s14 =	smul.u32 $0x14F8B589, s0;
	s0 =	sshra.s32 s3, $0x1F  }
0x6b: {  	s6 =	sadd.s32 s6, s9;
	s31 =	spop (v2sf);
	s12 =	smul.u32 $0x14F8B589, s0  }
0x6c: {  	s0 =	sshra.s32 s8, $0x1F;
	s26 =	sadd.s32 s26, s10;
	s10 =	smulhi.u32 $0x14F8B589, s31  }
0x6d: {  	s9 =	smul.u32 $0x14F8B589, s0;
	s0 =	sshra.s32 s31, $0x1F;
	s31 =	sld [smem:$0x718]  }
0x6e: {  	(v2sf) =	vpush v3, $0x1;
	s11 =	smulhi.u32 $0x14F8B589, s8;
	s4 =	sadd.s32 s4, s7;
	s7 =	sld [smem:$0x717]  }
0x6f: {  	s3 =	sld [smem:$0x716];
	s29 =	sadd.s32 s29, s5;
	s5 =	spop (v2sf)  }
0x70: {  	(v2sf) =	vpush v3, $0x2;
	s8 =	smul.u32 $0x14F8B589, s0;
	s17 =	sadd.s32 s17, s31;
	s31 =	sld [smem:$0x719]  }
0x71: {  	s0 =	sshra.s32 s5, $0x1F;
	s18 =	sadd.s32 s18, s7;
	s7 =	smulhi.u32 $0x14F8B589, s5  }
0x72: {  	s21 =	sadd.s32 s21, s2;
	s20 =	sadd.s32 s20, s3;
	s5 =	smul.u32 $0x14F8B589, s0  }
0x73: {  	s16 =	sadd.s32 s16, s31;
	s31 =	sld [smem:$0x71B];
	s2 =	spop (v2sf)  }
0x74: {  	s3 =	smulhi.u32 $0x14F8B589, s2;
	s0 =	sshra.s32 s2, $0x1F;
	s2 =	sld [smem:$0x71A]  }
0x75: {  	s12 =	sadd.s32 s12, s19  }
0x76: {  	[smem:$0x723] =	sst s12  }
0x77: {  	s1 =	sadd.s32 s31, s2;
	s31 =	sld [smem:$0x71D]  }
0x78: {  	[smem:$0x720] =	sst s1  }
0x79: {  	s9 =	sadd.s32 s9, s11;
	s1 =	sld [smem:$0x71C]  }
0x7a: {  	[smem:$0x724] =	sst s9;
	s19 =	sadd.s32 s8, s10  }
0x7b: {  	s14 =	sadd.s32 s14, s30;
	[smem:$0x725] =	sst s19  }
0x7c: {  	s12 =	sshrl.u32 s28, $0x1F;
	s1 =	sadd.s32 s31, s1;
	s31 =	sld [smem:$0x71E]  }
0x7d: {  	s10 =	sshra.s32 s28, $0xD;
	s2 =	smul.u32 $0x14F8B589, s0;
	s0 =	spop (v2sf)  }
0x7e: {  	s28 =	sshra.s32 s13, $0xD;
	[smem:$0x721] =	sst s1;
	s1 =	smulhi.u32 $0x14F8B589, s0  }
0x7f: {  	s0 =	sshra.s32 s0, $0x1F;
	s25 =	sadd.s32 s25, s31;
	s31 =	spop (v2sf)  }
0x80: {  	(v2sf) =	vpush v3, $0x3;
	v5 =	vmov s12;
	s12 =	sshra.s32 s26, $0xD;
	[smem:$0x722] =	sst s25;
	s25 =	smul.u32 $0x14F8B589, s0  }
0x81: {  	(v2sf) =	vpush v3, $0x4;
	s19 =	sshra.s32 s15, $0xD;
	s30 =	smulhi.u32 $0x14F8B589, s31;
	s0 =	sshra.s32 s31, $0x1F  }
0x82: {  	(v2sf) =	vpush v3, $0x5;
	s31 =	sadd.s32 s5, s7;
	s7 =	sadd.s32 s2, s3;
	s3 =	sld [smem:$0x71F]  }
0x83: {  	(v2sf) =	vpush v3, $0x6;
	s5 =	sshra.s32 s16, $0x1F;
	s11 =	smul.u32 $0x14F8B589, s0;
	[smem:$0x726] =	sst s31  }
0x84: {  	(v2sf) =	vpush v3, $0x7;
	s31 =	sshrl.u32 s24, $0x1F;
	s24 =	sshra.s32 s24, $0xD;
	s0 =	sshra.s32 s4, $0xD  }
0x85: {  	s9 =	sadd.s32 s25, s1;
	s1 =	sshrl.u32 s29, $0x1F;
	s8 =	sadd.s32 s11, s30  }
0x86: {  	s2 =	sshrl.u32 s3, $0x1F;
	s11 =	sshra.s32 s3, $0xD;
	s30 =	sshrl.u32 s15, $0x1F  }
0x87: {  	vm11 =	vcmask $0x300;
	vm7 =	vcmask $0x704;
	v22 =	vmov s5;
	s15 =	sshrl.u32 s13, $0x1F;
	s13 =	sshrl.u32 s23, $0x1F;
	s3 =	sshra.s32 s23, $0xD  }
0x88: {  	vm6 =	vcmask $0x1714;
	vm4 =	vcmask $0xF0C;
	v4 =	vsel vm11, s0, v22;
	s23 =	sshra.s32 s29, $0xD;
	s29 =	sshrl.u32 s4, $0x1F;
	s4 =	sshra.s32 s4, $0x1F  }
0x89: {  	v8 =	vmov s10;
	s5 =	sshrl.u32 s6, $0x1F;
	s25 =	sshrl.u32 s22, $0x1F;
	s22 =	sshra.s32 s22, $0xD;
	v6 =	vmov s29;
	v4 =	vsel vm7, s4, v4  }
0x8a: {  	s0 =	sshra.s32 s6, $0xD;
	s4 =	sshra.s32 s6, $0x1F;
	s6 =	sshrl.u32 s26, $0x1F;
	v5 =	vsel vm12, s2, v5;
	v7 =	vmov s13;
	v8 =	vsel vm12, s11, v8  }
0x8b: {  	s29 =	sshrl.u32 s21, $0x1F;
	s13 =	sshra.s32 s18, $0x1F;
	v9 =	vmov s3;
	v4 =	vsel vm12, s0, v4;
	v6 =	vnsel vm11, $0x0, v6;
	s0 =	sshra.s32 s26, $0x1F  }
0x8c: {  	s26 =	sshra.s32 s21, $0xD;
	v5 =	vsel vm13, s25, v5;
	s25 =	sshrl.u32 s20, $0x1F;
	v7 =	vsel vm12, s15, v7;
	v9 =	vsel vm12, s28, v9;
	s28 =	sld [smem:$0x723]  }
0x8d: {  	v8 =	vsel vm13, s22, v8;
	s22 =	sld [smem:$0x726];
	v6 =	vsel vm12, s5, v6;
	v4 =	vsel vm4, s4, v4;
	s5 =	sshra.s32 s21, $0x1F;
	s21 =	sshra.s32 s20, $0xD  }
0x8e: {  	v5 =	vsel vm15, s30, v5;
	s30 =	sshrl.u32 s17, $0x1F;
	v7 =	vsel vm13, s31, v7;
	s31 =	sshrl.u32 s16, $0x1F;
	v9 =	vsel vm13, s24, v9;
	s24 =	sld [smem:$0x725]  }
0x8f: {  	vm3 =	vcmask $0x2320;
	v6 =	vsel vm13, s6, v6;
	v4 =	vsel vm13, s12, v4;
	s6 =	sshra.s32 s20, $0x1F;
	s12 =	sshrl.u32 s18, $0x1F;
	s20 =	spop (v2sf)  }
0x90: {  	vm1 =	vcmask $0x2B28;
	v7 =	vsel vm15, s1, v7;
	s1 =	sshra.s32 s16, $0xD;
	v6 =	vsel vm15, s29, v6;
	s29 =	sshra.s32 s18, $0xD;
	s18 =	spop (v2sf)  }
0x91: {  	vm8 =	vcmask $0x1F1C;
	v9 =	vsel vm15, s23, v9;
	s23 =	sshra.s32 s7, $0xD;
	v4 =	vsel vm6, s0, v4;
	s15 =	smulhi.u32 $0x14F8B589, s20;
	s4 =	spop (v2sf)  }
0x92: {  	vm2 =	vcmask $0x3330;
	v27 =	vld [tilespmem:$0x1FFF0];
	s20 =	sshra.s32 s20, $0x1F;
	v6 =	vsel vm3, s25, v6;
	v4 =	vsel vm15, s26, v4;
	s26 =	sld [smem:$0x720];
	s2 =	spop (v2sf)  }
0x93: {  	vm0 =	vcmask $0x3B38;
	s25 =	sshra.s32 s17, $0xD;
	v6 =	vsel vm1, s12, v6;
	v4 =	vsel vm8, s5, v4;
	s5 =	sshra.s32 s17, $0x1F;
	s17 =	spop (v2sf)  }
0x94: {  	vm9 =	vcmask $0x2724;
	s0 =	sshrl.u32 s22, $0x1F;
	v6 =	vsel vm2, s30, v6;
	v4 =	vsel vm3, s21, v4;
	s21 =	sld [smem:$0x722];
	s10 =	smulhi.u32 $0x14F8B589, s17  }
0x95: {  	v8 =	vsel vm15, s19, v8;
	v6 =	vsel vm0, s31, v6;
	v4 =	vsel vm9, s6, v4;
	s31 =	sshra.s32 s17, $0x1F;
	s3 =	sshrl.u32 s26, $0x1F;
	s6 =	smul.u32 $0x14F8B589, s20  }
0x96: {  	vm10 =	vcmask $0x2F2C;
	v5 =	vcombine.low v7, v5;
	v23 =	vcombine.low v9, v8;
	s17 =	sshrl.u32 s28, $0x1F;
	s20 =	sshrl.u32 s24, $0x1F;
	s16 =	smul.u32 $0x14F8B589, s31  }
0x97: {  	vm5 =	vcmask $0x3734;
	vm14 =	vnez.u8 v27;
	v4 =	vsel vm1, s29, v4;
	s29 =	sld [smem:$0x721];
	s31 =	sshrl.u32 s7, $0x1F;
	s7 =	sshra.s32 s7, $0x1F  }
0x98: {  	v5 =	vperm.xlane v5, v0;
	v7 =	vperm.xlane v23, v0;
	v4 =	vsel vm10, s13, v4;
	s12 =	sshrl.u32 s21, $0x1F;
	s13 =	sshrl.u32 s14, $0x1F;
	s16 =	sadd.s32 s16, s10  }
0x99: {  	v6 =	vperm.xlane v6, v1;
	s6 =	sadd.s32 s6, s15;
	v10 =	vmov s31;
	v4 =	vsel vm2, s25, v4;
	s25 =	sld [smem:$0x724];
	s10 =	sshra.s32 s16, $0x1F  }
0x9a: {  	v10 =	vnsel vm11, $0x0, v10;
	s30 =	sshrl.u32 s29, $0x1F;
	v4 =	vsel vm5, s5, v4;
	s5 =	smulhi.u32 $0x14F8B589, s4;
	s4 =	sshra.s32 s4, $0x1F;
	v25 =	vmov s10  }
0x9b: {  	s15 =	sshra.s32 s9, $0x1F;
	v4 =	vsel vm0, s1, v4;
	v24 =	vmov s30;
	s1 =	sshrl.u32 s9, $0x1F;
	s4 =	smul.u32 $0x14F8B589, s4;
	v9 =	vsel vm11, s23, v25  }
0x9c: {  	v5 =	vsel vm14, v6, v5;
	s30 =	sshra.s32 s9, $0xD;
	v8 =	vsel vm12, s3, v24;
	s3 =	smulhi.u32 $0x14F8B589, s18;
	s18 =	sshra.s32 s18, $0x1F;
	v9 =	vsel vm7, s7, v9  }
0x9d: {  	s31 =	sshrl.u32 s6, $0x1F;
	s19 =	sshrl.u32 s25, $0x1F;
	v4 =	vperm.xlane v4, v1;
	v10 =	vsel vm12, s1, v10;
	s11 =	smul.u32 $0x14F8B589, s18;
	v9 =	vsel vm12, s30, v9  }
0x9e: {  	s10 =	sshrl.u32 s8, $0x1F;
	s23 =	sshra.s32 s8, $0xD;
	v8 =	vsel vm13, s12, v8;
	s18 =	smulhi.u32 $0x14F8B589, s2;
	v11 =	vmov s19;
	v9 =	vsel vm4, s15, v9  }
0x9f: {  	s2 =	sshra.s32 s2, $0x1F;
	v10 =	vsel vm13, s10, v10;
	s4 =	sadd.s32 s4, s5;
	v8 =	vsel vm15, s13, v8;
	s30 =	sshra.s32 s8, $0x1F;
	v9 =	vsel vm13, s23, v9  }
0xa0: {  	s7 =	sshra.s32 s6, $0xD;
	s10 =	sshra.s32 s6, $0x1F;
	v11 =	vsel vm12, s17, v11;
	v10 =	vsel vm15, s31, v10;
	s13 =	sshra.s32 s29, $0xD;
	v9 =	vsel vm6, s30, v9  }
0xa1: {  	s2 =	smul.u32 $0x14F8B589, s2;
	s3 =	sadd.s32 s11, s3;
	v11 =	vsel vm13, s20, v11;
	s15 =	sshra.s32 s25, $0xD;
	v26 =	vmov s13;
	v9 =	vsel vm15, s7, v9  }
0xa2: {  	s19 =	sshra.s32 s28, $0xD;
	s31 =	sshrl.u32 s3, $0x1F;
	v11 =	vsel vm15, s0, v11;
	s12 =	sshra.s32 s3, $0xD;
	v12 =	vmov s15;
	v9 =	vsel vm8, s10, v9  }
0xa3: {  	s1 =	sadd.s32 s2, s18;
	s17 =	sshra.s32 s3, $0x1F;
	s18 =	sshra.s32 s26, $0xD;
	v10 =	vsel vm3, s31, v10;
	v8 =	vcombine.low v11, v8;
	v9 =	vsel vm3, s12, v9  }
0xa4: {  	s9 =	sshrl.u32 s4, $0x1F;
	s20 =	sshra.s32 s4, $0xD;
	s23 =	sshra.s32 s21, $0xD;
	v11 =	vsel vm12, s18, v26;
	v12 =	vsel vm12, s19, v12;
	v9 =	vsel vm9, s17, v9  }
0xa5: {  	s25 =	sshra.s32 s24, $0xD;
	s26 =	sshra.s32 s4, $0x1F;
	s11 =	sshrl.u32 s1, $0x1F;
	v10 =	vsel vm1, s9, v10;
	v11 =	vsel vm13, s23, v11;
	v9 =	vsel vm1, s20, v9  }
0xa6: {  	s28 =	sshra.s32 s14, $0xD;
	s29 =	sshra.s32 s22, $0xD;
	s30 =	sshra.s32 s1, $0xD;
	v12 =	vsel vm13, s25, v12;
	v10 =	vsel vm2, s11, v10;
	v9 =	vsel vm10, s26, v9  }
0xa7: {  	s31 =	sshrl.u32 s16, $0x1F;
	s2 =	sshra.s32 s1, $0x1F;
	v11 =	vsel vm15, s28, v11;
	v12 =	vsel vm15, s29, v12;
	v9 =	vsel vm2, s30, v9  }
0xa8: {  	s3 =	sshra.s32 s16, $0xD;
	v10 =	vsel vm0, s31, v10;
	v11 =	vcombine.low v12, v11;
	v9 =	vsel vm5, s2, v9  }
0xa9: {  	v8 =	vperm.xlane v8, v0;
	v10 =	vperm.xlane v10, v1;
	v9 =	vsel vm0, s3, v9  }
0xaa: {  	v4 =	vsel vm14, v4, v7;
	v11 =	vperm.xlane v11, v0;
	v9 =	vperm.xlane v9, v1  }
0xab: {  	v4 =	vadd.s32 v5, v4  }
0xac: {  	v4 =	vmul.u32 $0x186A0, v4;
	v28 =	vsel vm14, v10, v8;
	v29 =	vsel vm14, v9, v11  }
0xad: {  	v5 =	vadd.s32 v28, v29  }
0xae: {  	v2 =	vsub.s32 v2, v4;
	v5 =	vmul.u32 $0x186A0, v5  }
0xaf: {  	v4 =	vadd.s32 $0x186A0, v2  }
0xb0: {  	vm5 =	vmmov vm0;
	vm0 =	vlt.s32 v2, $0x0;
	v3 =	vsub.s32 v3, v5  }
0xb1: {  	v2 =	vsel vm0, v4, v2;
	vm0 =	vlt.s32 v3, $0x0;
	v30 =	vadd.s32 $0x186A0, v3  }
0xb2: {  	s5 =	rddreg [dreg:$0x1];
	[tilespmem:$0x180] =	vst v2;
	v2 =	vsel vm0, v30, v3  }
0xb3: {  	s6 =	simm.s32 $0x20;
	s4 =	rddreg [dreg:$0x10];
	s7 =	simm.s32 $0x700;
	[tilespmem:$0x190] =	vst v2  }
0xb4: {  	[tilespmem:s7], [sflag:$0x1] =	stream.indirect.gather [hbm4b:s5+s6], $0x80, s4, s6, $0xb8;
	[tilespmem:$0xB700] =	vst v63  }
0xb5: {  	v2 =	vld [tilespmem:$0x27]  }
0xb6: {  	v31 =	vld [tilespmem:$0x1FFD0];
	_ =	sdelay $0x1  }
0xb7: {  	v3 =	vld [tilespmem:$0x28];
	_ =	sdelay $0x1  }
0xb8: {  	v2 =	vmul.u32 $0xF4243, v2  }
0xb9: {  	vm0 =	vnez.u8 v31  }
0xba: {  	v2 =	vsel vm0, $0x0, v2  }
0xbb: {  	v2 =	vadd.s32 v3, v2  }
0xbc: {  	(v2sf) =	vpush v2, $0xD;
	_ =	sdelay $0x1  }
0xbd: {  	(v2sf) =	vpush v2, $0xC;
	_ =	sdelay $0x1  }
0xbe: {  	(v2sf) =	vpush v2, $0xE;
	_ =	sdelay $0x1  }
0xbf: {  	(v2sf) =	vpush v2, $0xF;
	_ =	sdelay $0x1  }
0xc0: {  	(v2sf) =	vpush v2, $0x9;
	_ =	sdelay $0x1  }
0xc1: {  	(v2sf) =	vpush v2, $0x8;
	_ =	sdelay $0x1  }
0xc2: {  	(v2sf) =	vpush v2, $0xA;
	_ =	sdelay $0x1  }
0xc3: {  	(v2sf) =	vpush v2, $0xB  }
0xc4: {  	s8 =	spop (v2sf)  }
0xc5: {  	(v2sf) =	vpush v2, $0x0;
	s0 =	smulhi.u32 $0x14F8B589, s8;
	s1 =	sshra.s32 s8, $0x1F  }
0xc6: {  	s9 =	spop (v2sf);
	s19 =	smul.u32 $0x14F8B589, s1  }
0xc7: {  	(v2sf) =	vpush v2, $0x1;
	s1 =	smulhi.u32 $0x14F8B589, s9;
	s2 =	sshra.s32 s9, $0x1F  }
0xc8: {  	s10 =	spop (v2sf);
	s22 =	smul.u32 $0x14F8B589, s2  }
0xc9: {  	(v2sf) =	vpush v2, $0x2;
	s7 =	smulhi.u32 $0x14F8B589, s10;
	s2 =	sshra.s32 s10, $0x1F  }
0xca: {  	s11 =	spop (v2sf);
	s5 =	smul.u32 $0x14F8B589, s2  }
0xcb: {  	(v2sf) =	vpush v2, $0x3;
	s8 =	smulhi.u32 $0x14F8B589, s11;
	s2 =	sshra.s32 s11, $0x1F  }
0xcc: {  	s12 =	spop (v2sf);
	(v2sf) =	vpush v2, $0x4;
	s10 =	smul.u32 $0x14F8B589, s2  }
0xcd: {  	s9 =	smulhi.u32 $0x14F8B589, s12;
	s2 =	sshra.s32 s12, $0x1F  }
0xce: {  	v3 =	vld [tilespmem:$0x37];
	s13 =	spop (v2sf);
	(v2sf) =	vpush v2, $0x5;
	s3 =	smul.u32 $0x14F8B589, s2  }
0xcf: {  	s11 =	smulhi.u32 $0x14F8B589, s13;
	s2 =	sshra.s32 s13, $0x1F  }
0xd0: {  	v32 =	vld [tilespmem:$0x38];
	s14 =	spop (v2sf);
	s23 =	smul.u32 $0x14F8B589, s2  }
0xd1: {  	(v2sf) =	vpush v2, $0x6;
	s12 =	smulhi.u32 $0x14F8B589, s14;
	s2 =	sshra.s32 s14, $0x1F  }
0xd2: {  	s15 =	spop (v2sf);
	s24 =	smul.u32 $0x14F8B589, s2  }
0xd3: {  	v3 =	vmul.u32 $0xF4243, v3;
	(v2sf) =	vpush v2, $0x7;
	s16 =	smulhi.u32 $0x14F8B589, s15;
	s2 =	sshra.s32 s15, $0x1F  }
0xd4: {  	s0 =	sadd.s32 s19, s0;
	s29 =	smul.u32 $0x14F8B589, s2;
	s17 =	spop (v2sf)  }
0xd5: {  	v3 =	vadd.s32 v32, v3;
	[smem:$0x735] =	sst s0;
	s18 =	smulhi.u32 $0x14F8B589, s17;
	s2 =	sshra.s32 s17, $0x1F  }
0xd6: {  	(v2sf) =	vpush v3, $0xD;
	s20 =	spop (v2sf);
	s4 =	smul.u32 $0x14F8B589, s2  }
0xd7: {  	[smem:$0x727] =	sst s16;
	s21 =	smulhi.u32 $0x14F8B589, s20;
	s2 =	sshra.s32 s20, $0x1F  }
0xd8: {  	(v2sf) =	vpush v3, $0xC;
	s25 =	spop (v2sf);
	s6 =	smul.u32 $0x14F8B589, s2  }
0xd9: {  	[smem:$0x728] =	sst s18;
	s26 =	smulhi.u32 $0x14F8B589, s25  }
0xda: {  	(v2sf) =	vpush v3, $0xE;
	s28 =	spop (v2sf);
	[smem:$0x729] =	sst s21  }
0xdb: {  	s2 =	sshra.s32 s25, $0x1F;
	s30 =	smulhi.u32 $0x14F8B589, s28;
	s31 =	spop (v2sf)  }
0xdc: {  	[smem:$0x72A] =	sst s26;
	s26 =	smul.u32 $0x14F8B589, s2  }
0xdd: {  	(v2sf) =	vpush v3, $0xF;
	s2 =	sshra.s32 s28, $0x1F;
	s14 =	smulhi.u32 $0x14F8B589, s31;
	s15 =	spop (v2sf)  }
0xde: {  	s13 =	sadd.s32 s3, s9;
	s9 =	sld [smem:$0x729];
	s21 =	smul.u32 $0x14F8B589, s2  }
0xdf: {  	(v2sf) =	vpush v3, $0x9;
	[smem:$0x72B] =	sst s30;
	s2 =	sshra.s32 s31, $0x1F;
	s16 =	smulhi.u32 $0x14F8B589, s15  }
0xe0: {  	s17 =	spop (v2sf);
	s20 =	smul.u32 $0x14F8B589, s2  }
0xe1: {  	(v2sf) =	vpush v3, $0x8;
	[smem:$0x72C] =	sst s14;
	s2 =	sshra.s32 s15, $0x1F;
	s25 =	smulhi.u32 $0x14F8B589, s17  }
0xe2: {  	s28 =	spop (v2sf);
	s18 =	smul.u32 $0x14F8B589, s2  }
0xe3: {  	(v2sf) =	vpush v3, $0xA;
	[smem:$0x72D] =	sst s16;
	s2 =	sshra.s32 s17, $0x1F;
	s30 =	smulhi.u32 $0x14F8B589, s28  }
0xe4: {  	[smem:$0x72E] =	sst s25;
	s17 =	smul.u32 $0x14F8B589, s2;
	s2 =	sshra.s32 s28, $0x1F  }
0xe5: {  	s16 =	smul.u32 $0x14F8B589, s2;
	s31 =	spop (v2sf)  }
0xe6: {  	[smem:$0x72F] =	sst s30;
	s14 =	smulhi.u32 $0x14F8B589, s31;
	s2 =	sshra.s32 s31, $0x1F  }
0xe7: {  	(v2sf) =	vpush v3, $0xB;
	s19 =	spop (v2sf);
	s15 =	smul.u32 $0x14F8B589, s2  }
0xe8: {  	s28 =	sadd.s32 s22, s1;
	s22 =	smulhi.u32 $0x14F8B589, s19;
	[smem:$0x730] =	sst s14  }
0xe9: {  	s2 =	sshra.s32 s19, $0x1F;
	s30 =	spop (v2sf);
	[smem:$0x731] =	sst s15  }
0xea: {  	s25 =	smul.u32 $0x14F8B589, s2;
	[smem:$0x732] =	sst s22  }
0xeb: {  	(v2sf) =	vpush v3, $0x0;
	s31 =	smulhi.u32 $0x14F8B589, s30;
	s22 =	sadd.s32 s5, s7;
	s5 =	sld [smem:$0x727]  }
0xec: {  	s0 =	sshra.s32 s30, $0x1F;
	s2 =	spop (v2sf);
	s7 =	sld [smem:$0x728]  }
0xed: {  	s15 =	sadd.s32 s10, s8;
	s30 =	smulhi.u32 $0x14F8B589, s2;
	s10 =	sld [smem:$0x72A]  }
0xee: {  	s23 =	sadd.s32 s23, s11;
	s3 =	spop (v2sf);
	[smem:$0x733] =	sst s25  }
0xef: {  	s24 =	sadd.s32 s24, s12;
	[smem:$0x734] =	sst s31;
	s25 =	smul.u32 $0x14F8B589, s0  }
0xf0: {  	s0 =	sshra.s32 s2, $0x1F;
	s19 =	smulhi.u32 $0x14F8B589, s3;
	s8 =	spop (v2sf)  }
0xf1: {  	s2 =	sld [smem:$0x72B];
	s14 =	smul.u32 $0x14F8B589, s0;
	s0 =	sshra.s32 s3, $0x1F  }
0xf2: {  	s6 =	sadd.s32 s6, s9;
	s31 =	spop (v2sf);
	s12 =	smul.u32 $0x14F8B589, s0  }
0xf3: {  	s0 =	sshra.s32 s8, $0x1F;
	s26 =	sadd.s32 s26, s10;
	s10 =	smulhi.u32 $0x14F8B589, s31  }
0xf4: {  	s9 =	smul.u32 $0x14F8B589, s0;
	s0 =	sshra.s32 s31, $0x1F;
	s31 =	sld [smem:$0x72E]  }
0xf5: {  	(v2sf) =	vpush v3, $0x1;
	s11 =	smulhi.u32 $0x14F8B589, s8;
	s4 =	sadd.s32 s4, s7;
	s7 =	sld [smem:$0x72D]  }
0xf6: {  	s3 =	sld [smem:$0x72C];
	s29 =	sadd.s32 s29, s5;
	s5 =	spop (v2sf)  }
0xf7: {  	(v2sf) =	vpush v3, $0x2;
	s8 =	smul.u32 $0x14F8B589, s0;
	s17 =	sadd.s32 s17, s31;
	s31 =	sld [smem:$0x72F]  }
0xf8: {  	s0 =	sshra.s32 s5, $0x1F;
	s18 =	sadd.s32 s18, s7;
	s7 =	smulhi.u32 $0x14F8B589, s5  }
0xf9: {  	s21 =	sadd.s32 s21, s2;
	s20 =	sadd.s32 s20, s3;
	s5 =	smul.u32 $0x14F8B589, s0  }
0xfa: {  	s16 =	sadd.s32 s16, s31;
	s31 =	sld [smem:$0x731];
	s2 =	spop (v2sf)  }
0xfb: {  	s3 =	smulhi.u32 $0x14F8B589, s2;
	s0 =	sshra.s32 s2, $0x1F;
	s2 =	sld [smem:$0x730]  }
0xfc: {  	s12 =	sadd.s32 s12, s19  }
0xfd: {  	[smem:$0x739] =	sst s12  }
0xfe: {  	s1 =	sadd.s32 s31, s2;
	s31 =	sld [smem:$0x733]  }
0xff: {  	[smem:$0x736] =	sst s1  }
0x100: {  	s9 =	sadd.s32 s9, s11;
	s1 =	sld [smem:$0x732]  }
0x101: {  	[smem:$0x73A] =	sst s9;
	s19 =	sadd.s32 s8, s10  }
0x102: {  	s14 =	sadd.s32 s14, s30;
	[smem:$0x73B] =	sst s19  }
0x103: {  	s12 =	sshrl.u32 s28, $0x1F;
	s1 =	sadd.s32 s31, s1;
	s31 =	sld [smem:$0x734]  }
0x104: {  	s10 =	sshra.s32 s28, $0xD;
	s2 =	smul.u32 $0x14F8B589, s0;
	s0 =	spop (v2sf)  }
0x105: {  	s28 =	sshra.s32 s13, $0xD;
	[smem:$0x737] =	sst s1;
	s1 =	smulhi.u32 $0x14F8B589, s0  }
0x106: {  	s0 =	sshra.s32 s0, $0x1F;
	s25 =	sadd.s32 s25, s31;
	s31 =	spop (v2sf)  }
0x107: {  	(v2sf) =	vpush v3, $0x3;
	v34 =	vmov s12;
	s12 =	sshra.s32 s26, $0xD;
	[smem:$0x738] =	sst s25;
	s25 =	smul.u32 $0x14F8B589, s0  }
0x108: {  	(v2sf) =	vpush v3, $0x4;
	s19 =	sshra.s32 s15, $0xD;
	s30 =	smulhi.u32 $0x14F8B589, s31;
	s0 =	sshra.s32 s31, $0x1F  }
0x109: {  	(v2sf) =	vpush v3, $0x5;
	s31 =	sadd.s32 s5, s7;
	s7 =	sadd.s32 s2, s3;
	s3 =	sld [smem:$0x735]  }
0x10a: {  	(v2sf) =	vpush v3, $0x6;
	s5 =	sshra.s32 s16, $0x1F;
	s11 =	smul.u32 $0x14F8B589, s0;
	[smem:$0x73C] =	sst s31  }
0x10b: {  	(v2sf) =	vpush v3, $0x7;
	s31 =	sshrl.u32 s24, $0x1F;
	s24 =	sshra.s32 s24, $0xD;
	s0 =	sshra.s32 s4, $0xD  }
0x10c: {  	s9 =	sadd.s32 s25, s1;
	s1 =	sshrl.u32 s29, $0x1F;
	s8 =	sadd.s32 s11, s30  }
0x10d: {  	s2 =	sshrl.u32 s3, $0x1F;
	s11 =	sshra.s32 s3, $0xD;
	s30 =	sshrl.u32 s15, $0x1F  }
0x10e: {  	v33 =	vmov s5;
	s15 =	sshrl.u32 s13, $0x1F;
	s13 =	sshrl.u32 s23, $0x1F;
	s3 =	sshra.s32 s23, $0xD  }
0x10f: {  	vm0 =	vcmask $0xF0C;
	v4 =	vsel vm11, s0, v33;
	s23 =	sshra.s32 s29, $0xD;
	s29 =	sshrl.u32 s4, $0x1F;
	s4 =	sshra.s32 s4, $0x1F  }
0x110: {  	v37 =	vmov s10;
	s5 =	sshrl.u32 s6, $0x1F;
	s25 =	sshrl.u32 s22, $0x1F;
	s22 =	sshra.s32 s22, $0xD;
	v35 =	vmov s29;
	v4 =	vsel vm7, s4, v4  }
0x111: {  	s0 =	sshra.s32 s6, $0xD;
	s4 =	sshra.s32 s6, $0x1F;
	s6 =	sshrl.u32 s26, $0x1F;
	v5 =	vsel vm12, s2, v34;
	v36 =	vmov s13;
	v8 =	vsel vm12, s11, v37  }
0x112: {  	s29 =	sshrl.u32 s21, $0x1F;
	s13 =	sshra.s32 s18, $0x1F;
	v38 =	vmov s3;
	v4 =	vsel vm12, s0, v4;
	v6 =	vnsel vm11, $0x0, v35;
	s0 =	sshra.s32 s26, $0x1F  }
0x113: {  	s26 =	sshra.s32 s21, $0xD;
	v5 =	vsel vm13, s25, v5;
	s25 =	sshrl.u32 s20, $0x1F;
	v7 =	vsel vm12, s15, v36;
	v9 =	vsel vm12, s28, v38;
	s28 =	sld [smem:$0x739]  }
0x114: {  	v8 =	vsel vm13, s22, v8;
	s22 =	sld [smem:$0x73C];
	v6 =	vsel vm12, s5, v6;
	v4 =	vsel vm0, s4, v4;
	s5 =	sshra.s32 s21, $0x1F;
	s21 =	sshra.s32 s20, $0xD  }
0x115: {  	v5 =	vsel vm15, s30, v5;
	s30 =	sshrl.u32 s17, $0x1F;
	v7 =	vsel vm13, s31, v7;
	s31 =	sshrl.u32 s16, $0x1F;
	v9 =	vsel vm13, s24, v9;
	s24 =	sld [smem:$0x73B]  }
0x116: {  	v6 =	vsel vm13, s6, v6;
	v4 =	vsel vm13, s12, v4;
	s6 =	sshra.s32 s20, $0x1F;
	s12 =	sshrl.u32 s18, $0x1F;
	s20 =	spop (v2sf)  }
0x117: {  	v7 =	vsel vm15, s1, v7;
	s1 =	sshra.s32 s16, $0xD;
	v6 =	vsel vm15, s29, v6;
	s29 =	sshra.s32 s18, $0xD;
	s18 =	spop (v2sf)  }
0x118: {  	v9 =	vsel vm15, s23, v9;
	s23 =	sshra.s32 s7, $0xD;
	v4 =	vsel vm6, s0, v4;
	s15 =	smulhi.u32 $0x14F8B589, s20;
	s4 =	spop (v2sf)  }
0x119: {  	s20 =	sshra.s32 s20, $0x1F;
	v6 =	vsel vm3, s25, v6;
	v4 =	vsel vm15, s26, v4;
	s26 =	sld [smem:$0x736];
	s2 =	spop (v2sf)  }
0x11a: {  	s25 =	sshra.s32 s17, $0xD;
	v6 =	vsel vm1, s12, v6;
	v4 =	vsel vm8, s5, v4;
	s5 =	sshra.s32 s17, $0x1F;
	s17 =	spop (v2sf)  }
0x11b: {  	s0 =	sshrl.u32 s22, $0x1F;
	v6 =	vsel vm2, s30, v6;
	v4 =	vsel vm3, s21, v4;
	s21 =	sld [smem:$0x738];
	s10 =	smulhi.u32 $0x14F8B589, s17  }
0x11c: {  	v8 =	vsel vm15, s19, v8;
	v6 =	vsel vm5, s31, v6;
	v4 =	vsel vm9, s6, v4;
	s31 =	sshra.s32 s17, $0x1F;
	s3 =	sshrl.u32 s26, $0x1F;
	s6 =	smul.u32 $0x14F8B589, s20  }
0x11d: {  	v5 =	vcombine.low v7, v5;
	v39 =	vcombine.low v9, v8;
	s17 =	sshrl.u32 s28, $0x1F;
	s20 =	sshrl.u32 s24, $0x1F;
	s16 =	smul.u32 $0x14F8B589, s31  }
0x11e: {  	vm4 =	vcmask $0x3734;
	v4 =	vsel vm1, s29, v4;
	s29 =	sld [smem:$0x737];
	s31 =	sshrl.u32 s7, $0x1F;
	s7 =	sshra.s32 s7, $0x1F  }
0x11f: {  	v5 =	vperm.xlane v5, v0;
	v7 =	vperm.xlane v39, v0;
	v4 =	vsel vm10, s13, v4;
	s12 =	sshrl.u32 s21, $0x1F;
	s13 =	sshrl.u32 s14, $0x1F;
	s16 =	sadd.s32 s16, s10  }
0x120: {  	v6 =	vperm.xlane v6, v1;
	s6 =	sadd.s32 s6, s15;
	v42 =	vmov s31;
	v4 =	vsel vm2, s25, v4;
	s25 =	sld [smem:$0x73A];
	s10 =	sshra.s32 s16, $0x1F  }
0x121: {  	v10 =	vnsel vm11, $0x0, v42;
	s30 =	sshrl.u32 s29, $0x1F;
	v4 =	vsel vm4, s5, v4;
	s5 =	smulhi.u32 $0x14F8B589, s4;
	s4 =	sshra.s32 s4, $0x1F;
	v41 =	vmov s10  }
0x122: {  	s15 =	sshra.s32 s9, $0x1F;
	v4 =	vsel vm5, s1, v4;
	v40 =	vmov s30;
	s1 =	sshrl.u32 s9, $0x1F;
	s4 =	smul.u32 $0x14F8B589, s4;
	v9 =	vsel vm11, s23, v41  }
0x123: {  	v5 =	vsel vm14, v6, v5;
	s30 =	sshra.s32 s9, $0xD;
	v8 =	vsel vm12, s3, v40;
	s3 =	smulhi.u32 $0x14F8B589, s18;
	s18 =	sshra.s32 s18, $0x1F;
	v9 =	vsel vm7, s7, v9  }
0x124: {  	s31 =	sshrl.u32 s6, $0x1F;
	s19 =	sshrl.u32 s25, $0x1F;
	v4 =	vperm.xlane v4, v1;
	v10 =	vsel vm12, s1, v10;
	s11 =	smul.u32 $0x14F8B589, s18;
	v9 =	vsel vm12, s30, v9  }
0x125: {  	s10 =	sshrl.u32 s8, $0x1F;
	s23 =	sshra.s32 s8, $0xD;
	v8 =	vsel vm13, s12, v8;
	s18 =	smulhi.u32 $0x14F8B589, s2;
	v43 =	vmov s19;
	v9 =	vsel vm0, s15, v9  }
0x126: {  	s2 =	sshra.s32 s2, $0x1F;
	v10 =	vsel vm13, s10, v10;
	s4 =	sadd.s32 s4, s5;
	v8 =	vsel vm15, s13, v8;
	s30 =	sshra.s32 s8, $0x1F;
	v9 =	vsel vm13, s23, v9  }
0x127: {  	s7 =	sshra.s32 s6, $0xD;
	s10 =	sshra.s32 s6, $0x1F;
	v11 =	vsel vm12, s17, v43;
	v10 =	vsel vm15, s31, v10;
	s13 =	sshra.s32 s29, $0xD;
	v9 =	vsel vm6, s30, v9  }
0x128: {  	s2 =	smul.u32 $0x14F8B589, s2;
	s3 =	sadd.s32 s11, s3;
	v11 =	vsel vm13, s20, v11;
	s15 =	sshra.s32 s25, $0xD;
	v44 =	vmov s13;
	v9 =	vsel vm15, s7, v9  }
0x129: {  	s19 =	sshra.s32 s28, $0xD;
	s31 =	sshrl.u32 s3, $0x1F;
	v11 =	vsel vm15, s0, v11;
	s12 =	sshra.s32 s3, $0xD;
	v45 =	vmov s15;
	v9 =	vsel vm8, s10, v9  }
0x12a: {  	s1 =	sadd.s32 s2, s18;
	s17 =	sshra.s32 s3, $0x1F;
	s18 =	sshra.s32 s26, $0xD;
	v10 =	vsel vm3, s31, v10;
	v8 =	vcombine.low v11, v8;
	v9 =	vsel vm3, s12, v9  }
0x12b: {  	s9 =	sshrl.u32 s4, $0x1F;
	s20 =	sshra.s32 s4, $0xD;
	s23 =	sshra.s32 s21, $0xD;
	v11 =	vsel vm12, s18, v44;
	v12 =	vsel vm12, s19, v45;
	v9 =	vsel vm9, s17, v9  }
0x12c: {  	s25 =	sshra.s32 s24, $0xD;
	s26 =	sshra.s32 s4, $0x1F;
	s11 =	sshrl.u32 s1, $0x1F;
	v10 =	vsel vm1, s9, v10;
	v11 =	vsel vm13, s23, v11;
	v9 =	vsel vm1, s20, v9  }
0x12d: {  	s28 =	sshra.s32 s14, $0xD;
	s29 =	sshra.s32 s22, $0xD;
	s30 =	sshra.s32 s1, $0xD;
	v12 =	vsel vm13, s25, v12;
	v10 =	vsel vm2, s11, v10;
	v9 =	vsel vm10, s26, v9  }
0x12e: {  	s31 =	sshrl.u32 s16, $0x1F;
	s2 =	sshra.s32 s1, $0x1F;
	v11 =	vsel vm15, s28, v11;
	v12 =	vsel vm15, s29, v12;
	v9 =	vsel vm2, s30, v9  }
0x12f: {  	s3 =	sshra.s32 s16, $0xD;
	v10 =	vsel vm5, s31, v10;
	v11 =	vcombine.low v12, v11;
	v9 =	vsel vm4, s2, v9  }
0x130: {  	v8 =	vperm.xlane v8, v0;
	v10 =	vperm.xlane v10, v1;
	v9 =	vsel vm5, s3, v9  }
0x131: {  	v4 =	vsel vm14, v4, v7;
	v11 =	vperm.xlane v11, v0;
	v9 =	vperm.xlane v9, v1  }
0x132: {  	v4 =	vadd.s32 v5, v4  }
0x133: {  	v4 =	vmul.u32 $0x186A0, v4;
	v46 =	vsel vm14, v10, v8;
	v47 =	vsel vm14, v9, v11  }
0x134: {  	v5 =	vadd.s32 v46, v47  }
0x135: {  	v2 =	vsub.s32 v2, v4;
	v5 =	vmul.u32 $0x186A0, v5  }
0x136: {  	v4 =	vadd.s32 $0x186A0, v2  }
0x137: {  	vm9 =	vmmov vm10;
	vm10 =	vlt.s32 v2, $0x0;
	v3 =	vsub.s32 v3, v5  }
0x138: {  	v2 =	vsel vm10, v4, v2;
	vm10 =	vlt.s32 v3, $0x0;
	v48 =	vadd.s32 $0x186A0, v3  }
0x139: {  	s6 =	rddreg [dreg:$0x1];
	[tilespmem:$0x200] =	vst v2;
	v2 =	vsel vm10, v48, v3  }
0x13a: {  	s5 =	simm.s32 $0x1700;
	s4 =	rddreg [dreg:$0x11];
	s7 =	simm.s32 $0x20;
	[tilespmem:$0x210] =	vst v2  }
0x13b: {  	[tilespmem:s5], [sflag:$0x2] =	stream.indirect.gather [hbm4b:s6+s7], $0x80, s4, s7, $0xb8;
	[tilespmem:$0xB700] =	vst v63  }
0x13c: {  	v2 =	vld [tilespmem:$0x47]  }
0x13d: {  	v49 =	vld [tilespmem:$0x1FFC0];
	_ =	sdelay $0x1  }
0x13e: {  	v3 =	vld [tilespmem:$0x48];
	_ =	sdelay $0x1  }
0x13f: {  	v2 =	vmul.u32 $0xF4243, v2  }
0x140: {  	vm10 =	vnez.u8 v49  }
0x141: {  	v2 =	vsel vm10, $0x0, v2  }
0x142: {  	v2 =	vadd.s32 v3, v2  }
0x143: {  	(v2sf) =	vpush v2, $0xD;
	_ =	sdelay $0x1  }
0x144: {  	(v2sf) =	vpush v2, $0xC;
	_ =	sdelay $0x1  }
0x145: {  	(v2sf) =	vpush v2, $0xE;
	_ =	sdelay $0x1  }
0x146: {  	(v2sf) =	vpush v2, $0xF;
	_ =	sdelay $0x1  }
0x147: {  	(v2sf) =	vpush v2, $0x9;
	_ =	sdelay $0x1  }
0x148: {  	(v2sf) =	vpush v2, $0x8;
	_ =	sdelay $0x1  }
0x149: {  	(v2sf) =	vpush v2, $0xA;
	_ =	sdelay $0x1  }
0x14a: {  	(v2sf) =	vpush v2, $0xB  }
0x14b: {  	s8 =	spop (v2sf)  }
0x14c: {  	(v2sf) =	vpush v2, $0x0;
	s0 =	smulhi.u32 $0x14F8B589, s8;
	s1 =	sshra.s32 s8, $0x1F  }
0x14d: {  	s9 =	spop (v2sf);
	s19 =	smul.u32 $0x14F8B589, s1  }
0x14e: {  	(v2sf) =	vpush v2, $0x1;
	s1 =	smulhi.u32 $0x14F8B589, s9;
	s2 =	sshra.s32 s9, $0x1F  }
0x14f: {  	s10 =	spop (v2sf);
	s22 =	smul.u32 $0x14F8B589, s2  }
0x150: {  	(v2sf) =	vpush v2, $0x2;
	s7 =	smulhi.u32 $0x14F8B589, s10;
	s2 =	sshra.s32 s10, $0x1F  }
0x151: {  	s11 =	spop (v2sf);
	s5 =	smul.u32 $0x14F8B589, s2  }
0x152: {  	(v2sf) =	vpush v2, $0x3;
	s8 =	smulhi.u32 $0x14F8B589, s11;
	s2 =	sshra.s32 s11, $0x1F  }
0x153: {  	s12 =	spop (v2sf);
	(v2sf) =	vpush v2, $0x4;
	s10 =	smul.u32 $0x14F8B589, s2  }
0x154: {  	s9 =	smulhi.u32 $0x14F8B589, s12;
	s2 =	sshra.s32 s12, $0x1F  }
0x155: {  	v3 =	vld [tilespmem:$0x57];
	s13 =	spop (v2sf);
	(v2sf) =	vpush v2, $0x5;
	s3 =	smul.u32 $0x14F8B589, s2  }
0x156: {  	s11 =	smulhi.u32 $0x14F8B589, s13;
	s2 =	sshra.s32 s13, $0x1F  }
0x157: {  	v50 =	vld [tilespmem:$0x58];
	s14 =	spop (v2sf);
	s23 =	smul.u32 $0x14F8B589, s2  }
0x158: {  	(v2sf) =	vpush v2, $0x6;
	s12 =	smulhi.u32 $0x14F8B589, s14;
	s2 =	sshra.s32 s14, $0x1F  }
0x159: {  	s15 =	spop (v2sf);
	s24 =	smul.u32 $0x14F8B589, s2  }
0x15a: {  	v3 =	vmul.u32 $0xF4243, v3;
	(v2sf) =	vpush v2, $0x7;
	s16 =	smulhi.u32 $0x14F8B589, s15;
	s2 =	sshra.s32 s15, $0x1F  }
0x15b: {  	s0 =	sadd.s32 s19, s0;
	s29 =	smul.u32 $0x14F8B589, s2;
	s17 =	spop (v2sf)  }
0x15c: {  	v3 =	vadd.s32 v50, v3;
	[smem:$0x74B] =	sst s0;
	s18 =	smulhi.u32 $0x14F8B589, s17;
	s2 =	sshra.s32 s17, $0x1F  }
0x15d: {  	(v2sf) =	vpush v3, $0xD;
	s20 =	spop (v2sf);
	s4 =	smul.u32 $0x14F8B589, s2  }
0x15e: {  	[smem:$0x73D] =	sst s16;
	s21 =	smulhi.u32 $0x14F8B589, s20;
	s2 =	sshra.s32 s20, $0x1F  }
0x15f: {  	(v2sf) =	vpush v3, $0xC;
	s25 =	spop (v2sf);
	s6 =	smul.u32 $0x14F8B589, s2  }
0x160: {  	[smem:$0x73E] =	sst s18;
	s26 =	smulhi.u32 $0x14F8B589, s25  }
0x161: {  	(v2sf) =	vpush v3, $0xE;
	s28 =	spop (v2sf);
	[smem:$0x73F] =	sst s21  }
0x162: {  	s2 =	sshra.s32 s25, $0x1F;
	s30 =	smulhi.u32 $0x14F8B589, s28;
	s31 =	spop (v2sf)  }
0x163: {  	[smem:$0x740] =	sst s26;
	s26 =	smul.u32 $0x14F8B589, s2  }
0x164: {  	(v2sf) =	vpush v3, $0xF;
	s2 =	sshra.s32 s28, $0x1F;
	s14 =	smulhi.u32 $0x14F8B589, s31;
	s15 =	spop (v2sf)  }
0x165: {  	s13 =	sadd.s32 s3, s9;
	s9 =	sld [smem:$0x73F];
	s21 =	smul.u32 $0x14F8B589, s2  }
0x166: {  	(v2sf) =	vpush v3, $0x9;
	[smem:$0x741] =	sst s30;
	s2 =	sshra.s32 s31, $0x1F;
	s16 =	smulhi.u32 $0x14F8B589, s15  }
0x167: {  	s17 =	spop (v2sf);
	s20 =	smul.u32 $0x14F8B589, s2  }
0x168: {  	(v2sf) =	vpush v3, $0x8;
	[smem:$0x742] =	sst s14;
	s2 =	sshra.s32 s15, $0x1F;
	s25 =	smulhi.u32 $0x14F8B589, s17  }
0x169: {  	s28 =	spop (v2sf);
	s18 =	smul.u32 $0x14F8B589, s2  }
0x16a: {  	(v2sf) =	vpush v3, $0xA;
	[smem:$0x743] =	sst s16;
	s2 =	sshra.s32 s17, $0x1F;
	s30 =	smulhi.u32 $0x14F8B589, s28  }
0x16b: {  	[smem:$0x744] =	sst s25;
	s17 =	smul.u32 $0x14F8B589, s2;
	s2 =	sshra.s32 s28, $0x1F  }
0x16c: {  	s16 =	smul.u32 $0x14F8B589, s2;
	s31 =	spop (v2sf)  }
0x16d: {  	[smem:$0x745] =	sst s30;
	s14 =	smulhi.u32 $0x14F8B589, s31;
	s2 =	sshra.s32 s31, $0x1F  }
0x16e: {  	(v2sf) =	vpush v3, $0xB;
	s19 =	spop (v2sf);
	s15 =	smul.u32 $0x14F8B589, s2  }
0x16f: {  	s28 =	sadd.s32 s22, s1;
	s22 =	smulhi.u32 $0x14F8B589, s19;
	[smem:$0x746] =	sst s14  }
0x170: {  	s2 =	sshra.s32 s19, $0x1F;
	s30 =	spop (v2sf);
	[smem:$0x747] =	sst s15  }
0x171: {  	s25 =	smul.u32 $0x14F8B589, s2;
	[smem:$0x748] =	sst s22  }
0x172: {  	(v2sf) =	vpush v3, $0x0;
	s31 =	smulhi.u32 $0x14F8B589, s30;
	s22 =	sadd.s32 s5, s7;
	s5 =	sld [smem:$0x73D]  }
0x173: {  	s0 =	sshra.s32 s30, $0x1F;
	s2 =	spop (v2sf);
	s7 =	sld [smem:$0x73E]  }
0x174: {  	s15 =	sadd.s32 s10, s8;
	s30 =	smulhi.u32 $0x14F8B589, s2;
	s10 =	sld [smem:$0x740]  }
0x175: {  	s23 =	sadd.s32 s23, s11;
	s3 =	spop (v2sf);
	[smem:$0x749] =	sst s25  }
0x176: {  	s24 =	sadd.s32 s24, s12;
	[smem:$0x74A] =	sst s31;
	s25 =	smul.u32 $0x14F8B589, s0  }
0x177: {  	s0 =	sshra.s32 s2, $0x1F;
	s19 =	smulhi.u32 $0x14F8B589, s3;
	s8 =	spop (v2sf)  }
0x178: {  	s2 =	sld [smem:$0x741];
	s14 =	smul.u32 $0x14F8B589, s0;
	s0 =	sshra.s32 s3, $0x1F  }
0x179: {  	s6 =	sadd.s32 s6, s9;
	s31 =	spop (v2sf);
	s12 =	smul.u32 $0x14F8B589, s0  }
0x17a: {  	s0 =	sshra.s32 s8, $0x1F;
	s26 =	sadd.s32 s26, s10;
	s10 =	smulhi.u32 $0x14F8B589, s31  }
0x17b: {  	s9 =	smul.u32 $0x14F8B589, s0;
	s0 =	sshra.s32 s31, $0x1F;
	s31 =	sld [smem:$0x744]  }
0x17c: {  	(v2sf) =	vpush v3, $0x1;
	s11 =	smulhi.u32 $0x14F8B589, s8;
	s4 =	sadd.s32 s4, s7;
	s7 =	sld [smem:$0x743]  }
0x17d: {  	s3 =	sld [smem:$0x742];
	s29 =	sadd.s32 s29, s5;
	s5 =	spop (v2sf)  }
0x17e: {  	(v2sf) =	vpush v3, $0x2;
	s8 =	smul.u32 $0x14F8B589, s0;
	s17 =	sadd.s32 s17, s31;
	s31 =	sld [smem:$0x745]  }
0x17f: {  	s0 =	sshra.s32 s5, $0x1F;
	s18 =	sadd.s32 s18, s7;
	s7 =	smulhi.u32 $0x14F8B589, s5  }
0x180: {  	s21 =	sadd.s32 s21, s2;
	s20 =	sadd.s32 s20, s3;
	s5 =	smul.u32 $0x14F8B589, s0  }
0x181: {  	s16 =	sadd.s32 s16, s31;
	s31 =	sld [smem:$0x747];
	s2 =	spop (v2sf)  }
0x182: {  	s3 =	smulhi.u32 $0x14F8B589, s2;
	s0 =	sshra.s32 s2, $0x1F;
	s2 =	sld [smem:$0x746]  }
0x183: {  	s12 =	sadd.s32 s12, s19  }
0x184: {  	[smem:$0x74F] =	sst s12  }
0x185: {  	s1 =	sadd.s32 s31, s2;
	s31 =	sld [smem:$0x749]  }
0x186: {  	[smem:$0x74C] =	sst s1  }
0x187: {  	s9 =	sadd.s32 s9, s11;
	s1 =	sld [smem:$0x748]  }
0x188: {  	[smem:$0x750] =	sst s9;
	s19 =	sadd.s32 s8, s10  }
0x189: {  	s14 =	sadd.s32 s14, s30;
	[smem:$0x751] =	sst s19  }
0x18a: {  	s12 =	sshrl.u32 s28, $0x1F;
	s1 =	sadd.s32 s31, s1;
	s31 =	sld [smem:$0x74A]  }
0x18b: {  	s10 =	sshra.s32 s28, $0xD;
	s2 =	smul.u32 $0x14F8B589, s0;
	s0 =	spop (v2sf)  }
0x18c: {  	s28 =	sshra.s32 s13, $0xD;
	[smem:$0x74D] =	sst s1;
	s1 =	smulhi.u32 $0x14F8B589, s0  }
0x18d: {  	s0 =	sshra.s32 s0, $0x1F;
	s25 =	sadd.s32 s25, s31;
	s31 =	spop (v2sf)  }
0x18e: {  	(v2sf) =	vpush v3, $0x3;
	v52 =	vmov s12;
	s12 =	sshra.s32 s26, $0xD;
	[smem:$0x74E] =	sst s25;
	s25 =	smul.u32 $0x14F8B589, s0  }
0x18f: {  	(v2sf) =	vpush v3, $0x4;
	s19 =	sshra.s32 s15, $0xD;
	s30 =	smulhi.u32 $0x14F8B589, s31;
	s0 =	sshra.s32 s31, $0x1F  }
0x190: {  	(v2sf) =	vpush v3, $0x5;
	s31 =	sadd.s32 s5, s7;
	s7 =	sadd.s32 s2, s3;
	s3 =	sld [smem:$0x74B]  }
0x191: {  	(v2sf) =	vpush v3, $0x6;
	s5 =	sshra.s32 s16, $0x1F;
	s11 =	smul.u32 $0x14F8B589, s0;
	[smem:$0x752] =	sst s31  }
0x192: {  	(v2sf) =	vpush v3, $0x7;
	s31 =	sshrl.u32 s24, $0x1F;
	s24 =	sshra.s32 s24, $0xD;
	s0 =	sshra.s32 s4, $0xD  }
0x193: {  	s9 =	sadd.s32 s25, s1;
	s1 =	sshrl.u32 s29, $0x1F;
	s8 =	sadd.s32 s11, s30  }
0x194: {  	s2 =	sshrl.u32 s3, $0x1F;
	s11 =	sshra.s32 s3, $0xD;
	s30 =	sshrl.u32 s15, $0x1F  }
0x195: {  	v51 =	vmov s5;
	s15 =	sshrl.u32 s13, $0x1F;
	s13 =	sshrl.u32 s23, $0x1F;
	s3 =	sshra.s32 s23, $0xD  }
0x196: {  	vm0 =	vmmov vm6;
	vm6 =	vcmask $0xF0C;
	v4 =	vsel vm11, s0, v51;
	s23 =	sshra.s32 s29, $0xD;
	s29 =	sshrl.u32 s4, $0x1F;
	s4 =	sshra.s32 s4, $0x1F  }
0x197: {  	v55 =	vmov s10;
	s5 =	sshrl.u32 s6, $0x1F;
	s25 =	sshrl.u32 s22, $0x1F;
	s22 =	sshra.s32 s22, $0xD;
	v53 =	vmov s29;
	v4 =	vsel vm7, s4, v4  }
0x198: {  	s0 =	sshra.s32 s6, $0xD;
	s4 =	sshra.s32 s6, $0x1F;
	s6 =	sshrl.u32 s26, $0x1F;
	v5 =	vsel vm12, s2, v52;
	v54 =	vmov s13;
	v8 =	vsel vm12, s11, v55  }
0x199: {  	s29 =	sshrl.u32 s21, $0x1F;
	s13 =	sshra.s32 s18, $0x1F;
	v56 =	vmov s3;
	v4 =	vsel vm12, s0, v4;
	v6 =	vnsel vm11, $0x0, v53;
	s0 =	sshra.s32 s26, $0x1F  }
0x19a: {  	s26 =	sshra.s32 s21, $0xD;
	v5 =	vsel vm13, s25, v5;
	s25 =	sshrl.u32 s20, $0x1F;
	v7 =	vsel vm12, s15, v54;
	v9 =	vsel vm12, s28, v56;
	s28 =	sld [smem:$0x74F]  }
0x19b: {  	v8 =	vsel vm13, s22, v8;
	s22 =	sld [smem:$0x752];
	v6 =	vsel vm12, s5, v6;
	v4 =	vsel vm6, s4, v4;
	s5 =	sshra.s32 s21, $0x1F;
	s21 =	sshra.s32 s20, $0xD  }
0x19c: {  	v5 =	vsel vm15, s30, v5;
	s30 =	sshrl.u32 s17, $0x1F;
	v7 =	vsel vm13, s31, v7;
	s31 =	sshrl.u32 s16, $0x1F;
	v9 =	vsel vm13, s24, v9;
	s24 =	sld [smem:$0x751]  }
0x19d: {  	v6 =	vsel vm13, s6, v6;
	v4 =	vsel vm13, s12, v4;
	s6 =	sshra.s32 s20, $0x1F;
	s12 =	sshrl.u32 s18, $0x1F;
	s20 =	spop (v2sf)  }
0x19e: {  	v7 =	vsel vm15, s1, v7;
	s1 =	sshra.s32 s16, $0xD;
	v6 =	vsel vm15, s29, v6;
	s29 =	sshra.s32 s18, $0xD;
	s18 =	spop (v2sf)  }
0x19f: {  	v9 =	vsel vm15, s23, v9;
	s23 =	sshra.s32 s7, $0xD;
	v4 =	vsel vm0, s0, v4;
	s15 =	smulhi.u32 $0x14F8B589, s20;
	s4 =	spop (v2sf)  }
0x1a0: {  	vm10 =	vcmask $0x2724;
	s20 =	sshra.s32 s20, $0x1F;
	v6 =	vsel vm3, s25, v6;
	v4 =	vsel vm15, s26, v4;
	s26 =	sld [smem:$0x74C];
	s2 =	spop (v2sf)  }
0x1a1: {  	v8 =	vsel vm15, s19, v8;
	s25 =	sshra.s32 s17, $0xD;
	v6 =	vsel vm1, s12, v6;
	v4 =	vsel vm8, s5, v4;
	s5 =	sshra.s32 s17, $0x1F;
	s17 =	spop (v2sf)  }
0x1a2: {  	v5 =	vcombine.low v7, v5;
	s0 =	sshrl.u32 s22, $0x1F;
	v6 =	vsel vm2, s30, v6;
	v4 =	vsel vm3, s21, v4;
	s21 =	sld [smem:$0x74E];
	s10 =	smulhi.u32 $0x14F8B589, s17  }
0x1a3: {  	v57 =	vcombine.low v9, v8;
	v6 =	vsel vm5, s31, v6;
	v4 =	vsel vm10, s6, v4;
	s31 =	sshra.s32 s17, $0x1F;
	s3 =	sshrl.u32 s26, $0x1F;
	s6 =	smul.u32 $0x14F8B589, s20  }
0x1a4: {  	vm4 =	vmmov vm0;
	vm0 =	vmmov vm5;
	s17 =	sshrl.u32 s28, $0x1F;
	s20 =	sshrl.u32 s24, $0x1F;
	s16 =	smul.u32 $0x14F8B589, s31  }
0x1a5: {  	v5 =	vperm.xlane v5, v0;
	v7 =	vperm.xlane v57, v0;
	v4 =	vsel vm1, s29, v4;
	s29 =	sld [smem:$0x74D];
	s31 =	sshrl.u32 s7, $0x1F;
	s7 =	sshra.s32 s7, $0x1F  }
0x1a6: {  	vm5 =	vmmov vm9;
	v6 =	vperm.xlane v6, v1;
	v4 =	vsel vm9, s13, v4;
	s12 =	sshrl.u32 s21, $0x1F;
	s13 =	sshrl.u32 s14, $0x1F;
	s16 =	sadd.s32 s16, s10  }
0x1a7: {  	vm9 =	vcmask $0x3734;
	s6 =	sadd.s32 s6, s15;
	v60 =	vmov s31;
	v4 =	vsel vm2, s25, v4;
	s25 =	sld [smem:$0x750];
	s10 =	sshra.s32 s16, $0x1F  }
0x1a8: {  	v10 =	vnsel vm11, $0x0, v60;
	s30 =	sshrl.u32 s29, $0x1F;
	v4 =	vsel vm9, s5, v4;
	s5 =	smulhi.u32 $0x14F8B589, s4;
	s4 =	sshra.s32 s4, $0x1F;
	v59 =	vmov s10  }
0x1a9: {  	s15 =	sshra.s32 s9, $0x1F;
	v4 =	vsel vm0, s1, v4;
	v58 =	vmov s30;
	s1 =	sshrl.u32 s9, $0x1F;
	s4 =	smul.u32 $0x14F8B589, s4;
	v9 =	vsel vm11, s23, v59  }
0x1aa: {  	v5 =	vsel vm14, v6, v5;
	s30 =	sshra.s32 s9, $0xD;
	v8 =	vsel vm12, s3, v58;
	s3 =	smulhi.u32 $0x14F8B589, s18;
	s18 =	sshra.s32 s18, $0x1F;
	v9 =	vsel vm7, s7, v9  }
0x1ab: {  	s31 =	sshrl.u32 s6, $0x1F;
	s19 =	sshrl.u32 s25, $0x1F;
	v4 =	vperm.xlane v4, v1;
	v10 =	vsel vm12, s1, v10;
	s11 =	smul.u32 $0x14F8B589, s18;
	v9 =	vsel vm12, s30, v9  }
0x1ac: {  	s10 =	sshrl.u32 s8, $0x1F;
	s23 =	sshra.s32 s8, $0xD;
	v8 =	vsel vm13, s12, v8;
	s18 =	smulhi.u32 $0x14F8B589, s2;
	v61 =	vmov s19;
	v9 =	vsel vm6, s15, v9  }
0x1ad: {  	s2 =	sshra.s32 s2, $0x1F;
	v10 =	vsel vm13, s10, v10;
	s4 =	sadd.s32 s4, s5;
	v8 =	vsel vm15, s13, v8;
	s30 =	sshra.s32 s8, $0x1F;
	v9 =	vsel vm13, s23, v9  }
0x1ae: {  	s7 =	sshra.s32 s6, $0xD;
	s10 =	sshra.s32 s6, $0x1F;
	v11 =	vsel vm12, s17, v61;
	v10 =	vsel vm15, s31, v10;
	s13 =	sshra.s32 s29, $0xD;
	v9 =	vsel vm4, s30, v9  }
0x1af: {  	s2 =	smul.u32 $0x14F8B589, s2;
	s3 =	sadd.s32 s11, s3;
	v11 =	vsel vm13, s20, v11;
	s15 =	sshra.s32 s25, $0xD;
	v62 =	vmov s13;
	v9 =	vsel vm15, s7, v9  }
0x1b0: {  	s19 =	sshra.s32 s28, $0xD;
	s31 =	sshrl.u32 s3, $0x1F;
	v11 =	vsel vm15, s0, v11;
	s12 =	sshra.s32 s3, $0xD;
	v63 =	vmov s15;
	v9 =	vsel vm8, s10, v9  }
0x1b1: {  	s1 =	sadd.s32 s2, s18;
	s17 =	sshra.s32 s3, $0x1F;
	s18 =	sshra.s32 s26, $0xD;
	v10 =	vsel vm3, s31, v10;
	v8 =	vcombine.low v11, v8;
	v9 =	vsel vm3, s12, v9  }
0x1b2: {  	s9 =	sshrl.u32 s4, $0x1F;
	s20 =	sshra.s32 s4, $0xD;
	s23 =	sshra.s32 s21, $0xD;
	v11 =	vsel vm12, s18, v62;
	v12 =	vsel vm12, s19, v63;
	v9 =	vsel vm10, s17, v9  }
0x1b3: {  	s25 =	sshra.s32 s24, $0xD;
	s26 =	sshra.s32 s4, $0x1F;
	s11 =	sshrl.u32 s1, $0x1F;
	v10 =	vsel vm1, s9, v10;
	v11 =	vsel vm13, s23, v11;
	v9 =	vsel vm1, s20, v9  }
0x1b4: {  	s28 =	sshra.s32 s14, $0xD;
	s29 =	sshra.s32 s22, $0xD;
	s30 =	sshra.s32 s1, $0xD;
	v12 =	vsel vm13, s25, v12;
	v10 =	vsel vm2, s11, v10;
	v9 =	vsel vm5, s26, v9  }
0x1b5: {  	s31 =	sshrl.u32 s16, $0x1F;
	s3 =	sshra.s32 s1, $0x1F;
	v11 =	vsel vm15, s28, v11;
	v12 =	vsel vm15, s29, v12;
	v9 =	vsel vm2, s30, v9  }
0x1b6: {  	s4 =	sshra.s32 s16, $0xD;
	v10 =	vsel vm0, s31, v10;
	v11 =	vcombine.low v12, v11;
	v9 =	vsel vm9, s3, v9  }
0x1b7: {  	v8 =	vperm.xlane v8, v0;
	v10 =	vperm.xlane v10, v1;
	v9 =	vsel vm0, s4, v9  }
0x1b8: {  	v4 =	vsel vm14, v4, v7;
	v11 =	vperm.xlane v11, v0;
	v9 =	vperm.xlane v9, v1  }
0x1b9: {  	v4 =	vadd.s32 v5, v4  }
0x1ba: {  	v4 =	vmul.u32 $0x186A0, v4;
	v10 =	vsel vm14, v10, v8;
	v11 =	vsel vm14, v9, v11  }
0x1bb: {  	v5 =	vadd.s32 v10, v11  }
0x1bc: {  	v2 =	vsub.s32 v2, v4;
	v5 =	vmul.u32 $0x186A0, v5  }
0x1bd: {  	vm8 =	vmmov vm3;
	v4 =	vadd.s32 $0x186A0, v2;
	vm3 =	vmmov vm1  }
0x1be: {  	vm1 =	vmmov vm2;
	vm2 =	vlt.s32 v2, $0x0;
	v3 =	vsub.s32 v3, v5  }
0x1bf: {  	v2 =	vsel vm2, v4, v2;
	vm9 =	vlt.s32 v3, $0x0;
	v12 =	vadd.s32 $0x186A0, v3  }
0x1c0: {  	s5 =	rddreg [dreg:$0x12];
	[tilespmem:$0x280] =	vst v2;
	v2 =	vsel vm9, v12, v3  }
0x1c1: {  	s6 =	simm.s32 $0x2700;
	s8 =	simm.s32 $0x20;
	s7 =	rddreg [dreg:$0x1];
	[tilespmem:$0x290] =	vst v2  }
0x1c2: {  	[tilespmem:s6], [sflag:$0x3] =	stream.indirect.gather [hbm4b:s7+s8], $0x80, s5, s8, $0xb8;
	[tilespmem:$0xB700] =	vst v63  }
0x1c3: {  	v2 =	vld [tilespmem:$0x67]  }
0x1c4: {  	v13 =	vld [tilespmem:$0x1FFB0];
	_ =	sdelay $0x1  }
0x1c5: {  	v3 =	vld [tilespmem:$0x68];
	_ =	sdelay $0x1  }
0x1c6: {  	v2 =	vmul.u32 $0xF4243, v2  }
0x1c7: {  	vm10 =	vnez.u8 v13  }
0x1c8: {  	v2 =	vsel vm10, $0x0, v2  }
0x1c9: {  	v2 =	vadd.s32 v3, v2  }
0x1ca: {  	(v2sf) =	vpush v2, $0xD;
	_ =	sdelay $0x1  }
0x1cb: {  	(v2sf) =	vpush v2, $0xC;
	_ =	sdelay $0x1  }
0x1cc: {  	(v2sf) =	vpush v2, $0xE;
	_ =	sdelay $0x1  }
0x1cd: {  	(v2sf) =	vpush v2, $0xF;
	_ =	sdelay $0x1  }
0x1ce: {  	(v2sf) =	vpush v2, $0x9;
	_ =	sdelay $0x1  }
0x1cf: {  	(v2sf) =	vpush v2, $0x8;
	_ =	sdelay $0x1  }
0x1d0: {  	(v2sf) =	vpush v2, $0xA;
	_ =	sdelay $0x1  }
0x1d1: {  	(v2sf) =	vpush v2, $0xB  }
0x1d2: {  	s1 =	spop (v2sf)  }
0x1d3: {  	s0 =	smulhi.u32 $0x14F8B589, s1;
	s1 =	sshra.s32 s1, $0x1F;
	(v2sf) =	vpush v2, $0x0  }
0x1d4: {  	s9 =	spop (v2sf);
	s19 =	smul.u32 $0x14F8B589, s1  }
0x1d5: {  	s1 =	smulhi.u32 $0x14F8B589, s9;
	s2 =	sshra.s32 s9, $0x1F;
	(v2sf) =	vpush v2, $0x1  }
0x1d6: {  	s10 =	spop (v2sf);
	s22 =	smul.u32 $0x14F8B589, s2  }
0x1d7: {  	s7 =	smulhi.u32 $0x14F8B589, s10;
	s2 =	sshra.s32 s10, $0x1F;
	(v2sf) =	vpush v2, $0x2  }
0x1d8: {  	s11 =	spop (v2sf);
	s5 =	smul.u32 $0x14F8B589, s2  }
0x1d9: {  	s8 =	smulhi.u32 $0x14F8B589, s11;
	s2 =	sshra.s32 s11, $0x1F;
	(v2sf) =	vpush v2, $0x3  }
0x1da: {  	s12 =	spop (v2sf);
	s10 =	smul.u32 $0x14F8B589, s2;
	(v2sf) =	vpush v2, $0x4  }
0x1db: {  	s9 =	smulhi.u32 $0x14F8B589, s12;
	s2 =	sshra.s32 s12, $0x1F  }
0x1dc: {  	v3 =	vld [tilespmem:$0x77];
	s13 =	spop (v2sf);
	s3 =	smul.u32 $0x14F8B589, s2;
	(v2sf) =	vpush v2, $0x5  }
0x1dd: {  	s11 =	smulhi.u32 $0x14F8B589, s13;
	s2 =	sshra.s32 s13, $0x1F  }
0x1de: {  	v14 =	vld [tilespmem:$0x78];
	s14 =	spop (v2sf);
	s23 =	smul.u32 $0x14F8B589, s2  }
0x1df: {  	s12 =	smulhi.u32 $0x14F8B589, s14;
	s2 =	sshra.s32 s14, $0x1F;
	(v2sf) =	vpush v2, $0x6  }
0x1e0: {  	s15 =	spop (v2sf);
	s24 =	smul.u32 $0x14F8B589, s2  }
0x1e1: {  	v3 =	vmul.u32 $0xF4243, v3;
	s16 =	smulhi.u32 $0x14F8B589, s15;
	s2 =	sshra.s32 s15, $0x1F;
	(v2sf) =	vpush v2, $0x7  }
0x1e2: {  	s0 =	sadd.s32 s19, s0;
	s29 =	smul.u32 $0x14F8B589, s2;
	s17 =	spop (v2sf)  }
0x1e3: {  	[smem:$0x761] =	sst s0;
	v3 =	vadd.s32 v14, v3;
	s18 =	smulhi.u32 $0x14F8B589, s17;
	s2 =	sshra.s32 s17, $0x1F  }
0x1e4: {  	(v2sf) =	vpush v3, $0xD;
	s20 =	spop (v2sf);
	s4 =	smul.u32 $0x14F8B589, s2  }
0x1e5: {  	[smem:$0x753] =	sst s16;
	s21 =	smulhi.u32 $0x14F8B589, s20;
	s2 =	sshra.s32 s20, $0x1F  }
0x1e6: {  	(v2sf) =	vpush v3, $0xC;
	s25 =	spop (v2sf);
	s6 =	smul.u32 $0x14F8B589, s2  }
0x1e7: {  	[smem:$0x754] =	sst s18;
	s26 =	smulhi.u32 $0x14F8B589, s25  }
0x1e8: {  	(v2sf) =	vpush v3, $0xE;
	s28 =	spop (v2sf);
	[smem:$0x755] =	sst s21  }
0x1e9: {  	s2 =	sshra.s32 s25, $0x1F;
	s30 =	smulhi.u32 $0x14F8B589, s28;
	s31 =	spop (v2sf)  }
0x1ea: {  	[smem:$0x756] =	sst s26;
	s26 =	smul.u32 $0x14F8B589, s2  }
0x1eb: {  	(v2sf) =	vpush v3, $0xF;
	s2 =	sshra.s32 s28, $0x1F;
	s14 =	smulhi.u32 $0x14F8B589, s31;
	s15 =	spop (v2sf)  }
0x1ec: {  	s13 =	sadd.s32 s3, s9;
	s9 =	sld [smem:$0x755];
	s21 =	smul.u32 $0x14F8B589, s2  }
0x1ed: {  	(v2sf) =	vpush v3, $0x9;
	[smem:$0x757] =	sst s30;
	s2 =	sshra.s32 s31, $0x1F;
	s16 =	smulhi.u32 $0x14F8B589, s15  }
0x1ee: {  	s17 =	spop (v2sf);
	s20 =	smul.u32 $0x14F8B589, s2  }
0x1ef: {  	(v2sf) =	vpush v3, $0x8;
	[smem:$0x758] =	sst s14;
	s2 =	sshra.s32 s15, $0x1F;
	s25 =	smulhi.u32 $0x14F8B589, s17  }
0x1f0: {  	s28 =	spop (v2sf);
	s18 =	smul.u32 $0x14F8B589, s2  }
0x1f1: {  	(v2sf) =	vpush v3, $0xA;
	[smem:$0x759] =	sst s16;
	s2 =	sshra.s32 s17, $0x1F;
	s30 =	smulhi.u32 $0x14F8B589, s28  }
0x1f2: {  	[smem:$0x75A] =	sst s25;
	s17 =	smul.u32 $0x14F8B589, s2;
	s2 =	sshra.s32 s28, $0x1F  }
0x1f3: {  	s16 =	smul.u32 $0x14F8B589, s2;
	s31 =	spop (v2sf)  }
0x1f4: {  	[smem:$0x75B] =	sst s30;
	s14 =	smulhi.u32 $0x14F8B589, s31;
	s2 =	sshra.s32 s31, $0x1F  }
0x1f5: {  	(v2sf) =	vpush v3, $0xB;
	s19 =	spop (v2sf);
	s15 =	smul.u32 $0x14F8B589, s2  }
0x1f6: {  	s28 =	sadd.s32 s22, s1;
	s22 =	smulhi.u32 $0x14F8B589, s19;
	[smem:$0x75C] =	sst s14  }
0x1f7: {  	s2 =	sshra.s32 s19, $0x1F;
	s30 =	spop (v2sf);
	[smem:$0x75D] =	sst s15  }
0x1f8: {  	s25 =	smul.u32 $0x14F8B589, s2;
	[smem:$0x75E] =	sst s22  }
0x1f9: {  	(v2sf) =	vpush v3, $0x0;
	s31 =	smulhi.u32 $0x14F8B589, s30;
	s22 =	sadd.s32 s5, s7;
	s5 =	sld [smem:$0x753]  }
0x1fa: {  	s0 =	sshra.s32 s30, $0x1F;
	s2 =	spop (v2sf);
	s7 =	sld [smem:$0x754]  }
0x1fb: {  	s15 =	sadd.s32 s10, s8;
	s30 =	smulhi.u32 $0x14F8B589, s2;
	s10 =	sld [smem:$0x756]  }
0x1fc: {  	s23 =	sadd.s32 s23, s11;
	s3 =	spop (v2sf);
	[smem:$0x75F] =	sst s25  }
0x1fd: {  	s24 =	sadd.s32 s24, s12;
	[smem:$0x760] =	sst s31;
	s25 =	smul.u32 $0x14F8B589, s0  }
0x1fe: {  	s0 =	sshra.s32 s2, $0x1F;
	s19 =	smulhi.u32 $0x14F8B589, s3;
	s8 =	spop (v2sf)  }
0x1ff: {  	s2 =	sld [smem:$0x757];
	s14 =	smul.u32 $0x14F8B589, s0;
	s0 =	sshra.s32 s3, $0x1F  }
0x200: {  	s6 =	sadd.s32 s6, s9;
	s31 =	spop (v2sf);
	s12 =	smul.u32 $0x14F8B589, s0  }
0x201: {  	s0 =	sshra.s32 s8, $0x1F;
	s26 =	sadd.s32 s26, s10;
	s10 =	smulhi.u32 $0x14F8B589, s31  }
0x202: {  	s9 =	smul.u32 $0x14F8B589, s0;
	s0 =	sshra.s32 s31, $0x1F;
	s31 =	sld [smem:$0x75A]  }
0x203: {  	(v2sf) =	vpush v3, $0x1;
	s11 =	smulhi.u32 $0x14F8B589, s8;
	s4 =	sadd.s32 s4, s7;
	s7 =	sld [smem:$0x759]  }
0x204: {  	s3 =	sld [smem:$0x758];
	s29 =	sadd.s32 s29, s5;
	s5 =	spop (v2sf)  }
0x205: {  	(v2sf) =	vpush v3, $0x2;
	s8 =	smul.u32 $0x14F8B589, s0;
	s17 =	sadd.s32 s17, s31;
	s31 =	sld [smem:$0x75B]  }
0x206: {  	s0 =	sshra.s32 s5, $0x1F;
	s18 =	sadd.s32 s18, s7;
	s7 =	smulhi.u32 $0x14F8B589, s5  }
0x207: {  	s21 =	sadd.s32 s21, s2;
	s20 =	sadd.s32 s20, s3;
	s5 =	smul.u32 $0x14F8B589, s0  }
0x208: {  	s16 =	sadd.s32 s16, s31;
	s31 =	sld [smem:$0x75D];
	s2 =	spop (v2sf)  }
0x209: {  	s3 =	smulhi.u32 $0x14F8B589, s2;
	s0 =	sshra.s32 s2, $0x1F;
	s2 =	sld [smem:$0x75C]  }
0x20a: {  	s12 =	sadd.s32 s12, s19  }
0x20b: {  	[smem:$0x765] =	sst s12  }
0x20c: {  	s1 =	sadd.s32 s31, s2;
	s31 =	sld [smem:$0x75F]  }
0x20d: {  	[smem:$0x762] =	sst s1  }
0x20e: {  	s9 =	sadd.s32 s9, s11;
	s1 =	sld [smem:$0x75E]  }
0x20f: {  	[smem:$0x766] =	sst s9;
	s19 =	sadd.s32 s8, s10  }
0x210: {  	s14 =	sadd.s32 s14, s30;
	[smem:$0x767] =	sst s19  }
0x211: {  	s12 =	sshrl.u32 s28, $0x1F;
	s1 =	sadd.s32 s31, s1;
	s31 =	sld [smem:$0x760]  }
0x212: {  	s10 =	sshra.s32 s28, $0xD;
	s2 =	smul.u32 $0x14F8B589, s0;
	s0 =	spop (v2sf)  }
0x213: {  	s28 =	sshra.s32 s13, $0xD;
	[smem:$0x763] =	sst s1;
	s1 =	smulhi.u32 $0x14F8B589, s0  }
0x214: {  	s0 =	sshra.s32 s0, $0x1F;
	s25 =	sadd.s32 s25, s31;
	s31 =	spop (v2sf)  }
0x215: {  	(v2sf) =	vpush v3, $0x3;
	v16 =	vmov s12;
	s12 =	sshra.s32 s26, $0xD;
	[smem:$0x764] =	sst s25;
	s25 =	smul.u32 $0x14F8B589, s0  }
0x216: {  	(v2sf) =	vpush v3, $0x4;
	s19 =	sshra.s32 s15, $0xD;
	s30 =	smulhi.u32 $0x14F8B589, s31;
	s0 =	sshra.s32 s31, $0x1F  }
0x217: {  	(v2sf) =	vpush v3, $0x5;
	s31 =	sadd.s32 s5, s7;
	s7 =	sadd.s32 s2, s3;
	s3 =	sld [smem:$0x761]  }
0x218: {  	(v2sf) =	vpush v3, $0x6;
	s5 =	sshra.s32 s16, $0x1F;
	s11 =	smul.u32 $0x14F8B589, s0;
	[smem:$0x768] =	sst s31  }
0x219: {  	(v2sf) =	vpush v3, $0x7;
	s31 =	sshrl.u32 s24, $0x1F;
	s24 =	sshra.s32 s24, $0xD;
	s0 =	sshra.s32 s4, $0xD  }
0x21a: {  	s9 =	sadd.s32 s25, s1;
	s1 =	sshrl.u32 s29, $0x1F;
	s8 =	sadd.s32 s11, s30  }
0x21b: {  	s2 =	sshrl.u32 s3, $0x1F;
	s11 =	sshra.s32 s3, $0xD;
	s30 =	sshrl.u32 s15, $0x1F  }
0x21c: {  	v15 =	vmov s5;
	s15 =	sshrl.u32 s13, $0x1F;
	s13 =	sshrl.u32 s23, $0x1F;
	s3 =	sshra.s32 s23, $0xD  }
0x21d: {  	vm2 =	vcmask $0xF0C;
	v4 =	vsel vm11, s0, v15;
	s23 =	sshra.s32 s29, $0xD;
	s29 =	sshrl.u32 s4, $0x1F;
	s4 =	sshra.s32 s4, $0x1F  }
0x21e: {  	v19 =	vmov s10;
	s5 =	sshrl.u32 s6, $0x1F;
	s25 =	sshrl.u32 s22, $0x1F;
	s22 =	sshra.s32 s22, $0xD;
	v17 =	vmov s29;
	v4 =	vsel vm7, s4, v4  }
0x21f: {  	s0 =	sshra.s32 s6, $0xD;
	s4 =	sshra.s32 s6, $0x1F;
	s6 =	sshrl.u32 s26, $0x1F;
	v5 =	vsel vm12, s2, v16;
	v18 =	vmov s13;
	v8 =	vsel vm12, s11, v19  }
0x220: {  	s29 =	sshrl.u32 s21, $0x1F;
	s13 =	sshra.s32 s18, $0x1F;
	v20 =	vmov s3;
	v4 =	vsel vm12, s0, v4;
	v6 =	vnsel vm11, $0x0, v17;
	s0 =	sshra.s32 s26, $0x1F  }
0x221: {  	s26 =	sshra.s32 s21, $0xD;
	v5 =	vsel vm13, s25, v5;
	s25 =	sshrl.u32 s20, $0x1F;
	v7 =	vsel vm12, s15, v18;
	v9 =	vsel vm12, s28, v20;
	s28 =	sld [smem:$0x765]  }
0x222: {  	v8 =	vsel vm13, s22, v8;
	s22 =	sld [smem:$0x768];
	v6 =	vsel vm12, s5, v6;
	v4 =	vsel vm2, s4, v4;
	s5 =	sshra.s32 s21, $0x1F;
	s21 =	sshra.s32 s20, $0xD  }
0x223: {  	v5 =	vsel vm15, s30, v5;
	s30 =	sshrl.u32 s17, $0x1F;
	v7 =	vsel vm13, s31, v7;
	s31 =	sshrl.u32 s16, $0x1F;
	v9 =	vsel vm13, s24, v9;
	s24 =	sld [smem:$0x767]  }
0x224: {  	v6 =	vsel vm13, s6, v6;
	v4 =	vsel vm13, s12, v4;
	s6 =	sshra.s32 s20, $0x1F;
	s12 =	sshrl.u32 s18, $0x1F;
	s20 =	spop (v2sf)  }
0x225: {  	vm6 =	vmmov vm4;
	v7 =	vsel vm15, s1, v7;
	s1 =	sshra.s32 s16, $0xD;
	v6 =	vsel vm15, s29, v6;
	s29 =	sshra.s32 s18, $0xD;
	s18 =	spop (v2sf)  }
0x226: {  	vm10 =	vmmov vm8;
	v9 =	vsel vm15, s23, v9;
	s23 =	sshra.s32 s7, $0xD;
	v4 =	vsel vm6, s0, v4;
	s15 =	smulhi.u32 $0x14F8B589, s20;
	s4 =	spop (v2sf)  }
0x227: {  	s20 =	sshra.s32 s20, $0x1F;
	v6 =	vsel vm8, s25, v6;
	v4 =	vsel vm15, s26, v4;
	vm8 =	vcmask $0x1F1C;
	s26 =	sld [smem:$0x762];
	s2 =	spop (v2sf)  }
0x228: {  	s25 =	sshra.s32 s17, $0xD;
	v6 =	vsel vm3, s12, v6;
	v4 =	vsel vm8, s5, v4;
	s5 =	sshra.s32 s17, $0x1F;
	s17 =	spop (v2sf)  }
0x229: {  	vm9 =	vcmask $0x2724;
	s0 =	sshrl.u32 s22, $0x1F;
	v6 =	vsel vm1, s30, v6;
	v4 =	vsel vm10, s21, v4;
	s21 =	sld [smem:$0x764];
	s10 =	smulhi.u32 $0x14F8B589, s17  }
0x22a: {  	v8 =	vsel vm15, s19, v8;
	v6 =	vsel vm0, s31, v6;
	v4 =	vsel vm9, s6, v4;
	s31 =	sshra.s32 s17, $0x1F;
	s3 =	sshrl.u32 s26, $0x1F;
	s6 =	smul.u32 $0x14F8B589, s20  }
0x22b: {  	v5 =	vcombine.low v7, v5;
	v21 =	vcombine.low v9, v8;
	s17 =	sshrl.u32 s28, $0x1F;
	s20 =	sshrl.u32 s24, $0x1F;
	s16 =	smul.u32 $0x14F8B589, s31  }
0x22c: {  	vm4 =	vcmask $0x3734;
	v4 =	vsel vm3, s29, v4;
	s29 =	sld [smem:$0x763];
	s31 =	sshrl.u32 s7, $0x1F;
	s7 =	sshra.s32 s7, $0x1F  }
0x22d: {  	v5 =	vperm.xlane v5, v0;
	v7 =	vperm.xlane v21, v0;
	v4 =	vsel vm5, s13, v4;
	s12 =	sshrl.u32 s21, $0x1F;
	s13 =	sshrl.u32 s14, $0x1F;
	s16 =	sadd.s32 s16, s10  }
0x22e: {  	v6 =	vperm.xlane v6, v1;
	s6 =	sadd.s32 s6, s15;
	v24 =	vmov s31;
	v4 =	vsel vm1, s25, v4;
	s25 =	sld [smem:$0x766];
	s10 =	sshra.s32 s16, $0x1F  }
0x22f: {  	v10 =	vnsel vm11, $0x0, v24;
	s30 =	sshrl.u32 s29, $0x1F;
	v4 =	vsel vm4, s5, v4;
	s5 =	smulhi.u32 $0x14F8B589, s4;
	s4 =	sshra.s32 s4, $0x1F;
	v23 =	vmov s10  }
0x230: {  	s15 =	sshra.s32 s9, $0x1F;
	v4 =	vsel vm0, s1, v4;
	v22 =	vmov s30;
	s1 =	sshrl.u32 s9, $0x1F;
	s4 =	smul.u32 $0x14F8B589, s4;
	v9 =	vsel vm11, s23, v23  }
0x231: {  	v5 =	vsel vm14, v6, v5;
	s30 =	sshra.s32 s9, $0xD;
	v8 =	vsel vm12, s3, v22;
	s3 =	smulhi.u32 $0x14F8B589, s18;
	s18 =	sshra.s32 s18, $0x1F;
	v9 =	vsel vm7, s7, v9  }
0x232: {  	s31 =	sshrl.u32 s6, $0x1F;
	s19 =	sshrl.u32 s25, $0x1F;
	v4 =	vperm.xlane v4, v1;
	v10 =	vsel vm12, s1, v10;
	s11 =	smul.u32 $0x14F8B589, s18;
	v9 =	vsel vm12, s30, v9  }
0x233: {  	s10 =	sshrl.u32 s8, $0x1F;
	s23 =	sshra.s32 s8, $0xD;
	v8 =	vsel vm13, s12, v8;
	s18 =	smulhi.u32 $0x14F8B589, s2;
	v25 =	vmov s19;
	v9 =	vsel vm2, s15, v9  }
0x234: {  	s2 =	sshra.s32 s2, $0x1F;
	v10 =	vsel vm13, s10, v10;
	s4 =	sadd.s32 s4, s5;
	v8 =	vsel vm15, s13, v8;
	s30 =	sshra.s32 s8, $0x1F;
	v9 =	vsel vm13, s23, v9  }
0x235: {  	s7 =	sshra.s32 s6, $0xD;
	s10 =	sshra.s32 s6, $0x1F;
	v11 =	vsel vm12, s17, v25;
	v10 =	vsel vm15, s31, v10;
	s13 =	sshra.s32 s29, $0xD;
	v9 =	vsel vm6, s30, v9  }
0x236: {  	s2 =	smul.u32 $0x14F8B589, s2;
	s3 =	sadd.s32 s11, s3;
	v11 =	vsel vm13, s20, v11;
	s15 =	sshra.s32 s25, $0xD;
	v26 =	vmov s13;
	v9 =	vsel vm15, s7, v9  }
0x237: {  	s19 =	sshra.s32 s28, $0xD;
	s31 =	sshrl.u32 s3, $0x1F;
	v11 =	vsel vm15, s0, v11;
	s12 =	sshra.s32 s3, $0xD;
	v27 =	vmov s15;
	v9 =	vsel vm8, s10, v9  }
0x238: {  	s1 =	sadd.s32 s2, s18;
	s17 =	sshra.s32 s3, $0x1F;
	s18 =	sshra.s32 s26, $0xD;
	v10 =	vsel vm10, s31, v10;
	v8 =	vcombine.low v11, v8;
	v9 =	vsel vm10, s12, v9  }
0x239: {  	s9 =	sshrl.u32 s4, $0x1F;
	s20 =	sshra.s32 s4, $0xD;
	s23 =	sshra.s32 s21, $0xD;
	v11 =	vsel vm12, s18, v26;
	v12 =	vsel vm12, s19, v27;
	v9 =	vsel vm9, s17, v9  }
0x23a: {  	s25 =	sshra.s32 s24, $0xD;
	s26 =	sshra.s32 s4, $0x1F;
	s11 =	sshrl.u32 s1, $0x1F;
	v10 =	vsel vm3, s9, v10;
	v11 =	vsel vm13, s23, v11;
	v9 =	vsel vm3, s20, v9  }
0x23b: {  	s28 =	sshra.s32 s14, $0xD;
	s29 =	sshra.s32 s22, $0xD;
	s30 =	sshra.s32 s1, $0xD;
	v12 =	vsel vm13, s25, v12;
	v10 =	vsel vm1, s11, v10;
	v9 =	vsel vm5, s26, v9  }
0x23c: {  	s31 =	sshrl.u32 s16, $0x1F;
	s2 =	sshra.s32 s1, $0x1F;
	v11 =	vsel vm15, s28, v11;
	v12 =	vsel vm15, s29, v12;
	v9 =	vsel vm1, s30, v9  }
0x23d: {  	s3 =	sshra.s32 s16, $0xD;
	v10 =	vsel vm0, s31, v10;
	v11 =	vcombine.low v12, v11;
	v9 =	vsel vm4, s2, v9  }
0x23e: {  	v8 =	vperm.xlane v8, v0;
	v10 =	vperm.xlane v10, v1;
	v9 =	vsel vm0, s3, v9  }
0x23f: {  	v4 =	vsel vm14, v4, v7;
	v11 =	vperm.xlane v11, v0;
	v9 =	vperm.xlane v9, v1  }
0x240: {  	v4 =	vadd.s32 v5, v4  }
0x241: {  	v4 =	vmul.u32 $0x186A0, v4;
	v28 =	vsel vm14, v10, v8;
	v29 =	vsel vm14, v9, v11  }
0x242: {  	v5 =	vadd.s32 v28, v29  }
0x243: {  	v2 =	vsub.s32 v2, v4;
	v5 =	vmul.u32 $0x186A0, v5  }
0x244: {  	vm2 =	vmmov vm10;
	v4 =	vadd.s32 $0x186A0, v2  }
0x245: {  	vm10 =	vmmov vm1;
	vm1 =	vlt.s32 v2, $0x0;
	v3 =	vsub.s32 v3, v5  }
0x246: {  	v2 =	vsel vm1, v4, v2;
	vm1 =	vlt.s32 v3, $0x0;
	v30 =	vadd.s32 $0x186A0, v3  }
0x247: {  	s6 =	rddreg [dreg:$0x1];
	[tilespmem:$0x300] =	vst v2;
	v2 =	vsel vm1, v30, v3  }
0x248: {  	s5 =	simm.s32 $0x3700;
	s4 =	rddreg [dreg:$0x13];
	s7 =	simm.s32 $0x20;
	[tilespmem:$0x310] =	vst v2  }
0x249: {  	[tilespmem:s5], [sflag:$0x4] =	stream.indirect.gather [hbm4b:s6+s7], $0x80, s4, s7, $0xb8;
	[tilespmem:$0xB700] =	vst v63  }
0x24a: {  	v2 =	vld [tilespmem:$0x87]  }
0x24b: {  	v31 =	vld [tilespmem:$0x1FFA0];
	_ =	sdelay $0x1  }
0x24c: {  	v3 =	vld [tilespmem:$0x88];
	_ =	sdelay $0x1  }
0x24d: {  	v2 =	vmul.u32 $0xF4243, v2  }
0x24e: {  	vm1 =	vnez.u8 v31  }
0x24f: {  	v2 =	vsel vm1, $0x0, v2  }
0x250: {  	v2 =	vadd.s32 v3, v2  }
0x251: {  	(v2sf) =	vpush v2, $0xD;
	_ =	sdelay $0x1  }
0x252: {  	(v2sf) =	vpush v2, $0xC;
	_ =	sdelay $0x1  }
0x253: {  	(v2sf) =	vpush v2, $0xE;
	_ =	sdelay $0x1  }
0x254: {  	(v2sf) =	vpush v2, $0xF;
	_ =	sdelay $0x1  }
0x255: {  	(v2sf) =	vpush v2, $0x9;
	_ =	sdelay $0x1  }
0x256: {  	(v2sf) =	vpush v2, $0x8;
	_ =	sdelay $0x1  }
0x257: {  	(v2sf) =	vpush v2, $0xA;
	_ =	sdelay $0x1  }
0x258: {  	(v2sf) =	vpush v2, $0xB  }
0x259: {  	s8 =	spop (v2sf)  }
0x25a: {  	(v2sf) =	vpush v2, $0x0;
	s0 =	smulhi.u32 $0x14F8B589, s8;
	s1 =	sshra.s32 s8, $0x1F  }
0x25b: {  	s9 =	spop (v2sf);
	s19 =	smul.u32 $0x14F8B589, s1  }
0x25c: {  	(v2sf) =	vpush v2, $0x1;
	s1 =	smulhi.u32 $0x14F8B589, s9;
	s2 =	sshra.s32 s9, $0x1F  }
0x25d: {  	s10 =	spop (v2sf);
	s22 =	smul.u32 $0x14F8B589, s2  }
0x25e: {  	(v2sf) =	vpush v2, $0x2;
	s7 =	smulhi.u32 $0x14F8B589, s10;
	s2 =	sshra.s32 s10, $0x1F  }
0x25f: {  	s11 =	spop (v2sf);
	s5 =	smul.u32 $0x14F8B589, s2  }
0x260: {  	(v2sf) =	vpush v2, $0x3;
	s8 =	smulhi.u32 $0x14F8B589, s11;
	s2 =	sshra.s32 s11, $0x1F  }
0x261: {  	s12 =	spop (v2sf);
	(v2sf) =	vpush v2, $0x4;
	s10 =	smul.u32 $0x14F8B589, s2  }
0x262: {  	s9 =	smulhi.u32 $0x14F8B589, s12;
	s2 =	sshra.s32 s12, $0x1F  }
0x263: {  	v3 =	vld [tilespmem:$0x97];
	s13 =	spop (v2sf);
	(v2sf) =	vpush v2, $0x5;
	s3 =	smul.u32 $0x14F8B589, s2  }
0x264: {  	s11 =	smulhi.u32 $0x14F8B589, s13;
	s2 =	sshra.s32 s13, $0x1F  }
0x265: {  	v32 =	vld [tilespmem:$0x98];
	s14 =	spop (v2sf);
	s23 =	smul.u32 $0x14F8B589, s2  }
0x266: {  	(v2sf) =	vpush v2, $0x6;
	s12 =	smulhi.u32 $0x14F8B589, s14;
	s2 =	sshra.s32 s14, $0x1F  }
0x267: {  	s15 =	spop (v2sf);
	s24 =	smul.u32 $0x14F8B589, s2  }
0x268: {  	v3 =	vmul.u32 $0xF4243, v3;
	(v2sf) =	vpush v2, $0x7;
	s16 =	smulhi.u32 $0x14F8B589, s15;
	s2 =	sshra.s32 s15, $0x1F  }
0x269: {  	s0 =	sadd.s32 s19, s0;
	s29 =	smul.u32 $0x14F8B589, s2;
	s17 =	spop (v2sf)  }
0x26a: {  	v3 =	vadd.s32 v32, v3;
	[smem:$0x777] =	sst s0;
	s18 =	smulhi.u32 $0x14F8B589, s17;
	s2 =	sshra.s32 s17, $0x1F  }
0x26b: {  	(v2sf) =	vpush v3, $0xD;
	s20 =	spop (v2sf);
	s4 =	smul.u32 $0x14F8B589, s2  }
0x26c: {  	[smem:$0x769] =	sst s16;
	s21 =	smulhi.u32 $0x14F8B589, s20;
	s2 =	sshra.s32 s20, $0x1F  }
0x26d: {  	(v2sf) =	vpush v3, $0xC;
	s25 =	spop (v2sf);
	s6 =	smul.u32 $0x14F8B589, s2  }
0x26e: {  	[smem:$0x76A] =	sst s18;
	s26 =	smulhi.u32 $0x14F8B589, s25  }
0x26f: {  	(v2sf) =	vpush v3, $0xE;
	s28 =	spop (v2sf);
	[smem:$0x76B] =	sst s21  }
0x270: {  	s2 =	sshra.s32 s25, $0x1F;
	s30 =	smulhi.u32 $0x14F8B589, s28;
	s31 =	spop (v2sf)  }
0x271: {  	[smem:$0x76C] =	sst s26;
	s26 =	smul.u32 $0x14F8B589, s2  }
0x272: {  	(v2sf) =	vpush v3, $0xF;
	s2 =	sshra.s32 s28, $0x1F;
	s14 =	smulhi.u32 $0x14F8B589, s31;
	s15 =	spop (v2sf)  }
0x273: {  	s13 =	sadd.s32 s3, s9;
	s9 =	sld [smem:$0x76B];
	s21 =	smul.u32 $0x14F8B589, s2  }
0x274: {  	(v2sf) =	vpush v3, $0x9;
	[smem:$0x76D] =	sst s30;
	s2 =	sshra.s32 s31, $0x1F;
	s16 =	smulhi.u32 $0x14F8B589, s15  }
0x275: {  	s17 =	spop (v2sf);
	s20 =	smul.u32 $0x14F8B589, s2  }
0x276: {  	(v2sf) =	vpush v3, $0x8;
	[smem:$0x76E] =	sst s14;
	s2 =	sshra.s32 s15, $0x1F;
	s25 =	smulhi.u32 $0x14F8B589, s17  }
0x277: {  	s28 =	spop (v2sf);
	s18 =	smul.u32 $0x14F8B589, s2  }
0x278: {  	(v2sf) =	vpush v3, $0xA;
	[smem:$0x76F] =	sst s16;
	s2 =	sshra.s32 s17, $0x1F;
	s30 =	smulhi.u32 $0x14F8B589, s28  }
0x279: {  	[smem:$0x770] =	sst s25;
	s17 =	smul.u32 $0x14F8B589, s2;
	s2 =	sshra.s32 s28, $0x1F  }
0x27a: {  	s16 =	smul.u32 $0x14F8B589, s2;
	s31 =	spop (v2sf)  }
0x27b: {  	[smem:$0x771] =	sst s30;
	s14 =	smulhi.u32 $0x14F8B589, s31;
	s2 =	sshra.s32 s31, $0x1F  }
0x27c: {  	(v2sf) =	vpush v3, $0xB;
	s19 =	spop (v2sf);
	s15 =	smul.u32 $0x14F8B589, s2  }
0x27d: {  	s28 =	sadd.s32 s22, s1;
	s22 =	smulhi.u32 $0x14F8B589, s19;
	[smem:$0x772] =	sst s14  }
0x27e: {  	s2 =	sshra.s32 s19, $0x1F;
	s30 =	spop (v2sf);
	[smem:$0x773] =	sst s15  }
0x27f: {  	s25 =	smul.u32 $0x14F8B589, s2;
	[smem:$0x774] =	sst s22  }
0x280: {  	(v2sf) =	vpush v3, $0x0;
	s31 =	smulhi.u32 $0x14F8B589, s30;
	s22 =	sadd.s32 s5, s7;
	s5 =	sld [smem:$0x769]  }
0x281: {  	s0 =	sshra.s32 s30, $0x1F;
	s2 =	spop (v2sf);
	s7 =	sld [smem:$0x76A]  }
0x282: {  	s15 =	sadd.s32 s10, s8;
	s30 =	smulhi.u32 $0x14F8B589, s2;
	s10 =	sld [smem:$0x76C]  }
0x283: {  	s23 =	sadd.s32 s23, s11;
	s3 =	spop (v2sf);
	[smem:$0x775] =	sst s25  }
0x284: {  	s24 =	sadd.s32 s24, s12;
	[smem:$0x776] =	sst s31;
	s25 =	smul.u32 $0x14F8B589, s0  }
0x285: {  	s0 =	sshra.s32 s2, $0x1F;
	s19 =	smulhi.u32 $0x14F8B589, s3;
	s8 =	spop (v2sf)  }
0x286: {  	s2 =	sld [smem:$0x76D];
	s14 =	smul.u32 $0x14F8B589, s0;
	s0 =	sshra.s32 s3, $0x1F  }
0x287: {  	s6 =	sadd.s32 s6, s9;
	s31 =	spop (v2sf);
	s12 =	smul.u32 $0x14F8B589, s0  }
0x288: {  	s0 =	sshra.s32 s8, $0x1F;
	s26 =	sadd.s32 s26, s10;
	s10 =	smulhi.u32 $0x14F8B589, s31  }
0x289: {  	s9 =	smul.u32 $0x14F8B589, s0;
	s0 =	sshra.s32 s31, $0x1F;
	s31 =	sld [smem:$0x770]  }
0x28a: {  	(v2sf) =	vpush v3, $0x1;
	s11 =	smulhi.u32 $0x14F8B589, s8;
	s4 =	sadd.s32 s4, s7;
	s7 =	sld [smem:$0x76F]  }
0x28b: {  	s3 =	sld [smem:$0x76E];
	s29 =	sadd.s32 s29, s5;
	s5 =	spop (v2sf)  }
0x28c: {  	(v2sf) =	vpush v3, $0x2;
	s8 =	smul.u32 $0x14F8B589, s0;
	s17 =	sadd.s32 s17, s31;
	s31 =	sld [smem:$0x771]  }
0x28d: {  	s0 =	sshra.s32 s5, $0x1F;
	s18 =	sadd.s32 s18, s7;
	s7 =	smulhi.u32 $0x14F8B589, s5  }
0x28e: {  	s21 =	sadd.s32 s21, s2;
	s20 =	sadd.s32 s20, s3;
	s5 =	smul.u32 $0x14F8B589, s0  }
0x28f: {  	s16 =	sadd.s32 s16, s31;
	s31 =	sld [smem:$0x773];
	s2 =	spop (v2sf)  }
0x290: {  	s3 =	smulhi.u32 $0x14F8B589, s2;
	s0 =	sshra.s32 s2, $0x1F;
	s2 =	sld [smem:$0x772]  }
0x291: {  	s12 =	sadd.s32 s12, s19  }
0x292: {  	[smem:$0x77B] =	sst s12  }
0x293: {  	s1 =	sadd.s32 s31, s2;
	s31 =	sld [smem:$0x775]  }
0x294: {  	[smem:$0x778] =	sst s1  }
0x295: {  	s9 =	sadd.s32 s9, s11;
	s1 =	sld [smem:$0x774]  }
0x296: {  	[smem:$0x77C] =	sst s9;
	s19 =	sadd.s32 s8, s10  }
0x297: {  	s14 =	sadd.s32 s14, s30;
	[smem:$0x77D] =	sst s19  }
0x298: {  	s12 =	sshrl.u32 s28, $0x1F;
	s1 =	sadd.s32 s31, s1;
	s31 =	sld [smem:$0x776]  }
0x299: {  	s10 =	sshra.s32 s28, $0xD;
	s2 =	smul.u32 $0x14F8B589, s0;
	s0 =	spop (v2sf)  }
0x29a: {  	s28 =	sshra.s32 s13, $0xD;
	[smem:$0x779] =	sst s1;
	s1 =	smulhi.u32 $0x14F8B589, s0  }
0x29b: {  	s0 =	sshra.s32 s0, $0x1F;
	s25 =	sadd.s32 s25, s31;
	s31 =	spop (v2sf)  }
0x29c: {  	(v2sf) =	vpush v3, $0x3;
	v34 =	vmov s12;
	s12 =	sshra.s32 s26, $0xD;
	[smem:$0x77A] =	sst s25;
	s25 =	smul.u32 $0x14F8B589, s0  }
0x29d: {  	(v2sf) =	vpush v3, $0x4;
	s19 =	sshra.s32 s15, $0xD;
	s30 =	smulhi.u32 $0x14F8B589, s31;
	s0 =	sshra.s32 s31, $0x1F  }
0x29e: {  	(v2sf) =	vpush v3, $0x5;
	s31 =	sadd.s32 s5, s7;
	s7 =	sadd.s32 s2, s3;
	s3 =	sld [smem:$0x777]  }
0x29f: {  	(v2sf) =	vpush v3, $0x6;
	s5 =	sshra.s32 s16, $0x1F;
	s11 =	smul.u32 $0x14F8B589, s0;
	[smem:$0x77E] =	sst s31  }
0x2a0: {  	(v2sf) =	vpush v3, $0x7;
	s31 =	sshrl.u32 s24, $0x1F;
	s24 =	sshra.s32 s24, $0xD;
	s0 =	sshra.s32 s4, $0xD  }
0x2a1: {  	s9 =	sadd.s32 s25, s1;
	s1 =	sshrl.u32 s29, $0x1F;
	s8 =	sadd.s32 s11, s30  }
0x2a2: {  	s2 =	sshrl.u32 s3, $0x1F;
	s11 =	sshra.s32 s3, $0xD;
	s30 =	sshrl.u32 s15, $0x1F  }
0x2a3: {  	vm7 =	vmmov vm6;
	v33 =	vmov s5;
	s15 =	sshrl.u32 s13, $0x1F;
	s13 =	sshrl.u32 s23, $0x1F;
	s3 =	sshra.s32 s23, $0xD  }
0x2a4: {  	vm6 =	vcmask $0xF0C;
	vm1 =	vcmask $0x704;
	v4 =	vsel vm11, s0, v33;
	s23 =	sshra.s32 s29, $0xD;
	s29 =	sshrl.u32 s4, $0x1F;
	s4 =	sshra.s32 s4, $0x1F  }
0x2a5: {  	v37 =	vmov s10;
	s5 =	sshrl.u32 s6, $0x1F;
	s25 =	sshrl.u32 s22, $0x1F;
	s22 =	sshra.s32 s22, $0xD;
	v35 =	vmov s29;
	v4 =	vsel vm1, s4, v4  }
0x2a6: {  	s0 =	sshra.s32 s6, $0xD;
	s4 =	sshra.s32 s6, $0x1F;
	s6 =	sshrl.u32 s26, $0x1F;
	v5 =	vsel vm12, s2, v34;
	v36 =	vmov s13;
	v8 =	vsel vm12, s11, v37  }
0x2a7: {  	s29 =	sshrl.u32 s21, $0x1F;
	s13 =	sshra.s32 s18, $0x1F;
	v38 =	vmov s3;
	v4 =	vsel vm12, s0, v4;
	v6 =	vnsel vm11, $0x0, v35;
	s0 =	sshra.s32 s26, $0x1F  }
0x2a8: {  	s26 =	sshra.s32 s21, $0xD;
	v5 =	vsel vm13, s25, v5;
	s25 =	sshrl.u32 s20, $0x1F;
	v7 =	vsel vm12, s15, v36;
	v9 =	vsel vm12, s28, v38;
	s28 =	sld [smem:$0x77B]  }
0x2a9: {  	v8 =	vsel vm13, s22, v8;
	s22 =	sld [smem:$0x77E];
	v6 =	vsel vm12, s5, v6;
	v4 =	vsel vm6, s4, v4;
	s5 =	sshra.s32 s21, $0x1F;
	s21 =	sshra.s32 s20, $0xD  }
0x2aa: {  	v5 =	vsel vm15, s30, v5;
	s30 =	sshrl.u32 s17, $0x1F;
	v7 =	vsel vm13, s31, v7;
	s31 =	sshrl.u32 s16, $0x1F;
	v9 =	vsel vm13, s24, v9;
	s24 =	sld [smem:$0x77D]  }
0x2ab: {  	v6 =	vsel vm13, s6, v6;
	v4 =	vsel vm13, s12, v4;
	s6 =	sshra.s32 s20, $0x1F;
	s12 =	sshrl.u32 s18, $0x1F;
	s20 =	spop (v2sf)  }
0x2ac: {  	v7 =	vsel vm15, s1, v7;
	s1 =	sshra.s32 s16, $0xD;
	v6 =	vsel vm15, s29, v6;
	s29 =	sshra.s32 s18, $0xD;
	s18 =	spop (v2sf)  }
0x2ad: {  	v9 =	vsel vm15, s23, v9;
	s23 =	sshra.s32 s7, $0xD;
	v4 =	vsel vm7, s0, v4;
	s15 =	smulhi.u32 $0x14F8B589, s20;
	s4 =	spop (v2sf)  }
0x2ae: {  	s20 =	sshra.s32 s20, $0x1F;
	v6 =	vsel vm2, s25, v6;
	v4 =	vsel vm15, s26, v4;
	s26 =	sld [smem:$0x778];
	s2 =	spop (v2sf)  }
0x2af: {  	v8 =	vsel vm15, s19, v8;
	s25 =	sshra.s32 s17, $0xD;
	v6 =	vsel vm3, s12, v6;
	v4 =	vsel vm8, s5, v4;
	s5 =	sshra.s32 s17, $0x1F;
	s17 =	spop (v2sf)  }
0x2b0: {  	v5 =	vcombine.low v7, v5;
	s0 =	sshrl.u32 s22, $0x1F;
	v6 =	vsel vm10, s30, v6;
	v4 =	vsel vm2, s21, v4;
	s21 =	sld [smem:$0x77A];
	s10 =	smulhi.u32 $0x14F8B589, s17  }
0x2b1: {  	v39 =	vcombine.low v9, v8;
	v6 =	vsel vm0, s31, v6;
	v4 =	vsel vm9, s6, v4;
	s31 =	sshra.s32 s17, $0x1F;
	s3 =	sshrl.u32 s26, $0x1F;
	s6 =	smul.u32 $0x14F8B589, s20  }
0x2b2: {  	vm4 =	vmmov vm5;
	s17 =	sshrl.u32 s28, $0x1F;
	s20 =	sshrl.u32 s24, $0x1F;
	s16 =	smul.u32 $0x14F8B589, s31  }
0x2b3: {  	v5 =	vperm.xlane v5, v0;
	v7 =	vperm.xlane v39, v0;
	v4 =	vsel vm3, s29, v4;
	s29 =	sld [smem:$0x779];
	s31 =	sshrl.u32 s7, $0x1F;
	s7 =	sshra.s32 s7, $0x1F  }
0x2b4: {  	v6 =	vperm.xlane v6, v1;
	v4 =	vsel vm5, s13, v4;
	s12 =	sshrl.u32 s21, $0x1F;
	s13 =	sshrl.u32 s14, $0x1F;
	vm5 =	vmmov vm10;
	s16 =	sadd.s32 s16, s10  }
0x2b5: {  	s6 =	sadd.s32 s6, s15;
	v42 =	vmov s31;
	v4 =	vsel vm10, s25, v4;
	s25 =	sld [smem:$0x77C];
	vm10 =	vcmask $0x3734;
	s10 =	sshra.s32 s16, $0x1F  }
0x2b6: {  	v10 =	vnsel vm11, $0x0, v42;
	s30 =	sshrl.u32 s29, $0x1F;
	v4 =	vsel vm10, s5, v4;
	s5 =	smulhi.u32 $0x14F8B589, s4;
	s4 =	sshra.s32 s4, $0x1F;
	v41 =	vmov s10  }
0x2b7: {  	s15 =	sshra.s32 s9, $0x1F;
	v4 =	vsel vm0, s1, v4;
	v40 =	vmov s30;
	s1 =	sshrl.u32 s9, $0x1F;
	s4 =	smul.u32 $0x14F8B589, s4;
	v9 =	vsel vm11, s23, v41  }
0x2b8: {  	v5 =	vsel vm14, v6, v5;
	s30 =	sshra.s32 s9, $0xD;
	v8 =	vsel vm12, s3, v40;
	s3 =	smulhi.u32 $0x14F8B589, s18;
	s18 =	sshra.s32 s18, $0x1F;
	v9 =	vsel vm1, s7, v9  }
0x2b9: {  	s31 =	sshrl.u32 s6, $0x1F;
	s19 =	sshrl.u32 s25, $0x1F;
	v4 =	vperm.xlane v4, v1;
	v10 =	vsel vm12, s1, v10;
	s11 =	smul.u32 $0x14F8B589, s18;
	v9 =	vsel vm12, s30, v9  }
0x2ba: {  	s10 =	sshrl.u32 s8, $0x1F;
	s23 =	sshra.s32 s8, $0xD;
	v8 =	vsel vm13, s12, v8;
	s18 =	smulhi.u32 $0x14F8B589, s2;
	v43 =	vmov s19;
	v9 =	vsel vm6, s15, v9  }
0x2bb: {  	s2 =	sshra.s32 s2, $0x1F;
	v10 =	vsel vm13, s10, v10;
	s4 =	sadd.s32 s4, s5;
	v8 =	vsel vm15, s13, v8;
	s30 =	sshra.s32 s8, $0x1F;
	v9 =	vsel vm13, s23, v9  }
0x2bc: {  	s7 =	sshra.s32 s6, $0xD;
	s10 =	sshra.s32 s6, $0x1F;
	v11 =	vsel vm12, s17, v43;
	v10 =	vsel vm15, s31, v10;
	s13 =	sshra.s32 s29, $0xD;
	v9 =	vsel vm7, s30, v9  }
0x2bd: {  	s2 =	smul.u32 $0x14F8B589, s2;
	s3 =	sadd.s32 s11, s3;
	v11 =	vsel vm13, s20, v11;
	s15 =	sshra.s32 s25, $0xD;
	v44 =	vmov s13;
	v9 =	vsel vm15, s7, v9  }
0x2be: {  	s19 =	sshra.s32 s28, $0xD;
	s31 =	sshrl.u32 s3, $0x1F;
	v11 =	vsel vm15, s0, v11;
	s12 =	sshra.s32 s3, $0xD;
	v45 =	vmov s15;
	v9 =	vsel vm8, s10, v9  }
0x2bf: {  	s1 =	sadd.s32 s2, s18;
	s17 =	sshra.s32 s3, $0x1F;
	s18 =	sshra.s32 s26, $0xD;
	v10 =	vsel vm2, s31, v10;
	v8 =	vcombine.low v11, v8;
	v9 =	vsel vm2, s12, v9  }
0x2c0: {  	s9 =	sshrl.u32 s4, $0x1F;
	s20 =	sshra.s32 s4, $0xD;
	s23 =	sshra.s32 s21, $0xD;
	v11 =	vsel vm12, s18, v44;
	v12 =	vsel vm12, s19, v45;
	v9 =	vsel vm9, s17, v9  }
0x2c1: {  	s25 =	sshra.s32 s24, $0xD;
	s26 =	sshra.s32 s4, $0x1F;
	s11 =	sshrl.u32 s1, $0x1F;
	v10 =	vsel vm3, s9, v10;
	v11 =	vsel vm13, s23, v11;
	v9 =	vsel vm3, s20, v9  }
0x2c2: {  	s28 =	sshra.s32 s14, $0xD;
	s29 =	sshra.s32 s22, $0xD;
	s30 =	sshra.s32 s1, $0xD;
	v12 =	vsel vm13, s25, v12;
	v10 =	vsel vm5, s11, v10;
	v9 =	vsel vm4, s26, v9  }
0x2c3: {  	s31 =	sshrl.u32 s16, $0x1F;
	s2 =	sshra.s32 s1, $0x1F;
	v11 =	vsel vm15, s28, v11;
	v12 =	vsel vm15, s29, v12;
	v9 =	vsel vm5, s30, v9  }
0x2c4: {  	s3 =	sshra.s32 s16, $0xD;
	v10 =	vsel vm0, s31, v10;
	v11 =	vcombine.low v12, v11;
	v9 =	vsel vm10, s2, v9  }
0x2c5: {  	v8 =	vperm.xlane v8, v0;
	v10 =	vperm.xlane v10, v1;
	v9 =	vsel vm0, s3, v9  }
0x2c6: {  	v4 =	vsel vm14, v4, v7;
	v11 =	vperm.xlane v11, v0;
	v9 =	vperm.xlane v9, v1  }
0x2c7: {  	v4 =	vadd.s32 v5, v4  }
0x2c8: {  	v4 =	vmul.u32 $0x186A0, v4;
	v46 =	vsel vm14, v10, v8;
	v47 =	vsel vm14, v9, v11  }
0x2c9: {  	v5 =	vadd.s32 v46, v47  }
0x2ca: {  	v2 =	vsub.s32 v2, v4;
	v5 =	vmul.u32 $0x186A0, v5  }
0x2cb: {  	vm8 =	vmmov vm3;
	v4 =	vadd.s32 $0x186A0, v2  }
0x2cc: {  	vm3 =	vmmov vm0;
	vm10 =	vlt.s32 v2, $0x0;
	v3 =	vsub.s32 v3, v5  }
0x2cd: {  	v2 =	vsel vm10, v4, v2;
	vm0 =	vlt.s32 v3, $0x0;
	v48 =	vadd.s32 $0x186A0, v3  }
0x2ce: {  	s6 =	rddreg [dreg:$0x1];
	[tilespmem:$0x380] =	vst v2;
	v2 =	vsel vm0, v48, v3  }
0x2cf: {  	s5 =	simm.s32 $0x4700;
	s4 =	rddreg [dreg:$0x14];
	s7 =	simm.s32 $0x20;
	[tilespmem:$0x390] =	vst v2  }
0x2d0: {  	[tilespmem:s5], [sflag:$0x5] =	stream.indirect.gather [hbm4b:s6+s7], $0x80, s4, s7, $0xb8;
	[tilespmem:$0xB700] =	vst v63  }
0x2d1: {  	v2 =	vld [tilespmem:$0xA7]  }
0x2d2: {  	v49 =	vld [tilespmem:$0x1FF90];
	_ =	sdelay $0x1  }
0x2d3: {  	v3 =	vld [tilespmem:$0xA8];
	_ =	sdelay $0x1  }
0x2d4: {  	v2 =	vmul.u32 $0xF4243, v2  }
0x2d5: {  	vm10 =	vnez.u8 v49  }
0x2d6: {  	v2 =	vsel vm10, $0x0, v2  }
0x2d7: {  	v2 =	vadd.s32 v3, v2  }
0x2d8: {  	(v2sf) =	vpush v2, $0xD;
	_ =	sdelay $0x1  }
0x2d9: {  	(v2sf) =	vpush v2, $0xC;
	_ =	sdelay $0x1  }
0x2da: {  	(v2sf) =	vpush v2, $0xE;
	_ =	sdelay $0x1  }
0x2db: {  	(v2sf) =	vpush v2, $0xF;
	_ =	sdelay $0x1  }
0x2dc: {  	(v2sf) =	vpush v2, $0x9;
	_ =	sdelay $0x1  }
0x2dd: {  	(v2sf) =	vpush v2, $0x8;
	_ =	sdelay $0x1  }
0x2de: {  	(v2sf) =	vpush v2, $0xA;
	_ =	sdelay $0x1  }
0x2df: {  	(v2sf) =	vpush v2, $0xB  }
0x2e0: {  	s8 =	spop (v2sf)  }
0x2e1: {  	(v2sf) =	vpush v2, $0x0;
	s0 =	smulhi.u32 $0x14F8B589, s8;
	s1 =	sshra.s32 s8, $0x1F  }
0x2e2: {  	s9 =	spop (v2sf);
	s19 =	smul.u32 $0x14F8B589, s1  }
0x2e3: {  	(v2sf) =	vpush v2, $0x1;
	s1 =	smulhi.u32 $0x14F8B589, s9;
	s2 =	sshra.s32 s9, $0x1F  }
0x2e4: {  	s10 =	spop (v2sf);
	s22 =	smul.u32 $0x14F8B589, s2  }
0x2e5: {  	(v2sf) =	vpush v2, $0x2;
	s7 =	smulhi.u32 $0x14F8B589, s10;
	s2 =	sshra.s32 s10, $0x1F  }
0x2e6: {  	s11 =	spop (v2sf);
	s5 =	smul.u32 $0x14F8B589, s2  }
0x2e7: {  	(v2sf) =	vpush v2, $0x3;
	s8 =	smulhi.u32 $0x14F8B589, s11;
	s2 =	sshra.s32 s11, $0x1F  }
0x2e8: {  	s12 =	spop (v2sf);
	(v2sf) =	vpush v2, $0x4;
	s10 =	smul.u32 $0x14F8B589, s2  }
0x2e9: {  	s9 =	smulhi.u32 $0x14F8B589, s12;
	s2 =	sshra.s32 s12, $0x1F  }
0x2ea: {  	v3 =	vld [tilespmem:$0xB7];
	s13 =	spop (v2sf);
	(v2sf) =	vpush v2, $0x5;
	s3 =	smul.u32 $0x14F8B589, s2  }
0x2eb: {  	s11 =	smulhi.u32 $0x14F8B589, s13;
	s2 =	sshra.s32 s13, $0x1F  }
0x2ec: {  	v50 =	vld [tilespmem:$0xB8];
	s14 =	spop (v2sf);
	s23 =	smul.u32 $0x14F8B589, s2  }
0x2ed: {  	(v2sf) =	vpush v2, $0x6;
	s12 =	smulhi.u32 $0x14F8B589, s14;
	s2 =	sshra.s32 s14, $0x1F  }
0x2ee: {  	s15 =	spop (v2sf);
	s24 =	smul.u32 $0x14F8B589, s2  }
0x2ef: {  	v3 =	vmul.u32 $0xF4243, v3;
	(v2sf) =	vpush v2, $0x7;
	s16 =	smulhi.u32 $0x14F8B589, s15;
	s2 =	sshra.s32 s15, $0x1F  }
0x2f0: {  	s0 =	sadd.s32 s19, s0;
	s29 =	smul.u32 $0x14F8B589, s2;
	s17 =	spop (v2sf)  }
0x2f1: {  	v3 =	vadd.s32 v50, v3;
	[smem:$0x78D] =	sst s0;
	s18 =	smulhi.u32 $0x14F8B589, s17;
	s2 =	sshra.s32 s17, $0x1F  }
0x2f2: {  	(v2sf) =	vpush v3, $0xD;
	s20 =	spop (v2sf);
	s4 =	smul.u32 $0x14F8B589, s2  }
0x2f3: {  	[smem:$0x77F] =	sst s16;
	s21 =	smulhi.u32 $0x14F8B589, s20;
	s2 =	sshra.s32 s20, $0x1F  }
0x2f4: {  	(v2sf) =	vpush v3, $0xC;
	s25 =	spop (v2sf);
	s6 =	smul.u32 $0x14F8B589, s2  }
0x2f5: {  	[smem:$0x780] =	sst s18;
	s26 =	smulhi.u32 $0x14F8B589, s25  }
0x2f6: {  	(v2sf) =	vpush v3, $0xE;
	s28 =	spop (v2sf);
	[smem:$0x781] =	sst s21  }
0x2f7: {  	s2 =	sshra.s32 s25, $0x1F;
	s30 =	smulhi.u32 $0x14F8B589, s28;
	s31 =	spop (v2sf)  }
0x2f8: {  	[smem:$0x782] =	sst s26;
	s26 =	smul.u32 $0x14F8B589, s2  }
0x2f9: {  	(v2sf) =	vpush v3, $0xF;
	s2 =	sshra.s32 s28, $0x1F;
	s14 =	smulhi.u32 $0x14F8B589, s31;
	s15 =	spop (v2sf)  }
0x2fa: {  	s13 =	sadd.s32 s3, s9;
	s9 =	sld [smem:$0x781];
	s21 =	smul.u32 $0x14F8B589, s2  }
0x2fb: {  	(v2sf) =	vpush v3, $0x9;
	[smem:$0x783] =	sst s30;
	s2 =	sshra.s32 s31, $0x1F;
	s16 =	smulhi.u32 $0x14F8B589, s15  }
0x2fc: {  	s17 =	spop (v2sf);
	s20 =	smul.u32 $0x14F8B589, s2  }
0x2fd: {  	(v2sf) =	vpush v3, $0x8;
	[smem:$0x784] =	sst s14;
	s2 =	sshra.s32 s15, $0x1F;
	s25 =	smulhi.u32 $0x14F8B589, s17  }
0x2fe: {  	s28 =	spop (v2sf);
	s18 =	smul.u32 $0x14F8B589, s2  }
0x2ff: {  	(v2sf) =	vpush v3, $0xA;
	[smem:$0x785] =	sst s16;
	s2 =	sshra.s32 s17, $0x1F;
	s30 =	smulhi.u32 $0x14F8B589, s28  }
0x300: {  	[smem:$0x786] =	sst s25;
	s17 =	smul.u32 $0x14F8B589, s2;
	s2 =	sshra.s32 s28, $0x1F  }
0x301: {  	s16 =	smul.u32 $0x14F8B589, s2;
	s31 =	spop (v2sf)  }
0x302: {  	[smem:$0x787] =	sst s30;
	s14 =	smulhi.u32 $0x14F8B589, s31;
	s2 =	sshra.s32 s31, $0x1F  }
0x303: {  	(v2sf) =	vpush v3, $0xB;
	s19 =	spop (v2sf);
	s15 =	smul.u32 $0x14F8B589, s2  }
0x304: {  	s28 =	sadd.s32 s22, s1;
	s22 =	smulhi.u32 $0x14F8B589, s19;
	[smem:$0x788] =	sst s14  }
0x305: {  	s2 =	sshra.s32 s19, $0x1F;
	s30 =	spop (v2sf);
	[smem:$0x789] =	sst s15  }
0x306: {  	s25 =	smul.u32 $0x14F8B589, s2;
	[smem:$0x78A] =	sst s22  }
0x307: {  	(v2sf) =	vpush v3, $0x0;
	s31 =	smulhi.u32 $0x14F8B589, s30;
	s22 =	sadd.s32 s5, s7;
	s5 =	sld [smem:$0x77F]  }
0x308: {  	s0 =	sshra.s32 s30, $0x1F;
	s2 =	spop (v2sf);
	s7 =	sld [smem:$0x780]  }
0x309: {  	s15 =	sadd.s32 s10, s8;
	s30 =	smulhi.u32 $0x14F8B589, s2;
	s10 =	sld [smem:$0x782]  }
0x30a: {  	s23 =	sadd.s32 s23, s11;
	s3 =	spop (v2sf);
	[smem:$0x78B] =	sst s25  }
0x30b: {  	s24 =	sadd.s32 s24, s12;
	[smem:$0x78C] =	sst s31;
	s25 =	smul.u32 $0x14F8B589, s0  }
0x30c: {  	s0 =	sshra.s32 s2, $0x1F;
	s19 =	smulhi.u32 $0x14F8B589, s3;
	s8 =	spop (v2sf)  }
0x30d: {  	s2 =	sld [smem:$0x783];
	s14 =	smul.u32 $0x14F8B589, s0;
	s0 =	sshra.s32 s3, $0x1F  }
0x30e: {  	s6 =	sadd.s32 s6, s9;
	s31 =	spop (v2sf);
	s12 =	smul.u32 $0x14F8B589, s0  }
0x30f: {  	s0 =	sshra.s32 s8, $0x1F;
	s26 =	sadd.s32 s26, s10;
	s10 =	smulhi.u32 $0x14F8B589, s31  }
0x310: {  	s9 =	smul.u32 $0x14F8B589, s0;
	s0 =	sshra.s32 s31, $0x1F;
	s31 =	sld [smem:$0x786]  }
0x311: {  	(v2sf) =	vpush v3, $0x1;
	s11 =	smulhi.u32 $0x14F8B589, s8;
	s4 =	sadd.s32 s4, s7;
	s7 =	sld [smem:$0x785]  }
0x312: {  	s3 =	sld [smem:$0x784];
	s29 =	sadd.s32 s29, s5;
	s5 =	spop (v2sf)  }
0x313: {  	(v2sf) =	vpush v3, $0x2;
	s8 =	smul.u32 $0x14F8B589, s0;
	s17 =	sadd.s32 s17, s31;
	s31 =	sld [smem:$0x787]  }
0x314: {  	s0 =	sshra.s32 s5, $0x1F;
	s18 =	sadd.s32 s18, s7;
	s7 =	smulhi.u32 $0x14F8B589, s5  }
0x315: {  	s21 =	sadd.s32 s21, s2;
	s20 =	sadd.s32 s20, s3;
	s5 =	smul.u32 $0x14F8B589, s0  }
0x316: {  	s16 =	sadd.s32 s16, s31;
	s31 =	sld [smem:$0x789];
	s2 =	spop (v2sf)  }
0x317: {  	s3 =	smulhi.u32 $0x14F8B589, s2;
	s0 =	sshra.s32 s2, $0x1F;
	s2 =	sld [smem:$0x788]  }
0x318: {  	s12 =	sadd.s32 s12, s19  }
0x319: {  	[smem:$0x791] =	sst s12  }
0x31a: {  	s1 =	sadd.s32 s31, s2;
	s31 =	sld [smem:$0x78B]  }
0x31b: {  	[smem:$0x78E] =	sst s1  }
0x31c: {  	s9 =	sadd.s32 s9, s11;
	s1 =	sld [smem:$0x78A]  }
0x31d: {  	[smem:$0x792] =	sst s9;
	s19 =	sadd.s32 s8, s10  }
0x31e: {  	s14 =	sadd.s32 s14, s30;
	[smem:$0x793] =	sst s19  }
0x31f: {  	s12 =	sshrl.u32 s28, $0x1F;
	s1 =	sadd.s32 s31, s1;
	s31 =	sld [smem:$0x78C]  }
0x320: {  	s10 =	sshra.s32 s28, $0xD;
	s2 =	smul.u32 $0x14F8B589, s0;
	s0 =	spop (v2sf)  }
0x321: {  	s28 =	sshra.s32 s13, $0xD;
	[smem:$0x78F] =	sst s1;
	s1 =	smulhi.u32 $0x14F8B589, s0  }
0x322: {  	s0 =	sshra.s32 s0, $0x1F;
	s25 =	sadd.s32 s25, s31;
	s31 =	spop (v2sf)  }
0x323: {  	(v2sf) =	vpush v3, $0x3;
	v52 =	vmov s12;
	s12 =	sshra.s32 s26, $0xD;
	[smem:$0x790] =	sst s25;
	s25 =	smul.u32 $0x14F8B589, s0  }
0x324: {  	(v2sf) =	vpush v3, $0x4;
	s19 =	sshra.s32 s15, $0xD;
	s30 =	smulhi.u32 $0x14F8B589, s31;
	s0 =	sshra.s32 s31, $0x1F  }
0x325: {  	(v2sf) =	vpush v3, $0x5;
	s31 =	sadd.s32 s5, s7;
	s7 =	sadd.s32 s2, s3;
	s3 =	sld [smem:$0x78D]  }
0x326: {  	(v2sf) =	vpush v3, $0x6;
	s5 =	sshra.s32 s16, $0x1F;
	s11 =	smul.u32 $0x14F8B589, s0;
	[smem:$0x794] =	sst s31  }
0x327: {  	(v2sf) =	vpush v3, $0x7;
	s31 =	sshrl.u32 s24, $0x1F;
	s24 =	sshra.s32 s24, $0xD;
	s0 =	sshra.s32 s4, $0xD  }
0x328: {  	s9 =	sadd.s32 s25, s1;
	s1 =	sshrl.u32 s29, $0x1F;
	s8 =	sadd.s32 s11, s30  }
0x329: {  	s2 =	sshrl.u32 s3, $0x1F;
	s11 =	sshra.s32 s3, $0xD;
	s30 =	sshrl.u32 s15, $0x1F  }
0x32a: {  	v51 =	vmov s5;
	s15 =	sshrl.u32 s13, $0x1F;
	s13 =	sshrl.u32 s23, $0x1F;
	s3 =	sshra.s32 s23, $0xD  }
0x32b: {  	vm9 =	vmmov vm4;
	vm4 =	vcmask $0x1714;
	v4 =	vsel vm11, s0, v51;
	s23 =	sshra.s32 s29, $0xD;
	s29 =	sshrl.u32 s4, $0x1F;
	s4 =	sshra.s32 s4, $0x1F  }
0x32c: {  	v55 =	vmov s10;
	s5 =	sshrl.u32 s6, $0x1F;
	s25 =	sshrl.u32 s22, $0x1F;
	s22 =	sshra.s32 s22, $0xD;
	v53 =	vmov s29;
	v4 =	vsel vm1, s4, v4  }
0x32d: {  	s0 =	sshra.s32 s6, $0xD;
	s4 =	sshra.s32 s6, $0x1F;
	s6 =	sshrl.u32 s26, $0x1F;
	v5 =	vsel vm12, s2, v52;
	v54 =	vmov s13;
	v8 =	vsel vm12, s11, v55  }
0x32e: {  	s29 =	sshrl.u32 s21, $0x1F;
	s13 =	sshra.s32 s18, $0x1F;
	v56 =	vmov s3;
	v4 =	vsel vm12, s0, v4;
	v6 =	vnsel vm11, $0x0, v53;
	s0 =	sshra.s32 s26, $0x1F  }
0x32f: {  	s26 =	sshra.s32 s21, $0xD;
	v5 =	vsel vm13, s25, v5;
	s25 =	sshrl.u32 s20, $0x1F;
	v7 =	vsel vm12, s15, v54;
	v9 =	vsel vm12, s28, v56;
	s28 =	sld [smem:$0x791]  }
0x330: {  	v8 =	vsel vm13, s22, v8;
	s22 =	sld [smem:$0x794];
	v6 =	vsel vm12, s5, v6;
	v4 =	vsel vm6, s4, v4;
	s5 =	sshra.s32 s21, $0x1F;
	s21 =	sshra.s32 s20, $0xD  }
0x331: {  	v5 =	vsel vm15, s30, v5;
	s30 =	sshrl.u32 s17, $0x1F;
	v7 =	vsel vm13, s31, v7;
	s31 =	sshrl.u32 s16, $0x1F;
	v9 =	vsel vm13, s24, v9;
	s24 =	sld [smem:$0x793]  }
0x332: {  	vm10 =	vmmov vm2;
	v6 =	vsel vm13, s6, v6;
	v4 =	vsel vm13, s12, v4;
	s6 =	sshra.s32 s20, $0x1F;
	s12 =	sshrl.u32 s18, $0x1F;
	s20 =	spop (v2sf)  }
0x333: {  	v7 =	vsel vm15, s1, v7;
	s1 =	sshra.s32 s16, $0xD;
	v6 =	vsel vm15, s29, v6;
	v4 =	vsel vm4, s0, v4;
	s29 =	sshra.s32 s18, $0xD;
	s18 =	spop (v2sf)  }
0x334: {  	v9 =	vsel vm15, s23, v9;
	s23 =	sshra.s32 s7, $0xD;
	s15 =	smulhi.u32 $0x14F8B589, s20;
	v6 =	vsel vm2, s25, v6;
	v4 =	vsel vm15, s26, v4;
	s4 =	spop (v2sf)  }
0x335: {  	s20 =	sshra.s32 s20, $0x1F;
	vm2 =	vmmov vm8;
	s26 =	sld [smem:$0x78E];
	v6 =	vsel vm8, s12, v6;
	vm8 =	vcmask $0x1F1C;
	s2 =	spop (v2sf)  }
0x336: {  	s25 =	sshra.s32 s17, $0xD;
	v4 =	vsel vm8, s5, v4;
	s5 =	sshra.s32 s17, $0x1F;
	v6 =	vsel vm5, s30, v6;
	s17 =	spop (v2sf)  }
0x337: {  	vm7 =	vmmov vm1;
	s0 =	sshrl.u32 s22, $0x1F;
	v6 =	vsel vm3, s31, v6;
	s10 =	smulhi.u32 $0x14F8B589, s17;
	s31 =	sshra.s32 s17, $0x1F  }
0x338: {  	vm1 =	vmmov vm11;
	vm11 =	vcmask $0x2724;
	v4 =	vsel vm10, s21, v4;
	s3 =	sshrl.u32 s26, $0x1F;
	s21 =	sld [smem:$0x790];
	s16 =	smul.u32 $0x14F8B589, s31  }
0x339: {  	v8 =	vsel vm15, s19, v8;
	v5 =	vcombine.low v7, v5;
	s17 =	sshrl.u32 s28, $0x1F;
	v4 =	vsel vm11, s6, v4;
	s6 =	smul.u32 $0x14F8B589, s20;
	s20 =	sshrl.u32 s24, $0x1F  }
0x33a: {  	vm0 =	vmmov vm5;
	v57 =	vcombine.low v9, v8;
	s31 =	sshrl.u32 s7, $0x1F;
	s7 =	sshra.s32 s7, $0x1F;
	v4 =	vsel vm2, s29, v4;
	s29 =	sld [smem:$0x78F]  }
0x33b: {  	v5 =	vperm.xlane v5, v0;
	v60 =	vmov s31;
	v4 =	vsel vm9, s13, v4;
	s12 =	sshrl.u32 s21, $0x1F;
	s13 =	sshrl.u32 s14, $0x1F;
	s16 =	sadd.s32 s16, s10  }
0x33c: {  	v7 =	vperm.xlane v57, v0;
	v6 =	vperm.xlane v6, v1;
	s6 =	sadd.s32 s6, s15;
	v10 =	vnsel vm1, $0x0, v60;
	s15 =	sshra.s32 s9, $0x1F;
	s10 =	sshra.s32 s16, $0x1F  }
0x33d: {  	v4 =	vsel vm5, s25, v4;
	s25 =	sld [smem:$0x792];
	vm5 =	vcmask $0x3734;
	s31 =	sshrl.u32 s6, $0x1F;
	s30 =	sshrl.u32 s29, $0x1F;
	v59 =	vmov s10  }
0x33e: {  	v4 =	vsel vm5, s5, v4;
	s10 =	sshrl.u32 s8, $0x1F;
	s5 =	smulhi.u32 $0x14F8B589, s4;
	s4 =	sshra.s32 s4, $0x1F;
	v58 =	vmov s30;
	v9 =	vsel vm1, s23, v59  }
0x33f: {  	v4 =	vsel vm3, s1, v4;
	s1 =	sshrl.u32 s9, $0x1F;
	s30 =	sshra.s32 s9, $0xD;
	s4 =	smul.u32 $0x14F8B589, s4;
	v8 =	vsel vm12, s3, v58;
	v9 =	vsel vm7, s7, v9  }
0x340: {  	s19 =	sshrl.u32 s25, $0x1F;
	s3 =	smulhi.u32 $0x14F8B589, s18;
	s18 =	sshra.s32 s18, $0x1F;
	v4 =	vperm.xlane v4, v1;
	v10 =	vsel vm12, s1, v10;
	v9 =	vsel vm12, s30, v9  }
0x341: {  	s23 =	sshra.s32 s8, $0xD;
	s7 =	sshra.s32 s6, $0xD;
	s11 =	smul.u32 $0x14F8B589, s18;
	v8 =	vsel vm13, s12, v8;
	v61 =	vmov s19;
	v9 =	vsel vm6, s15, v9  }
0x342: {  	s18 =	smulhi.u32 $0x14F8B589, s2;
	s2 =	sshra.s32 s2, $0x1F;
	v10 =	vsel vm13, s10, v10;
	s30 =	sshra.s32 s8, $0x1F;
	v8 =	vsel vm15, s13, v8;
	v9 =	vsel vm13, s23, v9  }
0x343: {  	s4 =	sadd.s32 s4, s5;
	s10 =	sshra.s32 s6, $0x1F;
	v11 =	vsel vm12, s17, v61;
	v10 =	vsel vm15, s31, v10;
	s13 =	sshra.s32 s29, $0xD;
	v9 =	vsel vm4, s30, v9  }
0x344: {  	s2 =	smul.u32 $0x14F8B589, s2;
	s15 =	sshra.s32 s25, $0xD;
	s3 =	sadd.s32 s11, s3;
	v11 =	vsel vm13, s20, v11;
	v62 =	vmov s13;
	v9 =	vsel vm15, s7, v9  }
0x345: {  	s19 =	sshra.s32 s28, $0xD;
	v63 =	vmov s15;
	s31 =	sshrl.u32 s3, $0x1F;
	v11 =	vsel vm15, s0, v11;
	s12 =	sshra.s32 s3, $0xD;
	v9 =	vsel vm8, s10, v9  }
0x346: {  	s1 =	sadd.s32 s2, s18;
	s17 =	sshra.s32 s3, $0x1F;
	s18 =	sshra.s32 s26, $0xD;
	v12 =	vsel vm12, s19, v63;
	v10 =	vsel vm10, s31, v10;
	v9 =	vsel vm10, s12, v9  }
0x347: {  	s9 =	sshrl.u32 s4, $0x1F;
	s25 =	sshra.s32 s24, $0xD;
	s20 =	sshra.s32 s4, $0xD;
	v8 =	vcombine.low v11, v8;
	v11 =	vsel vm12, s18, v62;
	v9 =	vsel vm11, s17, v9  }
0x348: {  	s29 =	sshra.s32 s22, $0xD;
	s23 =	sshra.s32 s21, $0xD;
	s26 =	sshra.s32 s4, $0x1F;
	v12 =	vsel vm13, s25, v12;
	v10 =	vsel vm2, s9, v10;
	v9 =	vsel vm2, s20, v9  }
0x349: {  	s28 =	sshra.s32 s14, $0xD;
	s11 =	sshrl.u32 s1, $0x1F;
	s30 =	sshra.s32 s1, $0xD;
	v11 =	vsel vm13, s23, v11;
	v12 =	vsel vm15, s29, v12;
	v9 =	vsel vm9, s26, v9  }
0x34a: {  	s31 =	sshrl.u32 s16, $0x1F;
	s2 =	sshra.s32 s1, $0x1F;
	v10 =	vsel vm0, s11, v10;
	v11 =	vsel vm15, s28, v11;
	v9 =	vsel vm0, s30, v9  }
0x34b: {  	s3 =	sshra.s32 s16, $0xD;
	v10 =	vsel vm3, s31, v10;
	v11 =	vcombine.low v12, v11;
	v9 =	vsel vm5, s2, v9  }
0x34c: {  	v8 =	vperm.xlane v8, v0;
	v10 =	vperm.xlane v10, v1;
	v9 =	vsel vm3, s3, v9  }
0x34d: {  	v11 =	vperm.xlane v11, v0;
	v9 =	vperm.xlane v9, v1  }
0x34e: {  	v5 =	vsel vm14, v6, v5;
	v4 =	vsel vm14, v4, v7  }
0x34f: {  	v4 =	vadd.s32 v5, v4;
	v16 =	vsel vm14, v10, v8;
	v17 =	vsel vm14, v9, v11  }
0x350: {  	v4 =	vmul.u32 $0x186A0, v4;
	v5 =	vadd.s32 v16, v17  }
0x351: {  	v5 =	vmul.u32 $0x186A0, v5  }
0x352: {  	vm7 =	vmmov vm1;
	vm1 =	vmmov vm8;
	v2 =	vsub.s32 v2, v4  }
0x353: {  	v4 =	vadd.s32 $0x186A0, v2;
	vm11 =	vlt.s32 v2, $0x0;
	v3 =	vsub.s32 v3, v5  }
0x354: {  	v2 =	vsel vm11, v4, v2;
	vm8 =	vlt.s32 v3, $0x0;
	v18 =	vadd.s32 $0x186A0, v3  }
0x355: {  	s6 =	rddreg [dreg:$0x1];
	[tilespmem:$0x400] =	vst v2;
	v2 =	vsel vm8, v18, v3  }
0x356: {  	s5 =	simm.s32 $0x5700;
	s4 =	rddreg [dreg:$0x15];
	s7 =	simm.s32 $0x20;
	[tilespmem:$0x410] =	vst v2  }
0x357: {  	[tilespmem:s5], [sflag:$0x6] =	stream.indirect.gather [hbm4b:s6+s7], $0x80, s4, s7, $0xb8;
	[tilespmem:$0xB700] =	vst v63  }
0x358: {  	v2 =	vld [tilespmem:$0xC7]  }
0x359: {  	v19 =	vld [tilespmem:$0x1FF80];
	_ =	sdelay $0x1  }
0x35a: {  	v3 =	vld [tilespmem:$0xC8];
	_ =	sdelay $0x1  }
0x35b: {  	v2 =	vmul.u32 $0xF4243, v2  }
0x35c: {  	vm11 =	vnez.u8 v19  }
0x35d: {  	v2 =	vsel vm11, $0x0, v2  }
0x35e: {  	v2 =	vadd.s32 v3, v2  }
0x35f: {  	(v2sf) =	vpush v2, $0xD;
	_ =	sdelay $0x1  }
0x360: {  	(v2sf) =	vpush v2, $0xC;
	_ =	sdelay $0x1  }
0x361: {  	(v2sf) =	vpush v2, $0xE;
	_ =	sdelay $0x1  }
0x362: {  	(v2sf) =	vpush v2, $0xF;
	_ =	sdelay $0x1  }
0x363: {  	(v2sf) =	vpush v2, $0x9;
	_ =	sdelay $0x1  }
0x364: {  	(v2sf) =	vpush v2, $0x8;
	_ =	sdelay $0x1  }
0x365: {  	(v2sf) =	vpush v2, $0xA;
	_ =	sdelay $0x1  }
0x366: {  	(v2sf) =	vpush v2, $0xB  }
0x367: {  	s8 =	spop (v2sf)  }
0x368: {  	(v2sf) =	vpush v2, $0x0;
	s0 =	smulhi.u32 $0x14F8B589, s8;
	s1 =	sshra.s32 s8, $0x1F  }
0x369: {  	s9 =	spop (v2sf);
	s19 =	smul.u32 $0x14F8B589, s1  }
0x36a: {  	(v2sf) =	vpush v2, $0x1;
	s1 =	smulhi.u32 $0x14F8B589, s9;
	s2 =	sshra.s32 s9, $0x1F  }
0x36b: {  	s10 =	spop (v2sf);
	s22 =	smul.u32 $0x14F8B589, s2  }
0x36c: {  	(v2sf) =	vpush v2, $0x2;
	s7 =	smulhi.u32 $0x14F8B589, s10;
	s2 =	sshra.s32 s10, $0x1F  }
0x36d: {  	s11 =	spop (v2sf);
	s5 =	smul.u32 $0x14F8B589, s2  }
0x36e: {  	(v2sf) =	vpush v2, $0x3;
	s8 =	smulhi.u32 $0x14F8B589, s11;
	s2 =	sshra.s32 s11, $0x1F  }
0x36f: {  	s12 =	spop (v2sf);
	(v2sf) =	vpush v2, $0x4;
	s10 =	smul.u32 $0x14F8B589, s2  }
0x370: {  	s9 =	smulhi.u32 $0x14F8B589, s12;
	s2 =	sshra.s32 s12, $0x1F  }
0x371: {  	v3 =	vld [tilespmem:$0xD7];
	s13 =	spop (v2sf);
	(v2sf) =	vpush v2, $0x5;
	s3 =	smul.u32 $0x14F8B589, s2  }
0x372: {  	s11 =	smulhi.u32 $0x14F8B589, s13;
	s2 =	sshra.s32 s13, $0x1F  }
0x373: {  	v20 =	vld [tilespmem:$0xD8];
	s14 =	spop (v2sf);
	s23 =	smul.u32 $0x14F8B589, s2  }
0x374: {  	(v2sf) =	vpush v2, $0x6;
	s12 =	smulhi.u32 $0x14F8B589, s14;
	s2 =	sshra.s32 s14, $0x1F  }
0x375: {  	s15 =	spop (v2sf);
	s24 =	smul.u32 $0x14F8B589, s2  }
0x376: {  	v3 =	vmul.u32 $0xF4243, v3;
	(v2sf) =	vpush v2, $0x7;
	s16 =	smulhi.u32 $0x14F8B589, s15;
	s2 =	sshra.s32 s15, $0x1F  }
0x377: {  	s0 =	sadd.s32 s19, s0;
	s29 =	smul.u32 $0x14F8B589, s2;
	s17 =	spop (v2sf)  }
0x378: {  	v3 =	vadd.s32 v20, v3;
	[smem:$0x7A3] =	sst s0;
	s18 =	smulhi.u32 $0x14F8B589, s17;
	s2 =	sshra.s32 s17, $0x1F  }
0x379: {  	(v2sf) =	vpush v3, $0xD;
	s20 =	spop (v2sf);
	s4 =	smul.u32 $0x14F8B589, s2  }
0x37a: {  	[smem:$0x795] =	sst s16;
	s21 =	smulhi.u32 $0x14F8B589, s20;
	s2 =	sshra.s32 s20, $0x1F  }
0x37b: {  	(v2sf) =	vpush v3, $0xC;
	s25 =	spop (v2sf);
	s6 =	smul.u32 $0x14F8B589, s2  }
0x37c: {  	[smem:$0x796] =	sst s18;
	s26 =	smulhi.u32 $0x14F8B589, s25  }
0x37d: {  	(v2sf) =	vpush v3, $0xE;
	s28 =	spop (v2sf);
	[smem:$0x797] =	sst s21  }
0x37e: {  	s2 =	sshra.s32 s25, $0x1F;
	s30 =	smulhi.u32 $0x14F8B589, s28;
	s31 =	spop (v2sf)  }
0x37f: {  	[smem:$0x798] =	sst s26;
	s26 =	smul.u32 $0x14F8B589, s2  }
0x380: {  	(v2sf) =	vpush v3, $0xF;
	s2 =	sshra.s32 s28, $0x1F;
	s14 =	smulhi.u32 $0x14F8B589, s31;
	s15 =	spop (v2sf)  }
0x381: {  	s13 =	sadd.s32 s3, s9;
	s9 =	sld [smem:$0x797];
	s21 =	smul.u32 $0x14F8B589, s2  }
0x382: {  	(v2sf) =	vpush v3, $0x9;
	[smem:$0x799] =	sst s30;
	s2 =	sshra.s32 s31, $0x1F;
	s16 =	smulhi.u32 $0x14F8B589, s15  }
0x383: {  	s17 =	spop (v2sf);
	s20 =	smul.u32 $0x14F8B589, s2  }
0x384: {  	(v2sf) =	vpush v3, $0x8;
	[smem:$0x79A] =	sst s14;
	s2 =	sshra.s32 s15, $0x1F;
	s25 =	smulhi.u32 $0x14F8B589, s17  }
0x385: {  	s28 =	spop (v2sf);
	s18 =	smul.u32 $0x14F8B589, s2  }
0x386: {  	(v2sf) =	vpush v3, $0xA;
	[smem:$0x79B] =	sst s16;
	s2 =	sshra.s32 s17, $0x1F;
	s30 =	smulhi.u32 $0x14F8B589, s28  }
0x387: {  	[smem:$0x79C] =	sst s25;
	s17 =	smul.u32 $0x14F8B589, s2;
	s2 =	sshra.s32 s28, $0x1F  }
0x388: {  	s16 =	smul.u32 $0x14F8B589, s2;
	s31 =	spop (v2sf)  }
0x389: {  	[smem:$0x79D] =	sst s30;
	s14 =	smulhi.u32 $0x14F8B589, s31;
	s2 =	sshra.s32 s31, $0x1F  }
0x38a: {  	(v2sf) =	vpush v3, $0xB;
	s19 =	spop (v2sf);
	s15 =	smul.u32 $0x14F8B589, s2  }
0x38b: {  	s28 =	sadd.s32 s22, s1;
	s22 =	smulhi.u32 $0x14F8B589, s19;
	[smem:$0x79E] =	sst s14  }
0x38c: {  	s2 =	sshra.s32 s19, $0x1F;
	s30 =	spop (v2sf);
	[smem:$0x79F] =	sst s15  }
0x38d: {  	s25 =	smul.u32 $0x14F8B589, s2;
	[smem:$0x7A0] =	sst s22  }
0x38e: {  	(v2sf) =	vpush v3, $0x0;
	s31 =	smulhi.u32 $0x14F8B589, s30;
	s22 =	sadd.s32 s5, s7;
	s5 =	sld [smem:$0x795]  }
0x38f: {  	s0 =	sshra.s32 s30, $0x1F;
	s2 =	spop (v2sf);
	s7 =	sld [smem:$0x796]  }
0x390: {  	s15 =	sadd.s32 s10, s8;
	s30 =	smulhi.u32 $0x14F8B589, s2;
	s10 =	sld [smem:$0x798]  }
0x391: {  	s23 =	sadd.s32 s23, s11;
	s3 =	spop (v2sf);
	[smem:$0x7A1] =	sst s25  }
0x392: {  	s24 =	sadd.s32 s24, s12;
	[smem:$0x7A2] =	sst s31;
	s25 =	smul.u32 $0x14F8B589, s0  }
0x393: {  	s0 =	sshra.s32 s2, $0x1F;
	s19 =	smulhi.u32 $0x14F8B589, s3;
	s8 =	spop (v2sf)  }
0x394: {  	s2 =	sld [smem:$0x799];
	s14 =	smul.u32 $0x14F8B589, s0;
	s0 =	sshra.s32 s3, $0x1F  }
0x395: {  	s6 =	sadd.s32 s6, s9;
	s31 =	spop (v2sf);
	s12 =	smul.u32 $0x14F8B589, s0  }
0x396: {  	s0 =	sshra.s32 s8, $0x1F;
	s26 =	sadd.s32 s26, s10;
	s10 =	smulhi.u32 $0x14F8B589, s31  }
0x397: {  	s9 =	smul.u32 $0x14F8B589, s0;
	s0 =	sshra.s32 s31, $0x1F;
	s31 =	sld [smem:$0x79C]  }
0x398: {  	(v2sf) =	vpush v3, $0x1;
	s11 =	smulhi.u32 $0x14F8B589, s8;
	s4 =	sadd.s32 s4, s7;
	s7 =	sld [smem:$0x79B]  }
0x399: {  	s3 =	sld [smem:$0x79A];
	s29 =	sadd.s32 s29, s5;
	s5 =	spop (v2sf)  }
0x39a: {  	(v2sf) =	vpush v3, $0x2;
	s8 =	smul.u32 $0x14F8B589, s0;
	s17 =	sadd.s32 s17, s31;
	s31 =	sld [smem:$0x79D]  }
0x39b: {  	s0 =	sshra.s32 s5, $0x1F;
	s18 =	sadd.s32 s18, s7;
	s7 =	smulhi.u32 $0x14F8B589, s5  }
0x39c: {  	s21 =	sadd.s32 s21, s2;
	s20 =	sadd.s32 s20, s3;
	s5 =	smul.u32 $0x14F8B589, s0  }
0x39d: {  	s16 =	sadd.s32 s16, s31;
	s31 =	sld [smem:$0x79F];
	s2 =	spop (v2sf)  }
0x39e: {  	s3 =	smulhi.u32 $0x14F8B589, s2;
	s0 =	sshra.s32 s2, $0x1F;
	s2 =	sld [smem:$0x79E]  }
0x39f: {  	s12 =	sadd.s32 s12, s19  }
0x3a0: {  	[smem:$0x7A7] =	sst s12  }
0x3a1: {  	s1 =	sadd.s32 s31, s2;
	s31 =	sld [smem:$0x7A1]  }
0x3a2: {  	[smem:$0x7A4] =	sst s1  }
0x3a3: {  	s9 =	sadd.s32 s9, s11;
	s1 =	sld [smem:$0x7A0]  }
0x3a4: {  	[smem:$0x7A8] =	sst s9;
	s19 =	sadd.s32 s8, s10  }
0x3a5: {  	s14 =	sadd.s32 s14, s30;
	[smem:$0x7A9] =	sst s19  }
0x3a6: {  	s12 =	sshrl.u32 s28, $0x1F;
	s1 =	sadd.s32 s31, s1;
	s31 =	sld [smem:$0x7A2]  }
0x3a7: {  	s10 =	sshra.s32 s28, $0xD;
	s2 =	smul.u32 $0x14F8B589, s0;
	s0 =	spop (v2sf)  }
0x3a8: {  	s28 =	sshra.s32 s13, $0xD;
	[smem:$0x7A5] =	sst s1;
	s1 =	smulhi.u32 $0x14F8B589, s0  }
0x3a9: {  	s0 =	sshra.s32 s0, $0x1F;
	s25 =	sadd.s32 s25, s31;
	s31 =	spop (v2sf)  }
0x3aa: {  	(v2sf) =	vpush v3, $0x3;
	v22 =	vmov s12;
	s12 =	sshra.s32 s26, $0xD;
	[smem:$0x7A6] =	sst s25;
	s25 =	smul.u32 $0x14F8B589, s0  }
0x3ab: {  	(v2sf) =	vpush v3, $0x4;
	s19 =	sshra.s32 s15, $0xD;
	s30 =	smulhi.u32 $0x14F8B589, s31;
	s0 =	sshra.s32 s31, $0x1F  }
0x3ac: {  	(v2sf) =	vpush v3, $0x5;
	s31 =	sadd.s32 s5, s7;
	s7 =	sadd.s32 s2, s3;
	s3 =	sld [smem:$0x7A3]  }
0x3ad: {  	(v2sf) =	vpush v3, $0x6;
	s5 =	sshra.s32 s16, $0x1F;
	s11 =	smul.u32 $0x14F8B589, s0;
	[smem:$0x7AA] =	sst s31  }
0x3ae: {  	(v2sf) =	vpush v3, $0x7;
	s31 =	sshrl.u32 s24, $0x1F;
	s24 =	sshra.s32 s24, $0xD;
	s0 =	sshra.s32 s4, $0xD  }
0x3af: {  	s9 =	sadd.s32 s25, s1;
	s1 =	sshrl.u32 s29, $0x1F;
	s8 =	sadd.s32 s11, s30  }
0x3b0: {  	s2 =	sshrl.u32 s3, $0x1F;
	s11 =	sshra.s32 s3, $0xD;
	s30 =	sshrl.u32 s15, $0x1F  }
0x3b1: {  	vm8 =	vcmask $0xF0C;
	v21 =	vmov s5;
	s15 =	sshrl.u32 s13, $0x1F;
	s13 =	sshrl.u32 s23, $0x1F;
	s3 =	sshra.s32 s23, $0xD  }
0x3b2: {  	vm11 =	vmmov vm7;
	v4 =	vsel vm7, s0, v21;
	vm7 =	vcmask $0x704;
	s23 =	sshra.s32 s29, $0xD;
	s29 =	sshrl.u32 s4, $0x1F;
	s4 =	sshra.s32 s4, $0x1F  }
0x3b3: {  	v25 =	vmov s10;
	s5 =	sshrl.u32 s6, $0x1F;
	s25 =	sshrl.u32 s22, $0x1F;
	s22 =	sshra.s32 s22, $0xD;
	v23 =	vmov s29;
	v4 =	vsel vm7, s4, v4  }
0x3b4: {  	s0 =	sshra.s32 s6, $0xD;
	s4 =	sshra.s32 s6, $0x1F;
	s6 =	sshrl.u32 s26, $0x1F;
	v5 =	vsel vm12, s2, v22;
	v24 =	vmov s13;
	v8 =	vsel vm12, s11, v25  }
0x3b5: {  	s29 =	sshrl.u32 s21, $0x1F;
	s13 =	sshra.s32 s18, $0x1F;
	v26 =	vmov s3;
	v4 =	vsel vm12, s0, v4;
	v6 =	vnsel vm11, $0x0, v23;
	s0 =	sshra.s32 s26, $0x1F  }
0x3b6: {  	s26 =	sshra.s32 s21, $0xD;
	v5 =	vsel vm13, s25, v5;
	s25 =	sshrl.u32 s20, $0x1F;
	v7 =	vsel vm12, s15, v24;
	v9 =	vsel vm12, s28, v26;
	s28 =	sld [smem:$0x7A7]  }
0x3b7: {  	v8 =	vsel vm13, s22, v8;
	s22 =	sld [smem:$0x7AA];
	v6 =	vsel vm12, s5, v6;
	v4 =	vsel vm8, s4, v4;
	s5 =	sshra.s32 s21, $0x1F;
	s21 =	sshra.s32 s20, $0xD  }
0x3b8: {  	v5 =	vsel vm15, s30, v5;
	s30 =	sshrl.u32 s17, $0x1F;
	v7 =	vsel vm13, s31, v7;
	s31 =	sshrl.u32 s16, $0x1F;
	v9 =	vsel vm13, s24, v9;
	s24 =	sld [smem:$0x7A9]  }
0x3b9: {  	vm6 =	vmmov vm4;
	v6 =	vsel vm13, s6, v6;
	v4 =	vsel vm13, s12, v4;
	s6 =	sshra.s32 s20, $0x1F;
	s12 =	sshrl.u32 s18, $0x1F;
	s20 =	spop (v2sf)  }
0x3ba: {  	vm4 =	vmmov vm10;
	v7 =	vsel vm15, s1, v7;
	s1 =	sshra.s32 s16, $0xD;
	v6 =	vsel vm15, s29, v6;
	s29 =	sshra.s32 s18, $0xD;
	s18 =	spop (v2sf)  }
0x3bb: {  	v9 =	vsel vm15, s23, v9;
	s23 =	sshra.s32 s7, $0xD;
	v4 =	vsel vm6, s0, v4;
	s15 =	smulhi.u32 $0x14F8B589, s20;
	v6 =	vsel vm10, s25, v6;
	s4 =	spop (v2sf)  }
0x3bc: {  	s20 =	sshra.s32 s20, $0x1F;
	v4 =	vsel vm15, s26, v4;
	vm10 =	vmmov vm1;
	s26 =	sld [smem:$0x7A4];
	v6 =	vsel vm2, s12, v6;
	s2 =	spop (v2sf)  }
0x3bd: {  	s25 =	sshra.s32 s17, $0xD;
	v4 =	vsel vm1, s5, v4;
	s5 =	sshra.s32 s17, $0x1F;
	vm1 =	vmmov vm0;
	v6 =	vsel vm0, s30, v6;
	s17 =	spop (v2sf)  }
0x3be: {  	s0 =	sshrl.u32 s22, $0x1F;
	v4 =	vsel vm4, s21, v4;
	vm0 =	vmmov vm4;
	vm4 =	vcmask $0x2724;
	s21 =	sld [smem:$0x7A6];
	s10 =	smulhi.u32 $0x14F8B589, s17  }
0x3bf: {  	v8 =	vsel vm15, s19, v8;
	v6 =	vsel vm3, s31, v6;
	v4 =	vsel vm4, s6, v4;
	s31 =	sshra.s32 s17, $0x1F;
	s3 =	sshrl.u32 s26, $0x1F;
	s6 =	smul.u32 $0x14F8B589, s20  }
0x3c0: {  	v5 =	vcombine.low v7, v5;
	v27 =	vcombine.low v9, v8;
	s17 =	sshrl.u32 s28, $0x1F;
	s20 =	sshrl.u32 s24, $0x1F;
	s16 =	smul.u32 $0x14F8B589, s31  }
0x3c1: {  	vm14 =	vmmov vm2;
	v4 =	vsel vm2, s29, v4;
	s29 =	sld [smem:$0x7A5];
	s31 =	sshrl.u32 s7, $0x1F;
	s7 =	sshra.s32 s7, $0x1F  }
0x3c2: {  	v5 =	vperm.xlane v5, v0;
	v7 =	vperm.xlane v27, v0;
	v4 =	vsel vm9, s13, v4;
	s12 =	sshrl.u32 s21, $0x1F;
	s13 =	sshrl.u32 s14, $0x1F;
	s16 =	sadd.s32 s16, s10  }
0x3c3: {  	vm2 =	vmmov vm9;
	v6 =	vperm.xlane v6, v1;
	s6 =	sadd.s32 s6, s15;
	v4 =	vsel vm1, s25, v4;
	s25 =	sld [smem:$0x7A8];
	s10 =	sshra.s32 s16, $0x1F  }
0x3c4: {  	v30 =	vmov s31;
	s30 =	sshrl.u32 s29, $0x1F;
	v4 =	vsel vm5, s5, v4;
	s5 =	smulhi.u32 $0x14F8B589, s4;
	s4 =	sshra.s32 s4, $0x1F;
	v29 =	vmov s10  }
0x3c5: {  	s15 =	sshra.s32 s9, $0x1F;
	v4 =	vsel vm3, s1, v4;
	v28 =	vmov s30;
	s1 =	sshrl.u32 s9, $0x1F;
	s4 =	smul.u32 $0x14F8B589, s4;
	v9 =	vsel vm11, s23, v29  }
0x3c6: {  	v10 =	vnsel vm11, $0x0, v30;
	s30 =	sshra.s32 s9, $0xD;
	v8 =	vsel vm12, s3, v28;
	s3 =	smulhi.u32 $0x14F8B589, s18;
	s18 =	sshra.s32 s18, $0x1F;
	v9 =	vsel vm7, s7, v9  }
0x3c7: {  	s31 =	sshrl.u32 s6, $0x1F;
	s19 =	sshrl.u32 s25, $0x1F;
	v4 =	vperm.xlane v4, v1;
	v10 =	vsel vm12, s1, v10;
	s11 =	smul.u32 $0x14F8B589, s18;
	v9 =	vsel vm12, s30, v9  }
0x3c8: {  	s10 =	sshrl.u32 s8, $0x1F;
	s23 =	sshra.s32 s8, $0xD;
	v8 =	vsel vm13, s12, v8;
	s18 =	smulhi.u32 $0x14F8B589, s2;
	v31 =	vmov s19;
	v9 =	vsel vm8, s15, v9  }
0x3c9: {  	s2 =	sshra.s32 s2, $0x1F;
	v10 =	vsel vm13, s10, v10;
	s4 =	sadd.s32 s4, s5;
	v8 =	vsel vm15, s13, v8;
	s30 =	sshra.s32 s8, $0x1F;
	v9 =	vsel vm13, s23, v9  }
0x3ca: {  	s7 =	sshra.s32 s6, $0xD;
	s10 =	sshra.s32 s6, $0x1F;
	v11 =	vsel vm12, s17, v31;
	v10 =	vsel vm15, s31, v10;
	s13 =	sshra.s32 s29, $0xD;
	v9 =	vsel vm6, s30, v9  }
0x3cb: {  	s2 =	smul.u32 $0x14F8B589, s2;
	s3 =	sadd.s32 s11, s3;
	v11 =	vsel vm13, s20, v11;
	s15 =	sshra.s32 s25, $0xD;
	v32 =	vmov s13;
	v9 =	vsel vm15, s7, v9  }
0x3cc: {  	s19 =	sshra.s32 s28, $0xD;
	s31 =	sshrl.u32 s3, $0x1F;
	v11 =	vsel vm15, s0, v11;
	s12 =	sshra.s32 s3, $0xD;
	v33 =	vmov s15;
	v9 =	vsel vm10, s10, v9  }
0x3cd: {  	s1 =	sadd.s32 s2, s18;
	s17 =	sshra.s32 s3, $0x1F;
	s18 =	sshra.s32 s26, $0xD;
	v10 =	vsel vm0, s31, v10;
	v8 =	vcombine.low v11, v8;
	v9 =	vsel vm0, s12, v9  }
0x3ce: {  	s9 =	sshrl.u32 s4, $0x1F;
	s20 =	sshra.s32 s4, $0xD;
	s23 =	sshra.s32 s21, $0xD;
	v11 =	vsel vm12, s18, v32;
	v12 =	vsel vm12, s19, v33;
	v9 =	vsel vm4, s17, v9  }
0x3cf: {  	v34 =	vld [tilespmem:$0x1FFF0];
	s25 =	sshra.s32 s24, $0xD;
	s26 =	sshra.s32 s4, $0x1F;
	s11 =	sshrl.u32 s1, $0x1F;
	v10 =	vsel vm14, s9, v10;
	v11 =	vsel vm13, s23, v11;
	v9 =	vsel vm14, s20, v9  }
0x3d0: {  	s28 =	sshra.s32 s14, $0xD;
	s29 =	sshra.s32 s22, $0xD;
	s30 =	sshra.s32 s1, $0xD;
	v12 =	vsel vm13, s25, v12;
	v10 =	vsel vm1, s11, v10;
	v9 =	vsel vm2, s26, v9  }
0x3d1: {  	s31 =	sshrl.u32 s16, $0x1F;
	s2 =	sshra.s32 s1, $0x1F;
	v11 =	vsel vm15, s28, v11;
	v12 =	vsel vm15, s29, v12;
	v9 =	vsel vm1, s30, v9  }
0x3d2: {  	s3 =	sshra.s32 s16, $0xD;
	v10 =	vsel vm3, s31, v10;
	v11 =	vcombine.low v12, v11;
	v9 =	vsel vm5, s2, v9  }
0x3d3: {  	v8 =	vperm.xlane v8, v0;
	v10 =	vperm.xlane v10, v1;
	v9 =	vsel vm3, s3, v9  }
0x3d4: {  	vm8 =	vnez.u8 v34;
	v11 =	vperm.xlane v11, v0;
	v9 =	vperm.xlane v9, v1  }
0x3d5: {  	v5 =	vsel vm8, v6, v5;
	v4 =	vsel vm8, v4, v7  }
0x3d6: {  	v4 =	vadd.s32 v5, v4;
	v35 =	vsel vm8, v10, v8;
	v36 =	vsel vm8, v9, v11  }
0x3d7: {  	v4 =	vmul.u32 $0x186A0, v4;
	v5 =	vadd.s32 v35, v36  }
0x3d8: {  	v5 =	vmul.u32 $0x186A0, v5  }
0x3d9: {  	v2 =	vsub.s32 v2, v4  }
0x3da: {  	v4 =	vadd.s32 $0x186A0, v2;
	vm2 =	vlt.s32 v2, $0x0;
	v3 =	vsub.s32 v3, v5  }
0x3db: {  	v2 =	vsel vm2, v4, v2;
	vm2 =	vlt.s32 v3, $0x0;
	v37 =	vadd.s32 $0x186A0, v3  }
0x3dc: {  	s6 =	rddreg [dreg:$0x1];
	[tilespmem:$0x480] =	vst v2;
	v2 =	vsel vm2, v37, v3  }
0x3dd: {  	s5 =	simm.s32 $0x6700;
	s4 =	rddreg [dreg:$0x16];
	s7 =	simm.s32 $0x20;
	[tilespmem:$0x490] =	vst v2  }
0x3de: {  	[tilespmem:s5], [sflag:$0x7] =	stream.indirect.gather [hbm4b:s6+s7], $0x80, s4, s7, $0xb8;
	[tilespmem:$0xB700] =	vst v63  }
0x3df: {  	v2 =	vld [tilespmem:$0xE7]  }
0x3e0: {  	v38 =	vld [tilespmem:$0x1FF70];
	_ =	sdelay $0x1  }
0x3e1: {  	v3 =	vld [tilespmem:$0xE8];
	_ =	sdelay $0x1  }
0x3e2: {  	v2 =	vmul.u32 $0xF4243, v2  }
0x3e3: {  	vm2 =	vnez.u8 v38  }
0x3e4: {  	v2 =	vsel vm2, $0x0, v2  }
0x3e5: {  	v2 =	vadd.s32 v3, v2  }
0x3e6: {  	(v2sf) =	vpush v2, $0xD;
	_ =	sdelay $0x1  }
0x3e7: {  	(v2sf) =	vpush v2, $0xC;
	_ =	sdelay $0x1  }
0x3e8: {  	(v2sf) =	vpush v2, $0xE;
	_ =	sdelay $0x1  }
0x3e9: {  	(v2sf) =	vpush v2, $0xF;
	_ =	sdelay $0x1  }
0x3ea: {  	(v2sf) =	vpush v2, $0x9;
	_ =	sdelay $0x1  }
0x3eb: {  	(v2sf) =	vpush v2, $0x8;
	_ =	sdelay $0x1  }
0x3ec: {  	(v2sf) =	vpush v2, $0xA;
	_ =	sdelay $0x1  }
0x3ed: {  	(v2sf) =	vpush v2, $0xB  }
0x3ee: {  	s8 =	spop (v2sf)  }
0x3ef: {  	s0 =	smulhi.u32 $0x14F8B589, s8;
	s1 =	sshra.s32 s8, $0x1F  }
0x3f0: {  	(v2sf) =	vpush v2, $0x0;
	s9 =	spop (v2sf);
	s19 =	smul.u32 $0x14F8B589, s1  }
0x3f1: {  	(v2sf) =	vpush v2, $0x1;
	s1 =	smulhi.u32 $0x14F8B589, s9;
	s2 =	sshra.s32 s9, $0x1F  }
0x3f2: {  	s10 =	spop (v2sf);
	(v2sf) =	vpush v2, $0x2;
	s22 =	smul.u32 $0x14F8B589, s2  }
0x3f3: {  	s7 =	smulhi.u32 $0x14F8B589, s10;
	s2 =	sshra.s32 s10, $0x1F  }
0x3f4: {  	s11 =	spop (v2sf);
	s5 =	smul.u32 $0x14F8B589, s2  }
0x3f5: {  	s8 =	smulhi.u32 $0x14F8B589, s11;
	s2 =	sshra.s32 s11, $0x1F  }
0x3f6: {  	s12 =	spop (v2sf);
	s10 =	smul.u32 $0x14F8B589, s2  }
0x3f7: {  	(v2sf) =	vpush v2, $0x3;
	s9 =	smulhi.u32 $0x14F8B589, s12;
	s2 =	sshra.s32 s12, $0x1F  }
0x3f8: {  	s13 =	spop (v2sf);
	s3 =	smul.u32 $0x14F8B589, s2  }
0x3f9: {  	v3 =	vld [tilespmem:$0xF7];
	(v2sf) =	vpush v2, $0x4;
	s11 =	smulhi.u32 $0x14F8B589, s13;
	s2 =	sshra.s32 s13, $0x1F  }
0x3fa: {  	(v2sf) =	vpush v2, $0x5;
	s14 =	spop (v2sf);
	s23 =	smul.u32 $0x14F8B589, s2  }
0x3fb: {  	v39 =	vld [tilespmem:$0xF8];
	s12 =	smulhi.u32 $0x14F8B589, s14;
	s2 =	sshra.s32 s14, $0x1F  }
0x3fc: {  	(v2sf) =	vpush v2, $0x6;
	s15 =	spop (v2sf);
	s24 =	smul.u32 $0x14F8B589, s2  }
0x3fd: {  	s16 =	smulhi.u32 $0x14F8B589, s15;
	s2 =	sshra.s32 s15, $0x1F  }
0x3fe: {  	v3 =	vmul.u32 $0xF4243, v3;
	(v2sf) =	vpush v2, $0x7;
	s29 =	smul.u32 $0x14F8B589, s2  }
0x3ff: {  	[smem:$0x7AB] =	sst s16;
	s17 =	spop (v2sf)  }
0x400: {  	v3 =	vadd.s32 v39, v3;
	s18 =	smulhi.u32 $0x14F8B589, s17;
	s20 =	spop (v2sf)  }
0x401: {  	(v2sf) =	vpush v3, $0xD;
	s21 =	smulhi.u32 $0x14F8B589, s20;
	s25 =	spop (v2sf)  }
0x402: {  	s2 =	sshra.s32 s17, $0x1F;
	[smem:$0x7AC] =	sst s18;
	s26 =	smulhi.u32 $0x14F8B589, s25  }
0x403: {  	(v2sf) =	vpush v3, $0xC;
	s4 =	smul.u32 $0x14F8B589, s2;
	s2 =	sshra.s32 s20, $0x1F;
	[smem:$0x7AD] =	sst s21  }
0x404: {  	s6 =	smul.u32 $0x14F8B589, s2;
	s2 =	sshra.s32 s25, $0x1F;
	[smem:$0x7AE] =	sst s26  }
0x405: {  	s0 =	sadd.s32 s19, s0;
	s26 =	smul.u32 $0x14F8B589, s2;
	(v2sf) =	vpush v3, $0xE  }
0x406: {  	s13 =	sadd.s32 s3, s9;
	[smem:$0x7B9] =	sst s0;
	s28 =	spop (v2sf)  }
0x407: {  	s9 =	sld [smem:$0x7AD];
	s30 =	smulhi.u32 $0x14F8B589, s28;
	s2 =	sshra.s32 s28, $0x1F  }
0x408: {  	s31 =	spop (v2sf);
	s21 =	smul.u32 $0x14F8B589, s2  }
0x409: {  	s14 =	smulhi.u32 $0x14F8B589, s31;
	s2 =	sshra.s32 s31, $0x1F;
	s15 =	spop (v2sf)  }
0x40a: {  	[smem:$0x7AF] =	sst s30;
	s20 =	smul.u32 $0x14F8B589, s2  }
0x40b: {  	(v2sf) =	vpush v3, $0xF;
	s16 =	smulhi.u32 $0x14F8B589, s15;
	s2 =	sshra.s32 s15, $0x1F;
	s17 =	spop (v2sf)  }
0x40c: {  	[smem:$0x7B0] =	sst s14;
	s18 =	smul.u32 $0x14F8B589, s2  }
0x40d: {  	(v2sf) =	vpush v3, $0x9;
	s25 =	smulhi.u32 $0x14F8B589, s17;
	s2 =	sshra.s32 s17, $0x1F;
	s28 =	spop (v2sf)  }
0x40e: {  	[smem:$0x7B1] =	sst s16;
	s17 =	smul.u32 $0x14F8B589, s2  }
0x40f: {  	s30 =	smulhi.u32 $0x14F8B589, s28;
	s2 =	sshra.s32 s28, $0x1F;
	[smem:$0x7B2] =	sst s25  }
0x410: {  	(v2sf) =	vpush v3, $0x8;
	s16 =	smul.u32 $0x14F8B589, s2;
	s31 =	spop (v2sf)  }
0x411: {  	[smem:$0x7B3] =	sst s30;
	s14 =	smulhi.u32 $0x14F8B589, s31;
	s2 =	sshra.s32 s31, $0x1F  }
0x412: {  	(v2sf) =	vpush v3, $0xA;
	s19 =	spop (v2sf);
	s15 =	smul.u32 $0x14F8B589, s2  }
0x413: {  	s28 =	sadd.s32 s22, s1;
	s22 =	smulhi.u32 $0x14F8B589, s19;
	[smem:$0x7B4] =	sst s14  }
0x414: {  	(v2sf) =	vpush v3, $0xB;
	[smem:$0x7B5] =	sst s15  }
0x415: {  	[smem:$0x7B6] =	sst s22  }
0x416: {  	s2 =	sshra.s32 s19, $0x1F;
	s22 =	sadd.s32 s5, s7;
	s5 =	sld [smem:$0x7AB]  }
0x417: {  	(v2sf) =	vpush v3, $0x0;
	s25 =	smul.u32 $0x14F8B589, s2;
	s7 =	sld [smem:$0x7AC]  }
0x418: {  	s15 =	sadd.s32 s10, s8;
	s10 =	sld [smem:$0x7AE]  }
0x419: {  	s23 =	sadd.s32 s23, s11;
	[smem:$0x7B7] =	sst s25;
	s30 =	spop (v2sf)  }
0x41a: {  	s31 =	smulhi.u32 $0x14F8B589, s30;
	s0 =	sshra.s32 s30, $0x1F;
	s2 =	spop (v2sf)  }
0x41b: {  	s4 =	sadd.s32 s4, s7;
	s7 =	sld [smem:$0x7B1];
	s25 =	smul.u32 $0x14F8B589, s0  }
0x41c: {  	s30 =	smulhi.u32 $0x14F8B589, s2;
	s0 =	sshra.s32 s2, $0x1F;
	s3 =	spop (v2sf)  }
0x41d: {  	s24 =	sadd.s32 s24, s12;
	s2 =	sld [smem:$0x7AF];
	s14 =	smul.u32 $0x14F8B589, s0  }
0x41e: {  	[smem:$0x7B8] =	sst s31;
	s19 =	smulhi.u32 $0x14F8B589, s3;
	s0 =	sshra.s32 s3, $0x1F  }
0x41f: {  	s6 =	sadd.s32 s6, s9;
	s8 =	spop (v2sf);
	s12 =	smul.u32 $0x14F8B589, s0  }
0x420: {  	s3 =	sld [smem:$0x7B0];
	s11 =	smulhi.u32 $0x14F8B589, s8;
	s0 =	sshra.s32 s8, $0x1F  }
0x421: {  	s26 =	sadd.s32 s26, s10;
	s31 =	spop (v2sf);
	s9 =	smul.u32 $0x14F8B589, s0  }
0x422: {  	(v2sf) =	vpush v3, $0x1;
	s10 =	smulhi.u32 $0x14F8B589, s31;
	s0 =	sshra.s32 s31, $0x1F;
	s31 =	sld [smem:$0x7B2]  }
0x423: {  	s29 =	sadd.s32 s29, s5;
	s5 =	spop (v2sf);
	s8 =	smul.u32 $0x14F8B589, s0  }
0x424: {  	(v2sf) =	vpush v3, $0x2;
	s18 =	sadd.s32 s18, s7;
	s21 =	sadd.s32 s21, s2;
	s7 =	smulhi.u32 $0x14F8B589, s5  }
0x425: {  	s0 =	sshra.s32 s5, $0x1F;
	s17 =	sadd.s32 s17, s31;
	s31 =	sld [smem:$0x7B3]  }
0x426: {  	s20 =	sadd.s32 s20, s3;
	s5 =	smul.u32 $0x14F8B589, s0;
	s2 =	spop (v2sf)  }
0x427: {  	s3 =	smulhi.u32 $0x14F8B589, s2;
	s0 =	sshra.s32 s2, $0x1F;
	s2 =	sld [smem:$0x7B4]  }
0x428: {  	s16 =	sadd.s32 s16, s31;
	s31 =	sld [smem:$0x7B5]  }
0x429: {  	s12 =	sadd.s32 s12, s19  }
0x42a: {  	[smem:$0x7BD] =	sst s12  }
0x42b: {  	s1 =	sadd.s32 s31, s2;
	s31 =	sld [smem:$0x7B7]  }
0x42c: {  	[smem:$0x7BA] =	sst s1  }
0x42d: {  	s9 =	sadd.s32 s9, s11;
	s1 =	sld [smem:$0x7B6]  }
0x42e: {  	[smem:$0x7BE] =	sst s9;
	s19 =	sadd.s32 s8, s10  }
0x42f: {  	s14 =	sadd.s32 s14, s30;
	[smem:$0x7BF] =	sst s19  }
0x430: {  	s12 =	sshrl.u32 s28, $0x1F;
	s1 =	sadd.s32 s31, s1;
	s31 =	sld [smem:$0x7B8]  }
0x431: {  	s10 =	sshra.s32 s28, $0xD;
	s2 =	smul.u32 $0x14F8B589, s0;
	s0 =	spop (v2sf)  }
0x432: {  	s28 =	sshra.s32 s13, $0xD;
	[smem:$0x7BB] =	sst s1;
	s1 =	smulhi.u32 $0x14F8B589, s0  }
0x433: {  	s0 =	sshra.s32 s0, $0x1F;
	s25 =	sadd.s32 s25, s31;
	s31 =	spop (v2sf)  }
0x434: {  	(v2sf) =	vpush v3, $0x3;
	v41 =	vmov s12;
	s12 =	sshra.s32 s26, $0xD;
	[smem:$0x7BC] =	sst s25;
	s25 =	smul.u32 $0x14F8B589, s0  }
0x435: {  	(v2sf) =	vpush v3, $0x4;
	s19 =	sshra.s32 s15, $0xD;
	s30 =	smulhi.u32 $0x14F8B589, s31;
	s0 =	sshra.s32 s31, $0x1F  }
0x436: {  	(v2sf) =	vpush v3, $0x5;
	s31 =	sadd.s32 s5, s7;
	s7 =	sadd.s32 s2, s3;
	s3 =	sld [smem:$0x7B9]  }
0x437: {  	(v2sf) =	vpush v3, $0x6;
	s5 =	sshra.s32 s16, $0x1F;
	s11 =	smul.u32 $0x14F8B589, s0;
	[smem:$0x7C0] =	sst s31  }
0x438: {  	(v2sf) =	vpush v3, $0x7;
	s31 =	sshrl.u32 s24, $0x1F;
	s24 =	sshra.s32 s24, $0xD;
	s0 =	sshra.s32 s4, $0xD  }
0x439: {  	s9 =	sadd.s32 s25, s1;
	s1 =	sshrl.u32 s29, $0x1F;
	s8 =	sadd.s32 s11, s30  }
0x43a: {  	s2 =	sshrl.u32 s3, $0x1F;
	s11 =	sshra.s32 s3, $0xD;
	s30 =	sshrl.u32 s15, $0x1F  }
0x43b: {  	v40 =	vmov s5;
	s15 =	sshrl.u32 s13, $0x1F;
	s13 =	sshrl.u32 s23, $0x1F;
	s3 =	sshra.s32 s23, $0xD  }
0x43c: {  	vm9 =	vmmov vm6;
	vm6 =	vcmask $0xF0C;
	v4 =	vsel vm11, s0, v40;
	s23 =	sshra.s32 s29, $0xD;
	s29 =	sshrl.u32 s4, $0x1F;
	s4 =	sshra.s32 s4, $0x1F  }
0x43d: {  	v44 =	vmov s10;
	s5 =	sshrl.u32 s6, $0x1F;
	s25 =	sshrl.u32 s22, $0x1F;
	s22 =	sshra.s32 s22, $0xD;
	v42 =	vmov s29;
	v4 =	vsel vm7, s4, v4  }
0x43e: {  	s0 =	sshra.s32 s6, $0xD;
	s4 =	sshra.s32 s6, $0x1F;
	s6 =	sshrl.u32 s26, $0x1F;
	v5 =	vsel vm12, s2, v41;
	v43 =	vmov s13;
	v8 =	vsel vm12, s11, v44  }
0x43f: {  	s29 =	sshrl.u32 s21, $0x1F;
	s13 =	sshra.s32 s18, $0x1F;
	v45 =	vmov s3;
	v4 =	vsel vm12, s0, v4;
	v6 =	vnsel vm11, $0x0, v42;
	s0 =	sshra.s32 s26, $0x1F  }
0x440: {  	s26 =	sshra.s32 s21, $0xD;
	v5 =	vsel vm13, s25, v5;
	s25 =	sshrl.u32 s20, $0x1F;
	v7 =	vsel vm12, s15, v43;
	v9 =	vsel vm12, s28, v45;
	s28 =	sld [smem:$0x7BD]  }
0x441: {  	v8 =	vsel vm13, s22, v8;
	s22 =	sld [smem:$0x7C0];
	v6 =	vsel vm12, s5, v6;
	v4 =	vsel vm6, s4, v4;
	s5 =	sshra.s32 s21, $0x1F;
	s21 =	sshra.s32 s20, $0xD  }
0x442: {  	v5 =	vsel vm15, s30, v5;
	s30 =	sshrl.u32 s17, $0x1F;
	v7 =	vsel vm13, s31, v7;
	s31 =	sshrl.u32 s16, $0x1F;
	v9 =	vsel vm13, s24, v9;
	s24 =	sld [smem:$0x7BF]  }
0x443: {  	v6 =	vsel vm13, s6, v6;
	v4 =	vsel vm13, s12, v4;
	s6 =	sshra.s32 s20, $0x1F;
	s12 =	sshrl.u32 s18, $0x1F;
	s20 =	spop (v2sf)  }
0x444: {  	v7 =	vsel vm15, s1, v7;
	s1 =	sshra.s32 s16, $0xD;
	v6 =	vsel vm15, s29, v6;
	s29 =	sshra.s32 s18, $0xD;
	s18 =	spop (v2sf)  }
0x445: {  	v9 =	vsel vm15, s23, v9;
	s23 =	sshra.s32 s7, $0xD;
	v4 =	vsel vm9, s0, v4;
	s15 =	smulhi.u32 $0x14F8B589, s20;
	s4 =	spop (v2sf)  }
0x446: {  	s20 =	sshra.s32 s20, $0x1F;
	v6 =	vsel vm0, s25, v6;
	v4 =	vsel vm15, s26, v4;
	s26 =	sld [smem:$0x7BA];
	s2 =	spop (v2sf)  }
0x447: {  	vm2 =	vmmov vm0;
	s25 =	sshra.s32 s17, $0xD;
	v6 =	vsel vm14, s12, v6;
	v4 =	vsel vm10, s5, v4;
	s5 =	sshra.s32 s17, $0x1F;
	s17 =	spop (v2sf)  }
0x448: {  	s0 =	sshrl.u32 s22, $0x1F;
	v6 =	vsel vm1, s30, v6;
	v4 =	vsel vm0, s21, v4;
	vm0 =	vcmask $0x2724;
	s21 =	sld [smem:$0x7BC];
	s10 =	smulhi.u32 $0x14F8B589, s17  }
0x449: {  	v6 =	vsel vm3, s31, v6;
	v4 =	vsel vm0, s6, v4;
	s31 =	sshra.s32 s17, $0x1F;
	s3 =	sshrl.u32 s26, $0x1F;
	s6 =	smul.u32 $0x14F8B589, s20  }
0x44a: {  	vm5 =	vmmov vm10;
	v8 =	vsel vm15, s19, v8;
	v5 =	vcombine.low v7, v5;
	s17 =	sshrl.u32 s28, $0x1F;
	s20 =	sshrl.u32 s24, $0x1F;
	s16 =	smul.u32 $0x14F8B589, s31  }
0x44b: {  	v46 =	vcombine.low v9, v8;
	vm10 =	vcmask $0x2F2C;
	v4 =	vsel vm14, s29, v4;
	s29 =	sld [smem:$0x7BB];
	s31 =	sshrl.u32 s7, $0x1F;
	s7 =	sshra.s32 s7, $0x1F  }
0x44c: {  	vm4 =	vcmask $0x3734;
	v5 =	vperm.xlane v5, v0;
	v4 =	vsel vm10, s13, v4;
	s12 =	sshrl.u32 s21, $0x1F;
	s13 =	sshrl.u32 s14, $0x1F;
	s16 =	sadd.s32 s16, s10  }
0x44d: {  	v7 =	vperm.xlane v46, v0;
	v6 =	vperm.xlane v6, v1;
	s6 =	sadd.s32 s6, s15;
	v4 =	vsel vm1, s25, v4;
	s25 =	sld [smem:$0x7BE];
	s10 =	sshra.s32 s16, $0x1F  }
0x44e: {  	v49 =	vmov s31;
	s30 =	sshrl.u32 s29, $0x1F;
	v4 =	vsel vm4, s5, v4;
	s5 =	smulhi.u32 $0x14F8B589, s4;
	s4 =	sshra.s32 s4, $0x1F;
	v48 =	vmov s10  }
0x44f: {  	s15 =	sshra.s32 s9, $0x1F;
	v4 =	vsel vm3, s1, v4;
	v47 =	vmov s30;
	s1 =	sshrl.u32 s9, $0x1F;
	s4 =	smul.u32 $0x14F8B589, s4;
	v9 =	vsel vm11, s23, v48  }
0x450: {  	v10 =	vnsel vm11, $0x0, v49;
	s30 =	sshra.s32 s9, $0xD;
	v8 =	vsel vm12, s3, v47;
	s3 =	smulhi.u32 $0x14F8B589, s18;
	s18 =	sshra.s32 s18, $0x1F;
	v9 =	vsel vm7, s7, v9  }
0x451: {  	s31 =	sshrl.u32 s6, $0x1F;
	s19 =	sshrl.u32 s25, $0x1F;
	v4 =	vperm.xlane v4, v1;
	v10 =	vsel vm12, s1, v10;
	s11 =	smul.u32 $0x14F8B589, s18;
	v9 =	vsel vm12, s30, v9  }
0x452: {  	s10 =	sshrl.u32 s8, $0x1F;
	s23 =	sshra.s32 s8, $0xD;
	v8 =	vsel vm13, s12, v8;
	s18 =	smulhi.u32 $0x14F8B589, s2;
	v50 =	vmov s19;
	v9 =	vsel vm6, s15, v9  }
0x453: {  	s2 =	sshra.s32 s2, $0x1F;
	v10 =	vsel vm13, s10, v10;
	s4 =	sadd.s32 s4, s5;
	v8 =	vsel vm15, s13, v8;
	s30 =	sshra.s32 s8, $0x1F;
	v9 =	vsel vm13, s23, v9  }
0x454: {  	s7 =	sshra.s32 s6, $0xD;
	s10 =	sshra.s32 s6, $0x1F;
	v11 =	vsel vm12, s17, v50;
	v10 =	vsel vm15, s31, v10;
	s13 =	sshra.s32 s29, $0xD;
	v9 =	vsel vm9, s30, v9  }
0x455: {  	s2 =	smul.u32 $0x14F8B589, s2;
	s3 =	sadd.s32 s11, s3;
	v11 =	vsel vm13, s20, v11;
	s15 =	sshra.s32 s25, $0xD;
	v51 =	vmov s13;
	v9 =	vsel vm15, s7, v9  }
0x456: {  	s19 =	sshra.s32 s28, $0xD;
	s31 =	sshrl.u32 s3, $0x1F;
	v11 =	vsel vm15, s0, v11;
	s12 =	sshra.s32 s3, $0xD;
	v52 =	vmov s15;
	v9 =	vsel vm5, s10, v9  }
0x457: {  	s1 =	sadd.s32 s2, s18;
	s17 =	sshra.s32 s3, $0x1F;
	s18 =	sshra.s32 s26, $0xD;
	v10 =	vsel vm2, s31, v10;
	v8 =	vcombine.low v11, v8;
	v9 =	vsel vm2, s12, v9  }
0x458: {  	s9 =	sshrl.u32 s4, $0x1F;
	s20 =	sshra.s32 s4, $0xD;
	s23 =	sshra.s32 s21, $0xD;
	v11 =	vsel vm12, s18, v51;
	v12 =	vsel vm12, s19, v52;
	v9 =	vsel vm0, s17, v9  }
0x459: {  	s25 =	sshra.s32 s24, $0xD;
	s26 =	sshra.s32 s4, $0x1F;
	s11 =	sshrl.u32 s1, $0x1F;
	v10 =	vsel vm14, s9, v10;
	v11 =	vsel vm13, s23, v11;
	v9 =	vsel vm14, s20, v9  }
0x45a: {  	s28 =	sshra.s32 s14, $0xD;
	s29 =	sshra.s32 s22, $0xD;
	s30 =	sshra.s32 s1, $0xD;
	v12 =	vsel vm13, s25, v12;
	v10 =	vsel vm1, s11, v10;
	v9 =	vsel vm10, s26, v9  }
0x45b: {  	s31 =	sshrl.u32 s16, $0x1F;
	s2 =	sshra.s32 s1, $0x1F;
	v11 =	vsel vm15, s28, v11;
	v12 =	vsel vm15, s29, v12;
	v9 =	vsel vm1, s30, v9  }
0x45c: {  	s3 =	sshra.s32 s16, $0xD;
	v10 =	vsel vm3, s31, v10;
	v11 =	vcombine.low v12, v11;
	v9 =	vsel vm4, s2, v9  }
0x45d: {  	v8 =	vperm.xlane v8, v0;
	v10 =	vperm.xlane v10, v1;
	v9 =	vsel vm3, s3, v9  }
0x45e: {  	v11 =	vperm.xlane v11, v0;
	v9 =	vperm.xlane v9, v1  }
0x45f: {  	v5 =	vsel vm8, v6, v5;
	v4 =	vsel vm8, v4, v7  }
0x460: {  	v4 =	vadd.s32 v5, v4;
	v53 =	vsel vm8, v10, v8;
	v54 =	vsel vm8, v9, v11  }
0x461: {  	v4 =	vmul.u32 $0x186A0, v4;
	v5 =	vadd.s32 v53, v54  }
0x462: {  	v5 =	vmul.u32 $0x186A0, v5  }
0x463: {  	v2 =	vsub.s32 v2, v4  }
0x464: {  	v4 =	vadd.s32 $0x186A0, v2;
	vm10 =	vlt.s32 v2, $0x0;
	v3 =	vsub.s32 v3, v5  }
0x465: {  	v2 =	vsel vm10, v4, v2;
	vm0 =	vlt.s32 v3, $0x0;
	v55 =	vadd.s32 $0x186A0, v3  }
0x466: {  	s6 =	rddreg [dreg:$0x1];
	[tilespmem:$0x500] =	vst v2;
	v2 =	vsel vm0, v55, v3  }
0x467: {  	s5 =	simm.s32 $0x7700;
	s4 =	rddreg [dreg:$0x17];
	s7 =	simm.s32 $0x20;
	[tilespmem:$0x510] =	vst v2  }
0x468: {  	[tilespmem:s5], [sflag:$0x8] =	stream.indirect.gather [hbm4b:s6+s7], $0x80, s4, s7, $0xb8;
	[tilespmem:$0xB700] =	vst v63  }
0x469: {  	v2 =	vld [tilespmem:$0x107]  }
0x46a: {  	v56 =	vld [tilespmem:$0x1FF60];
	_ =	sdelay $0x1  }
0x46b: {  	v3 =	vld [tilespmem:$0x108];
	_ =	sdelay $0x1  }
0x46c: {  	v2 =	vmul.u32 $0xF4243, v2  }
0x46d: {  	vm8 =	vnez.u8 v56  }
0x46e: {  	v2 =	vsel vm8, $0x0, v2  }
0x46f: {  	v2 =	vadd.s32 v3, v2  }
0x470: {  	(v2sf) =	vpush v2, $0xD;
	_ =	sdelay $0x1  }
0x471: {  	(v2sf) =	vpush v2, $0xC;
	_ =	sdelay $0x1  }
0x472: {  	(v2sf) =	vpush v2, $0xE;
	_ =	sdelay $0x1  }
0x473: {  	(v2sf) =	vpush v2, $0xF;
	_ =	sdelay $0x1  }
0x474: {  	(v2sf) =	vpush v2, $0x9;
	_ =	sdelay $0x1  }
0x475: {  	(v2sf) =	vpush v2, $0x8;
	_ =	sdelay $0x1  }
0x476: {  	(v2sf) =	vpush v2, $0xA;
	_ =	sdelay $0x1  }
0x477: {  	(v2sf) =	vpush v2, $0xB  }
0x478: {  	s8 =	spop (v2sf)  }
0x479: {  	(v2sf) =	vpush v2, $0x0;
	s0 =	smulhi.u32 $0x14F8B589, s8;
	s1 =	sshra.s32 s8, $0x1F  }
0x47a: {  	s9 =	spop (v2sf);
	s19 =	smul.u32 $0x14F8B589, s1  }
0x47b: {  	(v2sf) =	vpush v2, $0x1;
	s1 =	smulhi.u32 $0x14F8B589, s9;
	s2 =	sshra.s32 s9, $0x1F  }
0x47c: {  	s10 =	spop (v2sf);
	s22 =	smul.u32 $0x14F8B589, s2  }
0x47d: {  	(v2sf) =	vpush v2, $0x2;
	s7 =	smulhi.u32 $0x14F8B589, s10;
	s2 =	sshra.s32 s10, $0x1F  }
0x47e: {  	s11 =	spop (v2sf);
	s5 =	smul.u32 $0x14F8B589, s2  }
0x47f: {  	(v2sf) =	vpush v2, $0x3;
	s8 =	smulhi.u32 $0x14F8B589, s11;
	s2 =	sshra.s32 s11, $0x1F  }
0x480: {  	s12 =	spop (v2sf);
	(v2sf) =	vpush v2, $0x4;
	s10 =	smul.u32 $0x14F8B589, s2  }
0x481: {  	s9 =	smulhi.u32 $0x14F8B589, s12;
	s2 =	sshra.s32 s12, $0x1F  }
0x482: {  	v3 =	vld [tilespmem:$0x117];
	s13 =	spop (v2sf);
	(v2sf) =	vpush v2, $0x5;
	s3 =	smul.u32 $0x14F8B589, s2  }
0x483: {  	s11 =	smulhi.u32 $0x14F8B589, s13;
	s2 =	sshra.s32 s13, $0x1F  }
0x484: {  	v57 =	vld [tilespmem:$0x118];
	s14 =	spop (v2sf);
	s23 =	smul.u32 $0x14F8B589, s2  }
0x485: {  	(v2sf) =	vpush v2, $0x6;
	s12 =	smulhi.u32 $0x14F8B589, s14;
	s2 =	sshra.s32 s14, $0x1F  }
0x486: {  	s15 =	spop (v2sf);
	s24 =	smul.u32 $0x14F8B589, s2  }
0x487: {  	v3 =	vmul.u32 $0xF4243, v3;
	(v2sf) =	vpush v2, $0x7;
	s16 =	smulhi.u32 $0x14F8B589, s15;
	s2 =	sshra.s32 s15, $0x1F  }
0x488: {  	s0 =	sadd.s32 s19, s0;
	s29 =	smul.u32 $0x14F8B589, s2;
	s17 =	spop (v2sf)  }
0x489: {  	v3 =	vadd.s32 v57, v3;
	[smem:$0x7CF] =	sst s0;
	s18 =	smulhi.u32 $0x14F8B589, s17;
	s2 =	sshra.s32 s17, $0x1F  }
0x48a: {  	(v2sf) =	vpush v3, $0xD;
	s20 =	spop (v2sf);
	s4 =	smul.u32 $0x14F8B589, s2  }
0x48b: {  	[smem:$0x7C1] =	sst s16;
	s21 =	smulhi.u32 $0x14F8B589, s20;
	s2 =	sshra.s32 s20, $0x1F  }
0x48c: {  	(v2sf) =	vpush v3, $0xC;
	s25 =	spop (v2sf);
	s6 =	smul.u32 $0x14F8B589, s2  }
0x48d: {  	[smem:$0x7C2] =	sst s18;
	s26 =	smulhi.u32 $0x14F8B589, s25  }
0x48e: {  	(v2sf) =	vpush v3, $0xE;
	s28 =	spop (v2sf);
	[smem:$0x7C3] =	sst s21  }
0x48f: {  	s2 =	sshra.s32 s25, $0x1F;
	s30 =	smulhi.u32 $0x14F8B589, s28;
	s31 =	spop (v2sf)  }
0x490: {  	[smem:$0x7C4] =	sst s26;
	s26 =	smul.u32 $0x14F8B589, s2  }
0x491: {  	(v2sf) =	vpush v3, $0xF;
	s2 =	sshra.s32 s28, $0x1F;
	s14 =	smulhi.u32 $0x14F8B589, s31;
	s15 =	spop (v2sf)  }
0x492: {  	s13 =	sadd.s32 s3, s9;
	s9 =	sld [smem:$0x7C3];
	s21 =	smul.u32 $0x14F8B589, s2  }
0x493: {  	(v2sf) =	vpush v3, $0x9;
	[smem:$0x7C5] =	sst s30;
	s2 =	sshra.s32 s31, $0x1F;
	s16 =	smulhi.u32 $0x14F8B589, s15  }
0x494: {  	s17 =	spop (v2sf);
	s20 =	smul.u32 $0x14F8B589, s2  }
0x495: {  	(v2sf) =	vpush v3, $0x8;
	[smem:$0x7C6] =	sst s14;
	s2 =	sshra.s32 s15, $0x1F;
	s25 =	smulhi.u32 $0x14F8B589, s17  }
0x496: {  	s28 =	spop (v2sf);
	s18 =	smul.u32 $0x14F8B589, s2  }
0x497: {  	(v2sf) =	vpush v3, $0xA;
	[smem:$0x7C7] =	sst s16;
	s2 =	sshra.s32 s17, $0x1F;
	s30 =	smulhi.u32 $0x14F8B589, s28  }
0x498: {  	[smem:$0x7C8] =	sst s25;
	s17 =	smul.u32 $0x14F8B589, s2;
	s2 =	sshra.s32 s28, $0x1F  }
0x499: {  	s16 =	smul.u32 $0x14F8B589, s2;
	s31 =	spop (v2sf)  }
0x49a: {  	[smem:$0x7C9] =	sst s30;
	s14 =	smulhi.u32 $0x14F8B589, s31;
	s2 =	sshra.s32 s31, $0x1F  }
0x49b: {  	(v2sf) =	vpush v3, $0xB;
	s19 =	spop (v2sf);
	s15 =	smul.u32 $0x14F8B589, s2  }
0x49c: {  	s28 =	sadd.s32 s22, s1;
	s22 =	smulhi.u32 $0x14F8B589, s19;
	[smem:$0x7CA] =	sst s14  }
0x49d: {  	s2 =	sshra.s32 s19, $0x1F;
	s30 =	spop (v2sf);
	[smem:$0x7CB] =	sst s15  }
0x49e: {  	s25 =	smul.u32 $0x14F8B589, s2;
	[smem:$0x7CC] =	sst s22  }
0x49f: {  	(v2sf) =	vpush v3, $0x0;
	s31 =	smulhi.u32 $0x14F8B589, s30;
	s22 =	sadd.s32 s5, s7;
	s5 =	sld [smem:$0x7C1]  }
0x4a0: {  	s0 =	sshra.s32 s30, $0x1F;
	s2 =	spop (v2sf);
	s7 =	sld [smem:$0x7C2]  }
0x4a1: {  	s15 =	sadd.s32 s10, s8;
	s30 =	smulhi.u32 $0x14F8B589, s2;
	s10 =	sld [smem:$0x7C4]  }
0x4a2: {  	s23 =	sadd.s32 s23, s11;
	s3 =	spop (v2sf);
	[smem:$0x7CD] =	sst s25  }
0x4a3: {  	s24 =	sadd.s32 s24, s12;
	[smem:$0x7CE] =	sst s31;
	s25 =	smul.u32 $0x14F8B589, s0  }
0x4a4: {  	s0 =	sshra.s32 s2, $0x1F;
	s19 =	smulhi.u32 $0x14F8B589, s3;
	s8 =	spop (v2sf)  }
0x4a5: {  	s2 =	sld [smem:$0x7C5];
	s14 =	smul.u32 $0x14F8B589, s0;
	s0 =	sshra.s32 s3, $0x1F  }
0x4a6: {  	s6 =	sadd.s32 s6, s9;
	s31 =	spop (v2sf);
	s12 =	smul.u32 $0x14F8B589, s0  }
0x4a7: {  	s0 =	sshra.s32 s8, $0x1F;
	s26 =	sadd.s32 s26, s10;
	s10 =	smulhi.u32 $0x14F8B589, s31  }
0x4a8: {  	s9 =	smul.u32 $0x14F8B589, s0;
	s0 =	sshra.s32 s31, $0x1F;
	s31 =	sld [smem:$0x7C8]  }
0x4a9: {  	(v2sf) =	vpush v3, $0x1;
	s11 =	smulhi.u32 $0x14F8B589, s8;
	s4 =	sadd.s32 s4, s7;
	s7 =	sld [smem:$0x7C7]  }
0x4aa: {  	s3 =	sld [smem:$0x7C6];
	s29 =	sadd.s32 s29, s5;
	s5 =	spop (v2sf)  }
0x4ab: {  	(v2sf) =	vpush v3, $0x2;
	s8 =	smul.u32 $0x14F8B589, s0;
	s17 =	sadd.s32 s17, s31;
	s31 =	sld [smem:$0x7C9]  }
0x4ac: {  	s0 =	sshra.s32 s5, $0x1F;
	s18 =	sadd.s32 s18, s7;
	s7 =	smulhi.u32 $0x14F8B589, s5  }
0x4ad: {  	s21 =	sadd.s32 s21, s2;
	s20 =	sadd.s32 s20, s3;
	s5 =	smul.u32 $0x14F8B589, s0  }
0x4ae: {  	s16 =	sadd.s32 s16, s31;
	s31 =	sld [smem:$0x7CB];
	s2 =	spop (v2sf)  }
0x4af: {  	s3 =	smulhi.u32 $0x14F8B589, s2;
	s0 =	sshra.s32 s2, $0x1F;
	s2 =	sld [smem:$0x7CA]  }
0x4b0: {  	s12 =	sadd.s32 s12, s19  }
0x4b1: {  	[smem:$0x7D3] =	sst s12  }
0x4b2: {  	s1 =	sadd.s32 s31, s2;
	s31 =	sld [smem:$0x7CD]  }
0x4b3: {  	[smem:$0x7D0] =	sst s1  }
0x4b4: {  	s9 =	sadd.s32 s9, s11;
	s1 =	sld [smem:$0x7CC]  }
0x4b5: {  	[smem:$0x7D4] =	sst s9;
	s19 =	sadd.s32 s8, s10  }
0x4b6: {  	s14 =	sadd.s32 s14, s30;
	[smem:$0x7D5] =	sst s19  }
0x4b7: {  	s12 =	sshrl.u32 s28, $0x1F;
	s1 =	sadd.s32 s31, s1;
	s31 =	sld [smem:$0x7CE]  }
0x4b8: {  	s10 =	sshra.s32 s28, $0xD;
	s2 =	smul.u32 $0x14F8B589, s0;
	s0 =	spop (v2sf)  }
0x4b9: {  	s28 =	sshra.s32 s13, $0xD;
	[smem:$0x7D1] =	sst s1;
	s1 =	smulhi.u32 $0x14F8B589, s0  }
0x4ba: {  	s0 =	sshra.s32 s0, $0x1F;
	s25 =	sadd.s32 s25, s31;
	s31 =	spop (v2sf)  }
0x4bb: {  	(v2sf) =	vpush v3, $0x3;
	v59 =	vmov s12;
	s12 =	sshra.s32 s26, $0xD;
	[smem:$0x7D2] =	sst s25;
	s25 =	smul.u32 $0x14F8B589, s0  }
0x4bc: {  	(v2sf) =	vpush v3, $0x4;
	s19 =	sshra.s32 s15, $0xD;
	s30 =	smulhi.u32 $0x14F8B589, s31;
	s0 =	sshra.s32 s31, $0x1F  }
0x4bd: {  	(v2sf) =	vpush v3, $0x5;
	s31 =	sadd.s32 s5, s7;
	s7 =	sadd.s32 s2, s3;
	s3 =	sld [smem:$0x7CF]  }
0x4be: {  	(v2sf) =	vpush v3, $0x6;
	s5 =	sshra.s32 s16, $0x1F;
	s11 =	smul.u32 $0x14F8B589, s0;
	[smem:$0x7D6] =	sst s31  }
0x4bf: {  	(v2sf) =	vpush v3, $0x7;
	s31 =	sshrl.u32 s24, $0x1F;
	s24 =	sshra.s32 s24, $0xD;
	s0 =	sshra.s32 s4, $0xD  }
0x4c0: {  	s9 =	sadd.s32 s25, s1;
	s1 =	sshrl.u32 s29, $0x1F;
	s8 =	sadd.s32 s11, s30  }
0x4c1: {  	s2 =	sshrl.u32 s3, $0x1F;
	s11 =	sshra.s32 s3, $0xD;
	s30 =	sshrl.u32 s15, $0x1F  }
0x4c2: {  	v58 =	vmov s5;
	s15 =	sshrl.u32 s13, $0x1F;
	s13 =	sshrl.u32 s23, $0x1F;
	s3 =	sshra.s32 s23, $0xD  }
0x4c3: {  	v4 =	vsel vm11, s0, v58;
	s23 =	sshra.s32 s29, $0xD;
	s29 =	sshrl.u32 s4, $0x1F;
	s4 =	sshra.s32 s4, $0x1F  }
0x4c4: {  	v62 =	vmov s10;
	s5 =	sshrl.u32 s6, $0x1F;
	s25 =	sshrl.u32 s22, $0x1F;
	s22 =	sshra.s32 s22, $0xD;
	v60 =	vmov s29;
	v4 =	vsel vm7, s4, v4  }
0x4c5: {  	s0 =	sshra.s32 s6, $0xD;
	s4 =	sshra.s32 s6, $0x1F;
	s6 =	sshrl.u32 s26, $0x1F;
	v5 =	vsel vm12, s2, v59;
	v61 =	vmov s13;
	v8 =	vsel vm12, s11, v62  }
0x4c6: {  	s29 =	sshrl.u32 s21, $0x1F;
	s13 =	sshra.s32 s18, $0x1F;
	v63 =	vmov s3;
	v4 =	vsel vm12, s0, v4;
	v6 =	vnsel vm11, $0x0, v60;
	s0 =	sshra.s32 s26, $0x1F  }
0x4c7: {  	s26 =	sshra.s32 s21, $0xD;
	v5 =	vsel vm13, s25, v5;
	s25 =	sshrl.u32 s20, $0x1F;
	v7 =	vsel vm12, s15, v61;
	v9 =	vsel vm12, s28, v63;
	s28 =	sld [smem:$0x7D3]  }
0x4c8: {  	v8 =	vsel vm13, s22, v8;
	s22 =	sld [smem:$0x7D6];
	v6 =	vsel vm12, s5, v6;
	v4 =	vsel vm6, s4, v4;
	s5 =	sshra.s32 s21, $0x1F;
	s21 =	sshra.s32 s20, $0xD  }
0x4c9: {  	v5 =	vsel vm15, s30, v5;
	s30 =	sshrl.u32 s17, $0x1F;
	v7 =	vsel vm13, s31, v7;
	s31 =	sshrl.u32 s16, $0x1F;
	v9 =	vsel vm13, s24, v9;
	s24 =	sld [smem:$0x7D5]  }
0x4ca: {  	v6 =	vsel vm13, s6, v6;
	v4 =	vsel vm13, s12, v4;
	s6 =	sshra.s32 s20, $0x1F;
	s12 =	sshrl.u32 s18, $0x1F;
	s20 =	spop (v2sf)  }
0x4cb: {  	vm5 =	vcmask $0x3734;
	v7 =	vsel vm15, s1, v7;
	s1 =	sshra.s32 s16, $0xD;
	v6 =	vsel vm15, s29, v6;
	s29 =	sshra.s32 s18, $0xD;
	s18 =	spop (v2sf)  }
0x4cc: {  	vm10 =	vcmask $0x1F1C;
	v9 =	vsel vm15, s23, v9;
	s23 =	sshra.s32 s7, $0xD;
	v4 =	vsel vm9, s0, v4;
	s15 =	smulhi.u32 $0x14F8B589, s20;
	s4 =	spop (v2sf)  }
0x4cd: {  	vm4 =	vcmask $0x2724;
	s20 =	sshra.s32 s20, $0x1F;
	v6 =	vsel vm2, s25, v6;
	v4 =	vsel vm15, s26, v4;
	s26 =	sld [smem:$0x7D0];
	s2 =	spop (v2sf)  }
0x4ce: {  	v8 =	vsel vm15, s19, v8;
	s25 =	sshra.s32 s17, $0xD;
	v6 =	vsel vm14, s12, v6;
	v4 =	vsel vm10, s5, v4;
	s5 =	sshra.s32 s17, $0x1F;
	s17 =	spop (v2sf)  }
0x4cf: {  	v5 =	vcombine.low v7, v5;
	s0 =	sshrl.u32 s22, $0x1F;
	v6 =	vsel vm1, s30, v6;
	v4 =	vsel vm2, s21, v4;
	s21 =	sld [smem:$0x7D2];
	s10 =	smulhi.u32 $0x14F8B589, s17  }
0x4d0: {  	v12 =	vcombine.low v9, v8;
	v6 =	vsel vm3, s31, v6;
	v4 =	vsel vm4, s6, v4;
	s31 =	sshra.s32 s17, $0x1F;
	s3 =	sshrl.u32 s26, $0x1F;
	s6 =	smul.u32 $0x14F8B589, s20  }
0x4d1: {  	vm0 =	vmmov vm3;
	vm8 =	vmmov vm6;
	vm6 =	vcmask $0x2F2C;
	s17 =	sshrl.u32 s28, $0x1F;
	s20 =	sshrl.u32 s24, $0x1F;
	s16 =	smul.u32 $0x14F8B589, s31  }
0x4d2: {  	v5 =	vperm.xlane v5, v0;
	v7 =	vperm.xlane v12, v0;
	v4 =	vsel vm14, s29, v4;
	s29 =	sld [smem:$0x7D1];
	s31 =	sshrl.u32 s7, $0x1F;
	s7 =	sshra.s32 s7, $0x1F  }
0x4d3: {  	vm3 =	vmmov vm14;
	vm14 =	vmmov vm0;
	v4 =	vsel vm6, s13, v4;
	s12 =	sshrl.u32 s21, $0x1F;
	s13 =	sshrl.u32 s14, $0x1F;
	s16 =	sadd.s32 s16, s10  }
0x4d4: {  	v6 =	vperm.xlane v6, v1;
	s6 =	sadd.s32 s6, s15;
	v15 =	vmov s31;
	v4 =	vsel vm1, s25, v4;
	s25 =	sld [smem:$0x7D4];
	s10 =	sshra.s32 s16, $0x1F  }
0x4d5: {  	v10 =	vnsel vm11, $0x0, v15;
	s30 =	sshrl.u32 s29, $0x1F;
	v4 =	vsel vm5, s5, v4;
	s5 =	smulhi.u32 $0x14F8B589, s4;
	s4 =	sshra.s32 s4, $0x1F;
	v14 =	vmov s10  }
0x4d6: {  	s15 =	sshra.s32 s9, $0x1F;
	v4 =	vsel vm0, s1, v4;
	v13 =	vmov s30;
	s1 =	sshrl.u32 s9, $0x1F;
	s4 =	smul.u32 $0x14F8B589, s4;
	v9 =	vsel vm11, s23, v14  }
0x4d7: {  	s30 =	sshra.s32 s9, $0xD;
	vm0 =	vmmov vm2;
	v8 =	vsel vm12, s3, v13;
	s3 =	smulhi.u32 $0x14F8B589, s18;
	s18 =	sshra.s32 s18, $0x1F;
	v9 =	vsel vm7, s7, v9  }
0x4d8: {  	s31 =	sshrl.u32 s6, $0x1F;
	s19 =	sshrl.u32 s25, $0x1F;
	v4 =	vperm.xlane v4, v1;
	v10 =	vsel vm12, s1, v10;
	s11 =	smul.u32 $0x14F8B589, s18;
	v9 =	vsel vm12, s30, v9  }
0x4d9: {  	s10 =	sshrl.u32 s8, $0x1F;
	s23 =	sshra.s32 s8, $0xD;
	v8 =	vsel vm13, s12, v8;
	s18 =	smulhi.u32 $0x14F8B589, s2;
	v16 =	vmov s19;
	v9 =	vsel vm8, s15, v9  }
0x4da: {  	s2 =	sshra.s32 s2, $0x1F;
	v10 =	vsel vm13, s10, v10;
	s4 =	sadd.s32 s4, s5;
	v8 =	vsel vm15, s13, v8;
	s30 =	sshra.s32 s8, $0x1F;
	v9 =	vsel vm13, s23, v9  }
0x4db: {  	s7 =	sshra.s32 s6, $0xD;
	s10 =	sshra.s32 s6, $0x1F;
	v11 =	vsel vm12, s17, v16;
	v10 =	vsel vm15, s31, v10;
	s13 =	sshra.s32 s29, $0xD;
	v9 =	vsel vm9, s30, v9  }
0x4dc: {  	s2 =	smul.u32 $0x14F8B589, s2;
	s3 =	sadd.s32 s11, s3;
	v11 =	vsel vm13, s20, v11;
	s15 =	sshra.s32 s25, $0xD;
	v17 =	vmov s13;
	v9 =	vsel vm15, s7, v9  }
0x4dd: {  	s19 =	sshra.s32 s28, $0xD;
	s31 =	sshrl.u32 s3, $0x1F;
	v11 =	vsel vm15, s0, v11;
	s12 =	sshra.s32 s3, $0xD;
	v18 =	vmov s15;
	v9 =	vsel vm10, s10, v9  }
0x4de: {  	s1 =	sadd.s32 s2, s18;
	s17 =	sshra.s32 s3, $0x1F;
	s18 =	sshra.s32 s26, $0xD;
	v10 =	vsel vm2, s31, v10;
	v8 =	vcombine.low v11, v8;
	v9 =	vsel vm2, s12, v9  }
0x4df: {  	s9 =	sshrl.u32 s4, $0x1F;
	s20 =	sshra.s32 s4, $0xD;
	s23 =	sshra.s32 s21, $0xD;
	v11 =	vsel vm12, s18, v17;
	v12 =	vsel vm12, s19, v18;
	v9 =	vsel vm4, s17, v9  }
0x4e0: {  	v19 =	vld [tilespmem:$0x1FFF0];
	s25 =	sshra.s32 s24, $0xD;
	s26 =	sshra.s32 s4, $0x1F;
	s11 =	sshrl.u32 s1, $0x1F;
	v10 =	vsel vm3, s9, v10;
	v11 =	vsel vm13, s23, v11;
	v9 =	vsel vm3, s20, v9  }
0x4e1: {  	s28 =	sshra.s32 s14, $0xD;
	s29 =	sshra.s32 s22, $0xD;
	s30 =	sshra.s32 s1, $0xD;
	v12 =	vsel vm13, s25, v12;
	v10 =	vsel vm1, s11, v10;
	v9 =	vsel vm6, s26, v9  }
0x4e2: {  	s31 =	sshrl.u32 s16, $0x1F;
	s2 =	sshra.s32 s1, $0x1F;
	v11 =	vsel vm15, s28, v11;
	v12 =	vsel vm15, s29, v12;
	v9 =	vsel vm1, s30, v9  }
0x4e3: {  	s3 =	sshra.s32 s16, $0xD;
	v10 =	vsel vm14, s31, v10;
	v11 =	vcombine.low v12, v11;
	v9 =	vsel vm5, s2, v9  }
0x4e4: {  	v8 =	vperm.xlane v8, v0;
	v10 =	vperm.xlane v10, v1;
	v9 =	vsel vm14, s3, v9  }
0x4e5: {  	vm2 =	vnez.u8 v19;
	v11 =	vperm.xlane v11, v0;
	v9 =	vperm.xlane v9, v1  }
0x4e6: {  	v5 =	vsel vm2, v6, v5;
	v4 =	vsel vm2, v4, v7  }
0x4e7: {  	v4 =	vadd.s32 v5, v4;
	v20 =	vsel vm2, v10, v8;
	v21 =	vsel vm2, v9, v11  }
0x4e8: {  	v4 =	vmul.u32 $0x186A0, v4;
	v5 =	vadd.s32 v20, v21  }
0x4e9: {  	v5 =	vmul.u32 $0x186A0, v5  }
0x4ea: {  	v2 =	vsub.s32 v2, v4  }
0x4eb: {  	vm4 =	vlt.s32 v2, $0x0;
	v4 =	vadd.s32 $0x186A0, v2;
	v3 =	vsub.s32 v3, v5  }
0x4ec: {  	v2 =	vsel vm4, v4, v2;
	vm4 =	vlt.s32 v3, $0x0;
	v22 =	vadd.s32 $0x186A0, v3  }
0x4ed: {  	s6 =	rddreg [dreg:$0x1];
	[tilespmem:$0x580] =	vst v2;
	v2 =	vsel vm4, v22, v3  }
0x4ee: {  	s5 =	simm.s32 $0x8700;
	s4 =	rddreg [dreg:$0x18];
	s7 =	simm.s32 $0x20;
	[tilespmem:$0x590] =	vst v2  }
0x4ef: {  	[tilespmem:s5], [sflag:$0x9] =	stream.indirect.gather [hbm4b:s6+s7], $0x80, s4, s7, $0xb8;
	[tilespmem:$0xB700] =	vst v63  }
0x4f0: {  	v2 =	vld [tilespmem:$0x127]  }
0x4f1: {  	v23 =	vld [tilespmem:$0x1FF50];
	_ =	sdelay $0x1  }
0x4f2: {  	v3 =	vld [tilespmem:$0x128];
	_ =	sdelay $0x1  }
0x4f3: {  	v2 =	vmul.u32 $0xF4243, v2  }
0x4f4: {  	vm4 =	vnez.u8 v23  }
0x4f5: {  	v2 =	vsel vm4, $0x0, v2  }
0x4f6: {  	v2 =	vadd.s32 v3, v2  }
0x4f7: {  	(v2sf) =	vpush v2, $0xD;
	_ =	sdelay $0x1  }
0x4f8: {  	(v2sf) =	vpush v2, $0xC;
	_ =	sdelay $0x1  }
0x4f9: {  	(v2sf) =	vpush v2, $0xE;
	_ =	sdelay $0x1  }
0x4fa: {  	(v2sf) =	vpush v2, $0xF;
	_ =	sdelay $0x1  }
0x4fb: {  	(v2sf) =	vpush v2, $0x9;
	_ =	sdelay $0x1  }
0x4fc: {  	(v2sf) =	vpush v2, $0x8;
	_ =	sdelay $0x1  }
0x4fd: {  	(v2sf) =	vpush v2, $0xA;
	_ =	sdelay $0x1  }
0x4fe: {  	(v2sf) =	vpush v2, $0xB  }
0x4ff: {  	s8 =	spop (v2sf)  }
0x500: {  	(v2sf) =	vpush v2, $0x0;
	s0 =	smulhi.u32 $0x14F8B589, s8;
	s1 =	sshra.s32 s8, $0x1F  }
0x501: {  	s9 =	spop (v2sf);
	s19 =	smul.u32 $0x14F8B589, s1  }
0x502: {  	(v2sf) =	vpush v2, $0x1;
	s1 =	smulhi.u32 $0x14F8B589, s9;
	s2 =	sshra.s32 s9, $0x1F  }
0x503: {  	s10 =	spop (v2sf);
	s22 =	smul.u32 $0x14F8B589, s2  }
0x504: {  	(v2sf) =	vpush v2, $0x2;
	s7 =	smulhi.u32 $0x14F8B589, s10;
	s2 =	sshra.s32 s10, $0x1F  }
0x505: {  	s11 =	spop (v2sf);
	s5 =	smul.u32 $0x14F8B589, s2  }
0x506: {  	(v2sf) =	vpush v2, $0x3;
	s8 =	smulhi.u32 $0x14F8B589, s11;
	s2 =	sshra.s32 s11, $0x1F  }
0x507: {  	s12 =	spop (v2sf);
	(v2sf) =	vpush v2, $0x4;
	s10 =	smul.u32 $0x14F8B589, s2  }
0x508: {  	s9 =	smulhi.u32 $0x14F8B589, s12;
	s2 =	sshra.s32 s12, $0x1F  }
0x509: {  	v3 =	vld [tilespmem:$0x137];
	s13 =	spop (v2sf);
	(v2sf) =	vpush v2, $0x5;
	s3 =	smul.u32 $0x14F8B589, s2  }
0x50a: {  	s11 =	smulhi.u32 $0x14F8B589, s13;
	s2 =	sshra.s32 s13, $0x1F  }
0x50b: {  	v24 =	vld [tilespmem:$0x138];
	s14 =	spop (v2sf);
	s23 =	smul.u32 $0x14F8B589, s2  }
0x50c: {  	(v2sf) =	vpush v2, $0x6;
	s12 =	smulhi.u32 $0x14F8B589, s14;
	s2 =	sshra.s32 s14, $0x1F  }
0x50d: {  	s15 =	spop (v2sf);
	s24 =	smul.u32 $0x14F8B589, s2  }
0x50e: {  	v3 =	vmul.u32 $0xF4243, v3;
	(v2sf) =	vpush v2, $0x7;
	s16 =	smulhi.u32 $0x14F8B589, s15;
	s2 =	sshra.s32 s15, $0x1F  }
0x50f: {  	s0 =	sadd.s32 s19, s0;
	s29 =	smul.u32 $0x14F8B589, s2;
	s17 =	spop (v2sf)  }
0x510: {  	v3 =	vadd.s32 v24, v3;
	[smem:$0x7E5] =	sst s0;
	s18 =	smulhi.u32 $0x14F8B589, s17;
	s2 =	sshra.s32 s17, $0x1F  }
0x511: {  	(v2sf) =	vpush v3, $0xD;
	s20 =	spop (v2sf);
	s4 =	smul.u32 $0x14F8B589, s2  }
0x512: {  	[smem:$0x7D7] =	sst s16;
	s21 =	smulhi.u32 $0x14F8B589, s20;
	s2 =	sshra.s32 s20, $0x1F  }
0x513: {  	(v2sf) =	vpush v3, $0xC;
	s25 =	spop (v2sf);
	s6 =	smul.u32 $0x14F8B589, s2  }
0x514: {  	[smem:$0x7D8] =	sst s18;
	s26 =	smulhi.u32 $0x14F8B589, s25  }
0x515: {  	(v2sf) =	vpush v3, $0xE;
	s28 =	spop (v2sf);
	[smem:$0x7D9] =	sst s21  }
0x516: {  	s2 =	sshra.s32 s25, $0x1F;
	s30 =	smulhi.u32 $0x14F8B589, s28;
	s31 =	spop (v2sf)  }
0x517: {  	[smem:$0x7DA] =	sst s26;
	s26 =	smul.u32 $0x14F8B589, s2  }
0x518: {  	(v2sf) =	vpush v3, $0xF;
	s2 =	sshra.s32 s28, $0x1F;
	s14 =	smulhi.u32 $0x14F8B589, s31;
	s15 =	spop (v2sf)  }
0x519: {  	s13 =	sadd.s32 s3, s9;
	s9 =	sld [smem:$0x7D9];
	s21 =	smul.u32 $0x14F8B589, s2  }
0x51a: {  	(v2sf) =	vpush v3, $0x9;
	[smem:$0x7DB] =	sst s30;
	s2 =	sshra.s32 s31, $0x1F;
	s16 =	smulhi.u32 $0x14F8B589, s15  }
0x51b: {  	s17 =	spop (v2sf);
	s20 =	smul.u32 $0x14F8B589, s2  }
0x51c: {  	(v2sf) =	vpush v3, $0x8;
	[smem:$0x7DC] =	sst s14;
	s2 =	sshra.s32 s15, $0x1F;
	s25 =	smulhi.u32 $0x14F8B589, s17  }
0x51d: {  	s28 =	spop (v2sf);
	s18 =	smul.u32 $0x14F8B589, s2  }
0x51e: {  	(v2sf) =	vpush v3, $0xA;
	[smem:$0x7DD] =	sst s16;
	s2 =	sshra.s32 s17, $0x1F;
	s30 =	smulhi.u32 $0x14F8B589, s28  }
0x51f: {  	[smem:$0x7DE] =	sst s25;
	s17 =	smul.u32 $0x14F8B589, s2;
	s2 =	sshra.s32 s28, $0x1F  }
0x520: {  	s16 =	smul.u32 $0x14F8B589, s2;
	s31 =	spop (v2sf)  }
0x521: {  	[smem:$0x7DF] =	sst s30;
	s14 =	smulhi.u32 $0x14F8B589, s31;
	s2 =	sshra.s32 s31, $0x1F  }
0x522: {  	(v2sf) =	vpush v3, $0xB;
	s19 =	spop (v2sf);
	s15 =	smul.u32 $0x14F8B589, s2  }
0x523: {  	s28 =	sadd.s32 s22, s1;
	s22 =	smulhi.u32 $0x14F8B589, s19;
	[smem:$0x7E0] =	sst s14  }
0x524: {  	s2 =	sshra.s32 s19, $0x1F;
	s30 =	spop (v2sf);
	[smem:$0x7E1] =	sst s15  }
0x525: {  	s25 =	smul.u32 $0x14F8B589, s2;
	[smem:$0x7E2] =	sst s22  }
0x526: {  	(v2sf) =	vpush v3, $0x0;
	s31 =	smulhi.u32 $0x14F8B589, s30;
	s22 =	sadd.s32 s5, s7;
	s5 =	sld [smem:$0x7D7]  }
0x527: {  	s0 =	sshra.s32 s30, $0x1F;
	s2 =	spop (v2sf);
	s7 =	sld [smem:$0x7D8]  }
0x528: {  	s15 =	sadd.s32 s10, s8;
	s30 =	smulhi.u32 $0x14F8B589, s2;
	s10 =	sld [smem:$0x7DA]  }
0x529: {  	s23 =	sadd.s32 s23, s11;
	s3 =	spop (v2sf);
	[smem:$0x7E3] =	sst s25  }
0x52a: {  	s24 =	sadd.s32 s24, s12;
	[smem:$0x7E4] =	sst s31;
	s25 =	smul.u32 $0x14F8B589, s0  }
0x52b: {  	s0 =	sshra.s32 s2, $0x1F;
	s19 =	smulhi.u32 $0x14F8B589, s3;
	s8 =	spop (v2sf)  }
0x52c: {  	s2 =	sld [smem:$0x7DB];
	s14 =	smul.u32 $0x14F8B589, s0;
	s0 =	sshra.s32 s3, $0x1F  }
0x52d: {  	s6 =	sadd.s32 s6, s9;
	s31 =	spop (v2sf);
	s12 =	smul.u32 $0x14F8B589, s0  }
0x52e: {  	s0 =	sshra.s32 s8, $0x1F;
	s26 =	sadd.s32 s26, s10;
	s10 =	smulhi.u32 $0x14F8B589, s31  }
0x52f: {  	s9 =	smul.u32 $0x14F8B589, s0;
	s0 =	sshra.s32 s31, $0x1F;
	s31 =	sld [smem:$0x7DE]  }
0x530: {  	(v2sf) =	vpush v3, $0x1;
	s11 =	smulhi.u32 $0x14F8B589, s8;
	s4 =	sadd.s32 s4, s7;
	s7 =	sld [smem:$0x7DD]  }
0x531: {  	s3 =	sld [smem:$0x7DC];
	s29 =	sadd.s32 s29, s5;
	s5 =	spop (v2sf)  }
0x532: {  	(v2sf) =	vpush v3, $0x2;
	s8 =	smul.u32 $0x14F8B589, s0;
	s17 =	sadd.s32 s17, s31;
	s31 =	sld [smem:$0x7DF]  }
0x533: {  	s0 =	sshra.s32 s5, $0x1F;
	s18 =	sadd.s32 s18, s7;
	s7 =	smulhi.u32 $0x14F8B589, s5  }
0x534: {  	s21 =	sadd.s32 s21, s2;
	s20 =	sadd.s32 s20, s3;
	s5 =	smul.u32 $0x14F8B589, s0  }
0x535: {  	s16 =	sadd.s32 s16, s31;
	s31 =	sld [smem:$0x7E1];
	s2 =	spop (v2sf)  }
0x536: {  	s3 =	smulhi.u32 $0x14F8B589, s2;
	s0 =	sshra.s32 s2, $0x1F;
	s2 =	sld [smem:$0x7E0]  }
0x537: {  	s12 =	sadd.s32 s12, s19  }
0x538: {  	[smem:$0x7E9] =	sst s12  }
0x539: {  	s1 =	sadd.s32 s31, s2;
	s31 =	sld [smem:$0x7E3]  }
0x53a: {  	[smem:$0x7E6] =	sst s1  }
0x53b: {  	s9 =	sadd.s32 s9, s11;
	s1 =	sld [smem:$0x7E2]  }
0x53c: {  	[smem:$0x7EA] =	sst s9;
	s19 =	sadd.s32 s8, s10  }
0x53d: {  	s14 =	sadd.s32 s14, s30;
	[smem:$0x7EB] =	sst s19  }
0x53e: {  	s12 =	sshrl.u32 s28, $0x1F;
	s1 =	sadd.s32 s31, s1;
	s31 =	sld [smem:$0x7E4]  }
0x53f: {  	s10 =	sshra.s32 s28, $0xD;
	s2 =	smul.u32 $0x14F8B589, s0;
	s0 =	spop (v2sf)  }
0x540: {  	s28 =	sshra.s32 s13, $0xD;
	[smem:$0x7E7] =	sst s1;
	s1 =	smulhi.u32 $0x14F8B589, s0  }
0x541: {  	s0 =	sshra.s32 s0, $0x1F;
	s25 =	sadd.s32 s25, s31;
	s31 =	spop (v2sf)  }
0x542: {  	(v2sf) =	vpush v3, $0x3;
	v26 =	vmov s12;
	s12 =	sshra.s32 s26, $0xD;
	[smem:$0x7E8] =	sst s25;
	s25 =	smul.u32 $0x14F8B589, s0  }
0x543: {  	s19 =	sshra.s32 s15, $0xD;
	s30 =	smulhi.u32 $0x14F8B589, s31;
	s0 =	sshra.s32 s31, $0x1F  }
0x544: {  	(v2sf) =	vpush v3, $0x4;
	s31 =	sadd.s32 s5, s7;
	s7 =	sadd.s32 s2, s3;
	s3 =	sld [smem:$0x7E5]  }
0x545: {  	(v2sf) =	vpush v3, $0x5;
	s5 =	sshra.s32 s16, $0x1F;
	s11 =	smul.u32 $0x14F8B589, s0;
	[smem:$0x7EC] =	sst s31  }
0x546: {  	(v2sf) =	vpush v3, $0x6;
	s31 =	sshrl.u32 s24, $0x1F;
	s24 =	sshra.s32 s24, $0xD;
	s0 =	sshra.s32 s4, $0xD  }
0x547: {  	(v2sf) =	vpush v3, $0x7;
	s9 =	sadd.s32 s25, s1;
	s1 =	sshrl.u32 s29, $0x1F;
	s8 =	sadd.s32 s11, s30  }
0x548: {  	s2 =	sshrl.u32 s3, $0x1F;
	s11 =	sshra.s32 s3, $0xD;
	s30 =	sshrl.u32 s15, $0x1F  }
0x549: {  	v25 =	vmov s5;
	s15 =	sshrl.u32 s13, $0x1F;
	s13 =	sshrl.u32 s23, $0x1F;
	s3 =	sshra.s32 s23, $0xD  }
0x54a: {  	v4 =	vsel vm11, s0, v25;
	s23 =	sshra.s32 s29, $0xD;
	s29 =	sshrl.u32 s4, $0x1F;
	s4 =	sshra.s32 s4, $0x1F  }
0x54b: {  	v29 =	vmov s10;
	s5 =	sshrl.u32 s6, $0x1F;
	s25 =	sshrl.u32 s22, $0x1F;
	s22 =	sshra.s32 s22, $0xD;
	v27 =	vmov s29;
	v4 =	vsel vm7, s4, v4  }
0x54c: {  	s0 =	sshra.s32 s6, $0xD;
	s4 =	sshra.s32 s6, $0x1F;
	s6 =	sshrl.u32 s26, $0x1F;
	v5 =	vsel vm12, s2, v26;
	v28 =	vmov s13;
	v8 =	vsel vm12, s11, v29  }
0x54d: {  	s29 =	sshrl.u32 s21, $0x1F;
	s13 =	sshra.s32 s18, $0x1F;
	v30 =	vmov s3;
	v4 =	vsel vm12, s0, v4;
	v6 =	vnsel vm11, $0x0, v27;
	s0 =	sshra.s32 s26, $0x1F  }
0x54e: {  	s26 =	sshra.s32 s21, $0xD;
	v5 =	vsel vm13, s25, v5;
	s25 =	sshrl.u32 s20, $0x1F;
	v7 =	vsel vm12, s15, v28;
	v9 =	vsel vm12, s28, v30;
	s28 =	sld [smem:$0x7E9]  }
0x54f: {  	v8 =	vsel vm13, s22, v8;
	s22 =	sld [smem:$0x7EC];
	v6 =	vsel vm12, s5, v6;
	v4 =	vsel vm8, s4, v4;
	s5 =	sshra.s32 s21, $0x1F;
	s21 =	sshra.s32 s20, $0xD  }
0x550: {  	v5 =	vsel vm15, s30, v5;
	s30 =	sshrl.u32 s17, $0x1F;
	v7 =	vsel vm13, s31, v7;
	s31 =	sshrl.u32 s16, $0x1F;
	v9 =	vsel vm13, s24, v9;
	s24 =	sld [smem:$0x7EB]  }
0x551: {  	v6 =	vsel vm13, s6, v6;
	v4 =	vsel vm13, s12, v4;
	s6 =	sshra.s32 s20, $0x1F;
	s12 =	sshrl.u32 s18, $0x1F;
	s20 =	spop (v2sf)  }
0x552: {  	v7 =	vsel vm15, s1, v7;
	s1 =	sshra.s32 s16, $0xD;
	v9 =	vsel vm15, s23, v9;
	s23 =	sshrl.u32 s7, $0x1F;
	v6 =	vsel vm15, s29, v6;
	s29 =	sshra.s32 s18, $0xD  }
0x553: {  	vm6 =	vmmov vm8;
	vm5 =	vmmov vm7;
	v4 =	vsel vm9, s0, v4;
	s18 =	spop (v2sf);
	s15 =	smulhi.u32 $0x14F8B589, s20;
	s20 =	sshra.s32 s20, $0x1F  }
0x554: {  	vm4 =	vcmask $0x2724;
	s0 =	sshrl.u32 s22, $0x1F;
	v6 =	vsel vm0, s25, v6;
	v4 =	vsel vm15, s26, v4;
	s4 =	spop (v2sf);
	s26 =	sld [smem:$0x7E6]  }
0x555: {  	vm7 =	vmmov vm9;
	s25 =	sshra.s32 s17, $0xD;
	s3 =	smulhi.u32 $0x14F8B589, s18;
	v6 =	vsel vm3, s12, v6;
	v4 =	vsel vm10, s5, v4;
	s2 =	spop (v2sf)  }
0x556: {  	vm8 =	vmmov vm10;
	s5 =	sshra.s32 s17, $0x1F;
	v6 =	vsel vm1, s30, v6;
	v4 =	vsel vm0, s21, v4;
	s17 =	spop (v2sf);
	s21 =	sld [smem:$0x7E8]  }
0x557: {  	v8 =	vsel vm15, s19, v8;
	v6 =	vsel vm14, s31, v6;
	v4 =	vsel vm4, s6, v4;
	s10 =	smulhi.u32 $0x14F8B589, s17;
	s31 =	sshra.s32 s17, $0x1F;
	s30 =	sshrl.u32 s26, $0x1F  }
0x558: {  	vm9 =	vmmov vm14;
	v5 =	vcombine.low v7, v5;
	s17 =	sshrl.u32 s28, $0x1F;
	v4 =	vsel vm3, s29, v4;
	s16 =	smul.u32 $0x14F8B589, s31;
	s29 =	sld [smem:$0x7E7]  }
0x559: {  	v31 =	vcombine.low v9, v8;
	v34 =	vmov s23;
	vm14 =	vcmask $0x2F2C;
	s6 =	smul.u32 $0x14F8B589, s20;
	s20 =	sshrl.u32 s24, $0x1F;
	s26 =	sshra.s32 s26, $0xD  }
0x55a: {  	v10 =	vnsel vm11, $0x0, v34;
	v5 =	vperm.xlane v5, v0;
	v4 =	vsel vm14, s13, v4;
	s12 =	sshrl.u32 s21, $0x1F;
	s13 =	sshrl.u32 s14, $0x1F;
	s16 =	sadd.s32 s16, s10  }
0x55b: {  	vm10 =	vcmask $0x3734;
	v7 =	vperm.xlane v31, v0;
	v6 =	vperm.xlane v6, v1;
	s6 =	sadd.s32 s6, s15;
	s31 =	sshrl.u32 s29, $0x1F;
	s10 =	sshra.s32 s16, $0x1F  }
0x55c: {  	s15 =	smulhi.u32 $0x14F8B589, s4;
	v4 =	vsel vm1, s25, v4;
	s25 =	sld [smem:$0x7EA];
	v32 =	vmov s31;
	v33 =	vmov s10;
	s31 =	sshra.s32 s7, $0xD  }
0x55d: {  	s4 =	sshra.s32 s4, $0x1F;
	s23 =	sshrl.u32 s6, $0x1F;
	v5 =	vsel vm2, v6, v5;
	v4 =	vsel vm10, s5, v4;
	s7 =	sshra.s32 s7, $0x1F;
	v9 =	vsel vm11, s31, v33  }
0x55e: {  	v4 =	vsel vm9, s1, v4;
	s1 =	sshrl.u32 s9, $0x1F;
	v8 =	vsel vm12, s30, v32;
	s30 =	sshra.s32 s18, $0x1F;
	s18 =	sshra.s32 s9, $0xD;
	v9 =	vsel vm5, s7, v9  }
0x55f: {  	s19 =	sshrl.u32 s25, $0x1F;
	v4 =	vperm.xlane v4, v1;
	v10 =	vsel vm12, s1, v10;
	s11 =	smul.u32 $0x14F8B589, s30;
	s30 =	sshra.s32 s9, $0x1F;
	v9 =	vsel vm12, s18, v9  }
0x560: {  	s4 =	smul.u32 $0x14F8B589, s4;
	s10 =	sshrl.u32 s8, $0x1F;
	v8 =	vsel vm13, s12, v8;
	s9 =	sshra.s32 s8, $0xD;
	v35 =	vmov s19;
	v9 =	vsel vm6, s30, v9  }
0x561: {  	s5 =	sshra.s32 s24, $0xD;
	v10 =	vsel vm13, s10, v10;
	v8 =	vsel vm15, s13, v8;
	s3 =	sadd.s32 s11, s3;
	s11 =	sshra.s32 s8, $0x1F;
	v9 =	vsel vm13, s9, v9  }
0x562: {  	s31 =	smulhi.u32 $0x14F8B589, s2;
	v11 =	vsel vm12, s17, v35;
	v10 =	vsel vm15, s23, v10;
	s13 =	sshra.s32 s6, $0xD;
	s23 =	sshra.s32 s25, $0xD;
	v9 =	vsel vm7, s11, v9  }
0x563: {  	s2 =	sshra.s32 s2, $0x1F;
	s17 =	sshra.s32 s6, $0x1F;
	v11 =	vsel vm13, s20, v11;
	s20 =	sshra.s32 s29, $0xD;
	v37 =	vmov s23;
	v9 =	vsel vm15, s13, v9  }
0x564: {  	s29 =	sshra.s32 s28, $0xD;
	s12 =	sshrl.u32 s3, $0x1F;
	v11 =	vsel vm15, s0, v11;
	s19 =	sshra.s32 s3, $0xD;
	v36 =	vmov s20;
	v9 =	vsel vm8, s17, v9  }
0x565: {  	s4 =	sadd.s32 s4, s15;
	s2 =	smul.u32 $0x14F8B589, s2;
	s25 =	sshra.s32 s3, $0x1F;
	v12 =	vsel vm12, s29, v37;
	v10 =	vsel vm0, s12, v10;
	v9 =	vsel vm0, s19, v9  }
0x566: {  	s15 =	sshrl.u32 s4, $0x1F;
	s6 =	sshra.s32 s4, $0x1F;
	s30 =	sshra.s32 s4, $0xD;
	v8 =	vcombine.low v11, v8;
	v11 =	vsel vm12, s26, v36;
	v9 =	vsel vm4, s25, v9  }
0x567: {  	s1 =	sadd.s32 s2, s31;
	s31 =	sshra.s32 s21, $0xD;
	s8 =	sshra.s32 s22, $0xD;
	v12 =	vsel vm13, s5, v12;
	v10 =	vsel vm3, s15, v10;
	v9 =	vsel vm3, s30, v9  }
0x568: {  	s7 =	sshra.s32 s14, $0xD;
	s18 =	sshrl.u32 s1, $0x1F;
	s9 =	sshra.s32 s1, $0xD;
	v11 =	vsel vm13, s31, v11;
	v12 =	vsel vm15, s8, v12;
	v9 =	vsel vm14, s6, v9  }
0x569: {  	s10 =	sshrl.u32 s16, $0x1F;
	s11 =	sshra.s32 s1, $0x1F;
	v10 =	vsel vm1, s18, v10;
	v11 =	vsel vm15, s7, v11;
	v9 =	vsel vm1, s9, v9  }
0x56a: {  	s12 =	sshra.s32 s16, $0xD;
	v10 =	vsel vm9, s10, v10;
	v11 =	vcombine.low v12, v11;
	v9 =	vsel vm10, s11, v9  }
0x56b: {  	v8 =	vperm.xlane v8, v0;
	v10 =	vperm.xlane v10, v1;
	v9 =	vsel vm9, s12, v9  }
0x56c: {  	v4 =	vsel vm2, v4, v7;
	v11 =	vperm.xlane v11, v0;
	v9 =	vperm.xlane v9, v1  }
0x56d: {  	v4 =	vadd.s32 v5, v4  }
0x56e: {  	v4 =	vmul.u32 $0x186A0, v4;
	v38 =	vsel vm2, v10, v8;
	v39 =	vsel vm2, v9, v11  }
0x56f: {  	v5 =	vadd.s32 v38, v39  }
0x570: {  	v2 =	vsub.s32 v2, v4;
	v5 =	vmul.u32 $0x186A0, v5  }
0x571: {  	v4 =	vadd.s32 $0x186A0, v2  }
0x572: {  	vm14 =	vmmov vm9;
	vm9 =	vlt.s32 v2, $0x0;
	v3 =	vsub.s32 v3, v5  }
0x573: {  	v2 =	vsel vm9, v4, v2;
	vm1 =	vlt.s32 v3, $0x0;
	v40 =	vadd.s32 $0x186A0, v3  }
0x574: {  	s13 =	rddreg [dreg:$0x19];
	[tilespmem:$0x600] =	vst v2;
	v2 =	vsel vm1, v40, v3  }
0x575: {  	s14 =	simm.s32 $0x9700;
	s16 =	simm.s32 $0x20;
	s15 =	rddreg [dreg:$0x1];
	[tilespmem:$0x610] =	vst v2  }
0x576: {  	[tilespmem:s14], [sflag:$0xA] =	stream.indirect.gather [hbm4b:s15+s16], $0x80, s13, s16, $0xb8;
	[tilespmem:$0xB700] =	vst v63  }
0x577: {  	v2 =	vld [tilespmem:$0x147]  }
0x578: {  	v41 =	vld [tilespmem:$0x1FF40];
	_ =	sdelay $0x1  }
0x579: {  	v3 =	vld [tilespmem:$0x148];
	_ =	sdelay $0x1  }
0x57a: {  	v2 =	vmul.u32 $0xF4243, v2  }
0x57b: {  	vm9 =	vnez.u8 v41  }
0x57c: {  	v2 =	vsel vm9, $0x0, v2  }
0x57d: {  	v2 =	vadd.s32 v3, v2  }
0x57e: {  	(v2sf) =	vpush v2, $0xD;
	_ =	sdelay $0x1  }
0x57f: {  	(v2sf) =	vpush v2, $0xC  }
0x580: {  	(v2sf) =	vpush v2, $0xE;
	_ =	sdelay $0x2  }
0x581: {  	(v2sf) =	vpush v2, $0xF;
	_ =	sdelay $0x1  }
0x582: {  	(v2sf) =	vpush v2, $0x9;
	_ =	sdelay $0x1  }
0x583: {  	(v2sf) =	vpush v2, $0x8  }
0x584: {  	(v2sf) =	vpush v2, $0xA;
	_ =	sdelay $0x2  }
0x585: {  	(v2sf) =	vpush v2, $0xB  }
0x586: {  	s17 =	spop (v2sf)  }
0x587: {  	(v2sf) =	vpush v2, $0x0;
	s3 =	smulhi.u32 $0x14F8B589, s17;
	s1 =	sshra.s32 s17, $0x1F  }
0x588: {  	s18 =	spop (v2sf);
	(v2sf) =	vpush v2, $0x1;
	s20 =	smul.u32 $0x14F8B589, s1  }
0x589: {  	s7 =	smulhi.u32 $0x14F8B589, s18;
	s2 =	sshra.s32 s18, $0x1F;
	s19 =	spop (v2sf);
	(v2sf) =	vpush v2, $0x2  }
0x58a: {  	s22 =	smul.u32 $0x14F8B589, s2  }
0x58b: {  	s25 =	smulhi.u32 $0x14F8B589, s19;
	s2 =	sshra.s32 s19, $0x1F  }
0x58c: {  	s21 =	spop (v2sf);
	(v2sf) =	vpush v2, $0x3;
	s0 =	smul.u32 $0x14F8B589, s2  }
0x58d: {  	s9 =	smulhi.u32 $0x14F8B589, s21;
	s2 =	sshra.s32 s21, $0x1F  }
0x58e: {  	s23 =	spop (v2sf);
	(v2sf) =	vpush v2, $0x4;
	s26 =	smul.u32 $0x14F8B589, s2  }
0x58f: {  	v3 =	vld [tilespmem:$0x157];
	s10 =	smulhi.u32 $0x14F8B589, s23;
	s2 =	sshra.s32 s23, $0x1F  }
0x590: {  	s24 =	spop (v2sf);
	(v2sf) =	vpush v2, $0x5;
	s29 =	smul.u32 $0x14F8B589, s2  }
0x591: {  	v42 =	vld [tilespmem:$0x158];
	s11 =	smulhi.u32 $0x14F8B589, s24;
	s2 =	sshra.s32 s24, $0x1F;
	s28 =	spop (v2sf);
	(v2sf) =	vpush v2, $0x6  }
0x592: {  	s5 =	smul.u32 $0x14F8B589, s2  }
0x593: {  	s12 =	smulhi.u32 $0x14F8B589, s28;
	s2 =	sshra.s32 s28, $0x1F  }
0x594: {  	v3 =	vmul.u32 $0xF4243, v3;
	s30 =	spop (v2sf);
	(v2sf) =	vpush v2, $0x7;
	s8 =	smul.u32 $0x14F8B589, s2  }
0x595: {  	s13 =	smulhi.u32 $0x14F8B589, s30;
	s2 =	sshra.s32 s30, $0x1F  }
0x596: {  	v3 =	vadd.s32 v42, v3;
	s14 =	smul.u32 $0x14F8B589, s2;
	s31 =	spop (v2sf)  }
0x597: {  	(v2sf) =	vpush v3, $0xD;
	s2 =	smulhi.u32 $0x14F8B589, s31;
	s6 =	spop (v2sf)  }
0x598: {  	s4 =	sshra.s32 s31, $0x1F;
	s15 =	smulhi.u32 $0x14F8B589, s6;
	s16 =	spop (v2sf)  }
0x599: {  	(v2sf) =	vpush v3, $0xC;
	[smem:$0x7ED] =	sst s2;
	s2 =	smul.u32 $0x14F8B589, s4  }
0x59a: {  	s4 =	sshra.s32 s6, $0x1F;
	s28 =	smulhi.u32 $0x14F8B589, s16  }
0x59b: {  	s17 =	spop (v2sf);
	s6 =	smul.u32 $0x14F8B589, s4  }
0x59c: {  	(v2sf) =	vpush v3, $0xE;
	s4 =	sshra.s32 s16, $0x1F;
	s18 =	smulhi.u32 $0x14F8B589, s17  }
0x59d: {  	s3 =	sadd.s32 s20, s3;
	s19 =	spop (v2sf);
	s1 =	smul.u32 $0x14F8B589, s4  }
0x59e: {  	[smem:$0x7F9] =	sst s3;
	s4 =	sshra.s32 s17, $0x1F;
	s21 =	smulhi.u32 $0x14F8B589, s19  }
0x59f: {  	(v2sf) =	vpush v3, $0xF;
	s24 =	spop (v2sf);
	s23 =	smul.u32 $0x14F8B589, s4  }
0x5a0: {  	s4 =	sshra.s32 s19, $0x1F;
	s30 =	smulhi.u32 $0x14F8B589, s24;
	s31 =	spop (v2sf)  }
0x5a1: {  	(v2sf) =	vpush v3, $0x9;
	[smem:$0x7F0] =	sst s21;
	s21 =	smul.u32 $0x14F8B589, s4  }
0x5a2: {  	[smem:$0x7EE] =	sst s15;
	s4 =	sshra.s32 s24, $0x1F;
	s16 =	smulhi.u32 $0x14F8B589, s31  }
0x5a3: {  	s17 =	spop (v2sf);
	s19 =	smul.u32 $0x14F8B589, s4  }
0x5a4: {  	(v2sf) =	vpush v3, $0x8;
	[smem:$0x7EF] =	sst s18;
	s4 =	sshra.s32 s31, $0x1F;
	s24 =	smulhi.u32 $0x14F8B589, s17  }
0x5a5: {  	[smem:$0x7F1] =	sst s30;
	s18 =	smul.u32 $0x14F8B589, s4;
	s4 =	sshra.s32 s17, $0x1F  }
0x5a6: {  	s17 =	smul.u32 $0x14F8B589, s4;
	s30 =	spop (v2sf)  }
0x5a7: {  	(v2sf) =	vpush v3, $0xA;
	[smem:$0x7F2] =	sst s16;
	s31 =	smulhi.u32 $0x14F8B589, s30;
	s4 =	sshra.s32 s30, $0x1F  }
0x5a8: {  	s16 =	spop (v2sf);
	s15 =	smul.u32 $0x14F8B589, s4  }
0x5a9: {  	s25 =	sadd.s32 s0, s25;
	(v2sf) =	vpush v3, $0xB;
	[smem:$0x7F3] =	sst s24;
	s20 =	smulhi.u32 $0x14F8B589, s16  }
0x5aa: {  	s4 =	sshra.s32 s16, $0x1F;
	s16 =	sadd.s32 s5, s11;
	s11 =	sld [smem:$0x7EE]  }
0x5ab: {  	s26 =	sadd.s32 s26, s9;
	s24 =	spop (v2sf);
	s5 =	sld [smem:$0x7F1]  }
0x5ac: {  	s30 =	sadd.s32 s22, s7;
	[smem:$0x7F4] =	sst s31;
	s22 =	smul.u32 $0x14F8B589, s4  }
0x5ad: {  	s29 =	sadd.s32 s29, s10;
	s31 =	smulhi.u32 $0x14F8B589, s24;
	[smem:$0x7F5] =	sst s15  }
0x5ae: {  	s4 =	sshra.s32 s24, $0x1F;
	s3 =	spop (v2sf);
	[smem:$0x7F6] =	sst s20  }
0x5af: {  	s20 =	smul.u32 $0x14F8B589, s4;
	s15 =	sadd.s32 s8, s12;
	s8 =	sld [smem:$0x7ED]  }
0x5b0: {  	s28 =	sadd.s32 s1, s28;
	s7 =	spop (v2sf);
	s1 =	sld [smem:$0x7F4]  }
0x5b1: {  	(v2sf) =	vpush v3, $0x0;
	s4 =	sshra.s32 s3, $0x1F;
	[smem:$0x7F7] =	sst s22;
	s22 =	smulhi.u32 $0x14F8B589, s3  }
0x5b2: {  	s14 =	sadd.s32 s14, s13;
	[smem:$0x7F8] =	sst s31;
	s12 =	smul.u32 $0x14F8B589, s4  }
0x5b3: {  	s13 =	smulhi.u32 $0x14F8B589, s7;
	s0 =	sshra.s32 s7, $0x1F;
	s9 =	spop (v2sf)  }
0x5b4: {  	(v2sf) =	vpush v3, $0x1;
	s6 =	sadd.s32 s6, s11;
	s31 =	sld [smem:$0x7EF];
	s10 =	smul.u32 $0x14F8B589, s0  }
0x5b5: {  	s3 =	sld [smem:$0x7F0];
	s11 =	smulhi.u32 $0x14F8B589, s9;
	s0 =	sshra.s32 s9, $0x1F  }
0x5b6: {  	s24 =	spop (v2sf);
	s9 =	smul.u32 $0x14F8B589, s0  }
0x5b7: {  	s19 =	sadd.s32 s19, s5;
	s2 =	sadd.s32 s2, s8;
	s8 =	smulhi.u32 $0x14F8B589, s24  }
0x5b8: {  	(v2sf) =	vpush v3, $0x2;
	s0 =	sshra.s32 s24, $0x1F;
	s4 =	spop (v2sf);
	s24 =	sld [smem:$0x7F2]  }
0x5b9: {  	s12 =	sadd.s32 s12, s22;
	s21 =	sadd.s32 s21, s3;
	s3 =	sld [smem:$0x7F3]  }
0x5ba: {  	(v2sf) =	vpush v3, $0x3;
	s7 =	smul.u32 $0x14F8B589, s0;
	[smem:$0x7FD] =	sst s12;
	s10 =	sadd.s32 s10, s13  }
0x5bb: {  	s23 =	sadd.s32 s23, s31;
	s5 =	smulhi.u32 $0x14F8B589, s4;
	[dreg:$0x1d] =	wrdreg s10  }
0x5bc: {  	s9 =	sadd.s32 s9, s11;
	s18 =	sadd.s32 s18, s24;
	s24 =	sld [smem:$0x7F5]  }
0x5bd: {  	s0 =	sshra.s32 s4, $0x1F;
	[dreg:$0x1f] =	wrdreg s9;
	s7 =	sadd.s32 s7, s8  }
0x5be: {  	s13 =	sshrl.u32 s30, $0x1F;
	s9 =	sshra.s32 s16, $0xD;
	[dreg:$0x1e] =	wrdreg s7  }
0x5bf: {  	s4 =	smul.u32 $0x14F8B589, s0;
	s17 =	sadd.s32 s17, s3;
	v52 =	vmov s9;
	s9 =	rddreg [dreg:$0x1f]  }
0x5c0: {  	s1 =	sadd.s32 s24, s1;
	s24 =	sld [smem:$0x7F7];
	s31 =	spop (v2sf)  }
0x5c1: {  	s3 =	smulhi.u32 $0x14F8B589, s31;
	s0 =	sshra.s32 s31, $0x1F;
	s31 =	sld [smem:$0x7F6]  }
0x5c2: {  	s4 =	sadd.s32 s4, s5;
	[smem:$0x7FA] =	sst s1;
	s1 =	smul.u32 $0x14F8B589, s0  }
0x5c3: {  	v44 =	vmov s13;
	s13 =	sshra.s32 s28, $0x1F;
	[dreg:$0x1c] =	wrdreg s4;
	s0 =	spop (v2sf)  }
0x5c4: {  	s31 =	sadd.s32 s24, s31;
	s24 =	sld [smem:$0x7F8];
	s8 =	sadd.s32 s1, s3  }
0x5c5: {  	s3 =	sshrl.u32 s14, $0x1F;
	s14 =	sshra.s32 s14, $0xD;
	s1 =	sshra.s32 s2, $0xD  }
0x5c6: {  	[smem:$0x7FB] =	sst s31;
	s31 =	smulhi.u32 $0x14F8B589, s0;
	s0 =	sshra.s32 s0, $0x1F  }
0x5c7: {  	(v2sf) =	vpush v3, $0x4;
	s0 =	smul.u32 $0x14F8B589, s0;
	s20 =	sadd.s32 s20, s24;
	s24 =	spop (v2sf)  }
0x5c8: {  	[smem:$0x7FC] =	sst s20;
	s12 =	smulhi.u32 $0x14F8B589, s24;
	s20 =	sshra.s32 s24, $0x1F  }
0x5c9: {  	(v2sf) =	vpush v3, $0x5;
	s10 =	spop (v2sf);
	s7 =	sadd.s32 s0, s31;
	s22 =	smul.u32 $0x14F8B589, s20  }
0x5ca: {  	(v2sf) =	vpush v3, $0x6;
	s31 =	sld [smem:$0x7F9];
	s0 =	sshra.s32 s17, $0x1F;
	s11 =	smulhi.u32 $0x14F8B589, s10  }
0x5cb: {  	(v2sf) =	vpush v3, $0x7;
	s20 =	sshra.s32 s10, $0x1F;
	s10 =	sshrl.u32 s2, $0x1F;
	s2 =	sshra.s32 s2, $0x1F  }
0x5cc: {  	v43 =	vmov s0;
	s0 =	sshra.s32 s6, $0xD;
	s24 =	smul.u32 $0x14F8B589, s20;
	s20 =	sshra.s32 s26, $0xD  }
0x5cd: {  	v4 =	vsel vm11, s1, v43;
	s1 =	sshrl.u32 s6, $0x1F;
	s6 =	sshra.s32 s6, $0x1F;
	v45 =	vmov s10;
	s10 =	sshra.s32 s28, $0xD  }
0x5ce: {  	vm1 =	vcmask $0x704;
	s4 =	sadd.s32 s22, s12;
	s12 =	sshrl.u32 s31, $0x1F;
	s22 =	sshrl.u32 s29, $0x1F  }
0x5cf: {  	s29 =	sshra.s32 s29, $0xD;
	v4 =	vsel vm1, s2, v4;
	s2 =	sshrl.u32 s28, $0x1F;
	s28 =	sshra.s32 s19, $0xD  }
0x5d0: {  	s5 =	sadd.s32 s24, s11;
	s24 =	sshra.s32 s31, $0xD;
	s11 =	sshra.s32 s30, $0xD  }
0x5d1: {  	v6 =	vnsel vm11, $0x0, v45;
	s30 =	sshrl.u32 s25, $0x1F;
	s25 =	sshra.s32 s25, $0xD;
	s31 =	sshrl.u32 s26, $0x1F;
	v5 =	vsel vm12, s12, v44  }
0x5d2: {  	s26 =	sshrl.u32 s16, $0x1F;
	s16 =	sshrl.u32 s15, $0x1F;
	s15 =	sshra.s32 s15, $0xD;
	v4 =	vsel vm12, s0, v4;
	v6 =	vsel vm12, s1, v6;
	v9 =	vsel vm12, s29, v52  }
0x5d3: {  	s0 =	sshrl.u32 s23, $0x1F;
	s12 =	sshra.s32 s23, $0xD;
	s23 =	sshra.s32 s23, $0x1F;
	v5 =	vsel vm13, s30, v5;
	v46 =	vsel vm6, s6, v4;
	v48 =	vsel vm13, s2, v6  }
0x5d4: {  	s1 =	sshrl.u32 s21, $0x1F;
	s6 =	sshra.s32 s21, $0xD;
	s21 =	sshra.s32 s21, $0x1F;
	v50 =	vmov s26;
	v51 =	vmov s11;
	v9 =	vsel vm13, s15, v9  }
0x5d5: {  	s15 =	sshrl.u32 s8, $0x1F;
	v47 =	vsel vm15, s31, v5;
	v49 =	vsel vm13, s10, v46;
	s31 =	sshrl.u32 s19, $0x1F;
	v7 =	vsel vm12, s22, v50;
	s10 =	sshra.s32 s18, $0xD  }
0x5d6: {  	v8 =	vsel vm12, s24, v51;
	v9 =	vsel vm15, s14, v9;
	v53 =	vmov s15;
	s14 =	sshra.s32 s7, $0x1F;
	s15 =	rddreg [dreg:$0x1e];
	s30 =	spop (v2sf)  }
0x5d7: {  	v6 =	vsel vm7, s13, v49;
	s13 =	sshra.s32 s19, $0x1F;
	v7 =	vsel vm13, s16, v7;
	s16 =	sshra.s32 s18, $0x1F;
	v8 =	vsel vm13, s25, v8;
	s25 =	sshrl.u32 s4, $0x1F  }
0x5d8: {  	s19 =	smulhi.u32 $0x14F8B589, s30;
	s2 =	sshra.s32 s30, $0x1F;
	v6 =	vsel vm15, s12, v6;
	s26 =	spop (v2sf)  }
0x5d9: {  	v5 =	vsel vm15, s0, v48;
	s30 =	sshrl.u32 s18, $0x1F;
	v7 =	vsel vm15, s3, v7;
	s22 =	smul.u32 $0x14F8B589, s2;
	v6 =	vsel vm8, s23, v6;
	s3 =	spop (v2sf)  }
0x5da: {  	vm5 =	vmmov vm4;
	v5 =	vsel vm0, s1, v5;
	s18 =	smulhi.u32 $0x14F8B589, s26;
	v6 =	vsel vm0, s6, v6;
	s2 =	sshra.s32 s26, $0x1F;
	s23 =	spop (v2sf)  }
0x5db: {  	vm9 =	vcmask $0x3330;
	v5 =	vsel vm3, s31, v5;
	v6 =	vsel vm5, s21, v6;
	s21 =	sld [smem:$0x7FA];
	s26 =	smulhi.u32 $0x14F8B589, s23;
	s11 =	sshra.s32 s23, $0x1F  }
0x5dc: {  	vm4 =	vcmask $0x2F2C;
	v5 =	vsel vm9, s30, v5;
	s19 =	sadd.s32 s22, s19;
	s22 =	sld [smem:$0x7FB];
	v6 =	vsel vm3, s28, v6;
	s30 =	smul.u32 $0x14F8B589, s11  }
0x5dd: {  	v10 =	vnsel vm11, $0x0, v53;
	s31 =	sshrl.u32 s17, $0x1F;
	v8 =	vsel vm15, s20, v8;
	s20 =	sshrl.u32 s7, $0x1F;
	v6 =	vsel vm4, s13, v6;
	s13 =	sld [smem:$0x7FC]  }
0x5de: {  	s12 =	sshra.s32 s17, $0xD;
	v10 =	vsel vm12, s20, v10;
	v4 =	vcombine.low v7, v47;
	s6 =	rddreg [dreg:$0x1d];
	s17 =	sadd.s32 s30, s26  }
0x5df: {  	v56 =	vcombine.low v9, v8;
	v5 =	vsel vm14, s31, v5;
	v10 =	vsel vm13, s25, v10;
	s2 =	smul.u32 $0x14F8B589, s2;
	s29 =	sshrl.u32 s22, $0x1F;
	s24 =	sshra.s32 s17, $0x1F  }
0x5e0: {  	v4 =	vperm.xlane v4, v0;
	s28 =	sshrl.u32 s21, $0x1F;
	v54 =	vmov s29;
	s31 =	sshrl.u32 s13, $0x1F;
	s26 =	sshra.s32 s8, $0xD;
	v55 =	vmov s24  }
0x5e1: {  	v5 =	vperm.xlane v5, v1;
	s23 =	smulhi.u32 $0x14F8B589, s3;
	s3 =	sshra.s32 s3, $0x1F;
	v11 =	vsel vm12, s28, v54;
	s8 =	sshra.s32 s8, $0x1F;
	v12 =	vsel vm11, s26, v55  }
0x5e2: {  	v6 =	vsel vm9, s10, v6;
	s29 =	sshrl.u32 s5, $0x1F;
	s3 =	smul.u32 $0x14F8B589, s3;
	v11 =	vsel vm13, s31, v11;
	s31 =	sshra.s32 s7, $0xD;
	v12 =	vsel vm1, s8, v12  }
0x5e3: {  	s18 =	sadd.s32 s2, s18;
	v6 =	vsel vm10, s16, v6;
	s28 =	sshrl.u32 s9, $0x1F;
	v10 =	vsel vm15, s29, v10;
	s29 =	sshra.s32 s22, $0xD;
	v12 =	vsel vm12, s31, v12  }
0x5e4: {  	v7 =	vperm.xlane v56, v0;
	v6 =	vsel vm14, s12, v6;
	s11 =	sld [smem:$0x7FD];
	s0 =	sadd.s32 s3, s23;
	s23 =	sshra.s32 s4, $0xD;
	v12 =	vsel vm6, s14, v12  }
0x5e5: {  	s10 =	sshrl.u32 s6, $0x1F;
	s12 =	sshrl.u32 s18, $0x1F;
	v13 =	vmov s28;
	s28 =	sshra.s32 s4, $0x1F;
	v14 =	vmov s29;
	v12 =	vsel vm13, s23, v12  }
0x5e6: {  	v6 =	vperm.xlane v6, v1;
	v13 =	vsel vm12, s10, v13;
	s30 =	sshrl.u32 s19, $0x1F;
	s3 =	sshra.s32 s21, $0xD;
	s31 =	sshra.s32 s5, $0xD;
	v12 =	vsel vm7, s28, v12  }
0x5e7: {  	s10 =	sshra.s32 s19, $0xD;
	s16 =	sshrl.u32 s11, $0x1F;
	v10 =	vsel vm0, s30, v10;
	v14 =	vsel vm12, s3, v14;
	s5 =	sshra.s32 s5, $0x1F;
	v12 =	vsel vm15, s31, v12  }
0x5e8: {  	s4 =	sshra.s32 s6, $0xD;
	s30 =	sshra.s32 s9, $0xD;
	v11 =	vsel vm15, s16, v11;
	s16 =	sshrl.u32 s15, $0x1F;
	v10 =	vsel vm3, s12, v10;
	v12 =	vsel vm8, s5, v12  }
0x5e9: {  	s20 =	sshrl.u32 s0, $0x1F;
	s24 =	rddreg [dreg:$0x1c];
	v15 =	vmov s30;
	v13 =	vsel vm13, s16, v13;
	s14 =	sshra.s32 s19, $0x1F;
	v12 =	vsel vm0, s10, v12  }
0x5ea: {  	s9 =	sshra.s32 s15, $0xD;
	s15 =	sshra.s32 s18, $0xD;
	v10 =	vsel vm9, s20, v10;
	s25 =	sshrl.u32 s24, $0x1F;
	v15 =	vsel vm12, s4, v15;
	v12 =	vsel vm5, s14, v12  }
0x5eb: {  	s16 =	sshra.s32 s18, $0x1F;
	v13 =	vsel vm15, s25, v13;
	s8 =	sshra.s32 s13, $0xD;
	v15 =	vsel vm13, s9, v15;
	s13 =	sshra.s32 s24, $0xD;
	v12 =	vsel vm3, s15, v12  }
0x5ec: {  	s12 =	sshra.s32 s11, $0xD;
	s18 =	sshra.s32 s0, $0xD;
	v14 =	vsel vm13, s8, v14;
	v15 =	vsel vm15, s13, v15;
	v59 =	vsel vm4, s16, v12  }
0x5ed: {  	s26 =	sshrl.u32 s17, $0x1F;
	s0 =	sshra.s32 s0, $0x1F;
	v57 =	vcombine.low v13, v11;
	v14 =	vsel vm15, s12, v14;
	v11 =	vsel vm9, s18, v59  }
0x5ee: {  	v10 =	vsel vm14, s26, v10;
	s19 =	sshra.s32 s17, $0xD;
	v58 =	vcombine.low v15, v14;
	v11 =	vsel vm10, s0, v11  }
0x5ef: {  	v10 =	vperm.xlane v10, v1;
	v8 =	vperm.xlane v57, v0;
	v11 =	vsel vm14, s19, v11  }
0x5f0: {  	v9 =	vperm.xlane v58, v0;
	v11 =	vperm.xlane v11, v1  }
0x5f1: {  	v4 =	vsel vm2, v5, v4;
	v60 =	vsel vm2, v6, v7  }
0x5f2: {  	v4 =	vadd.s32 v4, v60;
	v61 =	vsel vm2, v10, v8;
	v62 =	vsel vm2, v11, v9  }
0x5f3: {  	v4 =	vmul.u32 $0x186A0, v4;
	v5 =	vadd.s32 v61, v62  }
0x5f4: {  	v5 =	vmul.u32 $0x186A0, v5  }
0x5f5: {  	v2 =	vsub.s32 v2, v4  }
0x5f6: {  	v4 =	vadd.s32 $0x186A0, v2;
	vm10 =	vlt.s32 v2, $0x0;
	v3 =	vsub.s32 v3, v5  }
0x5f7: {  	v2 =	vsel vm10, v4, v2;
	vm11 =	vlt.s32 v3, $0x0;
	v63 =	vadd.s32 $0x186A0, v3  }
0x5f8: {  	s2 =	simm.s32 $0xA700;
	s21 =	rddreg [dreg:$0x1];
	[tilespmem:$0x680] =	vst v2;
	v3 =	vsel vm11, v63, v3  }
0x5f9: {  	s22 =	simm.s32 $0x20;
	s20 =	rddreg [dreg:$0x1a];
	s23 =	simm.s32 $0x1;
	[tilespmem:$0x690] =	vst v3  }
0x5fa: {  	[tilespmem:s2], [sflag:$0xB] =	stream.indirect.gather [hbm4b:s21+s22], $0x80, s20, s22, $0xb8;
	[tilespmem:$0xB700] =	vst v63  }
0x5fb: {  	s1 =	rddreg [dreg:$0x1b];
	_ =	swait.ge [sflag:s23], $0x1000  }
0x5fc: {  	s4 =	simm.s32 $0x0;
	s25 =	simm.s32 $0x700;
	[sflag:s23] =	ssyncset.done $0x0  }
0x5fd: {  	s26 =	simm.s32 $0x2;
	s24 =	rddreg [dreg:$0x5];
	[sflag:s23] =	ssyncadd.s32 $0xFFFFF000  }
0x5fe: {  	[hbm4b:s24+s4] =	stream.linear.scatter [tilespmem:s25], [sflag:$0xC], $0x1000, $0x38;
	[tilespmem:$0xB700] =	vst v63  }
0x5ff: {  	_ =	swait.ge [sflag:s26], $0x1000  }
0x600: {  	s29 =	simm.s32 $0x1700;
	[sflag:s26] =	ssyncset.done $0x0  }
0x601: {  	s30 =	simm.s32 $0x3;
	s28 =	rddreg [dreg:$0x6];
	[sflag:s26] =	ssyncadd.s32 $0xFFFFF000  }
0x602: {  	[hbm4b:s28+s4] =	stream.linear.scatter [tilespmem:s29], [sflag:$0xC], $0x1000, $0x38;
	[tilespmem:$0xB700] =	vst v63  }
0x603: {  	_ =	swait.ge [sflag:s30], $0x1000  }
0x604: {  	s6 =	simm.s32 $0x4;
	[sflag:s30] =	ssyncset.done $0x0  }
0x605: {  	s5 =	simm.s32 $0x2700;
	s31 =	rddreg [dreg:$0x7];
	[sflag:s30] =	ssyncadd.s32 $0xFFFFF000  }
0x606: {  	[hbm4b:s31+s4] =	stream.linear.scatter [tilespmem:s5], [sflag:$0xC], $0x1000, $0x38;
	[tilespmem:$0xB700] =	vst v63  }
0x607: {  	_ =	swait.ge [sflag:s6], $0x1000  }
0x608: {  	s9 =	simm.s32 $0x5;
	[sflag:s6] =	ssyncset.done $0x0  }
0x609: {  	s8 =	simm.s32 $0x3700;
	s7 =	rddreg [dreg:$0x8];
	[sflag:s6] =	ssyncadd.s32 $0xFFFFF000  }
0x60a: {  	[hbm4b:s7+s4] =	stream.linear.scatter [tilespmem:s8], [sflag:$0xC], $0x1000, $0x38;
	[tilespmem:$0xB700] =	vst v63  }
0x60b: {  	_ =	swait.ge [sflag:s9], $0x1000  }
0x60c: {  	s11 =	simm.s32 $0x4700;
	[sflag:s9] =	ssyncset.done $0x0  }
0x60d: {  	s12 =	simm.s32 $0x6;
	s10 =	rddreg [dreg:$0x9];
	[sflag:s9] =	ssyncadd.s32 $0xFFFFF000  }
0x60e: {  	[hbm4b:s10+s4] =	stream.linear.scatter [tilespmem:s11], [sflag:$0xC], $0x1000, $0x38;
	[tilespmem:$0xB700] =	vst v63  }
0x60f: {  	_ =	swait.ge [sflag:s12], $0x1000  }
0x610: {  	s14 =	simm.s32 $0x5700;
	[sflag:s12] =	ssyncset.done $0x0  }
0x611: {  	s15 =	simm.s32 $0x7;
	s13 =	rddreg [dreg:$0xa];
	[sflag:s12] =	ssyncadd.s32 $0xFFFFF000  }
0x612: {  	[hbm4b:s13+s4] =	stream.linear.scatter [tilespmem:s14], [sflag:$0xC], $0x1000, $0x38;
	[tilespmem:$0xB700] =	vst v63  }
0x613: {  	_ =	swait.ge [sflag:s15], $0x1000  }
0x614: {  	s17 =	simm.s32 $0x6700;
	[sflag:s15] =	ssyncset.done $0x0  }
0x615: {  	s18 =	simm.s32 $0x8;
	s16 =	rddreg [dreg:$0xb];
	[sflag:s15] =	ssyncadd.s32 $0xFFFFF000  }
0x616: {  	[hbm4b:s16+s4] =	stream.linear.scatter [tilespmem:s17], [sflag:$0xC], $0x1000, $0x38;
	[tilespmem:$0xB700] =	vst v63  }
0x617: {  	_ =	swait.ge [sflag:s18], $0x1000  }
0x618: {  	s20 =	simm.s32 $0x7700;
	[sflag:s18] =	ssyncset.done $0x0  }
0x619: {  	s21 =	simm.s32 $0x9;
	s19 =	rddreg [dreg:$0xc];
	[sflag:s18] =	ssyncadd.s32 $0xFFFFF000  }
0x61a: {  	[hbm4b:s19+s4] =	stream.linear.scatter [tilespmem:s20], [sflag:$0xC], $0x1000, $0x38;
	[tilespmem:$0xB700] =	vst v63  }
0x61b: {  	_ =	swait.ge [sflag:s21], $0x1000  }
0x61c: {  	s23 =	simm.s32 $0x8700;
	[sflag:s21] =	ssyncset.done $0x0  }
0x61d: {  	s24 =	simm.s32 $0xA;
	s22 =	rddreg [dreg:$0xd];
	[sflag:s21] =	ssyncadd.s32 $0xFFFFF000  }
0x61e: {  	[hbm4b:s22+s4] =	stream.linear.scatter [tilespmem:s23], [sflag:$0xC], $0x1000, $0x38;
	[tilespmem:$0xB700] =	vst v63  }
0x61f: {  	_ =	swait.ge [sflag:s24], $0x1000  }
0x620: {  	s26 =	simm.s32 $0x9700;
	[sflag:s24] =	ssyncset.done $0x0  }
0x621: {  	s29 =	simm.s32 $0xB;
	s25 =	rddreg [dreg:$0xe];
	[sflag:s24] =	ssyncadd.s32 $0xFFFFF000  }
0x622: {  	[hbm4b:s25+s4] =	stream.linear.scatter [tilespmem:s26], [sflag:$0xC], $0x1000, $0x38;
	[tilespmem:$0xB700] =	vst v63  }
0x623: {  	_ =	swait.ge [sflag:s29], $0x1000  }
0x624: {  	s28 =	simm.s32 $0x0;
	[sflag:s29] =	ssyncset.done $0x0  }
0x625: {  	s31 =	simm.s32 $0xC;
	s30 =	rddreg [dreg:$0xf];
	[sflag:s29] =	ssyncadd.s32 $0xFFFFF000  }
0x626: {  	[hbm4b:s30+s28] =	stream.linear.scatter [tilespmem:s2], [sflag:$0xC], $0x1000, $0x38;
	[tilespmem:$0xB700] =	vst v63  }
0x627: {  	_ =	swait.ge [sflag:s31], $0x1000  }
0x628: {  	[sflag:s31] =	ssyncset.done $0x0  }
0x629: {  	[sflag:s31] =	ssyncadd.s32 $0xFFFFF000  }
0x62a: {  	_ =	swait.ge [sflag:s31], $0x1000  }
0x62b: {  	[sflag:s31] =	ssyncset.done $0x0  }
0x62c: {  	[sflag:s31] =	ssyncadd.s32 $0xFFFFF000  }
0x62d: {  	_ =	swait.ge [sflag:s31], $0x1000  }
0x62e: {  	[sflag:s31] =	ssyncset.done $0x0  }
0x62f: {  	[sflag:s31] =	ssyncadd.s32 $0xFFFFF000  }
0x630: {  	_ =	swait.ge [sflag:s31], $0x1000  }
0x631: {  	[sflag:s31] =	ssyncset.done $0x0  }
0x632: {  	[sflag:s31] =	ssyncadd.s32 $0xFFFFF000  }
0x633: {  	_ =	swait.ge [sflag:s31], $0x1000  }
0x634: {  	[sflag:s31] =	ssyncset.done $0x0  }
0x635: {  	[sflag:s31] =	ssyncadd.s32 $0xFFFFF000  }
0x636: {  	_ =	swait.ge [sflag:s31], $0x1000  }
0x637: {  	[sflag:s31] =	ssyncset.done $0x0  }
0x638: {  	[sflag:s31] =	ssyncadd.s32 $0xFFFFF000  }
0x639: {  	_ =	swait.ge [sflag:s31], $0x1000  }
0x63a: {  	[sflag:s31] =	ssyncset.done $0x0  }
0x63b: {  	[sflag:s31] =	ssyncadd.s32 $0xFFFFF000  }
0x63c: {  	_ =	swait.ge [sflag:s31], $0x1000  }
0x63d: {  	[sflag:s31] =	ssyncset.done $0x0  }
0x63e: {  	[sflag:s31] =	ssyncadd.s32 $0xFFFFF000  }
0x63f: {  	_ =	swait.ge [sflag:s31], $0x1000  }
0x640: {  	[sflag:s31] =	ssyncset.done $0x0  }
0x641: {  	[sflag:s31] =	ssyncadd.s32 $0xFFFFF000  }
0x642: {  	p0 =	sne.s32 s1, $0x1;
	_ =	swait.ge [sflag:s31], $0x1000  }
.Ltmp0:
0x643: {  	[sflag:s31] =	ssyncset.done $0x0;
	(pc) =	sbr.rel @p0 .LBB2_1-.Ltmp0, $4  }
0x644: {  	[sflag:s31] =	ssyncadd.s32 $0xFFFFF000  }
0x645: {  	_ =	swait.ge [sflag:s31], $0x1000  }
0x646: {  	[sflag:s31] =	ssyncset.done $0x0  }
0x647: {  	s1 =	sadd.s32 $0xFFFFFFFF, s1;
	[sflag:s31] =	ssyncadd.s32 $0xFFFFF000  }
0x648: {  	_ =	sfence.sel $0x180000  }
0x649: {  	[bflag:$0x0] =	sbarrier.arrive $0xFFFF  }
0x64a: {  	_ =	strace $0x9000004A  }
0x64b: {  	s0 =	stileid.u32;
	[bflag:$0x2] =	sbarrier.arrive $0xFFFF  }
0x64c: {  	p0 =	sne.s32 s0, $0x0;
	s0 =	rddreg [dreg:$0x2]  }
0x64d: {  	s0 =	sadd.s32 @!p0 $0x100000, s0  }
0x64e: {  	[sflag:s0] =	ssyncadd.tile.s32 @!p0 $0x1;
	_ =	shalt  }
.Lfunc_end2:
_tile_overlayer_lowered:
.L_overlay_start_2:
0x64f: {  	(tag) =	ssettag $0x2  }
0x650: {  	s0 =	rddreg [dreg:$0x0];
	s2 =	stileid.u32  }
0x651: {  	s1 =	rddreg [dreg:$0x1];
	p0 =	sne.s32 s2, $0x0  }
0x652: {  	s3 =	rddreg [dreg:$0x2];
	[bflag:$0x3] =	sbarrier.arrive $0xFFFF;
	s2 =	simm.s32 @!p0 $0x1C0D  }
0x653: {  	[timem:s3], [sflag:s2] =	dma.local @!p0 [hbm:s0], s1  }
0x654: {  	s0 =	simm.s32 @!p0 $0xD  }
0x655: {  	_ =	swait.ge @!p0 [sflag:s0], s1  }
0x656: {  	s1 =	ssub.s32 @!p0 $0x0, s1;
	[sflag:s0] =	ssyncset.done @!p0 $0x0  }
0x657: {  	[sflag:s0] =	ssyncadd.s32 @!p0 s1  }
0x658: {  	[bflag:$0x3] =	sbarrier.arrive $0xFFFF  }
0x659: {  	_ =	shalt  }

</sc_bundles>
